<compile_context>
chip_gen: v7x
topology: tpu7x:2x2x1
jax: 0.10.2.dev20260603
libtpu: 0.0.44.dev20260713+nightly
codegen_flags: <defaults>
</compile_context>

<pallas_src>
import functools

import jax
import jax.numpy as jnp
from jax import lax
from jax.experimental import pallas as pl
from jax.experimental.pallas import tpu as pltpu
from jax.experimental.pallas import tpu_sc as plsc

N_ROWS = 64
ROW = 8192
L = 16
NCHUNK = ROW // L
NCVEC = NCHUNK // L
GROUP = L * L
K = 16
ROWS_PER_W = 2
NW = 32

_NEG_INF = float("-inf")
_BIG_I32 = 0x7FFFFFFF


def _permute(v, idx):
    return lax.gather(
        v, idx[:, None],
        lax.GatherDimensionNumbers(
            offset_dims=(), collapsed_slice_dims=(0,), start_index_map=(0,)),
        (1,), mode=lax.GatherScatterMode.PROMISE_IN_BOUNDS)


def _splat_last(v):
    return _permute(v, jnp.full((L,), L - 1, jnp.int32))


def _rev(v):
    return lax.rev(v, (0,))


def _row_regret(p_v, y_v, cp_v, ci_v, cmax_v, ids_v):
    iota = lax.iota(jnp.int32, L)
    zero_vec = jnp.zeros((L,), jnp.int32)
    neg_inf_vec = jnp.full((L,), _NEG_INF, jnp.float32)

    def p1(g, carry):
        lane_cmax, ya, yb, yc, yd = carry
        base0 = g * GROUP
        idx0 = base0 + iota * L
        cms = [neg_inf_vec] * 4
        for k in range(L):
            rot = (iota + k) & (L - 1)
            gk = plsc.load_gather(p_v, [idx0 + rot])
            cms[k % 4] = jnp.maximum(cms[k % 4], gk)
        cm = jnp.maximum(jnp.maximum(cms[0], cms[1]),
                         jnp.maximum(cms[2], cms[3]))
        ys = [ya, yb, yc, yd]
        for k in range(L):
            yv = y_v[pl.ds(base0 + k * L, L)]
            ys[k % 4] = jnp.maximum(ys[k % 4], yv)
        cmax_v[pl.ds(g * L, L)] = cm
        return (jnp.maximum(lane_cmax, cm), *ys)

    lane_cmax, ya, yb, yc, yd = lax.fori_loop(
        0, NCVEC, p1, (neg_inf_vec,) * 5)
    amax = jnp.maximum(jnp.maximum(ya, yb), jnp.maximum(yc, yd))
    best_avail = _splat_last(plsc.cummax(amax))
    t_lb = -_splat_last(plsc.cummax(-lane_cmax))

    def p3(i, nch_v):
        cv = cmax_v[pl.ds(i * L, L)]
        cmsk = cv >= t_lb
        cs = plsc.cumsum(cmsk.astype(jnp.int32))
        pos = nch_v + cs - 1
        plsc.store_scatter(ids_v, [pos], iota + i * L, mask=cmsk)
        return nch_v + plsc.all_reduce_population_count(cmsk)

    nch_v = lax.fori_loop(0, NCVEC, p3, zero_vec)
    n_chunks = nch_v[0]

    plsc.store_scatter(ids_v, [n_chunks + iota], zero_vec)

    def p4(g, off_v):
        idv = ids_v[pl.ds(g * L, L)]
        valid = (iota + g * L) < n_chunks
        base = idv * L
        gs = []
        mks = []
        cnt = zero_vec
        for k in range(L):
            rot = (iota + k) & (L - 1)
            gk = plsc.load_gather(p_v, [base + rot])
            mk = (gk >= t_lb) & valid
            gs.append(gk)
            mks.append((mk, base + rot))
            cnt = cnt + mk.astype(jnp.int32)
        cum = plsc.cumsum(cnt)
        start = off_v + (cum - cnt)
        r = zero_vec
        for k in range(L):
            mk, idxk = mks[k]
            posk = start + r
            plsc.store_scatter(cp_v, [posk], gs[k], mask=mk)
            plsc.store_scatter(ci_v, [posk], idxk, mask=mk)
            r = r + mk.astype(jnp.int32)
        return off_v + _splat_last(cum)

    n_groups = (n_chunks + (L - 1)) // L
    cand_n_v = lax.fori_loop(0, n_groups, p4, zero_vec)
    cand_n = cand_n_v[0]

    plsc.store_scatter(cp_v, [cand_n_v + iota], neg_inf_vec)
    plsc.store_scatter(ci_v, [cand_n_v + iota], zero_vec)
    nvec = (cand_n + (L - 1)) // L

    def p5a(j, t_acc):
        v = cp_v[pl.ds(j * L, L)]
        vd, _ = plsc.sort_key_val(v, v, descending=True)
        mg = jnp.maximum(t_acc, vd)
        ts, _ = plsc.sort_key_val(mg, mg)
        return ts

    top16 = lax.fori_loop(0, nvec, p5a, neg_inf_vec)
    t = _permute(top16, jnp.zeros((L,), jnp.int32))
    count_gt = plsc.all_reduce_population_count(top16 > t)
    m = K - count_gt

    big_vec = jnp.full((L,), _BIG_I32, jnp.int32)

    def p5b(j, carry):
        bc, tk, tv = carry
        v = cp_v[pl.ds(j * L, L)]
        iv = ci_v[pl.ds(j * L, L)]
        yv = plsc.load_gather(y_v, [iv])
        bc = jnp.maximum(bc, jnp.where(v > t, yv, neg_inf_vec))
        eq = v == t
        keys = jnp.where(eq, iv, big_vec)
        vals = jnp.where(eq, yv, neg_inf_vec)
        ks, vs = plsc.sort_key_val(keys, vals)
        krd, vrd = _rev(ks), _rev(vs)
        take = tk <= krd
        mk = jnp.where(take, tk, krd)
        mv = jnp.where(take, tv, vrd)
        tk, tv = plsc.sort_key_val(mk, mv)
        return bc, tk, tv

    bc_vec, _, tie_v = lax.fori_loop(
        0, nvec, p5b, (neg_inf_vec, big_vec, neg_inf_vec))
    bc_vec = jnp.maximum(bc_vec, jnp.where(iota < m, tie_v, neg_inf_vec))
    best_cont = _splat_last(plsc.cummax(bc_vec))
    return best_avail - best_cont


@functools.partial(
    pl.kernel,
    out_type=jax.ShapeDtypeStruct((NW, L), jnp.float32),
    mesh=plsc.VectorSubcoreMesh(core_axis_name="c", subcore_axis_name="s"),
    scratch_types=[
        pltpu.VMEM((ROW,), jnp.float32),
        pltpu.VMEM((ROW,), jnp.float32),
        pltpu.VMEM((ROW,), jnp.float32),
        pltpu.VMEM((ROW,), jnp.float32),
        pltpu.VMEM((ROW + L,), jnp.float32),
        pltpu.VMEM((ROW + L,), jnp.int32),
        pltpu.VMEM((NCHUNK,), jnp.float32),
        pltpu.VMEM((NCHUNK + L,), jnp.int32),
        pltpu.VMEM((L,), jnp.float32),
        pltpu.SemaphoreType.DMA,
        pltpu.SemaphoreType.DMA,
    ],
    compiler_params=pltpu.CompilerParams(needs_layout_passes=False),
)
def _topk_regret_kernel(y_pred_hbm, y_true_hbm, out_hbm,
                        p0_v, y0_v, p1_v, y1_v, cp_v, ci_v,
                        cmax_v, ids_v, o_v, sem0, sem1):
    w = lax.axis_index("s") * 2 + lax.axis_index("c")
    iota = lax.iota(jnp.int32, L)
    r0 = w * ROWS_PER_W
    cp0a = pltpu.make_async_copy(y_pred_hbm.at[r0], p0_v, sem0)
    cp0b = pltpu.make_async_copy(y_true_hbm.at[r0], y0_v, sem0)
    cp1a = pltpu.make_async_copy(y_pred_hbm.at[r0 + 1], p1_v, sem1)
    cp1b = pltpu.make_async_copy(y_true_hbm.at[r0 + 1], y1_v, sem1)
    cp0a.start()
    cp0b.start()
    cp1a.start()
    cp1b.start()
    cp0a.wait()
    cp0b.wait()
    regret0 = _row_regret(p0_v, y0_v, cp_v, ci_v, cmax_v, ids_v)
    o = jnp.where(iota == 0, regret0, jnp.zeros((L,), jnp.float32))
    cp1a.wait()
    cp1b.wait()
    regret1 = _row_regret(p1_v, y1_v, cp_v, ci_v, cmax_v, ids_v)
    o = jnp.where(iota == 1, regret1, o)
    o_v[...] = o
    pltpu.sync_copy(o_v, out_hbm.at[w])


def kernel(y_pred, y_true):
    partial = _topk_regret_kernel(y_pred, y_true)
    return jnp.mean(partial[:, :ROWS_PER_W])

# --- scband reference (transcript-rebuilt; emitter-appended) ---
"""Pipeline reference for scband-topk-max-regret-38474317038402 (READ-ONLY COPY).

The authoritative reference and input builder live on the scoring server;
editing this copy changes nothing except your own understanding.
"""

import jax, jax.numpy as jnp
import numpy as np

K = 16

def setup_inputs(seed: int = 0) -> dict:
    key = jax.random.key(seed)
    k1, k2 = jax.random.split(key)
    y_pred = jax.random.normal(k1, (64, 8192), dtype=jnp.float32)
    y_true = jax.random.normal(k2, (64, 8192), dtype=jnp.float32)
    return {"y_pred": y_pred, "y_true": y_true}

def reference(y_pred, y_true):
    # torch.topk(y_pred, k, dim=1) on a 2D tensor == top_k along last axis
    _, idx = jax.lax.top_k(y_pred, K)  # idx: (n_samples, K)
    contenders_true_performance = jnp.take_along_axis(y_true, idx, axis=1)  # (n_samples, K)
    best_contender = jnp.max(contenders_true_performance, axis=1)  # (n_samples,)
    best_available = jnp.max(y_true, axis=1)  # (n_samples,)
    return jnp.mean(best_available - best_contender)

if __name__ == "__main__":
    import jax
    _d = setup_inputs()
    print(jax.jit(kernel)(*tuple(_d.values())))

</pallas_src>

<mosaic_0001>
#map = affine_map<(d0, d1) -> (0, 0)>
module attributes {stable_mosaic.version = 14 : i64} {
  func.func @_topk_regret_kernel(%arg0: i32, %arg1: i32, %arg2: memref<64x8192xf32, #tpu.memory_space<hbm>>, %arg3: memref<64x8192xf32, #tpu.memory_space<hbm>>, %arg4: memref<32x16xf32, #tpu.memory_space<hbm>>, %arg5: memref<8192xf32, #tpu.memory_space<vmem>>, %arg6: memref<8192xf32, #tpu.memory_space<vmem>>, %arg7: memref<8192xf32, #tpu.memory_space<vmem>>, %arg8: memref<8192xf32, #tpu.memory_space<vmem>>, %arg9: memref<8208xf32, #tpu.memory_space<vmem>>, %arg10: memref<8208xi32, #tpu.memory_space<vmem>>, %arg11: memref<512xf32, #tpu.memory_space<vmem>>, %arg12: memref<528xi32, #tpu.memory_space<vmem>>, %arg13: memref<16xf32, #tpu.memory_space<vmem>>, %arg14: memref<!tpu.dma_semaphore, #tpu.memory_space<semaphore_mem>>, %arg15: memref<!tpu.dma_semaphore, #tpu.memory_space<semaphore_mem>>) attributes {dimension_semantics = [#tpu.dimension_semantics<core_parallel>, #tpu.dimension_semantics<subcore_parallel>], iteration_bounds = array<i64: 2, 16>, scalar_prefetch = 0 : i64, scratch_operands = 11 : i64, tpu.core_type = #tpu.core_type<sc_vector_subcore>, window_params = [{transform_indices = #map}, {transform_indices = #map}, {transform_indices = #map}]} {
    %mul3A = arith.constant 2 : i32
    %mul3A_0 = arith.muli %arg1, %mul3A : i32
    %add3A = arith.addi %mul3A_0, %arg0 : i32
    %iota3A = tpu.iota {dimensions = array<i32: 0>} : vector<16xi32>
    %mul3A_1 = arith.constant 2 : i32
    %mul3A_2 = arith.muli %add3A, %mul3A_1 : i32
    %add3A_3 = arith.constant 1 : i32
    %add3A_4 = arith.addi %mul3A_2, %add3A_3 : i32
    %add3A_5 = arith.constant 1 : i32
    %add3A_6 = arith.addi %mul3A_2, %add3A_5 : i32
    %dma_start3A = arith.constant 0 : i32
    %dma_start3A_7 = tpu.memref_slice %arg2[%mul3A_2, %dma_start3A] : memref<64x8192xf32, #tpu.memory_space<hbm>> -> memref<1x8192xf32, #tpu.memory_space<hbm>>
    %dma_start3A_8 = tpu.memref_squeeze %dma_start3A_7 : memref<1x8192xf32, #tpu.memory_space<hbm>> -> memref<8192xf32, #tpu.memory_space<hbm>>
    %dma_start3A_9 = arith.constant 0 : i32
    %dma_start3A_10 = tpu.memref_slice %arg2[%mul3A_2, %dma_start3A_9] : memref<64x8192xf32, #tpu.memory_space<hbm>> -> memref<1x8192xf32, #tpu.memory_space<hbm>>
    %dma_start3A_11 = tpu.memref_squeeze %dma_start3A_10 : memref<1x8192xf32, #tpu.memory_space<hbm>> -> memref<8192xf32, #tpu.memory_space<hbm>>
    tpu.enqueue_dma source(%dma_start3A_11 : memref<8192xf32, #tpu.memory_space<hbm>>) target(%arg5 : memref<8192xf32, #tpu.memory_space<vmem>>) target_semaphore(%arg14 : memref<!tpu.dma_semaphore, #tpu.memory_space<semaphore_mem>>)
    %dma_start3A_12 = arith.constant 0 : i32
    %dma_start3A_13 = tpu.memref_slice %arg3[%mul3A_2, %dma_start3A_12] : memref<64x8192xf32, #tpu.memory_space<hbm>> -> memref<1x8192xf32, #tpu.memory_space<hbm>>
    %dma_start3A_14 = tpu.memref_squeeze %dma_start3A_13 : memref<1x8192xf32, #tpu.memory_space<hbm>> -> memref<8192xf32, #tpu.memory_space<hbm>>
    %dma_start3A_15 = arith.constant 0 : i32
    %dma_start3A_16 = tpu.memref_slice %arg3[%mul3A_2, %dma_start3A_15] : memref<64x8192xf32, #tpu.memory_space<hbm>> -> memref<1x8192xf32, #tpu.memory_space<hbm>>
    %dma_start3A_17 = tpu.memref_squeeze %dma_start3A_16 : memref<1x8192xf32, #tpu.memory_space<hbm>> -> memref<8192xf32, #tpu.memory_space<hbm>>
    tpu.enqueue_dma source(%dma_start3A_17 : memref<8192xf32, #tpu.memory_space<hbm>>) target(%arg6 : memref<8192xf32, #tpu.memory_space<vmem>>) target_semaphore(%arg14 : memref<!tpu.dma_semaphore, #tpu.memory_space<semaphore_mem>>)
    %dma_start3A_18 = arith.constant 0 : i32
    %dma_start3A_19 = tpu.memref_slice %arg2[%add3A_4, %dma_start3A_18] : memref<64x8192xf32, #tpu.memory_space<hbm>> -> memref<1x8192xf32, #tpu.memory_space<hbm>>
    %dma_start3A_20 = tpu.memref_squeeze %dma_start3A_19 : memref<1x8192xf32, #tpu.memory_space<hbm>> -> memref<8192xf32, #tpu.memory_space<hbm>>
    %dma_start3A_21 = arith.constant 0 : i32
    %dma_start3A_22 = tpu.memref_slice %arg2[%add3A_4, %dma_start3A_21] : memref<64x8192xf32, #tpu.memory_space<hbm>> -> memref<1x8192xf32, #tpu.memory_space<hbm>>
    %dma_start3A_23 = tpu.memref_squeeze %dma_start3A_22 : memref<1x8192xf32, #tpu.memory_space<hbm>> -> memref<8192xf32, #tpu.memory_space<hbm>>
    tpu.enqueue_dma source(%dma_start3A_23 : memref<8192xf32, #tpu.memory_space<hbm>>) target(%arg7 : memref<8192xf32, #tpu.memory_space<vmem>>) target_semaphore(%arg15 : memref<!tpu.dma_semaphore, #tpu.memory_space<semaphore_mem>>)
    %dma_start3A_24 = arith.constant 0 : i32
    %dma_start3A_25 = tpu.memref_slice %arg3[%add3A_6, %dma_start3A_24] : memref<64x8192xf32, #tpu.memory_space<hbm>> -> memref<1x8192xf32, #tpu.memory_space<hbm>>
    %dma_start3A_26 = tpu.memref_squeeze %dma_start3A_25 : memref<1x8192xf32, #tpu.memory_space<hbm>> -> memref<8192xf32, #tpu.memory_space<hbm>>
    %dma_start3A_27 = arith.constant 0 : i32
    %dma_start3A_28 = tpu.memref_slice %arg3[%add3A_6, %dma_start3A_27] : memref<64x8192xf32, #tpu.memory_space<hbm>> -> memref<1x8192xf32, #tpu.memory_space<hbm>>
    %dma_start3A_29 = tpu.memref_squeeze %dma_start3A_28 : memref<1x8192xf32, #tpu.memory_space<hbm>> -> memref<8192xf32, #tpu.memory_space<hbm>>
    tpu.enqueue_dma source(%dma_start3A_29 : memref<8192xf32, #tpu.memory_space<hbm>>) target(%arg8 : memref<8192xf32, #tpu.memory_space<vmem>>) target_semaphore(%arg15 : memref<!tpu.dma_semaphore, #tpu.memory_space<semaphore_mem>>)
    %dma_wait3A = arith.constant 0 : i32
    %dma_wait3A_30 = tpu.memref_slice %arg2[%mul3A_2, %dma_wait3A] : memref<64x8192xf32, #tpu.memory_space<hbm>> -> memref<1x8192xf32, #tpu.memory_space<hbm>>
    %dma_wait3A_31 = tpu.memref_squeeze %dma_wait3A_30 : memref<1x8192xf32, #tpu.memory_space<hbm>> -> memref<8192xf32, #tpu.memory_space<hbm>>
    %dma_wait3A_32 = arith.constant 0 : i32
    %dma_wait3A_33 = tpu.memref_slice %arg2[%mul3A_2, %dma_wait3A_32] : memref<64x8192xf32, #tpu.memory_space<hbm>> -> memref<1x8192xf32, #tpu.memory_space<hbm>>
    %dma_wait3A_34 = tpu.memref_squeeze %dma_wait3A_33 : memref<1x8192xf32, #tpu.memory_space<hbm>> -> memref<8192xf32, #tpu.memory_space<hbm>>
    tpu.wait_dma2 semaphore(%arg14 : memref<!tpu.dma_semaphore, #tpu.memory_space<semaphore_mem>>) src(%dma_wait3A_34 : memref<8192xf32, #tpu.memory_space<hbm>>) dst(%arg5 : memref<8192xf32, #tpu.memory_space<vmem>>)
    %dma_wait3A_35 = arith.constant 0 : i32
    %dma_wait3A_36 = tpu.memref_slice %arg3[%mul3A_2, %dma_wait3A_35] : memref<64x8192xf32, #tpu.memory_space<hbm>> -> memref<1x8192xf32, #tpu.memory_space<hbm>>
    %dma_wait3A_37 = tpu.memref_squeeze %dma_wait3A_36 : memref<1x8192xf32, #tpu.memory_space<hbm>> -> memref<8192xf32, #tpu.memory_space<hbm>>
    %dma_wait3A_38 = arith.constant 0 : i32
    %dma_wait3A_39 = tpu.memref_slice %arg3[%mul3A_2, %dma_wait3A_38] : memref<64x8192xf32, #tpu.memory_space<hbm>> -> memref<1x8192xf32, #tpu.memory_space<hbm>>
    %dma_wait3A_40 = tpu.memref_squeeze %dma_wait3A_39 : memref<1x8192xf32, #tpu.memory_space<hbm>> -> memref<8192xf32, #tpu.memory_space<hbm>>
    tpu.wait_dma2 semaphore(%arg14 : memref<!tpu.dma_semaphore, #tpu.memory_space<semaphore_mem>>) src(%dma_wait3A_40 : memref<8192xf32, #tpu.memory_space<hbm>>) dst(%arg6 : memref<8192xf32, #tpu.memory_space<vmem>>)
    %iota3A_41 = tpu.iota {dimensions = array<i32: 0>} : vector<16xi32>
    %broadcast_in_dim3A = arith.constant 0 : i32
    %broadcast_in_dim3A_42 = vector.broadcast %broadcast_in_dim3A : i32 to vector<16xi32>
    %broadcast_in_dim3A_43 = arith.constant 0xFF800000 : f32
    %broadcast_in_dim3A_44 = vector.broadcast %broadcast_in_dim3A_43 : f32 to vector<16xf32>
    %scan3A = arith.constant 0 : i32
    %scan3A_45 = arith.constant 32 : i32
    %scan3A_46 = arith.addi %scan3A, %scan3A_45 : i32
    %scan3A_47 = arith.constant 1 : i32
    %scan3A_48:5 = scf.for %scan3A_361 = %scan3A to %scan3A_46 step %scan3A_47 iter_args(%scan3A_362 = %broadcast_in_dim3A_44, %scan3A_363 = %broadcast_in_dim3A_44, %scan3A_364 = %broadcast_in_dim3A_44, %scan3A_365 = %broadcast_in_dim3A_44, %scan3A_366 = %broadcast_in_dim3A_44) -> (vector<16xf32>, vector<16xf32>, vector<16xf32>, vector<16xf32>, vector<16xf32>)  : i32 {
      %mul3A_367 = arith.constant 256 : i32
      %mul3A_368 = arith.muli %scan3A_361, %mul3A_367 : i32
      %mul3A_369 = arith.constant 16 : i32
      %mul3A_370 = vector.broadcast %mul3A_369 : i32 to vector<16xi32>
      %mul3A_371 = arith.muli %iota3A_41, %mul3A_370 : vector<16xi32>
      %add3A_372 = vector.broadcast %mul3A_368 : i32 to vector<16xi32>
      %add3A_373 = arith.addi %add3A_372, %mul3A_371 : vector<16xi32>
      %add3A_374 = arith.constant 0 : i32
      %add3A_375 = vector.broadcast %add3A_374 : i32 to vector<16xi32>
      %add3A_376 = arith.addi %iota3A_41, %add3A_375 : vector<16xi32>
      %and3A_377 = arith.constant 15 : i32
      %and3A_378 = vector.broadcast %and3A_377 : i32 to vector<16xi32>
      %and3A_379 = arith.andi %add3A_376, %and3A_378 : vector<16xi32>
      %add3A_380 = arith.addi %add3A_373, %and3A_379 : vector<16xi32>
      %gather3A_381 = tpu.vector_load_idx %arg5[%add3A_380] : memref<8192xf32, #tpu.memory_space<vmem>>[vector<16xi32>], vector<16xf32>,
      %max3A_382 = arith.maximumf %broadcast_in_dim3A_44, %gather3A_381 : vector<16xf32>
      %add3A_383 = arith.constant 1 : i32
      %add3A_384 = vector.broadcast %add3A_383 : i32 to vector<16xi32>
      %add3A_385 = arith.addi %iota3A_41, %add3A_384 : vector<16xi32>
      %and3A_386 = arith.constant 15 : i32
      %and3A_387 = vector.broadcast %and3A_386 : i32 to vector<16xi32>
      %and3A_388 = arith.andi %add3A_385, %and3A_387 : vector<16xi32>
      %add3A_389 = arith.addi %add3A_373, %and3A_388 : vector<16xi32>
      %gather3A_390 = tpu.vector_load_idx %arg5[%add3A_389] : memref<8192xf32, #tpu.memory_space<vmem>>[vector<16xi32>], vector<16xf32>,
      %max3A_391 = arith.maximumf %broadcast_in_dim3A_44, %gather3A_390 : vector<16xf32>
      %add3A_392 = arith.constant 2 : i32
      %add3A_393 = vector.broadcast %add3A_392 : i32 to vector<16xi32>
      %add3A_394 = arith.addi %iota3A_41, %add3A_393 : vector<16xi32>
      %and3A_395 = arith.constant 15 : i32
      %and3A_396 = vector.broadcast %and3A_395 : i32 to vector<16xi32>
      %and3A_397 = arith.andi %add3A_394, %and3A_396 : vector<16xi32>
      %add3A_398 = arith.addi %add3A_373, %and3A_397 : vector<16xi32>
      %gather3A_399 = tpu.vector_load_idx %arg5[%add3A_398] : memref<8192xf32, #tpu.memory_space<vmem>>[vector<16xi32>], vector<16xf32>,
      %max3A_400 = arith.maximumf %broadcast_in_dim3A_44, %gather3A_399 : vector<16xf32>
      %add3A_401 = arith.constant 3 : i32
      %add3A_402 = vector.broadcast %add3A_401 : i32 to vector<16xi32>
      %add3A_403 = arith.addi %iota3A_41, %add3A_402 : vector<16xi32>
      %and3A_404 = arith.constant 15 : i32
      %and3A_405 = vector.broadcast %and3A_404 : i32 to vector<16xi32>
      %and3A_406 = arith.andi %add3A_403, %and3A_405 : vector<16xi32>
      %add3A_407 = arith.addi %add3A_373, %and3A_406 : vector<16xi32>
      %gather3A_408 = tpu.vector_load_idx %arg5[%add3A_407] : memref<8192xf32, #tpu.memory_space<vmem>>[vector<16xi32>], vector<16xf32>,
      %max3A_409 = arith.maximumf %broadcast_in_dim3A_44, %gather3A_408 : vector<16xf32>
      %add3A_410 = arith.constant 4 : i32
      %add3A_411 = vector.broadcast %add3A_410 : i32 to vector<16xi32>
      %add3A_412 = arith.addi %iota3A_41, %add3A_411 : vector<16xi32>
      %and3A_413 = arith.constant 15 : i32
      %and3A_414 = vector.broadcast %and3A_413 : i32 to vector<16xi32>
      %and3A_415 = arith.andi %add3A_412, %and3A_414 : vector<16xi32>
      %add3A_416 = arith.addi %add3A_373, %and3A_415 : vector<16xi32>
      %gather3A_417 = tpu.vector_load_idx %arg5[%add3A_416] : memref<8192xf32, #tpu.memory_space<vmem>>[vector<16xi32>], vector<16xf32>,
      %max3A_418 = arith.maximumf %max3A_382, %gather3A_417 : vector<16xf32>
      %add3A_419 = arith.constant 5 : i32
      %add3A_420 = vector.broadcast %add3A_419 : i32 to vector<16xi32>
      %add3A_421 = arith.addi %iota3A_41, %add3A_420 : vector<16xi32>
      %and3A_422 = arith.constant 15 : i32
      %and3A_423 = vector.broadcast %and3A_422 : i32 to vector<16xi32>
      %and3A_424 = arith.andi %add3A_421, %and3A_423 : vector<16xi32>
      %add3A_425 = arith.addi %add3A_373, %and3A_424 : vector<16xi32>
      %gather3A_426 = tpu.vector_load_idx %arg5[%add3A_425] : memref<8192xf32, #tpu.memory_space<vmem>>[vector<16xi32>], vector<16xf32>,
      %max3A_427 = arith.maximumf %max3A_391, %gather3A_426 : vector<16xf32>
      %add3A_428 = arith.constant 6 : i32
      %add3A_429 = vector.broadcast %add3A_428 : i32 to vector<16xi32>
      %add3A_430 = arith.addi %iota3A_41, %add3A_429 : vector<16xi32>
      %and3A_431 = arith.constant 15 : i32
      %and3A_432 = vector.broadcast %and3A_431 : i32 to vector<16xi32>
      %and3A_433 = arith.andi %add3A_430, %and3A_432 : vector<16xi32>
      %add3A_434 = arith.addi %add3A_373, %and3A_433 : vector<16xi32>
      %gather3A_435 = tpu.vector_load_idx %arg5[%add3A_434] : memref<8192xf32, #tpu.memory_space<vmem>>[vector<16xi32>], vector<16xf32>,
      %max3A_436 = arith.maximumf %max3A_400, %gather3A_435 : vector<16xf32>
      %add3A_437 = arith.constant 7 : i32
      %add3A_438 = vector.broadcast %add3A_437 : i32 to vector<16xi32>
      %add3A_439 = arith.addi %iota3A_41, %add3A_438 : vector<16xi32>
      %and3A_440 = arith.constant 15 : i32
      %and3A_441 = vector.broadcast %and3A_440 : i32 to vector<16xi32>
      %and3A_442 = arith.andi %add3A_439, %and3A_441 : vector<16xi32>
      %add3A_443 = arith.addi %add3A_373, %and3A_442 : vector<16xi32>
      %gather3A_444 = tpu.vector_load_idx %arg5[%add3A_443] : memref<8192xf32, #tpu.memory_space<vmem>>[vector<16xi32>], vector<16xf32>,
      %max3A_445 = arith.maximumf %max3A_409, %gather3A_444 : vector<16xf32>
      %add3A_446 = arith.constant 8 : i32
      %add3A_447 = vector.broadcast %add3A_446 : i32 to vector<16xi32>
      %add3A_448 = arith.addi %iota3A_41, %add3A_447 : vector<16xi32>
      %and3A_449 = arith.constant 15 : i32
      %and3A_450 = vector.broadcast %and3A_449 : i32 to vector<16xi32>
      %and3A_451 = arith.andi %add3A_448, %and3A_450 : vector<16xi32>
      %add3A_452 = arith.addi %add3A_373, %and3A_451 : vector<16xi32>
      %gather3A_453 = tpu.vector_load_idx %arg5[%add3A_452] : memref<8192xf32, #tpu.memory_space<vmem>>[vector<16xi32>], vector<16xf32>,
      %max3A_454 = arith.maximumf %max3A_418, %gather3A_453 : vector<16xf32>
      %add3A_455 = arith.constant 9 : i32
      %add3A_456 = vector.broadcast %add3A_455 : i32 to vector<16xi32>
      %add3A_457 = arith.addi %iota3A_41, %add3A_456 : vector<16xi32>
      %and3A_458 = arith.constant 15 : i32
      %and3A_459 = vector.broadcast %and3A_458 : i32 to vector<16xi32>
      %and3A_460 = arith.andi %add3A_457, %and3A_459 : vector<16xi32>
      %add3A_461 = arith.addi %add3A_373, %and3A_460 : vector<16xi32>
      %gather3A_462 = tpu.vector_load_idx %arg5[%add3A_461] : memref<8192xf32, #tpu.memory_space<vmem>>[vector<16xi32>], vector<16xf32>,
      %max3A_463 = arith.maximumf %max3A_427, %gather3A_462 : vector<16xf32>
      %add3A_464 = arith.constant 10 : i32
      %add3A_465 = vector.broadcast %add3A_464 : i32 to vector<16xi32>
      %add3A_466 = arith.addi %iota3A_41, %add3A_465 : vector<16xi32>
      %and3A_467 = arith.constant 15 : i32
      %and3A_468 = vector.broadcast %and3A_467 : i32 to vector<16xi32>
      %and3A_469 = arith.andi %add3A_466, %and3A_468 : vector<16xi32>
      %add3A_470 = arith.addi %add3A_373, %and3A_469 : vector<16xi32>
      %gather3A_471 = tpu.vector_load_idx %arg5[%add3A_470] : memref<8192xf32, #tpu.memory_space<vmem>>[vector<16xi32>], vector<16xf32>,
      %max3A_472 = arith.maximumf %max3A_436, %gather3A_471 : vector<16xf32>
      %add3A_473 = arith.constant 11 : i32
      %add3A_474 = vector.broadcast %add3A_473 : i32 to vector<16xi32>
      %add3A_475 = arith.addi %iota3A_41, %add3A_474 : vector<16xi32>
      %and3A_476 = arith.constant 15 : i32
      %and3A_477 = vector.broadcast %and3A_476 : i32 to vector<16xi32>
      %and3A_478 = arith.andi %add3A_475, %and3A_477 : vector<16xi32>
      %add3A_479 = arith.addi %add3A_373, %and3A_478 : vector<16xi32>
      %gather3A_480 = tpu.vector_load_idx %arg5[%add3A_479] : memref<8192xf32, #tpu.memory_space<vmem>>[vector<16xi32>], vector<16xf32>,
      %max3A_481 = arith.maximumf %max3A_445, %gather3A_480 : vector<16xf32>
      %add3A_482 = arith.constant 12 : i32
      %add3A_483 = vector.broadcast %add3A_482 : i32 to vector<16xi32>
      %add3A_484 = arith.addi %iota3A_41, %add3A_483 : vector<16xi32>
      %and3A_485 = arith.constant 15 : i32
      %and3A_486 = vector.broadcast %and3A_485 : i32 to vector<16xi32>
      %and3A_487 = arith.andi %add3A_484, %and3A_486 : vector<16xi32>
      %add3A_488 = arith.addi %add3A_373, %and3A_487 : vector<16xi32>
      %gather3A_489 = tpu.vector_load_idx %arg5[%add3A_488] : memref<8192xf32, #tpu.memory_space<vmem>>[vector<16xi32>], vector<16xf32>,
      %max3A_490 = arith.maximumf %max3A_454, %gather3A_489 : vector<16xf32>
      %add3A_491 = arith.constant 13 : i32
      %add3A_492 = vector.broadcast %add3A_491 : i32 to vector<16xi32>
      %add3A_493 = arith.addi %iota3A_41, %add3A_492 : vector<16xi32>
      %and3A_494 = arith.constant 15 : i32
      %and3A_495 = vector.broadcast %and3A_494 : i32 to vector<16xi32>
      %and3A_496 = arith.andi %add3A_493, %and3A_495 : vector<16xi32>
      %add3A_497 = arith.addi %add3A_373, %and3A_496 : vector<16xi32>
      %gather3A_498 = tpu.vector_load_idx %arg5[%add3A_497] : memref<8192xf32, #tpu.memory_space<vmem>>[vector<16xi32>], vector<16xf32>,
      %max3A_499 = arith.maximumf %max3A_463, %gather3A_498 : vector<16xf32>
      %add3A_500 = arith.constant 14 : i32
      %add3A_501 = vector.broadcast %add3A_500 : i32 to vector<16xi32>
      %add3A_502 = arith.addi %iota3A_41, %add3A_501 : vector<16xi32>
      %and3A_503 = arith.constant 15 : i32
      %and3A_504 = vector.broadcast %and3A_503 : i32 to vector<16xi32>
      %and3A_505 = arith.andi %add3A_502, %and3A_504 : vector<16xi32>
      %add3A_506 = arith.addi %add3A_373, %and3A_505 : vector<16xi32>
      %gather3A_507 = tpu.vector_load_idx %arg5[%add3A_506] : memref<8192xf32, #tpu.memory_space<vmem>>[vector<16xi32>], vector<16xf32>,
      %max3A_508 = arith.maximumf %max3A_472, %gather3A_507 : vector<16xf32>
      %add3A_509 = arith.constant 15 : i32
      %add3A_510 = vector.broadcast %add3A_509 : i32 to vector<16xi32>
      %add3A_511 = arith.addi %iota3A_41, %add3A_510 : vector<16xi32>
      %and3A_512 = arith.constant 15 : i32
      %and3A_513 = vector.broadcast %and3A_512 : i32 to vector<16xi32>
      %and3A_514 = arith.andi %add3A_511, %and3A_513 : vector<16xi32>
      %add3A_515 = arith.addi %add3A_373, %and3A_514 : vector<16xi32>
      %gather3A_516 = tpu.vector_load_idx %arg5[%add3A_515] : memref<8192xf32, #tpu.memory_space<vmem>>[vector<16xi32>], vector<16xf32>,
      %max3A_517 = arith.maximumf %max3A_481, %gather3A_516 : vector<16xf32>
      %max3A_518 = arith.maximumf %max3A_490, %max3A_499 : vector<16xf32>
      %max3A_519 = arith.maximumf %max3A_508, %max3A_517 : vector<16xf32>
      %max3A_520 = arith.maximumf %max3A_518, %max3A_519 : vector<16xf32>
      %add3A_521 = arith.constant 0 : i32
      %add3A_522 = arith.addi %mul3A_368, %add3A_521 : i32
      %get3A = arith.index_cast %add3A_522 : i32 to index
      %get3A_523 = tpu.vector_load %arg6[%get3A] {strides = array<i32>} : memref<8192xf32, #tpu.memory_space<vmem>>, vector<16xf32>,
      %max3A_524 = arith.maximumf %scan3A_363, %get3A_523 : vector<16xf32>
      %add3A_525 = arith.constant 16 : i32
      %add3A_526 = arith.addi %mul3A_368, %add3A_525 : i32
      %get3A_527 = arith.index_cast %add3A_526 : i32 to index
      %get3A_528 = tpu.vector_load %arg6[%get3A_527] {strides = array<i32>} : memref<8192xf32, #tpu.memory_space<vmem>>, vector<16xf32>,
      %max3A_529 = arith.maximumf %scan3A_364, %get3A_528 : vector<16xf32>
      %add3A_530 = arith.constant 32 : i32
      %add3A_531 = arith.addi %mul3A_368, %add3A_530 : i32
      %get3A_532 = arith.index_cast %add3A_531 : i32 to index
      %get3A_533 = tpu.vector_load %arg6[%get3A_532] {strides = array<i32>} : memref<8192xf32, #tpu.memory_space<vmem>>, vector<16xf32>,
      %max3A_534 = arith.maximumf %scan3A_365, %get3A_533 : vector<16xf32>
      %add3A_535 = arith.constant 48 : i32
      %add3A_536 = arith.addi %mul3A_368, %add3A_535 : i32
      %get3A_537 = arith.index_cast %add3A_536 : i32 to index
      %get3A_538 = tpu.vector_load %arg6[%get3A_537] {strides = array<i32>} : memref<8192xf32, #tpu.memory_space<vmem>>, vector<16xf32>,
      %max3A_539 = arith.maximumf %scan3A_366, %get3A_538 : vector<16xf32>
      %add3A_540 = arith.constant 64 : i32
      %add3A_541 = arith.addi %mul3A_368, %add3A_540 : i32
      %get3A_542 = arith.index_cast %add3A_541 : i32 to index
      %get3A_543 = tpu.vector_load %arg6[%get3A_542] {strides = array<i32>} : memref<8192xf32, #tpu.memory_space<vmem>>, vector<16xf32>,
      %max3A_544 = arith.maximumf %max3A_524, %get3A_543 : vector<16xf32>
      %add3A_545 = arith.constant 80 : i32
      %add3A_546 = arith.addi %mul3A_368, %add3A_545 : i32
      %get3A_547 = arith.index_cast %add3A_546 : i32 to index
      %get3A_548 = tpu.vector_load %arg6[%get3A_547] {strides = array<i32>} : memref<8192xf32, #tpu.memory_space<vmem>>, vector<16xf32>,
      %max3A_549 = arith.maximumf %max3A_529, %get3A_548 : vector<16xf32>
      %add3A_550 = arith.constant 96 : i32
      %add3A_551 = arith.addi %mul3A_368, %add3A_550 : i32
      %get3A_552 = arith.index_cast %add3A_551 : i32 to index
      %get3A_553 = tpu.vector_load %arg6[%get3A_552] {strides = array<i32>} : memref<8192xf32, #tpu.memory_space<vmem>>, vector<16xf32>,
      %max3A_554 = arith.maximumf %max3A_534, %get3A_553 : vector<16xf32>
      %add3A_555 = arith.constant 112 : i32
      %add3A_556 = arith.addi %mul3A_368, %add3A_555 : i32
      %get3A_557 = arith.index_cast %add3A_556 : i32 to index
      %get3A_558 = tpu.vector_load %arg6[%get3A_557] {strides = array<i32>} : memref<8192xf32, #tpu.memory_space<vmem>>, vector<16xf32>,
      %max3A_559 = arith.maximumf %max3A_539, %get3A_558 : vector<16xf32>
      %add3A_560 = arith.constant 128 : i32
      %add3A_561 = arith.addi %mul3A_368, %add3A_560 : i32
      %get3A_562 = arith.index_cast %add3A_561 : i32 to index
      %get3A_563 = tpu.vector_load %arg6[%get3A_562] {strides = array<i32>} : memref<8192xf32, #tpu.memory_space<vmem>>, vector<16xf32>,
      %max3A_564 = arith.maximumf %max3A_544, %get3A_563 : vector<16xf32>
      %add3A_565 = arith.constant 144 : i32
      %add3A_566 = arith.addi %mul3A_368, %add3A_565 : i32
      %get3A_567 = arith.index_cast %add3A_566 : i32 to index
      %get3A_568 = tpu.vector_load %arg6[%get3A_567] {strides = array<i32>} : memref<8192xf32, #tpu.memory_space<vmem>>, vector<16xf32>,
      %max3A_569 = arith.maximumf %max3A_549, %get3A_568 : vector<16xf32>
      %add3A_570 = arith.constant 160 : i32
      %add3A_571 = arith.addi %mul3A_368, %add3A_570 : i32
      %get3A_572 = arith.index_cast %add3A_571 : i32 to index
      %get3A_573 = tpu.vector_load %arg6[%get3A_572] {strides = array<i32>} : memref<8192xf32, #tpu.memory_space<vmem>>, vector<16xf32>,
      %max3A_574 = arith.maximumf %max3A_554, %get3A_573 : vector<16xf32>
      %add3A_575 = arith.constant 176 : i32
      %add3A_576 = arith.addi %mul3A_368, %add3A_575 : i32
      %get3A_577 = arith.index_cast %add3A_576 : i32 to index
      %get3A_578 = tpu.vector_load %arg6[%get3A_577] {strides = array<i32>} : memref<8192xf32, #tpu.memory_space<vmem>>, vector<16xf32>,
      %max3A_579 = arith.maximumf %max3A_559, %get3A_578 : vector<16xf32>
      %add3A_580 = arith.constant 192 : i32
      %add3A_581 = arith.addi %mul3A_368, %add3A_580 : i32
      %get3A_582 = arith.index_cast %add3A_581 : i32 to index
      %get3A_583 = tpu.vector_load %arg6[%get3A_582] {strides = array<i32>} : memref<8192xf32, #tpu.memory_space<vmem>>, vector<16xf32>,
      %max3A_584 = arith.maximumf %max3A_564, %get3A_583 : vector<16xf32>
      %add3A_585 = arith.constant 208 : i32
      %add3A_586 = arith.addi %mul3A_368, %add3A_585 : i32
      %get3A_587 = arith.index_cast %add3A_586 : i32 to index
      %get3A_588 = tpu.vector_load %arg6[%get3A_587] {strides = array<i32>} : memref<8192xf32, #tpu.memory_space<vmem>>, vector<16xf32>,
      %max3A_589 = arith.maximumf %max3A_569, %get3A_588 : vector<16xf32>
      %add3A_590 = arith.constant 224 : i32
      %add3A_591 = arith.addi %mul3A_368, %add3A_590 : i32
      %get3A_592 = arith.index_cast %add3A_591 : i32 to index
      %get3A_593 = tpu.vector_load %arg6[%get3A_592] {strides = array<i32>} : memref<8192xf32, #tpu.memory_space<vmem>>, vector<16xf32>,
      %max3A_594 = arith.maximumf %max3A_574, %get3A_593 : vector<16xf32>
      %add3A_595 = arith.constant 240 : i32
      %add3A_596 = arith.addi %mul3A_368, %add3A_595 : i32
      %get3A_597 = arith.index_cast %add3A_596 : i32 to index
      %get3A_598 = tpu.vector_load %arg6[%get3A_597] {strides = array<i32>} : memref<8192xf32, #tpu.memory_space<vmem>>, vector<16xf32>,
      %max3A_599 = arith.maximumf %max3A_579, %get3A_598 : vector<16xf32>
      %mul3A_600 = arith.constant 16 : i32
      %mul3A_601 = arith.muli %scan3A_361, %mul3A_600 : i32
      %swap3A_602 = arith.index_cast %mul3A_601 : i32 to index
      %swap3A_603 = tpu.vector_load %arg11[%swap3A_602] {strides = array<i32>} : memref<512xf32, #tpu.memory_space<vmem>>, vector<16xf32>,
      tpu.vector_store %arg11[%swap3A_602], %max3A_520 {strides = array<i32>} : memref<512xf32, #tpu.memory_space<vmem>>, vector<16xf32>,
      %max3A_604 = arith.maximumf %scan3A_362, %max3A_520 : vector<16xf32>
      scf.yield %max3A_604, %max3A_584, %max3A_589, %max3A_594, %max3A_599 : vector<16xf32>, vector<16xf32>, vector<16xf32>, vector<16xf32>, vector<16xf32>
    }
    %scan3A_49 = arith.constant 32 : i32
    %max3A = arith.maximumf %scan3A_48#1, %scan3A_48#2 : vector<16xf32>
    %max3A_50 = arith.maximumf %scan3A_48#3, %scan3A_48#4 : vector<16xf32>
    %max3A_51 = arith.maximumf %max3A, %max3A_50 : vector<16xf32>
    %broadcast_in_dim3A_52 = arith.constant true
    %broadcast_in_dim3A_53 = vector.broadcast %broadcast_in_dim3A_52 : i1 to vector<16xi1>
    %masked_cummax3A = tpu.scan <max>, %max3A_51 masked %broadcast_in_dim3A_53 : vector<16xf32>, vector<16xi1> -> vector<16xf32>
    %broadcast_in_dim3A_54 = arith.constant 15 : i32
    %broadcast_in_dim3A_55 = vector.broadcast %broadcast_in_dim3A_54 : i32 to vector<16xi32>
    %broadcast_in_dim3A_56 = vector.shape_cast %broadcast_in_dim3A_55 : vector<16xi32> to vector<16x1xi32>
    %gather3A = vector.shape_cast %broadcast_in_dim3A_56 : vector<16x1xi32> to vector<16xi32>
    %gather3A_57 = tpu.dynamic_gather %masked_cummax3A[%gather3A] in [0] : vector<16xf32>, vector<16xi32> -> vector<16xf32>
    %neg3A = arith.constant 0.000000e+00 : f32
    %neg3A_58 = vector.broadcast %neg3A : f32 to vector<16xf32>
    %neg3A_59 = arith.subf %neg3A_58, %scan3A_48#0 : vector<16xf32>
    %broadcast_in_dim3A_60 = arith.constant true
    %broadcast_in_dim3A_61 = vector.broadcast %broadcast_in_dim3A_60 : i1 to vector<16xi1>
    %masked_cummax3A_62 = tpu.scan <max>, %neg3A_59 masked %broadcast_in_dim3A_61 : vector<16xf32>, vector<16xi1> -> vector<16xf32>
    %broadcast_in_dim3A_63 = arith.constant 15 : i32
    %broadcast_in_dim3A_64 = vector.broadcast %broadcast_in_dim3A_63 : i32 to vector<16xi32>
    %broadcast_in_dim3A_65 = vector.shape_cast %broadcast_in_dim3A_64 : vector<16xi32> to vector<16x1xi32>
    %gather3A_66 = vector.shape_cast %broadcast_in_dim3A_65 : vector<16x1xi32> to vector<16xi32>
    %gather3A_67 = tpu.dynamic_gather %masked_cummax3A_62[%gather3A_66] in [0] : vector<16xf32>, vector<16xi32> -> vector<16xf32>
    %neg3A_68 = arith.constant 0.000000e+00 : f32
    %neg3A_69 = vector.broadcast %neg3A_68 : f32 to vector<16xf32>
    %neg3A_70 = arith.subf %neg3A_69, %gather3A_67 : vector<16xf32>
    %scan3A_71 = arith.constant 0 : i32
    %scan3A_72 = arith.constant 32 : i32
    %scan3A_73 = arith.addi %scan3A_71, %scan3A_72 : i32
    %scan3A_74 = arith.constant 1 : i32
    %scan3A_75 = scf.for %scan3A_361 = %scan3A_71 to %scan3A_73 step %scan3A_74 iter_args(%scan3A_362 = %broadcast_in_dim3A_42) -> (vector<16xi32>)  : i32 {
      %mul3A_363 = arith.constant 16 : i32
      %mul3A_364 = arith.muli %scan3A_361, %mul3A_363 : i32
      %get3A = arith.index_cast %mul3A_364 : i32 to index
      %get3A_365 = tpu.vector_load %arg11[%get3A] {strides = array<i32>} : memref<512xf32, #tpu.memory_space<vmem>>, vector<16xf32>,
      %ge3A = arith.cmpf oge, %get3A_365, %neg3A_70 : vector<16xf32>
      %convert_element_type3A = arith.extui %ge3A : vector<16xi1> to vector<16xi32>
      %broadcast_in_dim3A_366 = arith.constant true
      %broadcast_in_dim3A_367 = vector.broadcast %broadcast_in_dim3A_366 : i1 to vector<16xi1>
      %masked_cumsum3A = tpu.scan <sum>, %convert_element_type3A masked %broadcast_in_dim3A_367 : vector<16xi32>, vector<16xi1> -> vector<16xi32>
      %add3A_368 = arith.addi %scan3A_362, %masked_cumsum3A : vector<16xi32>
      %sub3A_369 = arith.constant 1 : i32
      %sub3A_370 = vector.broadcast %sub3A_369 : i32 to vector<16xi32>
      %sub3A_371 = arith.subi %add3A_368, %sub3A_370 : vector<16xi32>
      %mul3A_372 = arith.constant 16 : i32
      %mul3A_373 = arith.muli %scan3A_361, %mul3A_372 : i32
      %add3A_374 = vector.broadcast %mul3A_373 : i32 to vector<16xi32>
      %add3A_375 = arith.addi %iota3A_41, %add3A_374 : vector<16xi32>
      tpu.vector_store_idx %arg12[%sub3A_371], %add3A_375 masked %ge3A : memref<528xi32, #tpu.memory_space<vmem>>[vector<16xi32>], vector<16xi32>, vector<16xi1>
      %all_reduce_population_count3A_376 = tpu.all_reduce %ge3A {dim = 0 : i64, kind = #tpu.reduction_kind<sum>} : vector<16xi1> -> vector<16xi32>
      %add3A_377 = arith.addi %scan3A_362, %all_reduce_population_count3A_376 : vector<16xi32>
      scf.yield %add3A_377 : vector<16xi32>
    }
    %scan3A_76 = arith.constant 32 : i32
    %slice3A = vector.extract_strided_slice %scan3A_75 {offsets = [0], sizes = [1], strides = [1]} : vector<16xi32> to vector<1xi32>
    %squeeze3A = vector.extract %slice3A[0] : i32 from vector<1xi32>
    %add3A_77 = vector.broadcast %squeeze3A : i32 to vector<16xi32>
    %add3A_78 = arith.addi %add3A_77, %iota3A_41 : vector<16xi32>
    tpu.vector_store_idx %arg12[%add3A_78], %broadcast_in_dim3A_42 : memref<528xi32, #tpu.memory_space<vmem>>[vector<16xi32>], vector<16xi32>,
    %add3A_79 = arith.constant 15 : i32
    %add3A_80 = arith.addi %squeeze3A, %add3A_79 : i32
    %jit3A = arith.constant 16 : i32
    %div3A = arith.divsi %add3A_80, %jit3A : i32
    %sign3A = arith.constant 0 : i32
    %sign3A_81 = arith.cmpi sgt, %add3A_80, %sign3A : i32
    %sign3A_82 = arith.extui %sign3A_81 : i1 to i32
    %sign3A_83 = arith.constant 0 : i32
    %sign3A_84 = arith.cmpi slt, %add3A_80, %sign3A_83 : i32
    %sign3A_85 = arith.extui %sign3A_84 : i1 to i32
    %sign3A_86 = arith.subi %sign3A_82, %sign3A_85 : i32
    %sign3A_87 = arith.constant 0 : i32
    %sign3A_88 = arith.cmpi sgt, %jit3A, %sign3A_87 : i32
    %sign3A_89 = arith.extui %sign3A_88 : i1 to i32
    %sign3A_90 = arith.constant 0 : i32
    %sign3A_91 = arith.cmpi slt, %jit3A, %sign3A_90 : i32
    %sign3A_92 = arith.extui %sign3A_91 : i1 to i32
    %sign3A_93 = arith.subi %sign3A_89, %sign3A_92 : i32
    %ne3A = arith.cmpi ne, %sign3A_86, %sign3A_93 : i32
    %rem3A = arith.remsi %add3A_80, %jit3A : i32
    %ne3A_94 = arith.constant 0 : i32
    %ne3A_95 = arith.cmpi ne, %rem3A, %ne3A_94 : i32
    %and3A = arith.andi %ne3A, %ne3A_95 : i1
    %sub3A = arith.constant 1 : i32
    %sub3A_96 = arith.subi %div3A, %sub3A : i32
    %select_n3A = arith.select %and3A, %sub3A_96, %div3A : i32
    %while3A = arith.constant 0 : i32
    %while3A_97 = arith.subi %select_n3A, %while3A : i32
    %while3A_98 = arith.addi %while3A, %while3A_97 : i32
    %while3A_99 = arith.constant 1 : i32
    %while3A_100 = arith.divsi %while3A_97, %while3A_99 : i32
    %while3A_101 = arith.muli %while3A_100, %while3A_99 : i32
    %while3A_102 = arith.addi %while3A, %while3A_101 : i32
    %while3A_103 = arith.constant 1 : i32
    %while3A_104 = scf.for %while3A_361 = %while3A to %while3A_102 step %while3A_103 iter_args(%while3A_362 = %broadcast_in_dim3A_42) -> (vector<16xi32>)  : i32 {
      %mul3A_363 = arith.constant 16 : i32
      %mul3A_364 = arith.muli %while3A_361, %mul3A_363 : i32
      %get3A = arith.index_cast %mul3A_364 : i32 to index
      %get3A_365 = tpu.vector_load %arg12[%get3A] {strides = array<i32>} : memref<528xi32, #tpu.memory_space<vmem>>, vector<16xi32>,
      %mul3A_366 = arith.constant 16 : i32
      %mul3A_367 = arith.muli %while3A_361, %mul3A_366 : i32
      %add3A_368 = vector.broadcast %mul3A_367 : i32 to vector<16xi32>
      %add3A_369 = arith.addi %iota3A_41, %add3A_368 : vector<16xi32>
      %lt3A_370 = vector.broadcast %squeeze3A : i32 to vector<16xi32>
      %lt3A_371 = arith.cmpi slt, %add3A_369, %lt3A_370 : vector<16xi32>
      %mul3A_372 = arith.constant 16 : i32
      %mul3A_373 = vector.broadcast %mul3A_372 : i32 to vector<16xi32>
      %mul3A_374 = arith.muli %get3A_365, %mul3A_373 : vector<16xi32>
      %add3A_375 = arith.constant 0 : i32
      %add3A_376 = vector.broadcast %add3A_375 : i32 to vector<16xi32>
      %add3A_377 = arith.addi %iota3A_41, %add3A_376 : vector<16xi32>
      %and3A_378 = arith.constant 15 : i32
      %and3A_379 = vector.broadcast %and3A_378 : i32 to vector<16xi32>
      %and3A_380 = arith.andi %add3A_377, %and3A_379 : vector<16xi32>
      %add3A_381 = arith.addi %mul3A_374, %and3A_380 : vector<16xi32>
      %gather3A_382 = tpu.vector_load_idx %arg5[%add3A_381] : memref<8192xf32, #tpu.memory_space<vmem>>[vector<16xi32>], vector<16xf32>,
      %ge3A = arith.cmpf oge, %gather3A_382, %neg3A_70 : vector<16xf32>
      %and3A_383 = arith.andi %ge3A, %lt3A_371 : vector<16xi1>
      %add3A_384 = arith.addi %mul3A_374, %and3A_380 : vector<16xi32>
      %convert_element_type3A = arith.extui %and3A_383 : vector<16xi1> to vector<16xi32>
      %add3A_385 = arith.addi %broadcast_in_dim3A_42, %convert_element_type3A : vector<16xi32>
      %add3A_386 = arith.constant 1 : i32
      %add3A_387 = vector.broadcast %add3A_386 : i32 to vector<16xi32>
      %add3A_388 = arith.addi %iota3A_41, %add3A_387 : vector<16xi32>
      %and3A_389 = arith.constant 15 : i32
      %and3A_390 = vector.broadcast %and3A_389 : i32 to vector<16xi32>
      %and3A_391 = arith.andi %add3A_388, %and3A_390 : vector<16xi32>
      %add3A_392 = arith.addi %mul3A_374, %and3A_391 : vector<16xi32>
      %gather3A_393 = tpu.vector_load_idx %arg5[%add3A_392] : memref<8192xf32, #tpu.memory_space<vmem>>[vector<16xi32>], vector<16xf32>,
      %ge3A_394 = arith.cmpf oge, %gather3A_393, %neg3A_70 : vector<16xf32>
      %and3A_395 = arith.andi %ge3A_394, %lt3A_371 : vector<16xi1>
      %add3A_396 = arith.addi %mul3A_374, %and3A_391 : vector<16xi32>
      %convert_element_type3A_397 = arith.extui %and3A_395 : vector<16xi1> to vector<16xi32>
      %add3A_398 = arith.addi %add3A_385, %convert_element_type3A_397 : vector<16xi32>
      %add3A_399 = arith.constant 2 : i32
      %add3A_400 = vector.broadcast %add3A_399 : i32 to vector<16xi32>
      %add3A_401 = arith.addi %iota3A_41, %add3A_400 : vector<16xi32>
      %and3A_402 = arith.constant 15 : i32
      %and3A_403 = vector.broadcast %and3A_402 : i32 to vector<16xi32>
      %and3A_404 = arith.andi %add3A_401, %and3A_403 : vector<16xi32>
      %add3A_405 = arith.addi %mul3A_374, %and3A_404 : vector<16xi32>
      %gather3A_406 = tpu.vector_load_idx %arg5[%add3A_405] : memref<8192xf32, #tpu.memory_space<vmem>>[vector<16xi32>], vector<16xf32>,
      %ge3A_407 = arith.cmpf oge, %gather3A_406, %neg3A_70 : vector<16xf32>
      %and3A_408 = arith.andi %ge3A_407, %lt3A_371 : vector<16xi1>
      %add3A_409 = arith.addi %mul3A_374, %and3A_404 : vector<16xi32>
      %convert_element_type3A_410 = arith.extui %and3A_408 : vector<16xi1> to vector<16xi32>
      %add3A_411 = arith.addi %add3A_398, %convert_element_type3A_410 : vector<16xi32>
      %add3A_412 = arith.constant 3 : i32
      %add3A_413 = vector.broadcast %add3A_412 : i32 to vector<16xi32>
      %add3A_414 = arith.addi %iota3A_41, %add3A_413 : vector<16xi32>
      %and3A_415 = arith.constant 15 : i32
      %and3A_416 = vector.broadcast %and3A_415 : i32 to vector<16xi32>
      %and3A_417 = arith.andi %add3A_414, %and3A_416 : vector<16xi32>
      %add3A_418 = arith.addi %mul3A_374, %and3A_417 : vector<16xi32>
      %gather3A_419 = tpu.vector_load_idx %arg5[%add3A_418] : memref<8192xf32, #tpu.memory_space<vmem>>[vector<16xi32>], vector<16xf32>,
      %ge3A_420 = arith.cmpf oge, %gather3A_419, %neg3A_70 : vector<16xf32>
      %and3A_421 = arith.andi %ge3A_420, %lt3A_371 : vector<16xi1>
      %add3A_422 = arith.addi %mul3A_374, %and3A_417 : vector<16xi32>
      %convert_element_type3A_423 = arith.extui %and3A_421 : vector<16xi1> to vector<16xi32>
      %add3A_424 = arith.addi %add3A_411, %convert_element_type3A_423 : vector<16xi32>
      %add3A_425 = arith.constant 4 : i32
      %add3A_426 = vector.broadcast %add3A_425 : i32 to vector<16xi32>
      %add3A_427 = arith.addi %iota3A_41, %add3A_426 : vector<16xi32>
      %and3A_428 = arith.constant 15 : i32
      %and3A_429 = vector.broadcast %and3A_428 : i32 to vector<16xi32>
      %and3A_430 = arith.andi %add3A_427, %and3A_429 : vector<16xi32>
      %add3A_431 = arith.addi %mul3A_374, %and3A_430 : vector<16xi32>
      %gather3A_432 = tpu.vector_load_idx %arg5[%add3A_431] : memref<8192xf32, #tpu.memory_space<vmem>>[vector<16xi32>], vector<16xf32>,
      %ge3A_433 = arith.cmpf oge, %gather3A_432, %neg3A_70 : vector<16xf32>
      %and3A_434 = arith.andi %ge3A_433, %lt3A_371 : vector<16xi1>
      %add3A_435 = arith.addi %mul3A_374, %and3A_430 : vector<16xi32>
      %convert_element_type3A_436 = arith.extui %and3A_434 : vector<16xi1> to vector<16xi32>
      %add3A_437 = arith.addi %add3A_424, %convert_element_type3A_436 : vector<16xi32>
      %add3A_438 = arith.constant 5 : i32
      %add3A_439 = vector.broadcast %add3A_438 : i32 to vector<16xi32>
      %add3A_440 = arith.addi %iota3A_41, %add3A_439 : vector<16xi32>
      %and3A_441 = arith.constant 15 : i32
      %and3A_442 = vector.broadcast %and3A_441 : i32 to vector<16xi32>
      %and3A_443 = arith.andi %add3A_440, %and3A_442 : vector<16xi32>
      %add3A_444 = arith.addi %mul3A_374, %and3A_443 : vector<16xi32>
      %gather3A_445 = tpu.vector_load_idx %arg5[%add3A_444] : memref<8192xf32, #tpu.memory_space<vmem>>[vector<16xi32>], vector<16xf32>,
      %ge3A_446 = arith.cmpf oge, %gather3A_445, %neg3A_70 : vector<16xf32>
      %and3A_447 = arith.andi %ge3A_446, %lt3A_371 : vector<16xi1>
      %add3A_448 = arith.addi %mul3A_374, %and3A_443 : vector<16xi32>
      %convert_element_type3A_449 = arith.extui %and3A_447 : vector<16xi1> to vector<16xi32>
      %add3A_450 = arith.addi %add3A_437, %convert_element_type3A_449 : vector<16xi32>
      %add3A_451 = arith.constant 6 : i32
      %add3A_452 = vector.broadcast %add3A_451 : i32 to vector<16xi32>
      %add3A_453 = arith.addi %iota3A_41, %add3A_452 : vector<16xi32>
      %and3A_454 = arith.constant 15 : i32
      %and3A_455 = vector.broadcast %and3A_454 : i32 to vector<16xi32>
      %and3A_456 = arith.andi %add3A_453, %and3A_455 : vector<16xi32>
      %add3A_457 = arith.addi %mul3A_374, %and3A_456 : vector<16xi32>
      %gather3A_458 = tpu.vector_load_idx %arg5[%add3A_457] : memref<8192xf32, #tpu.memory_space<vmem>>[vector<16xi32>], vector<16xf32>,
      %ge3A_459 = arith.cmpf oge, %gather3A_458, %neg3A_70 : vector<16xf32>
      %and3A_460 = arith.andi %ge3A_459, %lt3A_371 : vector<16xi1>
      %add3A_461 = arith.addi %mul3A_374, %and3A_456 : vector<16xi32>
      %convert_element_type3A_462 = arith.extui %and3A_460 : vector<16xi1> to vector<16xi32>
      %add3A_463 = arith.addi %add3A_450, %convert_element_type3A_462 : vector<16xi32>
      %add3A_464 = arith.constant 7 : i32
      %add3A_465 = vector.broadcast %add3A_464 : i32 to vector<16xi32>
      %add3A_466 = arith.addi %iota3A_41, %add3A_465 : vector<16xi32>
      %and3A_467 = arith.constant 15 : i32
      %and3A_468 = vector.broadcast %and3A_467 : i32 to vector<16xi32>
      %and3A_469 = arith.andi %add3A_466, %and3A_468 : vector<16xi32>
      %add3A_470 = arith.addi %mul3A_374, %and3A_469 : vector<16xi32>
      %gather3A_471 = tpu.vector_load_idx %arg5[%add3A_470] : memref<8192xf32, #tpu.memory_space<vmem>>[vector<16xi32>], vector<16xf32>,
      %ge3A_472 = arith.cmpf oge, %gather3A_471, %neg3A_70 : vector<16xf32>
      %and3A_473 = arith.andi %ge3A_472, %lt3A_371 : vector<16xi1>
      %add3A_474 = arith.addi %mul3A_374, %and3A_469 : vector<16xi32>
      %convert_element_type3A_475 = arith.extui %and3A_473 : vector<16xi1> to vector<16xi32>
      %add3A_476 = arith.addi %add3A_463, %convert_element_type3A_475 : vector<16xi32>
      %add3A_477 = arith.constant 8 : i32
      %add3A_478 = vector.broadcast %add3A_477 : i32 to vector<16xi32>
      %add3A_479 = arith.addi %iota3A_41, %add3A_478 : vector<16xi32>
      %and3A_480 = arith.constant 15 : i32
      %and3A_481 = vector.broadcast %and3A_480 : i32 to vector<16xi32>
      %and3A_482 = arith.andi %add3A_479, %and3A_481 : vector<16xi32>
      %add3A_483 = arith.addi %mul3A_374, %and3A_482 : vector<16xi32>
      %gather3A_484 = tpu.vector_load_idx %arg5[%add3A_483] : memref<8192xf32, #tpu.memory_space<vmem>>[vector<16xi32>], vector<16xf32>,
      %ge3A_485 = arith.cmpf oge, %gather3A_484, %neg3A_70 : vector<16xf32>
      %and3A_486 = arith.andi %ge3A_485, %lt3A_371 : vector<16xi1>
      %add3A_487 = arith.addi %mul3A_374, %and3A_482 : vector<16xi32>
      %convert_element_type3A_488 = arith.extui %and3A_486 : vector<16xi1> to vector<16xi32>
      %add3A_489 = arith.addi %add3A_476, %convert_element_type3A_488 : vector<16xi32>
      %add3A_490 = arith.constant 9 : i32
      %add3A_491 = vector.broadcast %add3A_490 : i32 to vector<16xi32>
      %add3A_492 = arith.addi %iota3A_41, %add3A_491 : vector<16xi32>
      %and3A_493 = arith.constant 15 : i32
      %and3A_494 = vector.broadcast %and3A_493 : i32 to vector<16xi32>
      %and3A_495 = arith.andi %add3A_492, %and3A_494 : vector<16xi32>
      %add3A_496 = arith.addi %mul3A_374, %and3A_495 : vector<16xi32>
      %gather3A_497 = tpu.vector_load_idx %arg5[%add3A_496] : memref<8192xf32, #tpu.memory_space<vmem>>[vector<16xi32>], vector<16xf32>,
      %ge3A_498 = arith.cmpf oge, %gather3A_497, %neg3A_70 : vector<16xf32>
      %and3A_499 = arith.andi %ge3A_498, %lt3A_371 : vector<16xi1>
      %add3A_500 = arith.addi %mul3A_374, %and3A_495 : vector<16xi32>
      %convert_element_type3A_501 = arith.extui %and3A_499 : vector<16xi1> to vector<16xi32>
      %add3A_502 = arith.addi %add3A_489, %convert_element_type3A_501 : vector<16xi32>
      %add3A_503 = arith.constant 10 : i32
      %add3A_504 = vector.broadcast %add3A_503 : i32 to vector<16xi32>
      %add3A_505 = arith.addi %iota3A_41, %add3A_504 : vector<16xi32>
      %and3A_506 = arith.constant 15 : i32
      %and3A_507 = vector.broadcast %and3A_506 : i32 to vector<16xi32>
      %and3A_508 = arith.andi %add3A_505, %and3A_507 : vector<16xi32>
      %add3A_509 = arith.addi %mul3A_374, %and3A_508 : vector<16xi32>
      %gather3A_510 = tpu.vector_load_idx %arg5[%add3A_509] : memref<8192xf32, #tpu.memory_space<vmem>>[vector<16xi32>], vector<16xf32>,
      %ge3A_511 = arith.cmpf oge, %gather3A_510, %neg3A_70 : vector<16xf32>
      %and3A_512 = arith.andi %ge3A_511, %lt3A_371 : vector<16xi1>
      %add3A_513 = arith.addi %mul3A_374, %and3A_508 : vector<16xi32>
      %convert_element_type3A_514 = arith.extui %and3A_512 : vector<16xi1> to vector<16xi32>
      %add3A_515 = arith.addi %add3A_502, %convert_element_type3A_514 : vector<16xi32>
      %add3A_516 = arith.constant 11 : i32
      %add3A_517 = vector.broadcast %add3A_516 : i32 to vector<16xi32>
      %add3A_518 = arith.addi %iota3A_41, %add3A_517 : vector<16xi32>
      %and3A_519 = arith.constant 15 : i32
      %and3A_520 = vector.broadcast %and3A_519 : i32 to vector<16xi32>
      %and3A_521 = arith.andi %add3A_518, %and3A_520 : vector<16xi32>
      %add3A_522 = arith.addi %mul3A_374, %and3A_521 : vector<16xi32>
      %gather3A_523 = tpu.vector_load_idx %arg5[%add3A_522] : memref<8192xf32, #tpu.memory_space<vmem>>[vector<16xi32>], vector<16xf32>,
      %ge3A_524 = arith.cmpf oge, %gather3A_523, %neg3A_70 : vector<16xf32>
      %and3A_525 = arith.andi %ge3A_524, %lt3A_371 : vector<16xi1>
      %add3A_526 = arith.addi %mul3A_374, %and3A_521 : vector<16xi32>
      %convert_element_type3A_527 = arith.extui %and3A_525 : vector<16xi1> to vector<16xi32>
      %add3A_528 = arith.addi %add3A_515, %convert_element_type3A_527 : vector<16xi32>
      %add3A_529 = arith.constant 12 : i32
      %add3A_530 = vector.broadcast %add3A_529 : i32 to vector<16xi32>
      %add3A_531 = arith.addi %iota3A_41, %add3A_530 : vector<16xi32>
      %and3A_532 = arith.constant 15 : i32
      %and3A_533 = vector.broadcast %and3A_532 : i32 to vector<16xi32>
      %and3A_534 = arith.andi %add3A_531, %and3A_533 : vector<16xi32>
      %add3A_535 = arith.addi %mul3A_374, %and3A_534 : vector<16xi32>
      %gather3A_536 = tpu.vector_load_idx %arg5[%add3A_535] : memref<8192xf32, #tpu.memory_space<vmem>>[vector<16xi32>], vector<16xf32>,
      %ge3A_537 = arith.cmpf oge, %gather3A_536, %neg3A_70 : vector<16xf32>
      %and3A_538 = arith.andi %ge3A_537, %lt3A_371 : vector<16xi1>
      %add3A_539 = arith.addi %mul3A_374, %and3A_534 : vector<16xi32>
      %convert_element_type3A_540 = arith.extui %and3A_538 : vector<16xi1> to vector<16xi32>
      %add3A_541 = arith.addi %add3A_528, %convert_element_type3A_540 : vector<16xi32>
      %add3A_542 = arith.constant 13 : i32
      %add3A_543 = vector.broadcast %add3A_542 : i32 to vector<16xi32>
      %add3A_544 = arith.addi %iota3A_41, %add3A_543 : vector<16xi32>
      %and3A_545 = arith.constant 15 : i32
      %and3A_546 = vector.broadcast %and3A_545 : i32 to vector<16xi32>
      %and3A_547 = arith.andi %add3A_544, %and3A_546 : vector<16xi32>
      %add3A_548 = arith.addi %mul3A_374, %and3A_547 : vector<16xi32>
      %gather3A_549 = tpu.vector_load_idx %arg5[%add3A_548] : memref<8192xf32, #tpu.memory_space<vmem>>[vector<16xi32>], vector<16xf32>,
      %ge3A_550 = arith.cmpf oge, %gather3A_549, %neg3A_70 : vector<16xf32>
      %and3A_551 = arith.andi %ge3A_550, %lt3A_371 : vector<16xi1>
      %add3A_552 = arith.addi %mul3A_374, %and3A_547 : vector<16xi32>
      %convert_element_type3A_553 = arith.extui %and3A_551 : vector<16xi1> to vector<16xi32>
      %add3A_554 = arith.addi %add3A_541, %convert_element_type3A_553 : vector<16xi32>
      %add3A_555 = arith.constant 14 : i32
      %add3A_556 = vector.broadcast %add3A_555 : i32 to vector<16xi32>
      %add3A_557 = arith.addi %iota3A_41, %add3A_556 : vector<16xi32>
      %and3A_558 = arith.constant 15 : i32
      %and3A_559 = vector.broadcast %and3A_558 : i32 to vector<16xi32>
      %and3A_560 = arith.andi %add3A_557, %and3A_559 : vector<16xi32>
      %add3A_561 = arith.addi %mul3A_374, %and3A_560 : vector<16xi32>
      %gather3A_562 = tpu.vector_load_idx %arg5[%add3A_561] : memref<8192xf32, #tpu.memory_space<vmem>>[vector<16xi32>], vector<16xf32>,
      %ge3A_563 = arith.cmpf oge, %gather3A_562, %neg3A_70 : vector<16xf32>
      %and3A_564 = arith.andi %ge3A_563, %lt3A_371 : vector<16xi1>
      %add3A_565 = arith.addi %mul3A_374, %and3A_560 : vector<16xi32>
      %convert_element_type3A_566 = arith.extui %and3A_564 : vector<16xi1> to vector<16xi32>
      %add3A_567 = arith.addi %add3A_554, %convert_element_type3A_566 : vector<16xi32>
      %add3A_568 = arith.constant 15 : i32
      %add3A_569 = vector.broadcast %add3A_568 : i32 to vector<16xi32>
      %add3A_570 = arith.addi %iota3A_41, %add3A_569 : vector<16xi32>
      %and3A_571 = arith.constant 15 : i32
      %and3A_572 = vector.broadcast %and3A_571 : i32 to vector<16xi32>
      %and3A_573 = arith.andi %add3A_570, %and3A_572 : vector<16xi32>
      %add3A_574 = arith.addi %mul3A_374, %and3A_573 : vector<16xi32>
      %gather3A_575 = tpu.vector_load_idx %arg5[%add3A_574] : memref<8192xf32, #tpu.memory_space<vmem>>[vector<16xi32>], vector<16xf32>,
      %ge3A_576 = arith.cmpf oge, %gather3A_575, %neg3A_70 : vector<16xf32>
      %and3A_577 = arith.andi %ge3A_576, %lt3A_371 : vector<16xi1>
      %add3A_578 = arith.addi %mul3A_374, %and3A_573 : vector<16xi32>
      %convert_element_type3A_579 = arith.extui %and3A_577 : vector<16xi1> to vector<16xi32>
      %add3A_580 = arith.addi %add3A_567, %convert_element_type3A_579 : vector<16xi32>
      %broadcast_in_dim3A_581 = arith.constant true
      %broadcast_in_dim3A_582 = vector.broadcast %broadcast_in_dim3A_581 : i1 to vector<16xi1>
      %masked_cumsum3A = tpu.scan <sum>, %add3A_580 masked %broadcast_in_dim3A_582 : vector<16xi32>, vector<16xi1> -> vector<16xi32>
      %sub3A_583 = arith.subi %masked_cumsum3A, %add3A_580 : vector<16xi32>
      %add3A_584 = arith.addi %while3A_362, %sub3A_583 : vector<16xi32>
      %add3A_585 = arith.addi %add3A_584, %broadcast_in_dim3A_42 : vector<16xi32>
      tpu.vector_store_idx %arg9[%add3A_585], %gather3A_382 masked %and3A_383 : memref<8208xf32, #tpu.memory_space<vmem>>[vector<16xi32>], vector<16xf32>, vector<16xi1>
      tpu.vector_store_idx %arg10[%add3A_585], %add3A_384 masked %and3A_383 : memref<8208xi32, #tpu.memory_space<vmem>>[vector<16xi32>], vector<16xi32>, vector<16xi1>
      %convert_element_type3A_586 = arith.extui %and3A_383 : vector<16xi1> to vector<16xi32>
      %add3A_587 = arith.addi %broadcast_in_dim3A_42, %convert_element_type3A_586 : vector<16xi32>
      %add3A_588 = arith.addi %add3A_584, %add3A_587 : vector<16xi32>
      tpu.vector_store_idx %arg9[%add3A_588], %gather3A_393 masked %and3A_395 : memref<8208xf32, #tpu.memory_space<vmem>>[vector<16xi32>], vector<16xf32>, vector<16xi1>
      tpu.vector_store_idx %arg10[%add3A_588], %add3A_396 masked %and3A_395 : memref<8208xi32, #tpu.memory_space<vmem>>[vector<16xi32>], vector<16xi32>, vector<16xi1>
      %convert_element_type3A_589 = arith.extui %and3A_395 : vector<16xi1> to vector<16xi32>
      %add3A_590 = arith.addi %add3A_587, %convert_element_type3A_589 : vector<16xi32>
      %add3A_591 = arith.addi %add3A_584, %add3A_590 : vector<16xi32>
      tpu.vector_store_idx %arg9[%add3A_591], %gather3A_406 masked %and3A_408 : memref<8208xf32, #tpu.memory_space<vmem>>[vector<16xi32>], vector<16xf32>, vector<16xi1>
      tpu.vector_store_idx %arg10[%add3A_591], %add3A_409 masked %and3A_408 : memref<8208xi32, #tpu.memory_space<vmem>>[vector<16xi32>], vector<16xi32>, vector<16xi1>
      %convert_element_type3A_592 = arith.extui %and3A_408 : vector<16xi1> to vector<16xi32>
      %add3A_593 = arith.addi %add3A_590, %convert_element_type3A_592 : vector<16xi32>
      %add3A_594 = arith.addi %add3A_584, %add3A_593 : vector<16xi32>
      tpu.vector_store_idx %arg9[%add3A_594], %gather3A_419 masked %and3A_421 : memref<8208xf32, #tpu.memory_space<vmem>>[vector<16xi32>], vector<16xf32>, vector<16xi1>
      tpu.vector_store_idx %arg10[%add3A_594], %add3A_422 masked %and3A_421 : memref<8208xi32, #tpu.memory_space<vmem>>[vector<16xi32>], vector<16xi32>, vector<16xi1>
      %convert_element_type3A_595 = arith.extui %and3A_421 : vector<16xi1> to vector<16xi32>
      %add3A_596 = arith.addi %add3A_593, %convert_element_type3A_595 : vector<16xi32>
      %add3A_597 = arith.addi %add3A_584, %add3A_596 : vector<16xi32>
      tpu.vector_store_idx %arg9[%add3A_597], %gather3A_432 masked %and3A_434 : memref<8208xf32, #tpu.memory_space<vmem>>[vector<16xi32>], vector<16xf32>, vector<16xi1>
      tpu.vector_store_idx %arg10[%add3A_597], %add3A_435 masked %and3A_434 : memref<8208xi32, #tpu.memory_space<vmem>>[vector<16xi32>], vector<16xi32>, vector<16xi1>
      %convert_element_type3A_598 = arith.extui %and3A_434 : vector<16xi1> to vector<16xi32>
      %add3A_599 = arith.addi %add3A_596, %convert_element_type3A_598 : vector<16xi32>
      %add3A_600 = arith.addi %add3A_584, %add3A_599 : vector<16xi32>
      tpu.vector_store_idx %arg9[%add3A_600], %gather3A_445 masked %and3A_447 : memref<8208xf32, #tpu.memory_space<vmem>>[vector<16xi32>], vector<16xf32>, vector<16xi1>
      tpu.vector_store_idx %arg10[%add3A_600], %add3A_448 masked %and3A_447 : memref<8208xi32, #tpu.memory_space<vmem>>[vector<16xi32>], vector<16xi32>, vector<16xi1>
      %convert_element_type3A_601 = arith.extui %and3A_447 : vector<16xi1> to vector<16xi32>
      %add3A_602 = arith.addi %add3A_599, %convert_element_type3A_601 : vector<16xi32>
      %add3A_603 = arith.addi %add3A_584, %add3A_602 : vector<16xi32>
      tpu.vector_store_idx %arg9[%add3A_603], %gather3A_458 masked %and3A_460 : memref<8208xf32, #tpu.memory_space<vmem>>[vector<16xi32>], vector<16xf32>, vector<16xi1>
      tpu.vector_store_idx %arg10[%add3A_603], %add3A_461 masked %and3A_460 : memref<8208xi32, #tpu.memory_space<vmem>>[vector<16xi32>], vector<16xi32>, vector<16xi1>
      %convert_element_type3A_604 = arith.extui %and3A_460 : vector<16xi1> to vector<16xi32>
      %add3A_605 = arith.addi %add3A_602, %convert_element_type3A_604 : vector<16xi32>
      %add3A_606 = arith.addi %add3A_584, %add3A_605 : vector<16xi32>
      tpu.vector_store_idx %arg9[%add3A_606], %gather3A_471 masked %and3A_473 : memref<8208xf32, #tpu.memory_space<vmem>>[vector<16xi32>], vector<16xf32>, vector<16xi1>
      tpu.vector_store_idx %arg10[%add3A_606], %add3A_474 masked %and3A_473 : memref<8208xi32, #tpu.memory_space<vmem>>[vector<16xi32>], vector<16xi32>, vector<16xi1>
      %convert_element_type3A_607 = arith.extui %and3A_473 : vector<16xi1> to vector<16xi32>
      %add3A_608 = arith.addi %add3A_605, %convert_element_type3A_607 : vector<16xi32>
      %add3A_609 = arith.addi %add3A_584, %add3A_608 : vector<16xi32>
      tpu.vector_store_idx %arg9[%add3A_609], %gather3A_484 masked %and3A_486 : memref<8208xf32, #tpu.memory_space<vmem>>[vector<16xi32>], vector<16xf32>, vector<16xi1>
      tpu.vector_store_idx %arg10[%add3A_609], %add3A_487 masked %and3A_486 : memref<8208xi32, #tpu.memory_space<vmem>>[vector<16xi32>], vector<16xi32>, vector<16xi1>
      %convert_element_type3A_610 = arith.extui %and3A_486 : vector<16xi1> to vector<16xi32>
      %add3A_611 = arith.addi %add3A_608, %convert_element_type3A_610 : vector<16xi32>
      %add3A_612 = arith.addi %add3A_584, %add3A_611 : vector<16xi32>
      tpu.vector_store_idx %arg9[%add3A_612], %gather3A_497 masked %and3A_499 : memref<8208xf32, #tpu.memory_space<vmem>>[vector<16xi32>], vector<16xf32>, vector<16xi1>
      tpu.vector_store_idx %arg10[%add3A_612], %add3A_500 masked %and3A_499 : memref<8208xi32, #tpu.memory_space<vmem>>[vector<16xi32>], vector<16xi32>, vector<16xi1>
      %convert_element_type3A_613 = arith.extui %and3A_499 : vector<16xi1> to vector<16xi32>
      %add3A_614 = arith.addi %add3A_611, %convert_element_type3A_613 : vector<16xi32>
      %add3A_615 = arith.addi %add3A_584, %add3A_614 : vector<16xi32>
      tpu.vector_store_idx %arg9[%add3A_615], %gather3A_510 masked %and3A_512 : memref<8208xf32, #tpu.memory_space<vmem>>[vector<16xi32>], vector<16xf32>, vector<16xi1>
      tpu.vector_store_idx %arg10[%add3A_615], %add3A_513 masked %and3A_512 : memref<8208xi32, #tpu.memory_space<vmem>>[vector<16xi32>], vector<16xi32>, vector<16xi1>
      %convert_element_type3A_616 = arith.extui %and3A_512 : vector<16xi1> to vector<16xi32>
      %add3A_617 = arith.addi %add3A_614, %convert_element_type3A_616 : vector<16xi32>
      %add3A_618 = arith.addi %add3A_584, %add3A_617 : vector<16xi32>
      tpu.vector_store_idx %arg9[%add3A_618], %gather3A_523 masked %and3A_525 : memref<8208xf32, #tpu.memory_space<vmem>>[vector<16xi32>], vector<16xf32>, vector<16xi1>
      tpu.vector_store_idx %arg10[%add3A_618], %add3A_526 masked %and3A_525 : memref<8208xi32, #tpu.memory_space<vmem>>[vector<16xi32>], vector<16xi32>, vector<16xi1>
      %convert_element_type3A_619 = arith.extui %and3A_525 : vector<16xi1> to vector<16xi32>
      %add3A_620 = arith.addi %add3A_617, %convert_element_type3A_619 : vector<16xi32>
      %add3A_621 = arith.addi %add3A_584, %add3A_620 : vector<16xi32>
      tpu.vector_store_idx %arg9[%add3A_621], %gather3A_536 masked %and3A_538 : memref<8208xf32, #tpu.memory_space<vmem>>[vector<16xi32>], vector<16xf32>, vector<16xi1>
      tpu.vector_store_idx %arg10[%add3A_621], %add3A_539 masked %and3A_538 : memref<8208xi32, #tpu.memory_space<vmem>>[vector<16xi32>], vector<16xi32>, vector<16xi1>
      %convert_element_type3A_622 = arith.extui %and3A_538 : vector<16xi1> to vector<16xi32>
      %add3A_623 = arith.addi %add3A_620, %convert_element_type3A_622 : vector<16xi32>
      %add3A_624 = arith.addi %add3A_584, %add3A_623 : vector<16xi32>
      tpu.vector_store_idx %arg9[%add3A_624], %gather3A_549 masked %and3A_551 : memref<8208xf32, #tpu.memory_space<vmem>>[vector<16xi32>], vector<16xf32>, vector<16xi1>
      tpu.vector_store_idx %arg10[%add3A_624], %add3A_552 masked %and3A_551 : memref<8208xi32, #tpu.memory_space<vmem>>[vector<16xi32>], vector<16xi32>, vector<16xi1>
      %convert_element_type3A_625 = arith.extui %and3A_551 : vector<16xi1> to vector<16xi32>
      %add3A_626 = arith.addi %add3A_623, %convert_element_type3A_625 : vector<16xi32>
      %add3A_627 = arith.addi %add3A_584, %add3A_626 : vector<16xi32>
      tpu.vector_store_idx %arg9[%add3A_627], %gather3A_562 masked %and3A_564 : memref<8208xf32, #tpu.memory_space<vmem>>[vector<16xi32>], vector<16xf32>, vector<16xi1>
      tpu.vector_store_idx %arg10[%add3A_627], %add3A_565 masked %and3A_564 : memref<8208xi32, #tpu.memory_space<vmem>>[vector<16xi32>], vector<16xi32>, vector<16xi1>
      %convert_element_type3A_628 = arith.extui %and3A_564 : vector<16xi1> to vector<16xi32>
      %add3A_629 = arith.addi %add3A_626, %convert_element_type3A_628 : vector<16xi32>
      %add3A_630 = arith.addi %add3A_584, %add3A_629 : vector<16xi32>
      tpu.vector_store_idx %arg9[%add3A_630], %gather3A_575 masked %and3A_577 : memref<8208xf32, #tpu.memory_space<vmem>>[vector<16xi32>], vector<16xf32>, vector<16xi1>
      tpu.vector_store_idx %arg10[%add3A_630], %add3A_578 masked %and3A_577 : memref<8208xi32, #tpu.memory_space<vmem>>[vector<16xi32>], vector<16xi32>, vector<16xi1>
      %convert_element_type3A_631 = arith.extui %and3A_577 : vector<16xi1> to vector<16xi32>
      %add3A_632 = arith.addi %add3A_629, %convert_element_type3A_631 : vector<16xi32>
      %broadcast_in_dim3A_633 = arith.constant 15 : i32
      %broadcast_in_dim3A_634 = vector.broadcast %broadcast_in_dim3A_633 : i32 to vector<16xi32>
      %broadcast_in_dim3A_635 = vector.shape_cast %broadcast_in_dim3A_634 : vector<16xi32> to vector<16x1xi32>
      %gather3A_636 = vector.shape_cast %broadcast_in_dim3A_635 : vector<16x1xi32> to vector<16xi32>
      %gather3A_637 = tpu.dynamic_gather %masked_cumsum3A[%gather3A_636] in [0] : vector<16xi32>, vector<16xi32> -> vector<16xi32>
      %add3A_638 = arith.addi %while3A_362, %gather3A_637 : vector<16xi32>
      scf.yield %add3A_638 : vector<16xi32>
    }
    %while3A_105 = arith.constant 1 : i32
    %while3A_106 = scf.for %while3A_361 = %while3A_102 to %while3A_98 step %while3A_105 iter_args(%while3A_362 = %while3A_104) -> (vector<16xi32>)  : i32 {
      %mul3A_363 = arith.constant 16 : i32
      %mul3A_364 = arith.muli %while3A_361, %mul3A_363 : i32
      %get3A = arith.index_cast %mul3A_364 : i32 to index
      %get3A_365 = tpu.vector_load %arg12[%get3A] {strides = array<i32>} : memref<528xi32, #tpu.memory_space<vmem>>, vector<16xi32>,
      %mul3A_366 = arith.constant 16 : i32
      %mul3A_367 = arith.muli %while3A_361, %mul3A_366 : i32
      %add3A_368 = vector.broadcast %mul3A_367 : i32 to vector<16xi32>
      %add3A_369 = arith.addi %iota3A_41, %add3A_368 : vector<16xi32>
      %lt3A_370 = vector.broadcast %squeeze3A : i32 to vector<16xi32>
      %lt3A_371 = arith.cmpi slt, %add3A_369, %lt3A_370 : vector<16xi32>
      %mul3A_372 = arith.constant 16 : i32
      %mul3A_373 = vector.broadcast %mul3A_372 : i32 to vector<16xi32>
      %mul3A_374 = arith.muli %get3A_365, %mul3A_373 : vector<16xi32>
      %add3A_375 = arith.constant 0 : i32
      %add3A_376 = vector.broadcast %add3A_375 : i32 to vector<16xi32>
      %add3A_377 = arith.addi %iota3A_41, %add3A_376 : vector<16xi32>
      %and3A_378 = arith.constant 15 : i32
      %and3A_379 = vector.broadcast %and3A_378 : i32 to vector<16xi32>
      %and3A_380 = arith.andi %add3A_377, %and3A_379 : vector<16xi32>
      %add3A_381 = arith.addi %mul3A_374, %and3A_380 : vector<16xi32>
      %gather3A_382 = tpu.vector_load_idx %arg5[%add3A_381] : memref<8192xf32, #tpu.memory_space<vmem>>[vector<16xi32>], vector<16xf32>,
      %ge3A = arith.cmpf oge, %gather3A_382, %neg3A_70 : vector<16xf32>
      %and3A_383 = arith.andi %ge3A, %lt3A_371 : vector<16xi1>
      %add3A_384 = arith.addi %mul3A_374, %and3A_380 : vector<16xi32>
      %convert_element_type3A = arith.extui %and3A_383 : vector<16xi1> to vector<16xi32>
      %add3A_385 = arith.addi %broadcast_in_dim3A_42, %convert_element_type3A : vector<16xi32>
      %add3A_386 = arith.constant 1 : i32
      %add3A_387 = vector.broadcast %add3A_386 : i32 to vector<16xi32>
      %add3A_388 = arith.addi %iota3A_41, %add3A_387 : vector<16xi32>
      %and3A_389 = arith.constant 15 : i32
      %and3A_390 = vector.broadcast %and3A_389 : i32 to vector<16xi32>
      %and3A_391 = arith.andi %add3A_388, %and3A_390 : vector<16xi32>
      %add3A_392 = arith.addi %mul3A_374, %and3A_391 : vector<16xi32>
      %gather3A_393 = tpu.vector_load_idx %arg5[%add3A_392] : memref<8192xf32, #tpu.memory_space<vmem>>[vector<16xi32>], vector<16xf32>,
      %ge3A_394 = arith.cmpf oge, %gather3A_393, %neg3A_70 : vector<16xf32>
      %and3A_395 = arith.andi %ge3A_394, %lt3A_371 : vector<16xi1>
      %add3A_396 = arith.addi %mul3A_374, %and3A_391 : vector<16xi32>
      %convert_element_type3A_397 = arith.extui %and3A_395 : vector<16xi1> to vector<16xi32>
      %add3A_398 = arith.addi %add3A_385, %convert_element_type3A_397 : vector<16xi32>
      %add3A_399 = arith.constant 2 : i32
      %add3A_400 = vector.broadcast %add3A_399 : i32 to vector<16xi32>
      %add3A_401 = arith.addi %iota3A_41, %add3A_400 : vector<16xi32>
      %and3A_402 = arith.constant 15 : i32
      %and3A_403 = vector.broadcast %and3A_402 : i32 to vector<16xi32>
      %and3A_404 = arith.andi %add3A_401, %and3A_403 : vector<16xi32>
      %add3A_405 = arith.addi %mul3A_374, %and3A_404 : vector<16xi32>
      %gather3A_406 = tpu.vector_load_idx %arg5[%add3A_405] : memref<8192xf32, #tpu.memory_space<vmem>>[vector<16xi32>], vector<16xf32>,
      %ge3A_407 = arith.cmpf oge, %gather3A_406, %neg3A_70 : vector<16xf32>
      %and3A_408 = arith.andi %ge3A_407, %lt3A_371 : vector<16xi1>
      %add3A_409 = arith.addi %mul3A_374, %and3A_404 : vector<16xi32>
      %convert_element_type3A_410 = arith.extui %and3A_408 : vector<16xi1> to vector<16xi32>
      %add3A_411 = arith.addi %add3A_398, %convert_element_type3A_410 : vector<16xi32>
      %add3A_412 = arith.constant 3 : i32
      %add3A_413 = vector.broadcast %add3A_412 : i32 to vector<16xi32>
      %add3A_414 = arith.addi %iota3A_41, %add3A_413 : vector<16xi32>
      %and3A_415 = arith.constant 15 : i32
      %and3A_416 = vector.broadcast %and3A_415 : i32 to vector<16xi32>
      %and3A_417 = arith.andi %add3A_414, %and3A_416 : vector<16xi32>
      %add3A_418 = arith.addi %mul3A_374, %and3A_417 : vector<16xi32>
      %gather3A_419 = tpu.vector_load_idx %arg5[%add3A_418] : memref<8192xf32, #tpu.memory_space<vmem>>[vector<16xi32>], vector<16xf32>,
      %ge3A_420 = arith.cmpf oge, %gather3A_419, %neg3A_70 : vector<16xf32>
      %and3A_421 = arith.andi %ge3A_420, %lt3A_371 : vector<16xi1>
      %add3A_422 = arith.addi %mul3A_374, %and3A_417 : vector<16xi32>
      %convert_element_type3A_423 = arith.extui %and3A_421 : vector<16xi1> to vector<16xi32>
      %add3A_424 = arith.addi %add3A_411, %convert_element_type3A_423 : vector<16xi32>
      %add3A_425 = arith.constant 4 : i32
      %add3A_426 = vector.broadcast %add3A_425 : i32 to vector<16xi32>
      %add3A_427 = arith.addi %iota3A_41, %add3A_426 : vector<16xi32>
      %and3A_428 = arith.constant 15 : i32
      %and3A_429 = vector.broadcast %and3A_428 : i32 to vector<16xi32>
      %and3A_430 = arith.andi %add3A_427, %and3A_429 : vector<16xi32>
      %add3A_431 = arith.addi %mul3A_374, %and3A_430 : vector<16xi32>
      %gather3A_432 = tpu.vector_load_idx %arg5[%add3A_431] : memref<8192xf32, #tpu.memory_space<vmem>>[vector<16xi32>], vector<16xf32>,
      %ge3A_433 = arith.cmpf oge, %gather3A_432, %neg3A_70 : vector<16xf32>
      %and3A_434 = arith.andi %ge3A_433, %lt3A_371 : vector<16xi1>
      %add3A_435 = arith.addi %mul3A_374, %and3A_430 : vector<16xi32>
      %convert_element_type3A_436 = arith.extui %and3A_434 : vector<16xi1> to vector<16xi32>
      %add3A_437 = arith.addi %add3A_424, %convert_element_type3A_436 : vector<16xi32>
      %add3A_438 = arith.constant 5 : i32
      %add3A_439 = vector.broadcast %add3A_438 : i32 to vector<16xi32>
      %add3A_440 = arith.addi %iota3A_41, %add3A_439 : vector<16xi32>
      %and3A_441 = arith.constant 15 : i32
      %and3A_442 = vector.broadcast %and3A_441 : i32 to vector<16xi32>
      %and3A_443 = arith.andi %add3A_440, %and3A_442 : vector<16xi32>
      %add3A_444 = arith.addi %mul3A_374, %and3A_443 : vector<16xi32>
      %gather3A_445 = tpu.vector_load_idx %arg5[%add3A_444] : memref<8192xf32, #tpu.memory_space<vmem>>[vector<16xi32>], vector<16xf32>,
      %ge3A_446 = arith.cmpf oge, %gather3A_445, %neg3A_70 : vector<16xf32>
      %and3A_447 = arith.andi %ge3A_446, %lt3A_371 : vector<16xi1>
      %add3A_448 = arith.addi %mul3A_374, %and3A_443 : vector<16xi32>
      %convert_element_type3A_449 = arith.extui %and3A_447 : vector<16xi1> to vector<16xi32>
      %add3A_450 = arith.addi %add3A_437, %convert_element_type3A_449 : vector<16xi32>
      %add3A_451 = arith.constant 6 : i32
      %add3A_452 = vector.broadcast %add3A_451 : i32 to vector<16xi32>
      %add3A_453 = arith.addi %iota3A_41, %add3A_452 : vector<16xi32>
      %and3A_454 = arith.constant 15 : i32
      %and3A_455 = vector.broadcast %and3A_454 : i32 to vector<16xi32>
      %and3A_456 = arith.andi %add3A_453, %and3A_455 : vector<16xi32>
      %add3A_457 = arith.addi %mul3A_374, %and3A_456 : vector<16xi32>
      %gather3A_458 = tpu.vector_load_idx %arg5[%add3A_457] : memref<8192xf32, #tpu.memory_space<vmem>>[vector<16xi32>], vector<16xf32>,
      %ge3A_459 = arith.cmpf oge, %gather3A_458, %neg3A_70 : vector<16xf32>
      %and3A_460 = arith.andi %ge3A_459, %lt3A_371 : vector<16xi1>
      %add3A_461 = arith.addi %mul3A_374, %and3A_456 : vector<16xi32>
      %convert_element_type3A_462 = arith.extui %and3A_460 : vector<16xi1> to vector<16xi32>
      %add3A_463 = arith.addi %add3A_450, %convert_element_type3A_462 : vector<16xi32>
      %add3A_464 = arith.constant 7 : i32
      %add3A_465 = vector.broadcast %add3A_464 : i32 to vector<16xi32>
      %add3A_466 = arith.addi %iota3A_41, %add3A_465 : vector<16xi32>
      %and3A_467 = arith.constant 15 : i32
      %and3A_468 = vector.broadcast %and3A_467 : i32 to vector<16xi32>
      %and3A_469 = arith.andi %add3A_466, %and3A_468 : vector<16xi32>
      %add3A_470 = arith.addi %mul3A_374, %and3A_469 : vector<16xi32>
      %gather3A_471 = tpu.vector_load_idx %arg5[%add3A_470] : memref<8192xf32, #tpu.memory_space<vmem>>[vector<16xi32>], vector<16xf32>,
      %ge3A_472 = arith.cmpf oge, %gather3A_471, %neg3A_70 : vector<16xf32>
      %and3A_473 = arith.andi %ge3A_472, %lt3A_371 : vector<16xi1>
      %add3A_474 = arith.addi %mul3A_374, %and3A_469 : vector<16xi32>
      %convert_element_type3A_475 = arith.extui %and3A_473 : vector<16xi1> to vector<16xi32>
      %add3A_476 = arith.addi %add3A_463, %convert_element_type3A_475 : vector<16xi32>
      %add3A_477 = arith.constant 8 : i32
      %add3A_478 = vector.broadcast %add3A_477 : i32 to vector<16xi32>
      %add3A_479 = arith.addi %iota3A_41, %add3A_478 : vector<16xi32>
      %and3A_480 = arith.constant 15 : i32
      %and3A_481 = vector.broadcast %and3A_480 : i32 to vector<16xi32>
      %and3A_482 = arith.andi %add3A_479, %and3A_481 : vector<16xi32>
      %add3A_483 = arith.addi %mul3A_374, %and3A_482 : vector<16xi32>
      %gather3A_484 = tpu.vector_load_idx %arg5[%add3A_483] : memref<8192xf32, #tpu.memory_space<vmem>>[vector<16xi32>], vector<16xf32>,
      %ge3A_485 = arith.cmpf oge, %gather3A_484, %neg3A_70 : vector<16xf32>
      %and3A_486 = arith.andi %ge3A_485, %lt3A_371 : vector<16xi1>
      %add3A_487 = arith.addi %mul3A_374, %and3A_482 : vector<16xi32>
      %convert_element_type3A_488 = arith.extui %and3A_486 : vector<16xi1> to vector<16xi32>
      %add3A_489 = arith.addi %add3A_476, %convert_element_type3A_488 : vector<16xi32>
      %add3A_490 = arith.constant 9 : i32
      %add3A_491 = vector.broadcast %add3A_490 : i32 to vector<16xi32>
      %add3A_492 = arith.addi %iota3A_41, %add3A_491 : vector<16xi32>
      %and3A_493 = arith.constant 15 : i32
      %and3A_494 = vector.broadcast %and3A_493 : i32 to vector<16xi32>
      %and3A_495 = arith.andi %add3A_492, %and3A_494 : vector<16xi32>
      %add3A_496 = arith.addi %mul3A_374, %and3A_495 : vector<16xi32>
      %gather3A_497 = tpu.vector_load_idx %arg5[%add3A_496] : memref<8192xf32, #tpu.memory_space<vmem>>[vector<16xi32>], vector<16xf32>,
      %ge3A_498 = arith.cmpf oge, %gather3A_497, %neg3A_70 : vector<16xf32>
      %and3A_499 = arith.andi %ge3A_498, %lt3A_371 : vector<16xi1>
      %add3A_500 = arith.addi %mul3A_374, %and3A_495 : vector<16xi32>
      %convert_element_type3A_501 = arith.extui %and3A_499 : vector<16xi1> to vector<16xi32>
      %add3A_502 = arith.addi %add3A_489, %convert_element_type3A_501 : vector<16xi32>
      %add3A_503 = arith.constant 10 : i32
      %add3A_504 = vector.broadcast %add3A_503 : i32 to vector<16xi32>
      %add3A_505 = arith.addi %iota3A_41, %add3A_504 : vector<16xi32>
      %and3A_506 = arith.constant 15 : i32
      %and3A_507 = vector.broadcast %and3A_506 : i32 to vector<16xi32>
      %and3A_508 = arith.andi %add3A_505, %and3A_507 : vector<16xi32>
      %add3A_509 = arith.addi %mul3A_374, %and3A_508 : vector<16xi32>
      %gather3A_510 = tpu.vector_load_idx %arg5[%add3A_509] : memref<8192xf32, #tpu.memory_space<vmem>>[vector<16xi32>], vector<16xf32>,
      %ge3A_511 = arith.cmpf oge, %gather3A_510, %neg3A_70 : vector<16xf32>
      %and3A_512 = arith.andi %ge3A_511, %lt3A_371 : vector<16xi1>
      %add3A_513 = arith.addi %mul3A_374, %and3A_508 : vector<16xi32>
      %convert_element_type3A_514 = arith.extui %and3A_512 : vector<16xi1> to vector<16xi32>
      %add3A_515 = arith.addi %add3A_502, %convert_element_type3A_514 : vector<16xi32>
      %add3A_516 = arith.constant 11 : i32
      %add3A_517 = vector.broadcast %add3A_516 : i32 to vector<16xi32>
      %add3A_518 = arith.addi %iota3A_41, %add3A_517 : vector<16xi32>
      %and3A_519 = arith.constant 15 : i32
      %and3A_520 = vector.broadcast %and3A_519 : i32 to vector<16xi32>
      %and3A_521 = arith.andi %add3A_518, %and3A_520 : vector<16xi32>
      %add3A_522 = arith.addi %mul3A_374, %and3A_521 : vector<16xi32>
      %gather3A_523 = tpu.vector_load_idx %arg5[%add3A_522] : memref<8192xf32, #tpu.memory_space<vmem>>[vector<16xi32>], vector<16xf32>,
      %ge3A_524 = arith.cmpf oge, %gather3A_523, %neg3A_70 : vector<16xf32>
      %and3A_525 = arith.andi %ge3A_524, %lt3A_371 : vector<16xi1>
      %add3A_526 = arith.addi %mul3A_374, %and3A_521 : vector<16xi32>
      %convert_element_type3A_527 = arith.extui %and3A_525 : vector<16xi1> to vector<16xi32>
      %add3A_528 = arith.addi %add3A_515, %convert_element_type3A_527 : vector<16xi32>
      %add3A_529 = arith.constant 12 : i32
      %add3A_530 = vector.broadcast %add3A_529 : i32 to vector<16xi32>
      %add3A_531 = arith.addi %iota3A_41, %add3A_530 : vector<16xi32>
      %and3A_532 = arith.constant 15 : i32
      %and3A_533 = vector.broadcast %and3A_532 : i32 to vector<16xi32>
      %and3A_534 = arith.andi %add3A_531, %and3A_533 : vector<16xi32>
      %add3A_535 = arith.addi %mul3A_374, %and3A_534 : vector<16xi32>
      %gather3A_536 = tpu.vector_load_idx %arg5[%add3A_535] : memref<8192xf32, #tpu.memory_space<vmem>>[vector<16xi32>], vector<16xf32>,
      %ge3A_537 = arith.cmpf oge, %gather3A_536, %neg3A_70 : vector<16xf32>
      %and3A_538 = arith.andi %ge3A_537, %lt3A_371 : vector<16xi1>
      %add3A_539 = arith.addi %mul3A_374, %and3A_534 : vector<16xi32>
      %convert_element_type3A_540 = arith.extui %and3A_538 : vector<16xi1> to vector<16xi32>
      %add3A_541 = arith.addi %add3A_528, %convert_element_type3A_540 : vector<16xi32>
      %add3A_542 = arith.constant 13 : i32
      %add3A_543 = vector.broadcast %add3A_542 : i32 to vector<16xi32>
      %add3A_544 = arith.addi %iota3A_41, %add3A_543 : vector<16xi32>
      %and3A_545 = arith.constant 15 : i32
      %and3A_546 = vector.broadcast %and3A_545 : i32 to vector<16xi32>
      %and3A_547 = arith.andi %add3A_544, %and3A_546 : vector<16xi32>
      %add3A_548 = arith.addi %mul3A_374, %and3A_547 : vector<16xi32>
      %gather3A_549 = tpu.vector_load_idx %arg5[%add3A_548] : memref<8192xf32, #tpu.memory_space<vmem>>[vector<16xi32>], vector<16xf32>,
      %ge3A_550 = arith.cmpf oge, %gather3A_549, %neg3A_70 : vector<16xf32>
      %and3A_551 = arith.andi %ge3A_550, %lt3A_371 : vector<16xi1>
      %add3A_552 = arith.addi %mul3A_374, %and3A_547 : vector<16xi32>
      %convert_element_type3A_553 = arith.extui %and3A_551 : vector<16xi1> to vector<16xi32>
      %add3A_554 = arith.addi %add3A_541, %convert_element_type3A_553 : vector<16xi32>
      %add3A_555 = arith.constant 14 : i32
      %add3A_556 = vector.broadcast %add3A_555 : i32 to vector<16xi32>
      %add3A_557 = arith.addi %iota3A_41, %add3A_556 : vector<16xi32>
      %and3A_558 = arith.constant 15 : i32
      %and3A_559 = vector.broadcast %and3A_558 : i32 to vector<16xi32>
      %and3A_560 = arith.andi %add3A_557, %and3A_559 : vector<16xi32>
      %add3A_561 = arith.addi %mul3A_374, %and3A_560 : vector<16xi32>
      %gather3A_562 = tpu.vector_load_idx %arg5[%add3A_561] : memref<8192xf32, #tpu.memory_space<vmem>>[vector<16xi32>], vector<16xf32>,
      %ge3A_563 = arith.cmpf oge, %gather3A_562, %neg3A_70 : vector<16xf32>
      %and3A_564 = arith.andi %ge3A_563, %lt3A_371 : vector<16xi1>
      %add3A_565 = arith.addi %mul3A_374, %and3A_560 : vector<16xi32>
      %convert_element_type3A_566 = arith.extui %and3A_564 : vector<16xi1> to vector<16xi32>
      %add3A_567 = arith.addi %add3A_554, %convert_element_type3A_566 : vector<16xi32>
      %add3A_568 = arith.constant 15 : i32
      %add3A_569 = vector.broadcast %add3A_568 : i32 to vector<16xi32>
      %add3A_570 = arith.addi %iota3A_41, %add3A_569 : vector<16xi32>
      %and3A_571 = arith.constant 15 : i32
      %and3A_572 = vector.broadcast %and3A_571 : i32 to vector<16xi32>
      %and3A_573 = arith.andi %add3A_570, %and3A_572 : vector<16xi32>
      %add3A_574 = arith.addi %mul3A_374, %and3A_573 : vector<16xi32>
      %gather3A_575 = tpu.vector_load_idx %arg5[%add3A_574] : memref<8192xf32, #tpu.memory_space<vmem>>[vector<16xi32>], vector<16xf32>,
      %ge3A_576 = arith.cmpf oge, %gather3A_575, %neg3A_70 : vector<16xf32>
      %and3A_577 = arith.andi %ge3A_576, %lt3A_371 : vector<16xi1>
      %add3A_578 = arith.addi %mul3A_374, %and3A_573 : vector<16xi32>
      %convert_element_type3A_579 = arith.extui %and3A_577 : vector<16xi1> to vector<16xi32>
      %add3A_580 = arith.addi %add3A_567, %convert_element_type3A_579 : vector<16xi32>
      %broadcast_in_dim3A_581 = arith.constant true
      %broadcast_in_dim3A_582 = vector.broadcast %broadcast_in_dim3A_581 : i1 to vector<16xi1>
      %masked_cumsum3A = tpu.scan <sum>, %add3A_580 masked %broadcast_in_dim3A_582 : vector<16xi32>, vector<16xi1> -> vector<16xi32>
      %sub3A_583 = arith.subi %masked_cumsum3A, %add3A_580 : vector<16xi32>
      %add3A_584 = arith.addi %while3A_362, %sub3A_583 : vector<16xi32>
      %add3A_585 = arith.addi %add3A_584, %broadcast_in_dim3A_42 : vector<16xi32>
      tpu.vector_store_idx %arg9[%add3A_585], %gather3A_382 masked %and3A_383 : memref<8208xf32, #tpu.memory_space<vmem>>[vector<16xi32>], vector<16xf32>, vector<16xi1>
      tpu.vector_store_idx %arg10[%add3A_585], %add3A_384 masked %and3A_383 : memref<8208xi32, #tpu.memory_space<vmem>>[vector<16xi32>], vector<16xi32>, vector<16xi1>
      %convert_element_type3A_586 = arith.extui %and3A_383 : vector<16xi1> to vector<16xi32>
      %add3A_587 = arith.addi %broadcast_in_dim3A_42, %convert_element_type3A_586 : vector<16xi32>
      %add3A_588 = arith.addi %add3A_584, %add3A_587 : vector<16xi32>
      tpu.vector_store_idx %arg9[%add3A_588], %gather3A_393 masked %and3A_395 : memref<8208xf32, #tpu.memory_space<vmem>>[vector<16xi32>], vector<16xf32>, vector<16xi1>
      tpu.vector_store_idx %arg10[%add3A_588], %add3A_396 masked %and3A_395 : memref<8208xi32, #tpu.memory_space<vmem>>[vector<16xi32>], vector<16xi32>, vector<16xi1>
      %convert_element_type3A_589 = arith.extui %and3A_395 : vector<16xi1> to vector<16xi32>
      %add3A_590 = arith.addi %add3A_587, %convert_element_type3A_589 : vector<16xi32>
      %add3A_591 = arith.addi %add3A_584, %add3A_590 : vector<16xi32>
      tpu.vector_store_idx %arg9[%add3A_591], %gather3A_406 masked %and3A_408 : memref<8208xf32, #tpu.memory_space<vmem>>[vector<16xi32>], vector<16xf32>, vector<16xi1>
      tpu.vector_store_idx %arg10[%add3A_591], %add3A_409 masked %and3A_408 : memref<8208xi32, #tpu.memory_space<vmem>>[vector<16xi32>], vector<16xi32>, vector<16xi1>
      %convert_element_type3A_592 = arith.extui %and3A_408 : vector<16xi1> to vector<16xi32>
      %add3A_593 = arith.addi %add3A_590, %convert_element_type3A_592 : vector<16xi32>
      %add3A_594 = arith.addi %add3A_584, %add3A_593 : vector<16xi32>
      tpu.vector_store_idx %arg9[%add3A_594], %gather3A_419 masked %and3A_421 : memref<8208xf32, #tpu.memory_space<vmem>>[vector<16xi32>], vector<16xf32>, vector<16xi1>
      tpu.vector_store_idx %arg10[%add3A_594], %add3A_422 masked %and3A_421 : memref<8208xi32, #tpu.memory_space<vmem>>[vector<16xi32>], vector<16xi32>, vector<16xi1>
      %convert_element_type3A_595 = arith.extui %and3A_421 : vector<16xi1> to vector<16xi32>
      %add3A_596 = arith.addi %add3A_593, %convert_element_type3A_595 : vector<16xi32>
      %add3A_597 = arith.addi %add3A_584, %add3A_596 : vector<16xi32>
      tpu.vector_store_idx %arg9[%add3A_597], %gather3A_432 masked %and3A_434 : memref<8208xf32, #tpu.memory_space<vmem>>[vector<16xi32>], vector<16xf32>, vector<16xi1>
      tpu.vector_store_idx %arg10[%add3A_597], %add3A_435 masked %and3A_434 : memref<8208xi32, #tpu.memory_space<vmem>>[vector<16xi32>], vector<16xi32>, vector<16xi1>
      %convert_element_type3A_598 = arith.extui %and3A_434 : vector<16xi1> to vector<16xi32>
      %add3A_599 = arith.addi %add3A_596, %convert_element_type3A_598 : vector<16xi32>
      %add3A_600 = arith.addi %add3A_584, %add3A_599 : vector<16xi32>
      tpu.vector_store_idx %arg9[%add3A_600], %gather3A_445 masked %and3A_447 : memref<8208xf32, #tpu.memory_space<vmem>>[vector<16xi32>], vector<16xf32>, vector<16xi1>
      tpu.vector_store_idx %arg10[%add3A_600], %add3A_448 masked %and3A_447 : memref<8208xi32, #tpu.memory_space<vmem>>[vector<16xi32>], vector<16xi32>, vector<16xi1>
      %convert_element_type3A_601 = arith.extui %and3A_447 : vector<16xi1> to vector<16xi32>
      %add3A_602 = arith.addi %add3A_599, %convert_element_type3A_601 : vector<16xi32>
      %add3A_603 = arith.addi %add3A_584, %add3A_602 : vector<16xi32>
      tpu.vector_store_idx %arg9[%add3A_603], %gather3A_458 masked %and3A_460 : memref<8208xf32, #tpu.memory_space<vmem>>[vector<16xi32>], vector<16xf32>, vector<16xi1>
      tpu.vector_store_idx %arg10[%add3A_603], %add3A_461 masked %and3A_460 : memref<8208xi32, #tpu.memory_space<vmem>>[vector<16xi32>], vector<16xi32>, vector<16xi1>
      %convert_element_type3A_604 = arith.extui %and3A_460 : vector<16xi1> to vector<16xi32>
      %add3A_605 = arith.addi %add3A_602, %convert_element_type3A_604 : vector<16xi32>
      %add3A_606 = arith.addi %add3A_584, %add3A_605 : vector<16xi32>
      tpu.vector_store_idx %arg9[%add3A_606], %gather3A_471 masked %and3A_473 : memref<8208xf32, #tpu.memory_space<vmem>>[vector<16xi32>], vector<16xf32>, vector<16xi1>
      tpu.vector_store_idx %arg10[%add3A_606], %add3A_474 masked %and3A_473 : memref<8208xi32, #tpu.memory_space<vmem>>[vector<16xi32>], vector<16xi32>, vector<16xi1>
      %convert_element_type3A_607 = arith.extui %and3A_473 : vector<16xi1> to vector<16xi32>
      %add3A_608 = arith.addi %add3A_605, %convert_element_type3A_607 : vector<16xi32>
      %add3A_609 = arith.addi %add3A_584, %add3A_608 : vector<16xi32>
      tpu.vector_store_idx %arg9[%add3A_609], %gather3A_484 masked %and3A_486 : memref<8208xf32, #tpu.memory_space<vmem>>[vector<16xi32>], vector<16xf32>, vector<16xi1>
      tpu.vector_store_idx %arg10[%add3A_609], %add3A_487 masked %and3A_486 : memref<8208xi32, #tpu.memory_space<vmem>>[vector<16xi32>], vector<16xi32>, vector<16xi1>
      %convert_element_type3A_610 = arith.extui %and3A_486 : vector<16xi1> to vector<16xi32>
      %add3A_611 = arith.addi %add3A_608, %convert_element_type3A_610 : vector<16xi32>
      %add3A_612 = arith.addi %add3A_584, %add3A_611 : vector<16xi32>
      tpu.vector_store_idx %arg9[%add3A_612], %gather3A_497 masked %and3A_499 : memref<8208xf32, #tpu.memory_space<vmem>>[vector<16xi32>], vector<16xf32>, vector<16xi1>
      tpu.vector_store_idx %arg10[%add3A_612], %add3A_500 masked %and3A_499 : memref<8208xi32, #tpu.memory_space<vmem>>[vector<16xi32>], vector<16xi32>, vector<16xi1>
      %convert_element_type3A_613 = arith.extui %and3A_499 : vector<16xi1> to vector<16xi32>
      %add3A_614 = arith.addi %add3A_611, %convert_element_type3A_613 : vector<16xi32>
      %add3A_615 = arith.addi %add3A_584, %add3A_614 : vector<16xi32>
      tpu.vector_store_idx %arg9[%add3A_615], %gather3A_510 masked %and3A_512 : memref<8208xf32, #tpu.memory_space<vmem>>[vector<16xi32>], vector<16xf32>, vector<16xi1>
      tpu.vector_store_idx %arg10[%add3A_615], %add3A_513 masked %and3A_512 : memref<8208xi32, #tpu.memory_space<vmem>>[vector<16xi32>], vector<16xi32>, vector<16xi1>
      %convert_element_type3A_616 = arith.extui %and3A_512 : vector<16xi1> to vector<16xi32>
      %add3A_617 = arith.addi %add3A_614, %convert_element_type3A_616 : vector<16xi32>
      %add3A_618 = arith.addi %add3A_584, %add3A_617 : vector<16xi32>
      tpu.vector_store_idx %arg9[%add3A_618], %gather3A_523 masked %and3A_525 : memref<8208xf32, #tpu.memory_space<vmem>>[vector<16xi32>], vector<16xf32>, vector<16xi1>
      tpu.vector_store_idx %arg10[%add3A_618], %add3A_526 masked %and3A_525 : memref<8208xi32, #tpu.memory_space<vmem>>[vector<16xi32>], vector<16xi32>, vector<16xi1>
      %convert_element_type3A_619 = arith.extui %and3A_525 : vector<16xi1> to vector<16xi32>
      %add3A_620 = arith.addi %add3A_617, %convert_element_type3A_619 : vector<16xi32>
      %add3A_621 = arith.addi %add3A_584, %add3A_620 : vector<16xi32>
      tpu.vector_store_idx %arg9[%add3A_621], %gather3A_536 masked %and3A_538 : memref<8208xf32, #tpu.memory_space<vmem>>[vector<16xi32>], vector<16xf32>, vector<16xi1>
      tpu.vector_store_idx %arg10[%add3A_621], %add3A_539 masked %and3A_538 : memref<8208xi32, #tpu.memory_space<vmem>>[vector<16xi32>], vector<16xi32>, vector<16xi1>
      %convert_element_type3A_622 = arith.extui %and3A_538 : vector<16xi1> to vector<16xi32>
      %add3A_623 = arith.addi %add3A_620, %convert_element_type3A_622 : vector<16xi32>
      %add3A_624 = arith.addi %add3A_584, %add3A_623 : vector<16xi32>
      tpu.vector_store_idx %arg9[%add3A_624], %gather3A_549 masked %and3A_551 : memref<8208xf32, #tpu.memory_space<vmem>>[vector<16xi32>], vector<16xf32>, vector<16xi1>
      tpu.vector_store_idx %arg10[%add3A_624], %add3A_552 masked %and3A_551 : memref<8208xi32, #tpu.memory_space<vmem>>[vector<16xi32>], vector<16xi32>, vector<16xi1>
      %convert_element_type3A_625 = arith.extui %and3A_551 : vector<16xi1> to vector<16xi32>
      %add3A_626 = arith.addi %add3A_623, %convert_element_type3A_625 : vector<16xi32>
      %add3A_627 = arith.addi %add3A_584, %add3A_626 : vector<16xi32>
      tpu.vector_store_idx %arg9[%add3A_627], %gather3A_562 masked %and3A_564 : memref<8208xf32, #tpu.memory_space<vmem>>[vector<16xi32>], vector<16xf32>, vector<16xi1>
      tpu.vector_store_idx %arg10[%add3A_627], %add3A_565 masked %and3A_564 : memref<8208xi32, #tpu.memory_space<vmem>>[vector<16xi32>], vector<16xi32>, vector<16xi1>
      %convert_element_type3A_628 = arith.extui %and3A_564 : vector<16xi1> to vector<16xi32>
      %add3A_629 = arith.addi %add3A_626, %convert_element_type3A_628 : vector<16xi32>
      %add3A_630 = arith.addi %add3A_584, %add3A_629 : vector<16xi32>
      tpu.vector_store_idx %arg9[%add3A_630], %gather3A_575 masked %and3A_577 : memref<8208xf32, #tpu.memory_space<vmem>>[vector<16xi32>], vector<16xf32>, vector<16xi1>
      tpu.vector_store_idx %arg10[%add3A_630], %add3A_578 masked %and3A_577 : memref<8208xi32, #tpu.memory_space<vmem>>[vector<16xi32>], vector<16xi32>, vector<16xi1>
      %convert_element_type3A_631 = arith.extui %and3A_577 : vector<16xi1> to vector<16xi32>
      %add3A_632 = arith.addi %add3A_629, %convert_element_type3A_631 : vector<16xi32>
      %broadcast_in_dim3A_633 = arith.constant 15 : i32
      %broadcast_in_dim3A_634 = vector.broadcast %broadcast_in_dim3A_633 : i32 to vector<16xi32>
      %broadcast_in_dim3A_635 = vector.shape_cast %broadcast_in_dim3A_634 : vector<16xi32> to vector<16x1xi32>
      %gather3A_636 = vector.shape_cast %broadcast_in_dim3A_635 : vector<16x1xi32> to vector<16xi32>
      %gather3A_637 = tpu.dynamic_gather %masked_cumsum3A[%gather3A_636] in [0] : vector<16xi32>, vector<16xi32> -> vector<16xi32>
      %add3A_638 = arith.addi %while3A_362, %gather3A_637 : vector<16xi32>
      scf.yield %add3A_638 : vector<16xi32>
    }
    %slice3A_107 = vector.extract_strided_slice %while3A_106 {offsets = [0], sizes = [1], strides = [1]} : vector<16xi32> to vector<1xi32>
    %squeeze3A_108 = vector.extract %slice3A_107[0] : i32 from vector<1xi32>
    %add3A_109 = arith.addi %while3A_106, %iota3A_41 : vector<16xi32>
    tpu.vector_store_idx %arg9[%add3A_109], %broadcast_in_dim3A_44 : memref<8208xf32, #tpu.memory_space<vmem>>[vector<16xi32>], vector<16xf32>,
    %add3A_110 = arith.addi %while3A_106, %iota3A_41 : vector<16xi32>
    tpu.vector_store_idx %arg10[%add3A_110], %broadcast_in_dim3A_42 : memref<8208xi32, #tpu.memory_space<vmem>>[vector<16xi32>], vector<16xi32>,
    %add3A_111 = arith.constant 15 : i32
    %add3A_112 = arith.addi %squeeze3A_108, %add3A_111 : i32
    %jit3A_113 = arith.constant 16 : i32
    %div3A_114 = arith.divsi %add3A_112, %jit3A_113 : i32
    %sign3A_115 = arith.constant 0 : i32
    %sign3A_116 = arith.cmpi sgt, %add3A_112, %sign3A_115 : i32
    %sign3A_117 = arith.extui %sign3A_116 : i1 to i32
    %sign3A_118 = arith.constant 0 : i32
    %sign3A_119 = arith.cmpi slt, %add3A_112, %sign3A_118 : i32
    %sign3A_120 = arith.extui %sign3A_119 : i1 to i32
    %sign3A_121 = arith.subi %sign3A_117, %sign3A_120 : i32
    %sign3A_122 = arith.constant 0 : i32
    %sign3A_123 = arith.cmpi sgt, %jit3A_113, %sign3A_122 : i32
    %sign3A_124 = arith.extui %sign3A_123 : i1 to i32
    %sign3A_125 = arith.constant 0 : i32
    %sign3A_126 = arith.cmpi slt, %jit3A_113, %sign3A_125 : i32
    %sign3A_127 = arith.extui %sign3A_126 : i1 to i32
    %sign3A_128 = arith.subi %sign3A_124, %sign3A_127 : i32
    %ne3A_129 = arith.cmpi ne, %sign3A_121, %sign3A_128 : i32
    %rem3A_130 = arith.remsi %add3A_112, %jit3A_113 : i32
    %ne3A_131 = arith.constant 0 : i32
    %ne3A_132 = arith.cmpi ne, %rem3A_130, %ne3A_131 : i32
    %and3A_133 = arith.andi %ne3A_129, %ne3A_132 : i1
    %sub3A_134 = arith.constant 1 : i32
    %sub3A_135 = arith.subi %div3A_114, %sub3A_134 : i32
    %select_n3A_136 = arith.select %and3A_133, %sub3A_135, %div3A_114 : i32
    %while3A_137 = arith.constant 0 : i32
    %while3A_138 = arith.subi %select_n3A_136, %while3A_137 : i32
    %while3A_139 = arith.addi %while3A_137, %while3A_138 : i32
    %while3A_140 = arith.constant 1 : i32
    %while3A_141 = arith.divsi %while3A_138, %while3A_140 : i32
    %while3A_142 = arith.muli %while3A_141, %while3A_140 : i32
    %while3A_143 = arith.addi %while3A_137, %while3A_142 : i32
    %while3A_144 = arith.constant 1 : i32
    %while3A_145 = scf.for %while3A_361 = %while3A_137 to %while3A_143 step %while3A_144 iter_args(%while3A_362 = %broadcast_in_dim3A_44) -> (vector<16xf32>)  : i32 {
      %mul3A_363 = arith.constant 16 : i32
      %mul3A_364 = arith.muli %while3A_361, %mul3A_363 : i32
      %get3A = arith.index_cast %mul3A_364 : i32 to index
      %get3A_365 = tpu.vector_load %arg9[%get3A] {strides = array<i32>} : memref<8208xf32, #tpu.memory_space<vmem>>, vector<16xf32>,
      %masked_sort3A = arith.constant dense<true> : vector<16xi1>
      %masked_sort3A_366, %masked_sort3A_367, %masked_sort3A_368 = tpu.sort %get3A_365, %get3A_365 masked %masked_sort3A {descending = true} : (vector<16xf32>, vector<16xf32>, vector<16xi1>) -> (vector<16xi1>, vector<16xf32>, vector<16xf32>)
      %max3A_369 = arith.maximumf %while3A_362, %masked_sort3A_367 : vector<16xf32>
      %masked_sort3A_370 = arith.constant dense<true> : vector<16xi1>
      %masked_sort3A_371, %masked_sort3A_372, %masked_sort3A_373 = tpu.sort %max3A_369, %max3A_369 masked %masked_sort3A_370 : (vector<16xf32>, vector<16xf32>, vector<16xi1>) -> (vector<16xi1>, vector<16xf32>, vector<16xf32>)
      scf.yield %masked_sort3A_372 : vector<16xf32>
    }
    %while3A_146 = arith.constant 1 : i32
    %while3A_147 = scf.for %while3A_361 = %while3A_143 to %while3A_139 step %while3A_146 iter_args(%while3A_362 = %while3A_145) -> (vector<16xf32>)  : i32 {
      %mul3A_363 = arith.constant 16 : i32
      %mul3A_364 = arith.muli %while3A_361, %mul3A_363 : i32
      %get3A = arith.index_cast %mul3A_364 : i32 to index
      %get3A_365 = tpu.vector_load %arg9[%get3A] {strides = array<i32>} : memref<8208xf32, #tpu.memory_space<vmem>>, vector<16xf32>,
      %masked_sort3A = arith.constant dense<true> : vector<16xi1>
      %masked_sort3A_366, %masked_sort3A_367, %masked_sort3A_368 = tpu.sort %get3A_365, %get3A_365 masked %masked_sort3A {descending = true} : (vector<16xf32>, vector<16xf32>, vector<16xi1>) -> (vector<16xi1>, vector<16xf32>, vector<16xf32>)
      %max3A_369 = arith.maximumf %while3A_362, %masked_sort3A_367 : vector<16xf32>
      %masked_sort3A_370 = arith.constant dense<true> : vector<16xi1>
      %masked_sort3A_371, %masked_sort3A_372, %masked_sort3A_373 = tpu.sort %max3A_369, %max3A_369 masked %masked_sort3A_370 : (vector<16xf32>, vector<16xf32>, vector<16xi1>) -> (vector<16xi1>, vector<16xf32>, vector<16xf32>)
      scf.yield %masked_sort3A_372 : vector<16xf32>
    }
    %broadcast_in_dim3A_148 = arith.constant 0 : i32
    %broadcast_in_dim3A_149 = vector.broadcast %broadcast_in_dim3A_148 : i32 to vector<16xi32>
    %broadcast_in_dim3A_150 = vector.shape_cast %broadcast_in_dim3A_149 : vector<16xi32> to vector<16x1xi32>
    %gather3A_151 = vector.shape_cast %broadcast_in_dim3A_150 : vector<16x1xi32> to vector<16xi32>
    %gather3A_152 = tpu.dynamic_gather %while3A_147[%gather3A_151] in [0] : vector<16xf32>, vector<16xi32> -> vector<16xf32>
    %gt3A = arith.cmpf ogt, %while3A_147, %gather3A_152 : vector<16xf32>
    %all_reduce_population_count3A = tpu.all_reduce %gt3A {dim = 0 : i64, kind = #tpu.reduction_kind<sum>} : vector<16xi1> -> vector<16xi32>
    %sub3A_153 = arith.constant 16 : i32
    %sub3A_154 = vector.broadcast %sub3A_153 : i32 to vector<16xi32>
    %sub3A_155 = arith.subi %sub3A_154, %all_reduce_population_count3A : vector<16xi32>
    %broadcast_in_dim3A_156 = arith.constant 2147483647 : i32
    %broadcast_in_dim3A_157 = vector.broadcast %broadcast_in_dim3A_156 : i32 to vector<16xi32>
    %while3A_158 = arith.constant 0 : i32
    %while3A_159 = arith.subi %select_n3A_136, %while3A_158 : i32
    %while3A_160 = arith.addi %while3A_158, %while3A_159 : i32
    %while3A_161 = arith.constant 1 : i32
    %while3A_162 = arith.divsi %while3A_159, %while3A_161 : i32
    %while3A_163 = arith.muli %while3A_162, %while3A_161 : i32
    %while3A_164 = arith.addi %while3A_158, %while3A_163 : i32
    %while3A_165 = arith.constant 1 : i32
    %while3A_166:3 = scf.for %while3A_361 = %while3A_158 to %while3A_164 step %while3A_165 iter_args(%while3A_362 = %broadcast_in_dim3A_44, %while3A_363 = %broadcast_in_dim3A_157, %while3A_364 = %broadcast_in_dim3A_44) -> (vector<16xf32>, vector<16xi32>, vector<16xf32>)  : i32 {
      %mul3A_365 = arith.constant 16 : i32
      %mul3A_366 = arith.muli %while3A_361, %mul3A_365 : i32
      %get3A = arith.index_cast %mul3A_366 : i32 to index
      %get3A_367 = tpu.vector_load %arg9[%get3A] {strides = array<i32>} : memref<8208xf32, #tpu.memory_space<vmem>>, vector<16xf32>,
      %mul3A_368 = arith.constant 16 : i32
      %mul3A_369 = arith.muli %while3A_361, %mul3A_368 : i32
      %get3A_370 = arith.index_cast %mul3A_369 : i32 to index
      %get3A_371 = tpu.vector_load %arg10[%get3A_370] {strides = array<i32>} : memref<8208xi32, #tpu.memory_space<vmem>>, vector<16xi32>,
      %gather3A_372 = tpu.vector_load_idx %arg6[%get3A_371] : memref<8192xf32, #tpu.memory_space<vmem>>[vector<16xi32>], vector<16xf32>,
      %gt3A_373 = arith.cmpf ogt, %get3A_367, %gather3A_152 : vector<16xf32>
      %select_n3A_374 = arith.select %gt3A_373, %gather3A_372, %broadcast_in_dim3A_44 : vector<16xi1>, vector<16xf32>
      %max3A_375 = arith.maximumf %while3A_362, %select_n3A_374 : vector<16xf32>
      %eq3A_376 = arith.cmpf oeq, %get3A_367, %gather3A_152 : vector<16xf32>
      %select_n3A_377 = arith.select %eq3A_376, %get3A_371, %broadcast_in_dim3A_157 : vector<16xi1>, vector<16xi32>
      %select_n3A_378 = arith.select %eq3A_376, %gather3A_372, %broadcast_in_dim3A_44 : vector<16xi1>, vector<16xf32>
      %masked_sort3A = arith.constant dense<true> : vector<16xi1>
      %masked_sort3A_379 = arith.constant -2147483648 : i32
      %masked_sort3A_380 = vector.broadcast %masked_sort3A_379 : i32 to vector<16xi32>
      %masked_sort3A_381 = arith.xori %select_n3A_377, %masked_sort3A_380 : vector<16xi32>
      %masked_sort3A_382, %masked_sort3A_383, %masked_sort3A_384 = tpu.sort %masked_sort3A_381, %select_n3A_378 masked %masked_sort3A : (vector<16xi32>, vector<16xf32>, vector<16xi1>) -> (vector<16xi1>, vector<16xi32>, vector<16xf32>)
      %masked_sort3A_385 = arith.xori %masked_sort3A_383, %masked_sort3A_380 : vector<16xi32>
      %rev3A = arith.constant 15 : i32
      %rev3A_386 = vector.broadcast %rev3A : i32 to vector<16xi32>
      %rev3A_387 = tpu.iota {dimensions = array<i32: 0>} : vector<16xi32>
      %rev3A_388 = arith.subi %rev3A_386, %rev3A_387 : vector<16xi32>
      %rev3A_389 = tpu.dynamic_gather %masked_sort3A_385[%rev3A_388] in [0] : vector<16xi32>, vector<16xi32> -> vector<16xi32>
      %rev3A_390 = arith.constant 15 : i32
      %rev3A_391 = vector.broadcast %rev3A_390 : i32 to vector<16xi32>
      %rev3A_392 = tpu.iota {dimensions = array<i32: 0>} : vector<16xi32>
      %rev3A_393 = arith.subi %rev3A_391, %rev3A_392 : vector<16xi32>
      %rev3A_394 = tpu.dynamic_gather %masked_sort3A_384[%rev3A_393] in [0] : vector<16xf32>, vector<16xi32> -> vector<16xf32>
      %le3A = arith.cmpi sle, %while3A_363, %rev3A_389 : vector<16xi32>
      %select_n3A_395 = arith.select %le3A, %while3A_363, %rev3A_389 : vector<16xi1>, vector<16xi32>
      %select_n3A_396 = arith.select %le3A, %while3A_364, %rev3A_394 : vector<16xi1>, vector<16xf32>
      %masked_sort3A_397 = arith.constant dense<true> : vector<16xi1>
      %masked_sort3A_398 = arith.constant -2147483648 : i32
      %masked_sort3A_399 = vector.broadcast %masked_sort3A_398 : i32 to vector<16xi32>
      %masked_sort3A_400 = arith.xori %select_n3A_395, %masked_sort3A_399 : vector<16xi32>
      %masked_sort3A_401, %masked_sort3A_402, %masked_sort3A_403 = tpu.sort %masked_sort3A_400, %select_n3A_396 masked %masked_sort3A_397 : (vector<16xi32>, vector<16xf32>, vector<16xi1>) -> (vector<16xi1>, vector<16xi32>, vector<16xf32>)
      %masked_sort3A_404 = arith.xori %masked_sort3A_402, %masked_sort3A_399 : vector<16xi32>
      scf.yield %max3A_375, %masked_sort3A_404, %masked_sort3A_403 : vector<16xf32>, vector<16xi32>, vector<16xf32>
    }
    %while3A_167 = arith.constant 1 : i32
    %while3A_168:3 = scf.for %while3A_361 = %while3A_164 to %while3A_160 step %while3A_167 iter_args(%while3A_362 = %while3A_166#0, %while3A_363 = %while3A_166#1, %while3A_364 = %while3A_166#2) -> (vector<16xf32>, vector<16xi32>, vector<16xf32>)  : i32 {
      %mul3A_365 = arith.constant 16 : i32
      %mul3A_366 = arith.muli %while3A_361, %mul3A_365 : i32
      %get3A = arith.index_cast %mul3A_366 : i32 to index
      %get3A_367 = tpu.vector_load %arg9[%get3A] {strides = array<i32>} : memref<8208xf32, #tpu.memory_space<vmem>>, vector<16xf32>,
      %mul3A_368 = arith.constant 16 : i32
      %mul3A_369 = arith.muli %while3A_361, %mul3A_368 : i32
      %get3A_370 = arith.index_cast %mul3A_369 : i32 to index
      %get3A_371 = tpu.vector_load %arg10[%get3A_370] {strides = array<i32>} : memref<8208xi32, #tpu.memory_space<vmem>>, vector<16xi32>,
      %gather3A_372 = tpu.vector_load_idx %arg6[%get3A_371] : memref<8192xf32, #tpu.memory_space<vmem>>[vector<16xi32>], vector<16xf32>,
      %gt3A_373 = arith.cmpf ogt, %get3A_367, %gather3A_152 : vector<16xf32>
      %select_n3A_374 = arith.select %gt3A_373, %gather3A_372, %broadcast_in_dim3A_44 : vector<16xi1>, vector<16xf32>
      %max3A_375 = arith.maximumf %while3A_362, %select_n3A_374 : vector<16xf32>
      %eq3A_376 = arith.cmpf oeq, %get3A_367, %gather3A_152 : vector<16xf32>
      %select_n3A_377 = arith.select %eq3A_376, %get3A_371, %broadcast_in_dim3A_157 : vector<16xi1>, vector<16xi32>
      %select_n3A_378 = arith.select %eq3A_376, %gather3A_372, %broadcast_in_dim3A_44 : vector<16xi1>, vector<16xf32>
      %masked_sort3A = arith.constant dense<true> : vector<16xi1>
      %masked_sort3A_379 = arith.constant -2147483648 : i32
      %masked_sort3A_380 = vector.broadcast %masked_sort3A_379 : i32 to vector<16xi32>
      %masked_sort3A_381 = arith.xori %select_n3A_377, %masked_sort3A_380 : vector<16xi32>
      %masked_sort3A_382, %masked_sort3A_383, %masked_sort3A_384 = tpu.sort %masked_sort3A_381, %select_n3A_378 masked %masked_sort3A : (vector<16xi32>, vector<16xf32>, vector<16xi1>) -> (vector<16xi1>, vector<16xi32>, vector<16xf32>)
      %masked_sort3A_385 = arith.xori %masked_sort3A_383, %masked_sort3A_380 : vector<16xi32>
      %rev3A = arith.constant 15 : i32
      %rev3A_386 = vector.broadcast %rev3A : i32 to vector<16xi32>
      %rev3A_387 = tpu.iota {dimensions = array<i32: 0>} : vector<16xi32>
      %rev3A_388 = arith.subi %rev3A_386, %rev3A_387 : vector<16xi32>
      %rev3A_389 = tpu.dynamic_gather %masked_sort3A_385[%rev3A_388] in [0] : vector<16xi32>, vector<16xi32> -> vector<16xi32>
      %rev3A_390 = arith.constant 15 : i32
      %rev3A_391 = vector.broadcast %rev3A_390 : i32 to vector<16xi32>
      %rev3A_392 = tpu.iota {dimensions = array<i32: 0>} : vector<16xi32>
      %rev3A_393 = arith.subi %rev3A_391, %rev3A_392 : vector<16xi32>
      %rev3A_394 = tpu.dynamic_gather %masked_sort3A_384[%rev3A_393] in [0] : vector<16xf32>, vector<16xi32> -> vector<16xf32>
      %le3A = arith.cmpi sle, %while3A_363, %rev3A_389 : vector<16xi32>
      %select_n3A_395 = arith.select %le3A, %while3A_363, %rev3A_389 : vector<16xi1>, vector<16xi32>
      %select_n3A_396 = arith.select %le3A, %while3A_364, %rev3A_394 : vector<16xi1>, vector<16xf32>
      %masked_sort3A_397 = arith.constant dense<true> : vector<16xi1>
      %masked_sort3A_398 = arith.constant -2147483648 : i32
      %masked_sort3A_399 = vector.broadcast %masked_sort3A_398 : i32 to vector<16xi32>
      %masked_sort3A_400 = arith.xori %select_n3A_395, %masked_sort3A_399 : vector<16xi32>
      %masked_sort3A_401, %masked_sort3A_402, %masked_sort3A_403 = tpu.sort %masked_sort3A_400, %select_n3A_396 masked %masked_sort3A_397 : (vector<16xi32>, vector<16xf32>, vector<16xi1>) -> (vector<16xi1>, vector<16xi32>, vector<16xf32>)
      %masked_sort3A_404 = arith.xori %masked_sort3A_402, %masked_sort3A_399 : vector<16xi32>
      scf.yield %max3A_375, %masked_sort3A_404, %masked_sort3A_403 : vector<16xf32>, vector<16xi32>, vector<16xf32>
    }
    %lt3A = arith.cmpi slt, %iota3A_41, %sub3A_155 : vector<16xi32>
    %select_n3A_169 = arith.select %lt3A, %while3A_168#2, %broadcast_in_dim3A_44 : vector<16xi1>, vector<16xf32>
    %max3A_170 = arith.maximumf %while3A_168#0, %select_n3A_169 : vector<16xf32>
    %broadcast_in_dim3A_171 = arith.constant true
    %broadcast_in_dim3A_172 = vector.broadcast %broadcast_in_dim3A_171 : i1 to vector<16xi1>
    %masked_cummax3A_173 = tpu.scan <max>, %max3A_170 masked %broadcast_in_dim3A_172 : vector<16xf32>, vector<16xi1> -> vector<16xf32>
    %broadcast_in_dim3A_174 = arith.constant 15 : i32
    %broadcast_in_dim3A_175 = vector.broadcast %broadcast_in_dim3A_174 : i32 to vector<16xi32>
    %broadcast_in_dim3A_176 = vector.shape_cast %broadcast_in_dim3A_175 : vector<16xi32> to vector<16x1xi32>
    %gather3A_177 = vector.shape_cast %broadcast_in_dim3A_176 : vector<16x1xi32> to vector<16xi32>
    %gather3A_178 = tpu.dynamic_gather %masked_cummax3A_173[%gather3A_177] in [0] : vector<16xf32>, vector<16xi32> -> vector<16xf32>
    %sub3A_179 = arith.subf %gather3A_57, %gather3A_178 : vector<16xf32>
    %eq3A = arith.constant 0 : i32
    %eq3A_180 = vector.broadcast %eq3A : i32 to vector<16xi32>
    %eq3A_181 = arith.cmpi eq, %iota3A, %eq3A_180 : vector<16xi32>
    %broadcast_in_dim3A_182 = arith.constant 0.000000e+00 : f32
    %broadcast_in_dim3A_183 = vector.broadcast %broadcast_in_dim3A_182 : f32 to vector<16xf32>
    %select_n3A_184 = arith.select %eq3A_181, %sub3A_179, %broadcast_in_dim3A_183 : vector<16xi1>, vector<16xf32>
    %dma_wait3A_185 = arith.constant 0 : i32
    %dma_wait3A_186 = tpu.memref_slice %arg2[%add3A_4, %dma_wait3A_185] : memref<64x8192xf32, #tpu.memory_space<hbm>> -> memref<1x8192xf32, #tpu.memory_space<hbm>>
    %dma_wait3A_187 = tpu.memref_squeeze %dma_wait3A_186 : memref<1x8192xf32, #tpu.memory_space<hbm>> -> memref<8192xf32, #tpu.memory_space<hbm>>
    %dma_wait3A_188 = arith.constant 0 : i32
    %dma_wait3A_189 = tpu.memref_slice %arg2[%add3A_4, %dma_wait3A_188] : memref<64x8192xf32, #tpu.memory_space<hbm>> -> memref<1x8192xf32, #tpu.memory_space<hbm>>
    %dma_wait3A_190 = tpu.memref_squeeze %dma_wait3A_189 : memref<1x8192xf32, #tpu.memory_space<hbm>> -> memref<8192xf32, #tpu.memory_space<hbm>>
    tpu.wait_dma2 semaphore(%arg15 : memref<!tpu.dma_semaphore, #tpu.memory_space<semaphore_mem>>) src(%dma_wait3A_190 : memref<8192xf32, #tpu.memory_space<hbm>>) dst(%arg7 : memref<8192xf32, #tpu.memory_space<vmem>>)
    %dma_wait3A_191 = arith.constant 0 : i32
    %dma_wait3A_192 = tpu.memref_slice %arg3[%add3A_6, %dma_wait3A_191] : memref<64x8192xf32, #tpu.memory_space<hbm>> -> memref<1x8192xf32, #tpu.memory_space<hbm>>
    %dma_wait3A_193 = tpu.memref_squeeze %dma_wait3A_192 : memref<1x8192xf32, #tpu.memory_space<hbm>> -> memref<8192xf32, #tpu.memory_space<hbm>>
    %dma_wait3A_194 = arith.constant 0 : i32
    %dma_wait3A_195 = tpu.memref_slice %arg3[%add3A_6, %dma_wait3A_194] : memref<64x8192xf32, #tpu.memory_space<hbm>> -> memref<1x8192xf32, #tpu.memory_space<hbm>>
    %dma_wait3A_196 = tpu.memref_squeeze %dma_wait3A_195 : memref<1x8192xf32, #tpu.memory_space<hbm>> -> memref<8192xf32, #tpu.memory_space<hbm>>
    tpu.wait_dma2 semaphore(%arg15 : memref<!tpu.dma_semaphore, #tpu.memory_space<semaphore_mem>>) src(%dma_wait3A_196 : memref<8192xf32, #tpu.memory_space<hbm>>) dst(%arg8 : memref<8192xf32, #tpu.memory_space<vmem>>)
    %iota3A_197 = tpu.iota {dimensions = array<i32: 0>} : vector<16xi32>
    %broadcast_in_dim3A_198 = arith.constant 0 : i32
    %broadcast_in_dim3A_199 = vector.broadcast %broadcast_in_dim3A_198 : i32 to vector<16xi32>
    %broadcast_in_dim3A_200 = arith.constant 0xFF800000 : f32
    %broadcast_in_dim3A_201 = vector.broadcast %broadcast_in_dim3A_200 : f32 to vector<16xf32>
    %scan3A_202 = arith.constant 0 : i32
    %scan3A_203 = arith.constant 32 : i32
    %scan3A_204 = arith.addi %scan3A_202, %scan3A_203 : i32
    %scan3A_205 = arith.constant 1 : i32
    %scan3A_206:5 = scf.for %scan3A_361 = %scan3A_202 to %scan3A_204 step %scan3A_205 iter_args(%scan3A_362 = %broadcast_in_dim3A_201, %scan3A_363 = %broadcast_in_dim3A_201, %scan3A_364 = %broadcast_in_dim3A_201, %scan3A_365 = %broadcast_in_dim3A_201, %scan3A_366 = %broadcast_in_dim3A_201) -> (vector<16xf32>, vector<16xf32>, vector<16xf32>, vector<16xf32>, vector<16xf32>)  : i32 {
      %mul3A_367 = arith.constant 256 : i32
      %mul3A_368 = arith.muli %scan3A_361, %mul3A_367 : i32
      %mul3A_369 = arith.constant 16 : i32
      %mul3A_370 = vector.broadcast %mul3A_369 : i32 to vector<16xi32>
      %mul3A_371 = arith.muli %iota3A_197, %mul3A_370 : vector<16xi32>
      %add3A_372 = vector.broadcast %mul3A_368 : i32 to vector<16xi32>
      %add3A_373 = arith.addi %add3A_372, %mul3A_371 : vector<16xi32>
      %add3A_374 = arith.constant 0 : i32
      %add3A_375 = vector.broadcast %add3A_374 : i32 to vector<16xi32>
      %add3A_376 = arith.addi %iota3A_197, %add3A_375 : vector<16xi32>
      %and3A_377 = arith.constant 15 : i32
      %and3A_378 = vector.broadcast %and3A_377 : i32 to vector<16xi32>
      %and3A_379 = arith.andi %add3A_376, %and3A_378 : vector<16xi32>
      %add3A_380 = arith.addi %add3A_373, %and3A_379 : vector<16xi32>
      %gather3A_381 = tpu.vector_load_idx %arg7[%add3A_380] : memref<8192xf32, #tpu.memory_space<vmem>>[vector<16xi32>], vector<16xf32>,
      %max3A_382 = arith.maximumf %broadcast_in_dim3A_201, %gather3A_381 : vector<16xf32>
      %add3A_383 = arith.constant 1 : i32
      %add3A_384 = vector.broadcast %add3A_383 : i32 to vector<16xi32>
      %add3A_385 = arith.addi %iota3A_197, %add3A_384 : vector<16xi32>
      %and3A_386 = arith.constant 15 : i32
      %and3A_387 = vector.broadcast %and3A_386 : i32 to vector<16xi32>
      %and3A_388 = arith.andi %add3A_385, %and3A_387 : vector<16xi32>
      %add3A_389 = arith.addi %add3A_373, %and3A_388 : vector<16xi32>
      %gather3A_390 = tpu.vector_load_idx %arg7[%add3A_389] : memref<8192xf32, #tpu.memory_space<vmem>>[vector<16xi32>], vector<16xf32>,
      %max3A_391 = arith.maximumf %broadcast_in_dim3A_201, %gather3A_390 : vector<16xf32>
      %add3A_392 = arith.constant 2 : i32
      %add3A_393 = vector.broadcast %add3A_392 : i32 to vector<16xi32>
      %add3A_394 = arith.addi %iota3A_197, %add3A_393 : vector<16xi32>
      %and3A_395 = arith.constant 15 : i32
      %and3A_396 = vector.broadcast %and3A_395 : i32 to vector<16xi32>
      %and3A_397 = arith.andi %add3A_394, %and3A_396 : vector<16xi32>
      %add3A_398 = arith.addi %add3A_373, %and3A_397 : vector<16xi32>
      %gather3A_399 = tpu.vector_load_idx %arg7[%add3A_398] : memref<8192xf32, #tpu.memory_space<vmem>>[vector<16xi32>], vector<16xf32>,
      %max3A_400 = arith.maximumf %broadcast_in_dim3A_201, %gather3A_399 : vector<16xf32>
      %add3A_401 = arith.constant 3 : i32
      %add3A_402 = vector.broadcast %add3A_401 : i32 to vector<16xi32>
      %add3A_403 = arith.addi %iota3A_197, %add3A_402 : vector<16xi32>
      %and3A_404 = arith.constant 15 : i32
      %and3A_405 = vector.broadcast %and3A_404 : i32 to vector<16xi32>
      %and3A_406 = arith.andi %add3A_403, %and3A_405 : vector<16xi32>
      %add3A_407 = arith.addi %add3A_373, %and3A_406 : vector<16xi32>
      %gather3A_408 = tpu.vector_load_idx %arg7[%add3A_407] : memref<8192xf32, #tpu.memory_space<vmem>>[vector<16xi32>], vector<16xf32>,
      %max3A_409 = arith.maximumf %broadcast_in_dim3A_201, %gather3A_408 : vector<16xf32>
      %add3A_410 = arith.constant 4 : i32
      %add3A_411 = vector.broadcast %add3A_410 : i32 to vector<16xi32>
      %add3A_412 = arith.addi %iota3A_197, %add3A_411 : vector<16xi32>
      %and3A_413 = arith.constant 15 : i32
      %and3A_414 = vector.broadcast %and3A_413 : i32 to vector<16xi32>
      %and3A_415 = arith.andi %add3A_412, %and3A_414 : vector<16xi32>
      %add3A_416 = arith.addi %add3A_373, %and3A_415 : vector<16xi32>
      %gather3A_417 = tpu.vector_load_idx %arg7[%add3A_416] : memref<8192xf32, #tpu.memory_space<vmem>>[vector<16xi32>], vector<16xf32>,
      %max3A_418 = arith.maximumf %max3A_382, %gather3A_417 : vector<16xf32>
      %add3A_419 = arith.constant 5 : i32
      %add3A_420 = vector.broadcast %add3A_419 : i32 to vector<16xi32>
      %add3A_421 = arith.addi %iota3A_197, %add3A_420 : vector<16xi32>
      %and3A_422 = arith.constant 15 : i32
      %and3A_423 = vector.broadcast %and3A_422 : i32 to vector<16xi32>
      %and3A_424 = arith.andi %add3A_421, %and3A_423 : vector<16xi32>
      %add3A_425 = arith.addi %add3A_373, %and3A_424 : vector<16xi32>
      %gather3A_426 = tpu.vector_load_idx %arg7[%add3A_425] : memref<8192xf32, #tpu.memory_space<vmem>>[vector<16xi32>], vector<16xf32>,
      %max3A_427 = arith.maximumf %max3A_391, %gather3A_426 : vector<16xf32>
      %add3A_428 = arith.constant 6 : i32
      %add3A_429 = vector.broadcast %add3A_428 : i32 to vector<16xi32>
      %add3A_430 = arith.addi %iota3A_197, %add3A_429 : vector<16xi32>
      %and3A_431 = arith.constant 15 : i32
      %and3A_432 = vector.broadcast %and3A_431 : i32 to vector<16xi32>
      %and3A_433 = arith.andi %add3A_430, %and3A_432 : vector<16xi32>
      %add3A_434 = arith.addi %add3A_373, %and3A_433 : vector<16xi32>
      %gather3A_435 = tpu.vector_load_idx %arg7[%add3A_434] : memref<8192xf32, #tpu.memory_space<vmem>>[vector<16xi32>], vector<16xf32>,
      %max3A_436 = arith.maximumf %max3A_400, %gather3A_435 : vector<16xf32>
      %add3A_437 = arith.constant 7 : i32
      %add3A_438 = vector.broadcast %add3A_437 : i32 to vector<16xi32>
      %add3A_439 = arith.addi %iota3A_197, %add3A_438 : vector<16xi32>
      %and3A_440 = arith.constant 15 : i32
      %and3A_441 = vector.broadcast %and3A_440 : i32 to vector<16xi32>
      %and3A_442 = arith.andi %add3A_439, %and3A_441 : vector<16xi32>
      %add3A_443 = arith.addi %add3A_373, %and3A_442 : vector<16xi32>
      %gather3A_444 = tpu.vector_load_idx %arg7[%add3A_443] : memref<8192xf32, #tpu.memory_space<vmem>>[vector<16xi32>], vector<16xf32>,
      %max3A_445 = arith.maximumf %max3A_409, %gather3A_444 : vector<16xf32>
      %add3A_446 = arith.constant 8 : i32
      %add3A_447 = vector.broadcast %add3A_446 : i32 to vector<16xi32>
      %add3A_448 = arith.addi %iota3A_197, %add3A_447 : vector<16xi32>
      %and3A_449 = arith.constant 15 : i32
      %and3A_450 = vector.broadcast %and3A_449 : i32 to vector<16xi32>
      %and3A_451 = arith.andi %add3A_448, %and3A_450 : vector<16xi32>
      %add3A_452 = arith.addi %add3A_373, %and3A_451 : vector<16xi32>
      %gather3A_453 = tpu.vector_load_idx %arg7[%add3A_452] : memref<8192xf32, #tpu.memory_space<vmem>>[vector<16xi32>], vector<16xf32>,
      %max3A_454 = arith.maximumf %max3A_418, %gather3A_453 : vector<16xf32>
      %add3A_455 = arith.constant 9 : i32
      %add3A_456 = vector.broadcast %add3A_455 : i32 to vector<16xi32>
      %add3A_457 = arith.addi %iota3A_197, %add3A_456 : vector<16xi32>
      %and3A_458 = arith.constant 15 : i32
      %and3A_459 = vector.broadcast %and3A_458 : i32 to vector<16xi32>
      %and3A_460 = arith.andi %add3A_457, %and3A_459 : vector<16xi32>
      %add3A_461 = arith.addi %add3A_373, %and3A_460 : vector<16xi32>
      %gather3A_462 = tpu.vector_load_idx %arg7[%add3A_461] : memref<8192xf32, #tpu.memory_space<vmem>>[vector<16xi32>], vector<16xf32>,
      %max3A_463 = arith.maximumf %max3A_427, %gather3A_462 : vector<16xf32>
      %add3A_464 = arith.constant 10 : i32
      %add3A_465 = vector.broadcast %add3A_464 : i32 to vector<16xi32>
      %add3A_466 = arith.addi %iota3A_197, %add3A_465 : vector<16xi32>
      %and3A_467 = arith.constant 15 : i32
      %and3A_468 = vector.broadcast %and3A_467 : i32 to vector<16xi32>
      %and3A_469 = arith.andi %add3A_466, %and3A_468 : vector<16xi32>
      %add3A_470 = arith.addi %add3A_373, %and3A_469 : vector<16xi32>
      %gather3A_471 = tpu.vector_load_idx %arg7[%add3A_470] : memref<8192xf32, #tpu.memory_space<vmem>>[vector<16xi32>], vector<16xf32>,
      %max3A_472 = arith.maximumf %max3A_436, %gather3A_471 : vector<16xf32>
      %add3A_473 = arith.constant 11 : i32
      %add3A_474 = vector.broadcast %add3A_473 : i32 to vector<16xi32>
      %add3A_475 = arith.addi %iota3A_197, %add3A_474 : vector<16xi32>
      %and3A_476 = arith.constant 15 : i32
      %and3A_477 = vector.broadcast %and3A_476 : i32 to vector<16xi32>
      %and3A_478 = arith.andi %add3A_475, %and3A_477 : vector<16xi32>
      %add3A_479 = arith.addi %add3A_373, %and3A_478 : vector<16xi32>
      %gather3A_480 = tpu.vector_load_idx %arg7[%add3A_479] : memref<8192xf32, #tpu.memory_space<vmem>>[vector<16xi32>], vector<16xf32>,
      %max3A_481 = arith.maximumf %max3A_445, %gather3A_480 : vector<16xf32>
      %add3A_482 = arith.constant 12 : i32
      %add3A_483 = vector.broadcast %add3A_482 : i32 to vector<16xi32>
      %add3A_484 = arith.addi %iota3A_197, %add3A_483 : vector<16xi32>
      %and3A_485 = arith.constant 15 : i32
      %and3A_486 = vector.broadcast %and3A_485 : i32 to vector<16xi32>
      %and3A_487 = arith.andi %add3A_484, %and3A_486 : vector<16xi32>
      %add3A_488 = arith.addi %add3A_373, %and3A_487 : vector<16xi32>
      %gather3A_489 = tpu.vector_load_idx %arg7[%add3A_488] : memref<8192xf32, #tpu.memory_space<vmem>>[vector<16xi32>], vector<16xf32>,
      %max3A_490 = arith.maximumf %max3A_454, %gather3A_489 : vector<16xf32>
      %add3A_491 = arith.constant 13 : i32
      %add3A_492 = vector.broadcast %add3A_491 : i32 to vector<16xi32>
      %add3A_493 = arith.addi %iota3A_197, %add3A_492 : vector<16xi32>
      %and3A_494 = arith.constant 15 : i32
      %and3A_495 = vector.broadcast %and3A_494 : i32 to vector<16xi32>
      %and3A_496 = arith.andi %add3A_493, %and3A_495 : vector<16xi32>
      %add3A_497 = arith.addi %add3A_373, %and3A_496 : vector<16xi32>
      %gather3A_498 = tpu.vector_load_idx %arg7[%add3A_497] : memref<8192xf32, #tpu.memory_space<vmem>>[vector<16xi32>], vector<16xf32>,
      %max3A_499 = arith.maximumf %max3A_463, %gather3A_498 : vector<16xf32>
      %add3A_500 = arith.constant 14 : i32
      %add3A_501 = vector.broadcast %add3A_500 : i32 to vector<16xi32>
      %add3A_502 = arith.addi %iota3A_197, %add3A_501 : vector<16xi32>
      %and3A_503 = arith.constant 15 : i32
      %and3A_504 = vector.broadcast %and3A_503 : i32 to vector<16xi32>
      %and3A_505 = arith.andi %add3A_502, %and3A_504 : vector<16xi32>
      %add3A_506 = arith.addi %add3A_373, %and3A_505 : vector<16xi32>
      %gather3A_507 = tpu.vector_load_idx %arg7[%add3A_506] : memref<8192xf32, #tpu.memory_space<vmem>>[vector<16xi32>], vector<16xf32>,
      %max3A_508 = arith.maximumf %max3A_472, %gather3A_507 : vector<16xf32>
      %add3A_509 = arith.constant 15 : i32
      %add3A_510 = vector.broadcast %add3A_509 : i32 to vector<16xi32>
      %add3A_511 = arith.addi %iota3A_197, %add3A_510 : vector<16xi32>
      %and3A_512 = arith.constant 15 : i32
      %and3A_513 = vector.broadcast %and3A_512 : i32 to vector<16xi32>
      %and3A_514 = arith.andi %add3A_511, %and3A_513 : vector<16xi32>
      %add3A_515 = arith.addi %add3A_373, %and3A_514 : vector<16xi32>
      %gather3A_516 = tpu.vector_load_idx %arg7[%add3A_515] : memref<8192xf32, #tpu.memory_space<vmem>>[vector<16xi32>], vector<16xf32>,
      %max3A_517 = arith.maximumf %max3A_481, %gather3A_516 : vector<16xf32>
      %max3A_518 = arith.maximumf %max3A_490, %max3A_499 : vector<16xf32>
      %max3A_519 = arith.maximumf %max3A_508, %max3A_517 : vector<16xf32>
      %max3A_520 = arith.maximumf %max3A_518, %max3A_519 : vector<16xf32>
      %add3A_521 = arith.constant 0 : i32
      %add3A_522 = arith.addi %mul3A_368, %add3A_521 : i32
      %get3A = arith.index_cast %add3A_522 : i32 to index
      %get3A_523 = tpu.vector_load %arg8[%get3A] {strides = array<i32>} : memref<8192xf32, #tpu.memory_space<vmem>>, vector<16xf32>,
      %max3A_524 = arith.maximumf %scan3A_363, %get3A_523 : vector<16xf32>
      %add3A_525 = arith.constant 16 : i32
      %add3A_526 = arith.addi %mul3A_368, %add3A_525 : i32
      %get3A_527 = arith.index_cast %add3A_526 : i32 to index
      %get3A_528 = tpu.vector_load %arg8[%get3A_527] {strides = array<i32>} : memref<8192xf32, #tpu.memory_space<vmem>>, vector<16xf32>,
      %max3A_529 = arith.maximumf %scan3A_364, %get3A_528 : vector<16xf32>
      %add3A_530 = arith.constant 32 : i32
      %add3A_531 = arith.addi %mul3A_368, %add3A_530 : i32
      %get3A_532 = arith.index_cast %add3A_531 : i32 to index
      %get3A_533 = tpu.vector_load %arg8[%get3A_532] {strides = array<i32>} : memref<8192xf32, #tpu.memory_space<vmem>>, vector<16xf32>,
      %max3A_534 = arith.maximumf %scan3A_365, %get3A_533 : vector<16xf32>
      %add3A_535 = arith.constant 48 : i32
      %add3A_536 = arith.addi %mul3A_368, %add3A_535 : i32
      %get3A_537 = arith.index_cast %add3A_536 : i32 to index
      %get3A_538 = tpu.vector_load %arg8[%get3A_537] {strides = array<i32>} : memref<8192xf32, #tpu.memory_space<vmem>>, vector<16xf32>,
      %max3A_539 = arith.maximumf %scan3A_366, %get3A_538 : vector<16xf32>
      %add3A_540 = arith.constant 64 : i32
      %add3A_541 = arith.addi %mul3A_368, %add3A_540 : i32
      %get3A_542 = arith.index_cast %add3A_541 : i32 to index
      %get3A_543 = tpu.vector_load %arg8[%get3A_542] {strides = array<i32>} : memref<8192xf32, #tpu.memory_space<vmem>>, vector<16xf32>,
      %max3A_544 = arith.maximumf %max3A_524, %get3A_543 : vector<16xf32>
      %add3A_545 = arith.constant 80 : i32
      %add3A_546 = arith.addi %mul3A_368, %add3A_545 : i32
      %get3A_547 = arith.index_cast %add3A_546 : i32 to index
      %get3A_548 = tpu.vector_load %arg8[%get3A_547] {strides = array<i32>} : memref<8192xf32, #tpu.memory_space<vmem>>, vector<16xf32>,
      %max3A_549 = arith.maximumf %max3A_529, %get3A_548 : vector<16xf32>
      %add3A_550 = arith.constant 96 : i32
      %add3A_551 = arith.addi %mul3A_368, %add3A_550 : i32
      %get3A_552 = arith.index_cast %add3A_551 : i32 to index
      %get3A_553 = tpu.vector_load %arg8[%get3A_552] {strides = array<i32>} : memref<8192xf32, #tpu.memory_space<vmem>>, vector<16xf32>,
      %max3A_554 = arith.maximumf %max3A_534, %get3A_553 : vector<16xf32>
      %add3A_555 = arith.constant 112 : i32
      %add3A_556 = arith.addi %mul3A_368, %add3A_555 : i32
      %get3A_557 = arith.index_cast %add3A_556 : i32 to index
      %get3A_558 = tpu.vector_load %arg8[%get3A_557] {strides = array<i32>} : memref<8192xf32, #tpu.memory_space<vmem>>, vector<16xf32>,
      %max3A_559 = arith.maximumf %max3A_539, %get3A_558 : vector<16xf32>
      %add3A_560 = arith.constant 128 : i32
      %add3A_561 = arith.addi %mul3A_368, %add3A_560 : i32
      %get3A_562 = arith.index_cast %add3A_561 : i32 to index
      %get3A_563 = tpu.vector_load %arg8[%get3A_562] {strides = array<i32>} : memref<8192xf32, #tpu.memory_space<vmem>>, vector<16xf32>,
      %max3A_564 = arith.maximumf %max3A_544, %get3A_563 : vector<16xf32>
      %add3A_565 = arith.constant 144 : i32
      %add3A_566 = arith.addi %mul3A_368, %add3A_565 : i32
      %get3A_567 = arith.index_cast %add3A_566 : i32 to index
      %get3A_568 = tpu.vector_load %arg8[%get3A_567] {strides = array<i32>} : memref<8192xf32, #tpu.memory_space<vmem>>, vector<16xf32>,
      %max3A_569 = arith.maximumf %max3A_549, %get3A_568 : vector<16xf32>
      %add3A_570 = arith.constant 160 : i32
      %add3A_571 = arith.addi %mul3A_368, %add3A_570 : i32
      %get3A_572 = arith.index_cast %add3A_571 : i32 to index
      %get3A_573 = tpu.vector_load %arg8[%get3A_572] {strides = array<i32>} : memref<8192xf32, #tpu.memory_space<vmem>>, vector<16xf32>,
      %max3A_574 = arith.maximumf %max3A_554, %get3A_573 : vector<16xf32>
      %add3A_575 = arith.constant 176 : i32
      %add3A_576 = arith.addi %mul3A_368, %add3A_575 : i32
      %get3A_577 = arith.index_cast %add3A_576 : i32 to index
      %get3A_578 = tpu.vector_load %arg8[%get3A_577] {strides = array<i32>} : memref<8192xf32, #tpu.memory_space<vmem>>, vector<16xf32>,
      %max3A_579 = arith.maximumf %max3A_559, %get3A_578 : vector<16xf32>
      %add3A_580 = arith.constant 192 : i32
      %add3A_581 = arith.addi %mul3A_368, %add3A_580 : i32
      %get3A_582 = arith.index_cast %add3A_581 : i32 to index
      %get3A_583 = tpu.vector_load %arg8[%get3A_582] {strides = array<i32>} : memref<8192xf32, #tpu.memory_space<vmem>>, vector<16xf32>,
      %max3A_584 = arith.maximumf %max3A_564, %get3A_583 : vector<16xf32>
      %add3A_585 = arith.constant 208 : i32
      %add3A_586 = arith.addi %mul3A_368, %add3A_585 : i32
      %get3A_587 = arith.index_cast %add3A_586 : i32 to index
      %get3A_588 = tpu.vector_load %arg8[%get3A_587] {strides = array<i32>} : memref<8192xf32, #tpu.memory_space<vmem>>, vector<16xf32>,
      %max3A_589 = arith.maximumf %max3A_569, %get3A_588 : vector<16xf32>
      %add3A_590 = arith.constant 224 : i32
      %add3A_591 = arith.addi %mul3A_368, %add3A_590 : i32
      %get3A_592 = arith.index_cast %add3A_591 : i32 to index
      %get3A_593 = tpu.vector_load %arg8[%get3A_592] {strides = array<i32>} : memref<8192xf32, #tpu.memory_space<vmem>>, vector<16xf32>,
      %max3A_594 = arith.maximumf %max3A_574, %get3A_593 : vector<16xf32>
      %add3A_595 = arith.constant 240 : i32
      %add3A_596 = arith.addi %mul3A_368, %add3A_595 : i32
      %get3A_597 = arith.index_cast %add3A_596 : i32 to index
      %get3A_598 = tpu.vector_load %arg8[%get3A_597] {strides = array<i32>} : memref<8192xf32, #tpu.memory_space<vmem>>, vector<16xf32>,
      %max3A_599 = arith.maximumf %max3A_579, %get3A_598 : vector<16xf32>
      %mul3A_600 = arith.constant 16 : i32
      %mul3A_601 = arith.muli %scan3A_361, %mul3A_600 : i32
      %swap3A_602 = arith.index_cast %mul3A_601 : i32 to index
      %swap3A_603 = tpu.vector_load %arg11[%swap3A_602] {strides = array<i32>} : memref<512xf32, #tpu.memory_space<vmem>>, vector<16xf32>,
      tpu.vector_store %arg11[%swap3A_602], %max3A_520 {strides = array<i32>} : memref<512xf32, #tpu.memory_space<vmem>>, vector<16xf32>,
      %max3A_604 = arith.maximumf %scan3A_362, %max3A_520 : vector<16xf32>
      scf.yield %max3A_604, %max3A_584, %max3A_589, %max3A_594, %max3A_599 : vector<16xf32>, vector<16xf32>, vector<16xf32>, vector<16xf32>, vector<16xf32>
    }
    %scan3A_207 = arith.constant 32 : i32
    %max3A_208 = arith.maximumf %scan3A_206#1, %scan3A_206#2 : vector<16xf32>
    %max3A_209 = arith.maximumf %scan3A_206#3, %scan3A_206#4 : vector<16xf32>
    %max3A_210 = arith.maximumf %max3A_208, %max3A_209 : vector<16xf32>
    %broadcast_in_dim3A_211 = arith.constant true
    %broadcast_in_dim3A_212 = vector.broadcast %broadcast_in_dim3A_211 : i1 to vector<16xi1>
    %masked_cummax3A_213 = tpu.scan <max>, %max3A_210 masked %broadcast_in_dim3A_212 : vector<16xf32>, vector<16xi1> -> vector<16xf32>
    %broadcast_in_dim3A_214 = arith.constant 15 : i32
    %broadcast_in_dim3A_215 = vector.broadcast %broadcast_in_dim3A_214 : i32 to vector<16xi32>
    %broadcast_in_dim3A_216 = vector.shape_cast %broadcast_in_dim3A_215 : vector<16xi32> to vector<16x1xi32>
    %gather3A_217 = vector.shape_cast %broadcast_in_dim3A_216 : vector<16x1xi32> to vector<16xi32>
    %gather3A_218 = tpu.dynamic_gather %masked_cummax3A_213[%gather3A_217] in [0] : vector<16xf32>, vector<16xi32> -> vector<16xf32>
    %neg3A_219 = arith.constant 0.000000e+00 : f32
    %neg3A_220 = vector.broadcast %neg3A_219 : f32 to vector<16xf32>
    %neg3A_221 = arith.subf %neg3A_220, %scan3A_206#0 : vector<16xf32>
    %broadcast_in_dim3A_222 = arith.constant true
    %broadcast_in_dim3A_223 = vector.broadcast %broadcast_in_dim3A_222 : i1 to vector<16xi1>
    %masked_cummax3A_224 = tpu.scan <max>, %neg3A_221 masked %broadcast_in_dim3A_223 : vector<16xf32>, vector<16xi1> -> vector<16xf32>
    %broadcast_in_dim3A_225 = arith.constant 15 : i32
    %broadcast_in_dim3A_226 = vector.broadcast %broadcast_in_dim3A_225 : i32 to vector<16xi32>
    %broadcast_in_dim3A_227 = vector.shape_cast %broadcast_in_dim3A_226 : vector<16xi32> to vector<16x1xi32>
    %gather3A_228 = vector.shape_cast %broadcast_in_dim3A_227 : vector<16x1xi32> to vector<16xi32>
    %gather3A_229 = tpu.dynamic_gather %masked_cummax3A_224[%gather3A_228] in [0] : vector<16xf32>, vector<16xi32> -> vector<16xf32>
    %neg3A_230 = arith.constant 0.000000e+00 : f32
    %neg3A_231 = vector.broadcast %neg3A_230 : f32 to vector<16xf32>
    %neg3A_232 = arith.subf %neg3A_231, %gather3A_229 : vector<16xf32>
    %scan3A_233 = arith.constant 0 : i32
    %scan3A_234 = arith.constant 32 : i32
    %scan3A_235 = arith.addi %scan3A_233, %scan3A_234 : i32
    %scan3A_236 = arith.constant 1 : i32
    %scan3A_237 = scf.for %scan3A_361 = %scan3A_233 to %scan3A_235 step %scan3A_236 iter_args(%scan3A_362 = %broadcast_in_dim3A_199) -> (vector<16xi32>)  : i32 {
      %mul3A_363 = arith.constant 16 : i32
      %mul3A_364 = arith.muli %scan3A_361, %mul3A_363 : i32
      %get3A = arith.index_cast %mul3A_364 : i32 to index
      %get3A_365 = tpu.vector_load %arg11[%get3A] {strides = array<i32>} : memref<512xf32, #tpu.memory_space<vmem>>, vector<16xf32>,
      %ge3A = arith.cmpf oge, %get3A_365, %neg3A_232 : vector<16xf32>
      %convert_element_type3A = arith.extui %ge3A : vector<16xi1> to vector<16xi32>
      %broadcast_in_dim3A_366 = arith.constant true
      %broadcast_in_dim3A_367 = vector.broadcast %broadcast_in_dim3A_366 : i1 to vector<16xi1>
      %masked_cumsum3A = tpu.scan <sum>, %convert_element_type3A masked %broadcast_in_dim3A_367 : vector<16xi32>, vector<16xi1> -> vector<16xi32>
      %add3A_368 = arith.addi %scan3A_362, %masked_cumsum3A : vector<16xi32>
      %sub3A_369 = arith.constant 1 : i32
      %sub3A_370 = vector.broadcast %sub3A_369 : i32 to vector<16xi32>
      %sub3A_371 = arith.subi %add3A_368, %sub3A_370 : vector<16xi32>
      %mul3A_372 = arith.constant 16 : i32
      %mul3A_373 = arith.muli %scan3A_361, %mul3A_372 : i32
      %add3A_374 = vector.broadcast %mul3A_373 : i32 to vector<16xi32>
      %add3A_375 = arith.addi %iota3A_197, %add3A_374 : vector<16xi32>
      tpu.vector_store_idx %arg12[%sub3A_371], %add3A_375 masked %ge3A : memref<528xi32, #tpu.memory_space<vmem>>[vector<16xi32>], vector<16xi32>, vector<16xi1>
      %all_reduce_population_count3A_376 = tpu.all_reduce %ge3A {dim = 0 : i64, kind = #tpu.reduction_kind<sum>} : vector<16xi1> -> vector<16xi32>
      %add3A_377 = arith.addi %scan3A_362, %all_reduce_population_count3A_376 : vector<16xi32>
      scf.yield %add3A_377 : vector<16xi32>
    }
    %scan3A_238 = arith.constant 32 : i32
    %slice3A_239 = vector.extract_strided_slice %scan3A_237 {offsets = [0], sizes = [1], strides = [1]} : vector<16xi32> to vector<1xi32>
    %squeeze3A_240 = vector.extract %slice3A_239[0] : i32 from vector<1xi32>
    %add3A_241 = vector.broadcast %squeeze3A_240 : i32 to vector<16xi32>
    %add3A_242 = arith.addi %add3A_241, %iota3A_197 : vector<16xi32>
    tpu.vector_store_idx %arg12[%add3A_242], %broadcast_in_dim3A_199 : memref<528xi32, #tpu.memory_space<vmem>>[vector<16xi32>], vector<16xi32>,
    %add3A_243 = arith.constant 15 : i32
    %add3A_244 = arith.addi %squeeze3A_240, %add3A_243 : i32
    %jit3A_245 = arith.constant 16 : i32
    %div3A_246 = arith.divsi %add3A_244, %jit3A_245 : i32
    %sign3A_247 = arith.constant 0 : i32
    %sign3A_248 = arith.cmpi sgt, %add3A_244, %sign3A_247 : i32
    %sign3A_249 = arith.extui %sign3A_248 : i1 to i32
    %sign3A_250 = arith.constant 0 : i32
    %sign3A_251 = arith.cmpi slt, %add3A_244, %sign3A_250 : i32
    %sign3A_252 = arith.extui %sign3A_251 : i1 to i32
    %sign3A_253 = arith.subi %sign3A_249, %sign3A_252 : i32
    %sign3A_254 = arith.constant 0 : i32
    %sign3A_255 = arith.cmpi sgt, %jit3A_245, %sign3A_254 : i32
    %sign3A_256 = arith.extui %sign3A_255 : i1 to i32
    %sign3A_257 = arith.constant 0 : i32
    %sign3A_258 = arith.cmpi slt, %jit3A_245, %sign3A_257 : i32
    %sign3A_259 = arith.extui %sign3A_258 : i1 to i32
    %sign3A_260 = arith.subi %sign3A_256, %sign3A_259 : i32
    %ne3A_261 = arith.cmpi ne, %sign3A_253, %sign3A_260 : i32
    %rem3A_262 = arith.remsi %add3A_244, %jit3A_245 : i32
    %ne3A_263 = arith.constant 0 : i32
    %ne3A_264 = arith.cmpi ne, %rem3A_262, %ne3A_263 : i32
    %and3A_265 = arith.andi %ne3A_261, %ne3A_264 : i1
    %sub3A_266 = arith.constant 1 : i32
    %sub3A_267 = arith.subi %div3A_246, %sub3A_266 : i32
    %select_n3A_268 = arith.select %and3A_265, %sub3A_267, %div3A_246 : i32
    %while3A_269 = arith.constant 0 : i32
    %while3A_270 = arith.subi %select_n3A_268, %while3A_269 : i32
    %while3A_271 = arith.addi %while3A_269, %while3A_270 : i32
    %while3A_272 = arith.constant 1 : i32
    %while3A_273 = arith.divsi %while3A_270, %while3A_272 : i32
    %while3A_274 = arith.muli %while3A_273, %while3A_272 : i32
    %while3A_275 = arith.addi %while3A_269, %while3A_274 : i32
    %while3A_276 = arith.constant 1 : i32
    %while3A_277 = scf.for %while3A_361 = %while3A_269 to %while3A_275 step %while3A_276 iter_args(%while3A_362 = %broadcast_in_dim3A_199) -> (vector<16xi32>)  : i32 {
      %mul3A_363 = arith.constant 16 : i32
      %mul3A_364 = arith.muli %while3A_361, %mul3A_363 : i32
      %get3A = arith.index_cast %mul3A_364 : i32 to index
      %get3A_365 = tpu.vector_load %arg12[%get3A] {strides = array<i32>} : memref<528xi32, #tpu.memory_space<vmem>>, vector<16xi32>,
      %mul3A_366 = arith.constant 16 : i32
      %mul3A_367 = arith.muli %while3A_361, %mul3A_366 : i32
      %add3A_368 = vector.broadcast %mul3A_367 : i32 to vector<16xi32>
      %add3A_369 = arith.addi %iota3A_197, %add3A_368 : vector<16xi32>
      %lt3A_370 = vector.broadcast %squeeze3A_240 : i32 to vector<16xi32>
      %lt3A_371 = arith.cmpi slt, %add3A_369, %lt3A_370 : vector<16xi32>
      %mul3A_372 = arith.constant 16 : i32
      %mul3A_373 = vector.broadcast %mul3A_372 : i32 to vector<16xi32>
      %mul3A_374 = arith.muli %get3A_365, %mul3A_373 : vector<16xi32>
      %add3A_375 = arith.constant 0 : i32
      %add3A_376 = vector.broadcast %add3A_375 : i32 to vector<16xi32>
      %add3A_377 = arith.addi %iota3A_197, %add3A_376 : vector<16xi32>
      %and3A_378 = arith.constant 15 : i32
      %and3A_379 = vector.broadcast %and3A_378 : i32 to vector<16xi32>
      %and3A_380 = arith.andi %add3A_377, %and3A_379 : vector<16xi32>
      %add3A_381 = arith.addi %mul3A_374, %and3A_380 : vector<16xi32>
      %gather3A_382 = tpu.vector_load_idx %arg7[%add3A_381] : memref<8192xf32, #tpu.memory_space<vmem>>[vector<16xi32>], vector<16xf32>,
      %ge3A = arith.cmpf oge, %gather3A_382, %neg3A_232 : vector<16xf32>
      %and3A_383 = arith.andi %ge3A, %lt3A_371 : vector<16xi1>
      %add3A_384 = arith.addi %mul3A_374, %and3A_380 : vector<16xi32>
      %convert_element_type3A = arith.extui %and3A_383 : vector<16xi1> to vector<16xi32>
      %add3A_385 = arith.addi %broadcast_in_dim3A_199, %convert_element_type3A : vector<16xi32>
      %add3A_386 = arith.constant 1 : i32
      %add3A_387 = vector.broadcast %add3A_386 : i32 to vector<16xi32>
      %add3A_388 = arith.addi %iota3A_197, %add3A_387 : vector<16xi32>
      %and3A_389 = arith.constant 15 : i32
      %and3A_390 = vector.broadcast %and3A_389 : i32 to vector<16xi32>
      %and3A_391 = arith.andi %add3A_388, %and3A_390 : vector<16xi32>
      %add3A_392 = arith.addi %mul3A_374, %and3A_391 : vector<16xi32>
      %gather3A_393 = tpu.vector_load_idx %arg7[%add3A_392] : memref<8192xf32, #tpu.memory_space<vmem>>[vector<16xi32>], vector<16xf32>,
      %ge3A_394 = arith.cmpf oge, %gather3A_393, %neg3A_232 : vector<16xf32>
      %and3A_395 = arith.andi %ge3A_394, %lt3A_371 : vector<16xi1>
      %add3A_396 = arith.addi %mul3A_374, %and3A_391 : vector<16xi32>
      %convert_element_type3A_397 = arith.extui %and3A_395 : vector<16xi1> to vector<16xi32>
      %add3A_398 = arith.addi %add3A_385, %convert_element_type3A_397 : vector<16xi32>
      %add3A_399 = arith.constant 2 : i32
      %add3A_400 = vector.broadcast %add3A_399 : i32 to vector<16xi32>
      %add3A_401 = arith.addi %iota3A_197, %add3A_400 : vector<16xi32>
      %and3A_402 = arith.constant 15 : i32
      %and3A_403 = vector.broadcast %and3A_402 : i32 to vector<16xi32>
      %and3A_404 = arith.andi %add3A_401, %and3A_403 : vector<16xi32>
      %add3A_405 = arith.addi %mul3A_374, %and3A_404 : vector<16xi32>
      %gather3A_406 = tpu.vector_load_idx %arg7[%add3A_405] : memref<8192xf32, #tpu.memory_space<vmem>>[vector<16xi32>], vector<16xf32>,
      %ge3A_407 = arith.cmpf oge, %gather3A_406, %neg3A_232 : vector<16xf32>
      %and3A_408 = arith.andi %ge3A_407, %lt3A_371 : vector<16xi1>
      %add3A_409 = arith.addi %mul3A_374, %and3A_404 : vector<16xi32>
      %convert_element_type3A_410 = arith.extui %and3A_408 : vector<16xi1> to vector<16xi32>
      %add3A_411 = arith.addi %add3A_398, %convert_element_type3A_410 : vector<16xi32>
      %add3A_412 = arith.constant 3 : i32
      %add3A_413 = vector.broadcast %add3A_412 : i32 to vector<16xi32>
      %add3A_414 = arith.addi %iota3A_197, %add3A_413 : vector<16xi32>
      %and3A_415 = arith.constant 15 : i32
      %and3A_416 = vector.broadcast %and3A_415 : i32 to vector<16xi32>
      %and3A_417 = arith.andi %add3A_414, %and3A_416 : vector<16xi32>
      %add3A_418 = arith.addi %mul3A_374, %and3A_417 : vector<16xi32>
      %gather3A_419 = tpu.vector_load_idx %arg7[%add3A_418] : memref<8192xf32, #tpu.memory_space<vmem>>[vector<16xi32>], vector<16xf32>,
      %ge3A_420 = arith.cmpf oge, %gather3A_419, %neg3A_232 : vector<16xf32>
      %and3A_421 = arith.andi %ge3A_420, %lt3A_371 : vector<16xi1>
      %add3A_422 = arith.addi %mul3A_374, %and3A_417 : vector<16xi32>
      %convert_element_type3A_423 = arith.extui %and3A_421 : vector<16xi1> to vector<16xi32>
      %add3A_424 = arith.addi %add3A_411, %convert_element_type3A_423 : vector<16xi32>
      %add3A_425 = arith.constant 4 : i32
      %add3A_426 = vector.broadcast %add3A_425 : i32 to vector<16xi32>
      %add3A_427 = arith.addi %iota3A_197, %add3A_426 : vector<16xi32>
      %and3A_428 = arith.constant 15 : i32
      %and3A_429 = vector.broadcast %and3A_428 : i32 to vector<16xi32>
      %and3A_430 = arith.andi %add3A_427, %and3A_429 : vector<16xi32>
      %add3A_431 = arith.addi %mul3A_374, %and3A_430 : vector<16xi32>
      %gather3A_432 = tpu.vector_load_idx %arg7[%add3A_431] : memref<8192xf32, #tpu.memory_space<vmem>>[vector<16xi32>], vector<16xf32>,
      %ge3A_433 = arith.cmpf oge, %gather3A_432, %neg3A_232 : vector<16xf32>
      %and3A_434 = arith.andi %ge3A_433, %lt3A_371 : vector<16xi1>
      %add3A_435 = arith.addi %mul3A_374, %and3A_430 : vector<16xi32>
      %convert_element_type3A_436 = arith.extui %and3A_434 : vector<16xi1> to vector<16xi32>
      %add3A_437 = arith.addi %add3A_424, %convert_element_type3A_436 : vector<16xi32>
      %add3A_438 = arith.constant 5 : i32
      %add3A_439 = vector.broadcast %add3A_438 : i32 to vector<16xi32>
      %add3A_440 = arith.addi %iota3A_197, %add3A_439 : vector<16xi32>
      %and3A_441 = arith.constant 15 : i32
      %and3A_442 = vector.broadcast %and3A_441 : i32 to vector<16xi32>
      %and3A_443 = arith.andi %add3A_440, %and3A_442 : vector<16xi32>
      %add3A_444 = arith.addi %mul3A_374, %and3A_443 : vector<16xi32>
      %gather3A_445 = tpu.vector_load_idx %arg7[%add3A_444] : memref<8192xf32, #tpu.memory_space<vmem>>[vector<16xi32>], vector<16xf32>,
      %ge3A_446 = arith.cmpf oge, %gather3A_445, %neg3A_232 : vector<16xf32>
      %and3A_447 = arith.andi %ge3A_446, %lt3A_371 : vector<16xi1>
      %add3A_448 = arith.addi %mul3A_374, %and3A_443 : vector<16xi32>
      %convert_element_type3A_449 = arith.extui %and3A_447 : vector<16xi1> to vector<16xi32>
      %add3A_450 = arith.addi %add3A_437, %convert_element_type3A_449 : vector<16xi32>
      %add3A_451 = arith.constant 6 : i32
      %add3A_452 = vector.broadcast %add3A_451 : i32 to vector<16xi32>
      %add3A_453 = arith.addi %iota3A_197, %add3A_452 : vector<16xi32>
      %and3A_454 = arith.constant 15 : i32
      %and3A_455 = vector.broadcast %and3A_454 : i32 to vector<16xi32>
      %and3A_456 = arith.andi %add3A_453, %and3A_455 : vector<16xi32>
      %add3A_457 = arith.addi %mul3A_374, %and3A_456 : vector<16xi32>
      %gather3A_458 = tpu.vector_load_idx %arg7[%add3A_457] : memref<8192xf32, #tpu.memory_space<vmem>>[vector<16xi32>], vector<16xf32>,
      %ge3A_459 = arith.cmpf oge, %gather3A_458, %neg3A_232 : vector<16xf32>
      %and3A_460 = arith.andi %ge3A_459, %lt3A_371 : vector<16xi1>
      %add3A_461 = arith.addi %mul3A_374, %and3A_456 : vector<16xi32>
      %convert_element_type3A_462 = arith.extui %and3A_460 : vector<16xi1> to vector<16xi32>
      %add3A_463 = arith.addi %add3A_450, %convert_element_type3A_462 : vector<16xi32>
      %add3A_464 = arith.constant 7 : i32
      %add3A_465 = vector.broadcast %add3A_464 : i32 to vector<16xi32>
      %add3A_466 = arith.addi %iota3A_197, %add3A_465 : vector<16xi32>
      %and3A_467 = arith.constant 15 : i32
      %and3A_468 = vector.broadcast %and3A_467 : i32 to vector<16xi32>
      %and3A_469 = arith.andi %add3A_466, %and3A_468 : vector<16xi32>
      %add3A_470 = arith.addi %mul3A_374, %and3A_469 : vector<16xi32>
      %gather3A_471 = tpu.vector_load_idx %arg7[%add3A_470] : memref<8192xf32, #tpu.memory_space<vmem>>[vector<16xi32>], vector<16xf32>,
      %ge3A_472 = arith.cmpf oge, %gather3A_471, %neg3A_232 : vector<16xf32>
      %and3A_473 = arith.andi %ge3A_472, %lt3A_371 : vector<16xi1>
      %add3A_474 = arith.addi %mul3A_374, %and3A_469 : vector<16xi32>
      %convert_element_type3A_475 = arith.extui %and3A_473 : vector<16xi1> to vector<16xi32>
      %add3A_476 = arith.addi %add3A_463, %convert_element_type3A_475 : vector<16xi32>
      %add3A_477 = arith.constant 8 : i32
      %add3A_478 = vector.broadcast %add3A_477 : i32 to vector<16xi32>
      %add3A_479 = arith.addi %iota3A_197, %add3A_478 : vector<16xi32>
      %and3A_480 = arith.constant 15 : i32
      %and3A_481 = vector.broadcast %and3A_480 : i32 to vector<16xi32>
      %and3A_482 = arith.andi %add3A_479, %and3A_481 : vector<16xi32>
      %add3A_483 = arith.addi %mul3A_374, %and3A_482 : vector<16xi32>
      %gather3A_484 = tpu.vector_load_idx %arg7[%add3A_483] : memref<8192xf32, #tpu.memory_space<vmem>>[vector<16xi32>], vector<16xf32>,
      %ge3A_485 = arith.cmpf oge, %gather3A_484, %neg3A_232 : vector<16xf32>
      %and3A_486 = arith.andi %ge3A_485, %lt3A_371 : vector<16xi1>
      %add3A_487 = arith.addi %mul3A_374, %and3A_482 : vector<16xi32>
      %convert_element_type3A_488 = arith.extui %and3A_486 : vector<16xi1> to vector<16xi32>
      %add3A_489 = arith.addi %add3A_476, %convert_element_type3A_488 : vector<16xi32>
      %add3A_490 = arith.constant 9 : i32
      %add3A_491 = vector.broadcast %add3A_490 : i32 to vector<16xi32>
      %add3A_492 = arith.addi %iota3A_197, %add3A_491 : vector<16xi32>
      %and3A_493 = arith.constant 15 : i32
      %and3A_494 = vector.broadcast %and3A_493 : i32 to vector<16xi32>
      %and3A_495 = arith.andi %add3A_492, %and3A_494 : vector<16xi32>
      %add3A_496 = arith.addi %mul3A_374, %and3A_495 : vector<16xi32>
      %gather3A_497 = tpu.vector_load_idx %arg7[%add3A_496] : memref<8192xf32, #tpu.memory_space<vmem>>[vector<16xi32>], vector<16xf32>,
      %ge3A_498 = arith.cmpf oge, %gather3A_497, %neg3A_232 : vector<16xf32>
      %and3A_499 = arith.andi %ge3A_498, %lt3A_371 : vector<16xi1>
      %add3A_500 = arith.addi %mul3A_374, %and3A_495 : vector<16xi32>
      %convert_element_type3A_501 = arith.extui %and3A_499 : vector<16xi1> to vector<16xi32>
      %add3A_502 = arith.addi %add3A_489, %convert_element_type3A_501 : vector<16xi32>
      %add3A_503 = arith.constant 10 : i32
      %add3A_504 = vector.broadcast %add3A_503 : i32 to vector<16xi32>
      %add3A_505 = arith.addi %iota3A_197, %add3A_504 : vector<16xi32>
      %and3A_506 = arith.constant 15 : i32
      %and3A_507 = vector.broadcast %and3A_506 : i32 to vector<16xi32>
      %and3A_508 = arith.andi %add3A_505, %and3A_507 : vector<16xi32>
      %add3A_509 = arith.addi %mul3A_374, %and3A_508 : vector<16xi32>
      %gather3A_510 = tpu.vector_load_idx %arg7[%add3A_509] : memref<8192xf32, #tpu.memory_space<vmem>>[vector<16xi32>], vector<16xf32>,
      %ge3A_511 = arith.cmpf oge, %gather3A_510, %neg3A_232 : vector<16xf32>
      %and3A_512 = arith.andi %ge3A_511, %lt3A_371 : vector<16xi1>
      %add3A_513 = arith.addi %mul3A_374, %and3A_508 : vector<16xi32>
      %convert_element_type3A_514 = arith.extui %and3A_512 : vector<16xi1> to vector<16xi32>
      %add3A_515 = arith.addi %add3A_502, %convert_element_type3A_514 : vector<16xi32>
      %add3A_516 = arith.constant 11 : i32
      %add3A_517 = vector.broadcast %add3A_516 : i32 to vector<16xi32>
      %add3A_518 = arith.addi %iota3A_197, %add3A_517 : vector<16xi32>
      %and3A_519 = arith.constant 15 : i32
      %and3A_520 = vector.broadcast %and3A_519 : i32 to vector<16xi32>
      %and3A_521 = arith.andi %add3A_518, %and3A_520 : vector<16xi32>
      %add3A_522 = arith.addi %mul3A_374, %and3A_521 : vector<16xi32>
      %gather3A_523 = tpu.vector_load_idx %arg7[%add3A_522] : memref<8192xf32, #tpu.memory_space<vmem>>[vector<16xi32>], vector<16xf32>,
      %ge3A_524 = arith.cmpf oge, %gather3A_523, %neg3A_232 : vector<16xf32>
      %and3A_525 = arith.andi %ge3A_524, %lt3A_371 : vector<16xi1>
      %add3A_526 = arith.addi %mul3A_374, %and3A_521 : vector<16xi32>
      %convert_element_type3A_527 = arith.extui %and3A_525 : vector<16xi1> to vector<16xi32>
      %add3A_528 = arith.addi %add3A_515, %convert_element_type3A_527 : vector<16xi32>
      %add3A_529 = arith.constant 12 : i32
      %add3A_530 = vector.broadcast %add3A_529 : i32 to vector<16xi32>
      %add3A_531 = arith.addi %iota3A_197, %add3A_530 : vector<16xi32>
      %and3A_532 = arith.constant 15 : i32
      %and3A_533 = vector.broadcast %and3A_532 : i32 to vector<16xi32>
      %and3A_534 = arith.andi %add3A_531, %and3A_533 : vector<16xi32>
      %add3A_535 = arith.addi %mul3A_374, %and3A_534 : vector<16xi32>
      %gather3A_536 = tpu.vector_load_idx %arg7[%add3A_535] : memref<8192xf32, #tpu.memory_space<vmem>>[vector<16xi32>], vector<16xf32>,
      %ge3A_537 = arith.cmpf oge, %gather3A_536, %neg3A_232 : vector<16xf32>
      %and3A_538 = arith.andi %ge3A_537, %lt3A_371 : vector<16xi1>
      %add3A_539 = arith.addi %mul3A_374, %and3A_534 : vector<16xi32>
      %convert_element_type3A_540 = arith.extui %and3A_538 : vector<16xi1> to vector<16xi32>
      %add3A_541 = arith.addi %add3A_528, %convert_element_type3A_540 : vector<16xi32>
      %add3A_542 = arith.constant 13 : i32
      %add3A_543 = vector.broadcast %add3A_542 : i32 to vector<16xi32>
      %add3A_544 = arith.addi %iota3A_197, %add3A_543 : vector<16xi32>
      %and3A_545 = arith.constant 15 : i32
      %and3A_546 = vector.broadcast %and3A_545 : i32 to vector<16xi32>
      %and3A_547 = arith.andi %add3A_544, %and3A_546 : vector<16xi32>
      %add3A_548 = arith.addi %mul3A_374, %and3A_547 : vector<16xi32>
      %gather3A_549 = tpu.vector_load_idx %arg7[%add3A_548] : memref<8192xf32, #tpu.memory_space<vmem>>[vector<16xi32>], vector<16xf32>,
      %ge3A_550 = arith.cmpf oge, %gather3A_549, %neg3A_232 : vector<16xf32>
      %and3A_551 = arith.andi %ge3A_550, %lt3A_371 : vector<16xi1>
      %add3A_552 = arith.addi %mul3A_374, %and3A_547 : vector<16xi32>
      %convert_element_type3A_553 = arith.extui %and3A_551 : vector<16xi1> to vector<16xi32>
      %add3A_554 = arith.addi %add3A_541, %convert_element_type3A_553 : vector<16xi32>
      %add3A_555 = arith.constant 14 : i32
      %add3A_556 = vector.broadcast %add3A_555 : i32 to vector<16xi32>
      %add3A_557 = arith.addi %iota3A_197, %add3A_556 : vector<16xi32>
      %and3A_558 = arith.constant 15 : i32
      %and3A_559 = vector.broadcast %and3A_558 : i32 to vector<16xi32>
      %and3A_560 = arith.andi %add3A_557, %and3A_559 : vector<16xi32>
      %add3A_561 = arith.addi %mul3A_374, %and3A_560 : vector<16xi32>
      %gather3A_562 = tpu.vector_load_idx %arg7[%add3A_561] : memref<8192xf32, #tpu.memory_space<vmem>>[vector<16xi32>], vector<16xf32>,
      %ge3A_563 = arith.cmpf oge, %gather3A_562, %neg3A_232 : vector<16xf32>
      %and3A_564 = arith.andi %ge3A_563, %lt3A_371 : vector<16xi1>
      %add3A_565 = arith.addi %mul3A_374, %and3A_560 : vector<16xi32>
      %convert_element_type3A_566 = arith.extui %and3A_564 : vector<16xi1> to vector<16xi32>
      %add3A_567 = arith.addi %add3A_554, %convert_element_type3A_566 : vector<16xi32>
      %add3A_568 = arith.constant 15 : i32
      %add3A_569 = vector.broadcast %add3A_568 : i32 to vector<16xi32>
      %add3A_570 = arith.addi %iota3A_197, %add3A_569 : vector<16xi32>
      %and3A_571 = arith.constant 15 : i32
      %and3A_572 = vector.broadcast %and3A_571 : i32 to vector<16xi32>
      %and3A_573 = arith.andi %add3A_570, %and3A_572 : vector<16xi32>
      %add3A_574 = arith.addi %mul3A_374, %and3A_573 : vector<16xi32>
      %gather3A_575 = tpu.vector_load_idx %arg7[%add3A_574] : memref<8192xf32, #tpu.memory_space<vmem>>[vector<16xi32>], vector<16xf32>,
      %ge3A_576 = arith.cmpf oge, %gather3A_575, %neg3A_232 : vector<16xf32>
      %and3A_577 = arith.andi %ge3A_576, %lt3A_371 : vector<16xi1>
      %add3A_578 = arith.addi %mul3A_374, %and3A_573 : vector<16xi32>
      %convert_element_type3A_579 = arith.extui %and3A_577 : vector<16xi1> to vector<16xi32>
      %add3A_580 = arith.addi %add3A_567, %convert_element_type3A_579 : vector<16xi32>
      %broadcast_in_dim3A_581 = arith.constant true
      %broadcast_in_dim3A_582 = vector.broadcast %broadcast_in_dim3A_581 : i1 to vector<16xi1>
      %masked_cumsum3A = tpu.scan <sum>, %add3A_580 masked %broadcast_in_dim3A_582 : vector<16xi32>, vector<16xi1> -> vector<16xi32>
      %sub3A_583 = arith.subi %masked_cumsum3A, %add3A_580 : vector<16xi32>
      %add3A_584 = arith.addi %while3A_362, %sub3A_583 : vector<16xi32>
      %add3A_585 = arith.addi %add3A_584, %broadcast_in_dim3A_199 : vector<16xi32>
      tpu.vector_store_idx %arg9[%add3A_585], %gather3A_382 masked %and3A_383 : memref<8208xf32, #tpu.memory_space<vmem>>[vector<16xi32>], vector<16xf32>, vector<16xi1>
      tpu.vector_store_idx %arg10[%add3A_585], %add3A_384 masked %and3A_383 : memref<8208xi32, #tpu.memory_space<vmem>>[vector<16xi32>], vector<16xi32>, vector<16xi1>
      %convert_element_type3A_586 = arith.extui %and3A_383 : vector<16xi1> to vector<16xi32>
      %add3A_587 = arith.addi %broadcast_in_dim3A_199, %convert_element_type3A_586 : vector<16xi32>
      %add3A_588 = arith.addi %add3A_584, %add3A_587 : vector<16xi32>
      tpu.vector_store_idx %arg9[%add3A_588], %gather3A_393 masked %and3A_395 : memref<8208xf32, #tpu.memory_space<vmem>>[vector<16xi32>], vector<16xf32>, vector<16xi1>
      tpu.vector_store_idx %arg10[%add3A_588], %add3A_396 masked %and3A_395 : memref<8208xi32, #tpu.memory_space<vmem>>[vector<16xi32>], vector<16xi32>, vector<16xi1>
      %convert_element_type3A_589 = arith.extui %and3A_395 : vector<16xi1> to vector<16xi32>
      %add3A_590 = arith.addi %add3A_587, %convert_element_type3A_589 : vector<16xi32>
      %add3A_591 = arith.addi %add3A_584, %add3A_590 : vector<16xi32>
      tpu.vector_store_idx %arg9[%add3A_591], %gather3A_406 masked %and3A_408 : memref<8208xf32, #tpu.memory_space<vmem>>[vector<16xi32>], vector<16xf32>, vector<16xi1>
      tpu.vector_store_idx %arg10[%add3A_591], %add3A_409 masked %and3A_408 : memref<8208xi32, #tpu.memory_space<vmem>>[vector<16xi32>], vector<16xi32>, vector<16xi1>
      %convert_element_type3A_592 = arith.extui %and3A_408 : vector<16xi1> to vector<16xi32>
      %add3A_593 = arith.addi %add3A_590, %convert_element_type3A_592 : vector<16xi32>
      %add3A_594 = arith.addi %add3A_584, %add3A_593 : vector<16xi32>
      tpu.vector_store_idx %arg9[%add3A_594], %gather3A_419 masked %and3A_421 : memref<8208xf32, #tpu.memory_space<vmem>>[vector<16xi32>], vector<16xf32>, vector<16xi1>
      tpu.vector_store_idx %arg10[%add3A_594], %add3A_422 masked %and3A_421 : memref<8208xi32, #tpu.memory_space<vmem>>[vector<16xi32>], vector<16xi32>, vector<16xi1>
      %convert_element_type3A_595 = arith.extui %and3A_421 : vector<16xi1> to vector<16xi32>
      %add3A_596 = arith.addi %add3A_593, %convert_element_type3A_595 : vector<16xi32>
      %add3A_597 = arith.addi %add3A_584, %add3A_596 : vector<16xi32>
      tpu.vector_store_idx %arg9[%add3A_597], %gather3A_432 masked %and3A_434 : memref<8208xf32, #tpu.memory_space<vmem>>[vector<16xi32>], vector<16xf32>, vector<16xi1>
      tpu.vector_store_idx %arg10[%add3A_597], %add3A_435 masked %and3A_434 : memref<8208xi32, #tpu.memory_space<vmem>>[vector<16xi32>], vector<16xi32>, vector<16xi1>
      %convert_element_type3A_598 = arith.extui %and3A_434 : vector<16xi1> to vector<16xi32>
      %add3A_599 = arith.addi %add3A_596, %convert_element_type3A_598 : vector<16xi32>
      %add3A_600 = arith.addi %add3A_584, %add3A_599 : vector<16xi32>
      tpu.vector_store_idx %arg9[%add3A_600], %gather3A_445 masked %and3A_447 : memref<8208xf32, #tpu.memory_space<vmem>>[vector<16xi32>], vector<16xf32>, vector<16xi1>
      tpu.vector_store_idx %arg10[%add3A_600], %add3A_448 masked %and3A_447 : memref<8208xi32, #tpu.memory_space<vmem>>[vector<16xi32>], vector<16xi32>, vector<16xi1>
      %convert_element_type3A_601 = arith.extui %and3A_447 : vector<16xi1> to vector<16xi32>
      %add3A_602 = arith.addi %add3A_599, %convert_element_type3A_601 : vector<16xi32>
      %add3A_603 = arith.addi %add3A_584, %add3A_602 : vector<16xi32>
      tpu.vector_store_idx %arg9[%add3A_603], %gather3A_458 masked %and3A_460 : memref<8208xf32, #tpu.memory_space<vmem>>[vector<16xi32>], vector<16xf32>, vector<16xi1>
      tpu.vector_store_idx %arg10[%add3A_603], %add3A_461 masked %and3A_460 : memref<8208xi32, #tpu.memory_space<vmem>>[vector<16xi32>], vector<16xi32>, vector<16xi1>
      %convert_element_type3A_604 = arith.extui %and3A_460 : vector<16xi1> to vector<16xi32>
      %add3A_605 = arith.addi %add3A_602, %convert_element_type3A_604 : vector<16xi32>
      %add3A_606 = arith.addi %add3A_584, %add3A_605 : vector<16xi32>
      tpu.vector_store_idx %arg9[%add3A_606], %gather3A_471 masked %and3A_473 : memref<8208xf32, #tpu.memory_space<vmem>>[vector<16xi32>], vector<16xf32>, vector<16xi1>
      tpu.vector_store_idx %arg10[%add3A_606], %add3A_474 masked %and3A_473 : memref<8208xi32, #tpu.memory_space<vmem>>[vector<16xi32>], vector<16xi32>, vector<16xi1>
      %convert_element_type3A_607 = arith.extui %and3A_473 : vector<16xi1> to vector<16xi32>
      %add3A_608 = arith.addi %add3A_605, %convert_element_type3A_607 : vector<16xi32>
      %add3A_609 = arith.addi %add3A_584, %add3A_608 : vector<16xi32>
      tpu.vector_store_idx %arg9[%add3A_609], %gather3A_484 masked %and3A_486 : memref<8208xf32, #tpu.memory_space<vmem>>[vector<16xi32>], vector<16xf32>, vector<16xi1>
      tpu.vector_store_idx %arg10[%add3A_609], %add3A_487 masked %and3A_486 : memref<8208xi32, #tpu.memory_space<vmem>>[vector<16xi32>], vector<16xi32>, vector<16xi1>
      %convert_element_type3A_610 = arith.extui %and3A_486 : vector<16xi1> to vector<16xi32>
      %add3A_611 = arith.addi %add3A_608, %convert_element_type3A_610 : vector<16xi32>
      %add3A_612 = arith.addi %add3A_584, %add3A_611 : vector<16xi32>
      tpu.vector_store_idx %arg9[%add3A_612], %gather3A_497 masked %and3A_499 : memref<8208xf32, #tpu.memory_space<vmem>>[vector<16xi32>], vector<16xf32>, vector<16xi1>
      tpu.vector_store_idx %arg10[%add3A_612], %add3A_500 masked %and3A_499 : memref<8208xi32, #tpu.memory_space<vmem>>[vector<16xi32>], vector<16xi32>, vector<16xi1>
      %convert_element_type3A_613 = arith.extui %and3A_499 : vector<16xi1> to vector<16xi32>
      %add3A_614 = arith.addi %add3A_611, %convert_element_type3A_613 : vector<16xi32>
      %add3A_615 = arith.addi %add3A_584, %add3A_614 : vector<16xi32>
      tpu.vector_store_idx %arg9[%add3A_615], %gather3A_510 masked %and3A_512 : memref<8208xf32, #tpu.memory_space<vmem>>[vector<16xi32>], vector<16xf32>, vector<16xi1>
      tpu.vector_store_idx %arg10[%add3A_615], %add3A_513 masked %and3A_512 : memref<8208xi32, #tpu.memory_space<vmem>>[vector<16xi32>], vector<16xi32>, vector<16xi1>
      %convert_element_type3A_616 = arith.extui %and3A_512 : vector<16xi1> to vector<16xi32>
      %add3A_617 = arith.addi %add3A_614, %convert_element_type3A_616 : vector<16xi32>
      %add3A_618 = arith.addi %add3A_584, %add3A_617 : vector<16xi32>
      tpu.vector_store_idx %arg9[%add3A_618], %gather3A_523 masked %and3A_525 : memref<8208xf32, #tpu.memory_space<vmem>>[vector<16xi32>], vector<16xf32>, vector<16xi1>
      tpu.vector_store_idx %arg10[%add3A_618], %add3A_526 masked %and3A_525 : memref<8208xi32, #tpu.memory_space<vmem>>[vector<16xi32>], vector<16xi32>, vector<16xi1>
      %convert_element_type3A_619 = arith.extui %and3A_525 : vector<16xi1> to vector<16xi32>
      %add3A_620 = arith.addi %add3A_617, %convert_element_type3A_619 : vector<16xi32>
      %add3A_621 = arith.addi %add3A_584, %add3A_620 : vector<16xi32>
      tpu.vector_store_idx %arg9[%add3A_621], %gather3A_536 masked %and3A_538 : memref<8208xf32, #tpu.memory_space<vmem>>[vector<16xi32>], vector<16xf32>, vector<16xi1>
      tpu.vector_store_idx %arg10[%add3A_621], %add3A_539 masked %and3A_538 : memref<8208xi32, #tpu.memory_space<vmem>>[vector<16xi32>], vector<16xi32>, vector<16xi1>
      %convert_element_type3A_622 = arith.extui %and3A_538 : vector<16xi1> to vector<16xi32>
      %add3A_623 = arith.addi %add3A_620, %convert_element_type3A_622 : vector<16xi32>
      %add3A_624 = arith.addi %add3A_584, %add3A_623 : vector<16xi32>
      tpu.vector_store_idx %arg9[%add3A_624], %gather3A_549 masked %and3A_551 : memref<8208xf32, #tpu.memory_space<vmem>>[vector<16xi32>], vector<16xf32>, vector<16xi1>
      tpu.vector_store_idx %arg10[%add3A_624], %add3A_552 masked %and3A_551 : memref<8208xi32, #tpu.memory_space<vmem>>[vector<16xi32>], vector<16xi32>, vector<16xi1>
      %convert_element_type3A_625 = arith.extui %and3A_551 : vector<16xi1> to vector<16xi32>
      %add3A_626 = arith.addi %add3A_623, %convert_element_type3A_625 : vector<16xi32>
      %add3A_627 = arith.addi %add3A_584, %add3A_626 : vector<16xi32>
      tpu.vector_store_idx %arg9[%add3A_627], %gather3A_562 masked %and3A_564 : memref<8208xf32, #tpu.memory_space<vmem>>[vector<16xi32>], vector<16xf32>, vector<16xi1>
      tpu.vector_store_idx %arg10[%add3A_627], %add3A_565 masked %and3A_564 : memref<8208xi32, #tpu.memory_space<vmem>>[vector<16xi32>], vector<16xi32>, vector<16xi1>
      %convert_element_type3A_628 = arith.extui %and3A_564 : vector<16xi1> to vector<16xi32>
      %add3A_629 = arith.addi %add3A_626, %convert_element_type3A_628 : vector<16xi32>
      %add3A_630 = arith.addi %add3A_584, %add3A_629 : vector<16xi32>
      tpu.vector_store_idx %arg9[%add3A_630], %gather3A_575 masked %and3A_577 : memref<8208xf32, #tpu.memory_space<vmem>>[vector<16xi32>], vector<16xf32>, vector<16xi1>
      tpu.vector_store_idx %arg10[%add3A_630], %add3A_578 masked %and3A_577 : memref<8208xi32, #tpu.memory_space<vmem>>[vector<16xi32>], vector<16xi32>, vector<16xi1>
      %convert_element_type3A_631 = arith.extui %and3A_577 : vector<16xi1> to vector<16xi32>
      %add3A_632 = arith.addi %add3A_629, %convert_element_type3A_631 : vector<16xi32>
      %broadcast_in_dim3A_633 = arith.constant 15 : i32
      %broadcast_in_dim3A_634 = vector.broadcast %broadcast_in_dim3A_633 : i32 to vector<16xi32>
      %broadcast_in_dim3A_635 = vector.shape_cast %broadcast_in_dim3A_634 : vector<16xi32> to vector<16x1xi32>
      %gather3A_636 = vector.shape_cast %broadcast_in_dim3A_635 : vector<16x1xi32> to vector<16xi32>
      %gather3A_637 = tpu.dynamic_gather %masked_cumsum3A[%gather3A_636] in [0] : vector<16xi32>, vector<16xi32> -> vector<16xi32>
      %add3A_638 = arith.addi %while3A_362, %gather3A_637 : vector<16xi32>
      scf.yield %add3A_638 : vector<16xi32>
    }
    %while3A_278 = arith.constant 1 : i32
    %while3A_279 = scf.for %while3A_361 = %while3A_275 to %while3A_271 step %while3A_278 iter_args(%while3A_362 = %while3A_277) -> (vector<16xi32>)  : i32 {
      %mul3A_363 = arith.constant 16 : i32
      %mul3A_364 = arith.muli %while3A_361, %mul3A_363 : i32
      %get3A = arith.index_cast %mul3A_364 : i32 to index
      %get3A_365 = tpu.vector_load %arg12[%get3A] {strides = array<i32>} : memref<528xi32, #tpu.memory_space<vmem>>, vector<16xi32>,
      %mul3A_366 = arith.constant 16 : i32
      %mul3A_367 = arith.muli %while3A_361, %mul3A_366 : i32
      %add3A_368 = vector.broadcast %mul3A_367 : i32 to vector<16xi32>
      %add3A_369 = arith.addi %iota3A_197, %add3A_368 : vector<16xi32>
      %lt3A_370 = vector.broadcast %squeeze3A_240 : i32 to vector<16xi32>
      %lt3A_371 = arith.cmpi slt, %add3A_369, %lt3A_370 : vector<16xi32>
      %mul3A_372 = arith.constant 16 : i32
      %mul3A_373 = vector.broadcast %mul3A_372 : i32 to vector<16xi32>
      %mul3A_374 = arith.muli %get3A_365, %mul3A_373 : vector<16xi32>
      %add3A_375 = arith.constant 0 : i32
      %add3A_376 = vector.broadcast %add3A_375 : i32 to vector<16xi32>
      %add3A_377 = arith.addi %iota3A_197, %add3A_376 : vector<16xi32>
      %and3A_378 = arith.constant 15 : i32
      %and3A_379 = vector.broadcast %and3A_378 : i32 to vector<16xi32>
      %and3A_380 = arith.andi %add3A_377, %and3A_379 : vector<16xi32>
      %add3A_381 = arith.addi %mul3A_374, %and3A_380 : vector<16xi32>
      %gather3A_382 = tpu.vector_load_idx %arg7[%add3A_381] : memref<8192xf32, #tpu.memory_space<vmem>>[vector<16xi32>], vector<16xf32>,
      %ge3A = arith.cmpf oge, %gather3A_382, %neg3A_232 : vector<16xf32>
      %and3A_383 = arith.andi %ge3A, %lt3A_371 : vector<16xi1>
      %add3A_384 = arith.addi %mul3A_374, %and3A_380 : vector<16xi32>
      %convert_element_type3A = arith.extui %and3A_383 : vector<16xi1> to vector<16xi32>
      %add3A_385 = arith.addi %broadcast_in_dim3A_199, %convert_element_type3A : vector<16xi32>
      %add3A_386 = arith.constant 1 : i32
      %add3A_387 = vector.broadcast %add3A_386 : i32 to vector<16xi32>
      %add3A_388 = arith.addi %iota3A_197, %add3A_387 : vector<16xi32>
      %and3A_389 = arith.constant 15 : i32
      %and3A_390 = vector.broadcast %and3A_389 : i32 to vector<16xi32>
      %and3A_391 = arith.andi %add3A_388, %and3A_390 : vector<16xi32>
      %add3A_392 = arith.addi %mul3A_374, %and3A_391 : vector<16xi32>
      %gather3A_393 = tpu.vector_load_idx %arg7[%add3A_392] : memref<8192xf32, #tpu.memory_space<vmem>>[vector<16xi32>], vector<16xf32>,
      %ge3A_394 = arith.cmpf oge, %gather3A_393, %neg3A_232 : vector<16xf32>
      %and3A_395 = arith.andi %ge3A_394, %lt3A_371 : vector<16xi1>
      %add3A_396 = arith.addi %mul3A_374, %and3A_391 : vector<16xi32>
      %convert_element_type3A_397 = arith.extui %and3A_395 : vector<16xi1> to vector<16xi32>
      %add3A_398 = arith.addi %add3A_385, %convert_element_type3A_397 : vector<16xi32>
      %add3A_399 = arith.constant 2 : i32
      %add3A_400 = vector.broadcast %add3A_399 : i32 to vector<16xi32>
      %add3A_401 = arith.addi %iota3A_197, %add3A_400 : vector<16xi32>
      %and3A_402 = arith.constant 15 : i32
      %and3A_403 = vector.broadcast %and3A_402 : i32 to vector<16xi32>
      %and3A_404 = arith.andi %add3A_401, %and3A_403 : vector<16xi32>
      %add3A_405 = arith.addi %mul3A_374, %and3A_404 : vector<16xi32>
      %gather3A_406 = tpu.vector_load_idx %arg7[%add3A_405] : memref<8192xf32, #tpu.memory_space<vmem>>[vector<16xi32>], vector<16xf32>,
      %ge3A_407 = arith.cmpf oge, %gather3A_406, %neg3A_232 : vector<16xf32>
      %and3A_408 = arith.andi %ge3A_407, %lt3A_371 : vector<16xi1>
      %add3A_409 = arith.addi %mul3A_374, %and3A_404 : vector<16xi32>
      %convert_element_type3A_410 = arith.extui %and3A_408 : vector<16xi1> to vector<16xi32>
      %add3A_411 = arith.addi %add3A_398, %convert_element_type3A_410 : vector<16xi32>
      %add3A_412 = arith.constant 3 : i32
      %add3A_413 = vector.broadcast %add3A_412 : i32 to vector<16xi32>
      %add3A_414 = arith.addi %iota3A_197, %add3A_413 : vector<16xi32>
      %and3A_415 = arith.constant 15 : i32
      %and3A_416 = vector.broadcast %and3A_415 : i32 to vector<16xi32>
      %and3A_417 = arith.andi %add3A_414, %and3A_416 : vector<16xi32>
      %add3A_418 = arith.addi %mul3A_374, %and3A_417 : vector<16xi32>
      %gather3A_419 = tpu.vector_load_idx %arg7[%add3A_418] : memref<8192xf32, #tpu.memory_space<vmem>>[vector<16xi32>], vector<16xf32>,
      %ge3A_420 = arith.cmpf oge, %gather3A_419, %neg3A_232 : vector<16xf32>
      %and3A_421 = arith.andi %ge3A_420, %lt3A_371 : vector<16xi1>
      %add3A_422 = arith.addi %mul3A_374, %and3A_417 : vector<16xi32>
      %convert_element_type3A_423 = arith.extui %and3A_421 : vector<16xi1> to vector<16xi32>
      %add3A_424 = arith.addi %add3A_411, %convert_element_type3A_423 : vector<16xi32>
      %add3A_425 = arith.constant 4 : i32
      %add3A_426 = vector.broadcast %add3A_425 : i32 to vector<16xi32>
      %add3A_427 = arith.addi %iota3A_197, %add3A_426 : vector<16xi32>
      %and3A_428 = arith.constant 15 : i32
      %and3A_429 = vector.broadcast %and3A_428 : i32 to vector<16xi32>
      %and3A_430 = arith.andi %add3A_427, %and3A_429 : vector<16xi32>
      %add3A_431 = arith.addi %mul3A_374, %and3A_430 : vector<16xi32>
      %gather3A_432 = tpu.vector_load_idx %arg7[%add3A_431] : memref<8192xf32, #tpu.memory_space<vmem>>[vector<16xi32>], vector<16xf32>,
      %ge3A_433 = arith.cmpf oge, %gather3A_432, %neg3A_232 : vector<16xf32>
      %and3A_434 = arith.andi %ge3A_433, %lt3A_371 : vector<16xi1>
      %add3A_435 = arith.addi %mul3A_374, %and3A_430 : vector<16xi32>
      %convert_element_type3A_436 = arith.extui %and3A_434 : vector<16xi1> to vector<16xi32>
      %add3A_437 = arith.addi %add3A_424, %convert_element_type3A_436 : vector<16xi32>
      %add3A_438 = arith.constant 5 : i32
      %add3A_439 = vector.broadcast %add3A_438 : i32 to vector<16xi32>
      %add3A_440 = arith.addi %iota3A_197, %add3A_439 : vector<16xi32>
      %and3A_441 = arith.constant 15 : i32
      %and3A_442 = vector.broadcast %and3A_441 : i32 to vector<16xi32>
      %and3A_443 = arith.andi %add3A_440, %and3A_442 : vector<16xi32>
      %add3A_444 = arith.addi %mul3A_374, %and3A_443 : vector<16xi32>
      %gather3A_445 = tpu.vector_load_idx %arg7[%add3A_444] : memref<8192xf32, #tpu.memory_space<vmem>>[vector<16xi32>], vector<16xf32>,
      %ge3A_446 = arith.cmpf oge, %gather3A_445, %neg3A_232 : vector<16xf32>
      %and3A_447 = arith.andi %ge3A_446, %lt3A_371 : vector<16xi1>
      %add3A_448 = arith.addi %mul3A_374, %and3A_443 : vector<16xi32>
      %convert_element_type3A_449 = arith.extui %and3A_447 : vector<16xi1> to vector<16xi32>
      %add3A_450 = arith.addi %add3A_437, %convert_element_type3A_449 : vector<16xi32>
      %add3A_451 = arith.constant 6 : i32
      %add3A_452 = vector.broadcast %add3A_451 : i32 to vector<16xi32>
      %add3A_453 = arith.addi %iota3A_197, %add3A_452 : vector<16xi32>
      %and3A_454 = arith.constant 15 : i32
      %and3A_455 = vector.broadcast %and3A_454 : i32 to vector<16xi32>
      %and3A_456 = arith.andi %add3A_453, %and3A_455 : vector<16xi32>
      %add3A_457 = arith.addi %mul3A_374, %and3A_456 : vector<16xi32>
      %gather3A_458 = tpu.vector_load_idx %arg7[%add3A_457] : memref<8192xf32, #tpu.memory_space<vmem>>[vector<16xi32>], vector<16xf32>,
      %ge3A_459 = arith.cmpf oge, %gather3A_458, %neg3A_232 : vector<16xf32>
      %and3A_460 = arith.andi %ge3A_459, %lt3A_371 : vector<16xi1>
      %add3A_461 = arith.addi %mul3A_374, %and3A_456 : vector<16xi32>
      %convert_element_type3A_462 = arith.extui %and3A_460 : vector<16xi1> to vector<16xi32>
      %add3A_463 = arith.addi %add3A_450, %convert_element_type3A_462 : vector<16xi32>
      %add3A_464 = arith.constant 7 : i32
      %add3A_465 = vector.broadcast %add3A_464 : i32 to vector<16xi32>
      %add3A_466 = arith.addi %iota3A_197, %add3A_465 : vector<16xi32>
      %and3A_467 = arith.constant 15 : i32
      %and3A_468 = vector.broadcast %and3A_467 : i32 to vector<16xi32>
      %and3A_469 = arith.andi %add3A_466, %and3A_468 : vector<16xi32>
      %add3A_470 = arith.addi %mul3A_374, %and3A_469 : vector<16xi32>
      %gather3A_471 = tpu.vector_load_idx %arg7[%add3A_470] : memref<8192xf32, #tpu.memory_space<vmem>>[vector<16xi32>], vector<16xf32>,
      %ge3A_472 = arith.cmpf oge, %gather3A_471, %neg3A_232 : vector<16xf32>
      %and3A_473 = arith.andi %ge3A_472, %lt3A_371 : vector<16xi1>
      %add3A_474 = arith.addi %mul3A_374, %and3A_469 : vector<16xi32>
      %convert_element_type3A_475 = arith.extui %and3A_473 : vector<16xi1> to vector<16xi32>
      %add3A_476 = arith.addi %add3A_463, %convert_element_type3A_475 : vector<16xi32>
      %add3A_477 = arith.constant 8 : i32
      %add3A_478 = vector.broadcast %add3A_477 : i32 to vector<16xi32>
      %add3A_479 = arith.addi %iota3A_197, %add3A_478 : vector<16xi32>
      %and3A_480 = arith.constant 15 : i32
      %and3A_481 = vector.broadcast %and3A_480 : i32 to vector<16xi32>
      %and3A_482 = arith.andi %add3A_479, %and3A_481 : vector<16xi32>
      %add3A_483 = arith.addi %mul3A_374, %and3A_482 : vector<16xi32>
      %gather3A_484 = tpu.vector_load_idx %arg7[%add3A_483] : memref<8192xf32, #tpu.memory_space<vmem>>[vector<16xi32>], vector<16xf32>,
      %ge3A_485 = arith.cmpf oge, %gather3A_484, %neg3A_232 : vector<16xf32>
      %and3A_486 = arith.andi %ge3A_485, %lt3A_371 : vector<16xi1>
      %add3A_487 = arith.addi %mul3A_374, %and3A_482 : vector<16xi32>
      %convert_element_type3A_488 = arith.extui %and3A_486 : vector<16xi1> to vector<16xi32>
      %add3A_489 = arith.addi %add3A_476, %convert_element_type3A_488 : vector<16xi32>
      %add3A_490 = arith.constant 9 : i32
      %add3A_491 = vector.broadcast %add3A_490 : i32 to vector<16xi32>
      %add3A_492 = arith.addi %iota3A_197, %add3A_491 : vector<16xi32>
      %and3A_493 = arith.constant 15 : i32
      %and3A_494 = vector.broadcast %and3A_493 : i32 to vector<16xi32>
      %and3A_495 = arith.andi %add3A_492, %and3A_494 : vector<16xi32>
      %add3A_496 = arith.addi %mul3A_374, %and3A_495 : vector<16xi32>
      %gather3A_497 = tpu.vector_load_idx %arg7[%add3A_496] : memref<8192xf32, #tpu.memory_space<vmem>>[vector<16xi32>], vector<16xf32>,
      %ge3A_498 = arith.cmpf oge, %gather3A_497, %neg3A_232 : vector<16xf32>
      %and3A_499 = arith.andi %ge3A_498, %lt3A_371 : vector<16xi1>
      %add3A_500 = arith.addi %mul3A_374, %and3A_495 : vector<16xi32>
      %convert_element_type3A_501 = arith.extui %and3A_499 : vector<16xi1> to vector<16xi32>
      %add3A_502 = arith.addi %add3A_489, %convert_element_type3A_501 : vector<16xi32>
      %add3A_503 = arith.constant 10 : i32
      %add3A_504 = vector.broadcast %add3A_503 : i32 to vector<16xi32>
      %add3A_505 = arith.addi %iota3A_197, %add3A_504 : vector<16xi32>
      %and3A_506 = arith.constant 15 : i32
      %and3A_507 = vector.broadcast %and3A_506 : i32 to vector<16xi32>
      %and3A_508 = arith.andi %add3A_505, %and3A_507 : vector<16xi32>
      %add3A_509 = arith.addi %mul3A_374, %and3A_508 : vector<16xi32>
      %gather3A_510 = tpu.vector_load_idx %arg7[%add3A_509] : memref<8192xf32, #tpu.memory_space<vmem>>[vector<16xi32>], vector<16xf32>,
      %ge3A_511 = arith.cmpf oge, %gather3A_510, %neg3A_232 : vector<16xf32>
      %and3A_512 = arith.andi %ge3A_511, %lt3A_371 : vector<16xi1>
      %add3A_513 = arith.addi %mul3A_374, %and3A_508 : vector<16xi32>
      %convert_element_type3A_514 = arith.extui %and3A_512 : vector<16xi1> to vector<16xi32>
      %add3A_515 = arith.addi %add3A_502, %convert_element_type3A_514 : vector<16xi32>
      %add3A_516 = arith.constant 11 : i32
      %add3A_517 = vector.broadcast %add3A_516 : i32 to vector<16xi32>
      %add3A_518 = arith.addi %iota3A_197, %add3A_517 : vector<16xi32>
      %and3A_519 = arith.constant 15 : i32
      %and3A_520 = vector.broadcast %and3A_519 : i32 to vector<16xi32>
      %and3A_521 = arith.andi %add3A_518, %and3A_520 : vector<16xi32>
      %add3A_522 = arith.addi %mul3A_374, %and3A_521 : vector<16xi32>
      %gather3A_523 = tpu.vector_load_idx %arg7[%add3A_522] : memref<8192xf32, #tpu.memory_space<vmem>>[vector<16xi32>], vector<16xf32>,
      %ge3A_524 = arith.cmpf oge, %gather3A_523, %neg3A_232 : vector<16xf32>
      %and3A_525 = arith.andi %ge3A_524, %lt3A_371 : vector<16xi1>
      %add3A_526 = arith.addi %mul3A_374, %and3A_521 : vector<16xi32>
      %convert_element_type3A_527 = arith.extui %and3A_525 : vector<16xi1> to vector<16xi32>
      %add3A_528 = arith.addi %add3A_515, %convert_element_type3A_527 : vector<16xi32>
      %add3A_529 = arith.constant 12 : i32
      %add3A_530 = vector.broadcast %add3A_529 : i32 to vector<16xi32>
      %add3A_531 = arith.addi %iota3A_197, %add3A_530 : vector<16xi32>
      %and3A_532 = arith.constant 15 : i32
      %and3A_533 = vector.broadcast %and3A_532 : i32 to vector<16xi32>
      %and3A_534 = arith.andi %add3A_531, %and3A_533 : vector<16xi32>
      %add3A_535 = arith.addi %mul3A_374, %and3A_534 : vector<16xi32>
      %gather3A_536 = tpu.vector_load_idx %arg7[%add3A_535] : memref<8192xf32, #tpu.memory_space<vmem>>[vector<16xi32>], vector<16xf32>,
      %ge3A_537 = arith.cmpf oge, %gather3A_536, %neg3A_232 : vector<16xf32>
      %and3A_538 = arith.andi %ge3A_537, %lt3A_371 : vector<16xi1>
      %add3A_539 = arith.addi %mul3A_374, %and3A_534 : vector<16xi32>
      %convert_element_type3A_540 = arith.extui %and3A_538 : vector<16xi1> to vector<16xi32>
      %add3A_541 = arith.addi %add3A_528, %convert_element_type3A_540 : vector<16xi32>
      %add3A_542 = arith.constant 13 : i32
      %add3A_543 = vector.broadcast %add3A_542 : i32 to vector<16xi32>
      %add3A_544 = arith.addi %iota3A_197, %add3A_543 : vector<16xi32>
      %and3A_545 = arith.constant 15 : i32
      %and3A_546 = vector.broadcast %and3A_545 : i32 to vector<16xi32>
      %and3A_547 = arith.andi %add3A_544, %and3A_546 : vector<16xi32>
      %add3A_548 = arith.addi %mul3A_374, %and3A_547 : vector<16xi32>
      %gather3A_549 = tpu.vector_load_idx %arg7[%add3A_548] : memref<8192xf32, #tpu.memory_space<vmem>>[vector<16xi32>], vector<16xf32>,
      %ge3A_550 = arith.cmpf oge, %gather3A_549, %neg3A_232 : vector<16xf32>
      %and3A_551 = arith.andi %ge3A_550, %lt3A_371 : vector<16xi1>
      %add3A_552 = arith.addi %mul3A_374, %and3A_547 : vector<16xi32>
      %convert_element_type3A_553 = arith.extui %and3A_551 : vector<16xi1> to vector<16xi32>
      %add3A_554 = arith.addi %add3A_541, %convert_element_type3A_553 : vector<16xi32>
      %add3A_555 = arith.constant 14 : i32
      %add3A_556 = vector.broadcast %add3A_555 : i32 to vector<16xi32>
      %add3A_557 = arith.addi %iota3A_197, %add3A_556 : vector<16xi32>
      %and3A_558 = arith.constant 15 : i32
      %and3A_559 = vector.broadcast %and3A_558 : i32 to vector<16xi32>
      %and3A_560 = arith.andi %add3A_557, %and3A_559 : vector<16xi32>
      %add3A_561 = arith.addi %mul3A_374, %and3A_560 : vector<16xi32>
      %gather3A_562 = tpu.vector_load_idx %arg7[%add3A_561] : memref<8192xf32, #tpu.memory_space<vmem>>[vector<16xi32>], vector<16xf32>,
      %ge3A_563 = arith.cmpf oge, %gather3A_562, %neg3A_232 : vector<16xf32>
      %and3A_564 = arith.andi %ge3A_563, %lt3A_371 : vector<16xi1>
      %add3A_565 = arith.addi %mul3A_374, %and3A_560 : vector<16xi32>
      %convert_element_type3A_566 = arith.extui %and3A_564 : vector<16xi1> to vector<16xi32>
      %add3A_567 = arith.addi %add3A_554, %convert_element_type3A_566 : vector<16xi32>
      %add3A_568 = arith.constant 15 : i32
      %add3A_569 = vector.broadcast %add3A_568 : i32 to vector<16xi32>
      %add3A_570 = arith.addi %iota3A_197, %add3A_569 : vector<16xi32>
      %and3A_571 = arith.constant 15 : i32
      %and3A_572 = vector.broadcast %and3A_571 : i32 to vector<16xi32>
      %and3A_573 = arith.andi %add3A_570, %and3A_572 : vector<16xi32>
      %add3A_574 = arith.addi %mul3A_374, %and3A_573 : vector<16xi32>
      %gather3A_575 = tpu.vector_load_idx %arg7[%add3A_574] : memref<8192xf32, #tpu.memory_space<vmem>>[vector<16xi32>], vector<16xf32>,
      %ge3A_576 = arith.cmpf oge, %gather3A_575, %neg3A_232 : vector<16xf32>
      %and3A_577 = arith.andi %ge3A_576, %lt3A_371 : vector<16xi1>
      %add3A_578 = arith.addi %mul3A_374, %and3A_573 : vector<16xi32>
      %convert_element_type3A_579 = arith.extui %and3A_577 : vector<16xi1> to vector<16xi32>
      %add3A_580 = arith.addi %add3A_567, %convert_element_type3A_579 : vector<16xi32>
      %broadcast_in_dim3A_581 = arith.constant true
      %broadcast_in_dim3A_582 = vector.broadcast %broadcast_in_dim3A_581 : i1 to vector<16xi1>
      %masked_cumsum3A = tpu.scan <sum>, %add3A_580 masked %broadcast_in_dim3A_582 : vector<16xi32>, vector<16xi1> -> vector<16xi32>
      %sub3A_583 = arith.subi %masked_cumsum3A, %add3A_580 : vector<16xi32>
      %add3A_584 = arith.addi %while3A_362, %sub3A_583 : vector<16xi32>
      %add3A_585 = arith.addi %add3A_584, %broadcast_in_dim3A_199 : vector<16xi32>
      tpu.vector_store_idx %arg9[%add3A_585], %gather3A_382 masked %and3A_383 : memref<8208xf32, #tpu.memory_space<vmem>>[vector<16xi32>], vector<16xf32>, vector<16xi1>
      tpu.vector_store_idx %arg10[%add3A_585], %add3A_384 masked %and3A_383 : memref<8208xi32, #tpu.memory_space<vmem>>[vector<16xi32>], vector<16xi32>, vector<16xi1>
      %convert_element_type3A_586 = arith.extui %and3A_383 : vector<16xi1> to vector<16xi32>
      %add3A_587 = arith.addi %broadcast_in_dim3A_199, %convert_element_type3A_586 : vector<16xi32>
      %add3A_588 = arith.addi %add3A_584, %add3A_587 : vector<16xi32>
      tpu.vector_store_idx %arg9[%add3A_588], %gather3A_393 masked %and3A_395 : memref<8208xf32, #tpu.memory_space<vmem>>[vector<16xi32>], vector<16xf32>, vector<16xi1>
      tpu.vector_store_idx %arg10[%add3A_588], %add3A_396 masked %and3A_395 : memref<8208xi32, #tpu.memory_space<vmem>>[vector<16xi32>], vector<16xi32>, vector<16xi1>
      %convert_element_type3A_589 = arith.extui %and3A_395 : vector<16xi1> to vector<16xi32>
      %add3A_590 = arith.addi %add3A_587, %convert_element_type3A_589 : vector<16xi32>
      %add3A_591 = arith.addi %add3A_584, %add3A_590 : vector<16xi32>
      tpu.vector_store_idx %arg9[%add3A_591], %gather3A_406 masked %and3A_408 : memref<8208xf32, #tpu.memory_space<vmem>>[vector<16xi32>], vector<16xf32>, vector<16xi1>
      tpu.vector_store_idx %arg10[%add3A_591], %add3A_409 masked %and3A_408 : memref<8208xi32, #tpu.memory_space<vmem>>[vector<16xi32>], vector<16xi32>, vector<16xi1>
      %convert_element_type3A_592 = arith.extui %and3A_408 : vector<16xi1> to vector<16xi32>
      %add3A_593 = arith.addi %add3A_590, %convert_element_type3A_592 : vector<16xi32>
      %add3A_594 = arith.addi %add3A_584, %add3A_593 : vector<16xi32>
      tpu.vector_store_idx %arg9[%add3A_594], %gather3A_419 masked %and3A_421 : memref<8208xf32, #tpu.memory_space<vmem>>[vector<16xi32>], vector<16xf32>, vector<16xi1>
      tpu.vector_store_idx %arg10[%add3A_594], %add3A_422 masked %and3A_421 : memref<8208xi32, #tpu.memory_space<vmem>>[vector<16xi32>], vector<16xi32>, vector<16xi1>
      %convert_element_type3A_595 = arith.extui %and3A_421 : vector<16xi1> to vector<16xi32>
      %add3A_596 = arith.addi %add3A_593, %convert_element_type3A_595 : vector<16xi32>
      %add3A_597 = arith.addi %add3A_584, %add3A_596 : vector<16xi32>
      tpu.vector_store_idx %arg9[%add3A_597], %gather3A_432 masked %and3A_434 : memref<8208xf32, #tpu.memory_space<vmem>>[vector<16xi32>], vector<16xf32>, vector<16xi1>
      tpu.vector_store_idx %arg10[%add3A_597], %add3A_435 masked %and3A_434 : memref<8208xi32, #tpu.memory_space<vmem>>[vector<16xi32>], vector<16xi32>, vector<16xi1>
      %convert_element_type3A_598 = arith.extui %and3A_434 : vector<16xi1> to vector<16xi32>
      %add3A_599 = arith.addi %add3A_596, %convert_element_type3A_598 : vector<16xi32>
      %add3A_600 = arith.addi %add3A_584, %add3A_599 : vector<16xi32>
      tpu.vector_store_idx %arg9[%add3A_600], %gather3A_445 masked %and3A_447 : memref<8208xf32, #tpu.memory_space<vmem>>[vector<16xi32>], vector<16xf32>, vector<16xi1>
      tpu.vector_store_idx %arg10[%add3A_600], %add3A_448 masked %and3A_447 : memref<8208xi32, #tpu.memory_space<vmem>>[vector<16xi32>], vector<16xi32>, vector<16xi1>
      %convert_element_type3A_601 = arith.extui %and3A_447 : vector<16xi1> to vector<16xi32>
      %add3A_602 = arith.addi %add3A_599, %convert_element_type3A_601 : vector<16xi32>
      %add3A_603 = arith.addi %add3A_584, %add3A_602 : vector<16xi32>
      tpu.vector_store_idx %arg9[%add3A_603], %gather3A_458 masked %and3A_460 : memref<8208xf32, #tpu.memory_space<vmem>>[vector<16xi32>], vector<16xf32>, vector<16xi1>
      tpu.vector_store_idx %arg10[%add3A_603], %add3A_461 masked %and3A_460 : memref<8208xi32, #tpu.memory_space<vmem>>[vector<16xi32>], vector<16xi32>, vector<16xi1>
      %convert_element_type3A_604 = arith.extui %and3A_460 : vector<16xi1> to vector<16xi32>
      %add3A_605 = arith.addi %add3A_602, %convert_element_type3A_604 : vector<16xi32>
      %add3A_606 = arith.addi %add3A_584, %add3A_605 : vector<16xi32>
      tpu.vector_store_idx %arg9[%add3A_606], %gather3A_471 masked %and3A_473 : memref<8208xf32, #tpu.memory_space<vmem>>[vector<16xi32>], vector<16xf32>, vector<16xi1>
      tpu.vector_store_idx %arg10[%add3A_606], %add3A_474 masked %and3A_473 : memref<8208xi32, #tpu.memory_space<vmem>>[vector<16xi32>], vector<16xi32>, vector<16xi1>
      %convert_element_type3A_607 = arith.extui %and3A_473 : vector<16xi1> to vector<16xi32>
      %add3A_608 = arith.addi %add3A_605, %convert_element_type3A_607 : vector<16xi32>
      %add3A_609 = arith.addi %add3A_584, %add3A_608 : vector<16xi32>
      tpu.vector_store_idx %arg9[%add3A_609], %gather3A_484 masked %and3A_486 : memref<8208xf32, #tpu.memory_space<vmem>>[vector<16xi32>], vector<16xf32>, vector<16xi1>
      tpu.vector_store_idx %arg10[%add3A_609], %add3A_487 masked %and3A_486 : memref<8208xi32, #tpu.memory_space<vmem>>[vector<16xi32>], vector<16xi32>, vector<16xi1>
      %convert_element_type3A_610 = arith.extui %and3A_486 : vector<16xi1> to vector<16xi32>
      %add3A_611 = arith.addi %add3A_608, %convert_element_type3A_610 : vector<16xi32>
      %add3A_612 = arith.addi %add3A_584, %add3A_611 : vector<16xi32>
      tpu.vector_store_idx %arg9[%add3A_612], %gather3A_497 masked %and3A_499 : memref<8208xf32, #tpu.memory_space<vmem>>[vector<16xi32>], vector<16xf32>, vector<16xi1>
      tpu.vector_store_idx %arg10[%add3A_612], %add3A_500 masked %and3A_499 : memref<8208xi32, #tpu.memory_space<vmem>>[vector<16xi32>], vector<16xi32>, vector<16xi1>
      %convert_element_type3A_613 = arith.extui %and3A_499 : vector<16xi1> to vector<16xi32>
      %add3A_614 = arith.addi %add3A_611, %convert_element_type3A_613 : vector<16xi32>
      %add3A_615 = arith.addi %add3A_584, %add3A_614 : vector<16xi32>
      tpu.vector_store_idx %arg9[%add3A_615], %gather3A_510 masked %and3A_512 : memref<8208xf32, #tpu.memory_space<vmem>>[vector<16xi32>], vector<16xf32>, vector<16xi1>
      tpu.vector_store_idx %arg10[%add3A_615], %add3A_513 masked %and3A_512 : memref<8208xi32, #tpu.memory_space<vmem>>[vector<16xi32>], vector<16xi32>, vector<16xi1>
      %convert_element_type3A_616 = arith.extui %and3A_512 : vector<16xi1> to vector<16xi32>
      %add3A_617 = arith.addi %add3A_614, %convert_element_type3A_616 : vector<16xi32>
      %add3A_618 = arith.addi %add3A_584, %add3A_617 : vector<16xi32>
      tpu.vector_store_idx %arg9[%add3A_618], %gather3A_523 masked %and3A_525 : memref<8208xf32, #tpu.memory_space<vmem>>[vector<16xi32>], vector<16xf32>, vector<16xi1>
      tpu.vector_store_idx %arg10[%add3A_618], %add3A_526 masked %and3A_525 : memref<8208xi32, #tpu.memory_space<vmem>>[vector<16xi32>], vector<16xi32>, vector<16xi1>
      %convert_element_type3A_619 = arith.extui %and3A_525 : vector<16xi1> to vector<16xi32>
      %add3A_620 = arith.addi %add3A_617, %convert_element_type3A_619 : vector<16xi32>
      %add3A_621 = arith.addi %add3A_584, %add3A_620 : vector<16xi32>
      tpu.vector_store_idx %arg9[%add3A_621], %gather3A_536 masked %and3A_538 : memref<8208xf32, #tpu.memory_space<vmem>>[vector<16xi32>], vector<16xf32>, vector<16xi1>
      tpu.vector_store_idx %arg10[%add3A_621], %add3A_539 masked %and3A_538 : memref<8208xi32, #tpu.memory_space<vmem>>[vector<16xi32>], vector<16xi32>, vector<16xi1>
      %convert_element_type3A_622 = arith.extui %and3A_538 : vector<16xi1> to vector<16xi32>
      %add3A_623 = arith.addi %add3A_620, %convert_element_type3A_622 : vector<16xi32>
      %add3A_624 = arith.addi %add3A_584, %add3A_623 : vector<16xi32>
      tpu.vector_store_idx %arg9[%add3A_624], %gather3A_549 masked %and3A_551 : memref<8208xf32, #tpu.memory_space<vmem>>[vector<16xi32>], vector<16xf32>, vector<16xi1>
      tpu.vector_store_idx %arg10[%add3A_624], %add3A_552 masked %and3A_551 : memref<8208xi32, #tpu.memory_space<vmem>>[vector<16xi32>], vector<16xi32>, vector<16xi1>
      %convert_element_type3A_625 = arith.extui %and3A_551 : vector<16xi1> to vector<16xi32>
      %add3A_626 = arith.addi %add3A_623, %convert_element_type3A_625 : vector<16xi32>
      %add3A_627 = arith.addi %add3A_584, %add3A_626 : vector<16xi32>
      tpu.vector_store_idx %arg9[%add3A_627], %gather3A_562 masked %and3A_564 : memref<8208xf32, #tpu.memory_space<vmem>>[vector<16xi32>], vector<16xf32>, vector<16xi1>
      tpu.vector_store_idx %arg10[%add3A_627], %add3A_565 masked %and3A_564 : memref<8208xi32, #tpu.memory_space<vmem>>[vector<16xi32>], vector<16xi32>, vector<16xi1>
      %convert_element_type3A_628 = arith.extui %and3A_564 : vector<16xi1> to vector<16xi32>
      %add3A_629 = arith.addi %add3A_626, %convert_element_type3A_628 : vector<16xi32>
      %add3A_630 = arith.addi %add3A_584, %add3A_629 : vector<16xi32>
      tpu.vector_store_idx %arg9[%add3A_630], %gather3A_575 masked %and3A_577 : memref<8208xf32, #tpu.memory_space<vmem>>[vector<16xi32>], vector<16xf32>, vector<16xi1>
      tpu.vector_store_idx %arg10[%add3A_630], %add3A_578 masked %and3A_577 : memref<8208xi32, #tpu.memory_space<vmem>>[vector<16xi32>], vector<16xi32>, vector<16xi1>
      %convert_element_type3A_631 = arith.extui %and3A_577 : vector<16xi1> to vector<16xi32>
      %add3A_632 = arith.addi %add3A_629, %convert_element_type3A_631 : vector<16xi32>
      %broadcast_in_dim3A_633 = arith.constant 15 : i32
      %broadcast_in_dim3A_634 = vector.broadcast %broadcast_in_dim3A_633 : i32 to vector<16xi32>
      %broadcast_in_dim3A_635 = vector.shape_cast %broadcast_in_dim3A_634 : vector<16xi32> to vector<16x1xi32>
      %gather3A_636 = vector.shape_cast %broadcast_in_dim3A_635 : vector<16x1xi32> to vector<16xi32>
      %gather3A_637 = tpu.dynamic_gather %masked_cumsum3A[%gather3A_636] in [0] : vector<16xi32>, vector<16xi32> -> vector<16xi32>
      %add3A_638 = arith.addi %while3A_362, %gather3A_637 : vector<16xi32>
      scf.yield %add3A_638 : vector<16xi32>
    }
    %slice3A_280 = vector.extract_strided_slice %while3A_279 {offsets = [0], sizes = [1], strides = [1]} : vector<16xi32> to vector<1xi32>
    %squeeze3A_281 = vector.extract %slice3A_280[0] : i32 from vector<1xi32>
    %add3A_282 = arith.addi %while3A_279, %iota3A_197 : vector<16xi32>
    tpu.vector_store_idx %arg9[%add3A_282], %broadcast_in_dim3A_201 : memref<8208xf32, #tpu.memory_space<vmem>>[vector<16xi32>], vector<16xf32>,
    %add3A_283 = arith.addi %while3A_279, %iota3A_197 : vector<16xi32>
    tpu.vector_store_idx %arg10[%add3A_283], %broadcast_in_dim3A_199 : memref<8208xi32, #tpu.memory_space<vmem>>[vector<16xi32>], vector<16xi32>,
    %add3A_284 = arith.constant 15 : i32
    %add3A_285 = arith.addi %squeeze3A_281, %add3A_284 : i32
    %jit3A_286 = arith.constant 16 : i32
    %div3A_287 = arith.divsi %add3A_285, %jit3A_286 : i32
    %sign3A_288 = arith.constant 0 : i32
    %sign3A_289 = arith.cmpi sgt, %add3A_285, %sign3A_288 : i32
    %sign3A_290 = arith.extui %sign3A_289 : i1 to i32
    %sign3A_291 = arith.constant 0 : i32
    %sign3A_292 = arith.cmpi slt, %add3A_285, %sign3A_291 : i32
    %sign3A_293 = arith.extui %sign3A_292 : i1 to i32
    %sign3A_294 = arith.subi %sign3A_290, %sign3A_293 : i32
    %sign3A_295 = arith.constant 0 : i32
    %sign3A_296 = arith.cmpi sgt, %jit3A_286, %sign3A_295 : i32
    %sign3A_297 = arith.extui %sign3A_296 : i1 to i32
    %sign3A_298 = arith.constant 0 : i32
    %sign3A_299 = arith.cmpi slt, %jit3A_286, %sign3A_298 : i32
    %sign3A_300 = arith.extui %sign3A_299 : i1 to i32
    %sign3A_301 = arith.subi %sign3A_297, %sign3A_300 : i32
    %ne3A_302 = arith.cmpi ne, %sign3A_294, %sign3A_301 : i32
    %rem3A_303 = arith.remsi %add3A_285, %jit3A_286 : i32
    %ne3A_304 = arith.constant 0 : i32
    %ne3A_305 = arith.cmpi ne, %rem3A_303, %ne3A_304 : i32
    %and3A_306 = arith.andi %ne3A_302, %ne3A_305 : i1
    %sub3A_307 = arith.constant 1 : i32
    %sub3A_308 = arith.subi %div3A_287, %sub3A_307 : i32
    %select_n3A_309 = arith.select %and3A_306, %sub3A_308, %div3A_287 : i32
    %while3A_310 = arith.constant 0 : i32
    %while3A_311 = arith.subi %select_n3A_309, %while3A_310 : i32
    %while3A_312 = arith.addi %while3A_310, %while3A_311 : i32
    %while3A_313 = arith.constant 1 : i32
    %while3A_314 = arith.divsi %while3A_311, %while3A_313 : i32
    %while3A_315 = arith.muli %while3A_314, %while3A_313 : i32
    %while3A_316 = arith.addi %while3A_310, %while3A_315 : i32
    %while3A_317 = arith.constant 1 : i32
    %while3A_318 = scf.for %while3A_361 = %while3A_310 to %while3A_316 step %while3A_317 iter_args(%while3A_362 = %broadcast_in_dim3A_201) -> (vector<16xf32>)  : i32 {
      %mul3A_363 = arith.constant 16 : i32
      %mul3A_364 = arith.muli %while3A_361, %mul3A_363 : i32
      %get3A = arith.index_cast %mul3A_364 : i32 to index
      %get3A_365 = tpu.vector_load %arg9[%get3A] {strides = array<i32>} : memref<8208xf32, #tpu.memory_space<vmem>>, vector<16xf32>,
      %masked_sort3A = arith.constant dense<true> : vector<16xi1>
      %masked_sort3A_366, %masked_sort3A_367, %masked_sort3A_368 = tpu.sort %get3A_365, %get3A_365 masked %masked_sort3A {descending = true} : (vector<16xf32>, vector<16xf32>, vector<16xi1>) -> (vector<16xi1>, vector<16xf32>, vector<16xf32>)
      %max3A_369 = arith.maximumf %while3A_362, %masked_sort3A_367 : vector<16xf32>
      %masked_sort3A_370 = arith.constant dense<true> : vector<16xi1>
      %masked_sort3A_371, %masked_sort3A_372, %masked_sort3A_373 = tpu.sort %max3A_369, %max3A_369 masked %masked_sort3A_370 : (vector<16xf32>, vector<16xf32>, vector<16xi1>) -> (vector<16xi1>, vector<16xf32>, vector<16xf32>)
      scf.yield %masked_sort3A_372 : vector<16xf32>
    }
    %while3A_319 = arith.constant 1 : i32
    %while3A_320 = scf.for %while3A_361 = %while3A_316 to %while3A_312 step %while3A_319 iter_args(%while3A_362 = %while3A_318) -> (vector<16xf32>)  : i32 {
      %mul3A_363 = arith.constant 16 : i32
      %mul3A_364 = arith.muli %while3A_361, %mul3A_363 : i32
      %get3A = arith.index_cast %mul3A_364 : i32 to index
      %get3A_365 = tpu.vector_load %arg9[%get3A] {strides = array<i32>} : memref<8208xf32, #tpu.memory_space<vmem>>, vector<16xf32>,
      %masked_sort3A = arith.constant dense<true> : vector<16xi1>
      %masked_sort3A_366, %masked_sort3A_367, %masked_sort3A_368 = tpu.sort %get3A_365, %get3A_365 masked %masked_sort3A {descending = true} : (vector<16xf32>, vector<16xf32>, vector<16xi1>) -> (vector<16xi1>, vector<16xf32>, vector<16xf32>)
      %max3A_369 = arith.maximumf %while3A_362, %masked_sort3A_367 : vector<16xf32>
      %masked_sort3A_370 = arith.constant dense<true> : vector<16xi1>
      %masked_sort3A_371, %masked_sort3A_372, %masked_sort3A_373 = tpu.sort %max3A_369, %max3A_369 masked %masked_sort3A_370 : (vector<16xf32>, vector<16xf32>, vector<16xi1>) -> (vector<16xi1>, vector<16xf32>, vector<16xf32>)
      scf.yield %masked_sort3A_372 : vector<16xf32>
    }
    %broadcast_in_dim3A_321 = arith.constant 0 : i32
    %broadcast_in_dim3A_322 = vector.broadcast %broadcast_in_dim3A_321 : i32 to vector<16xi32>
    %broadcast_in_dim3A_323 = vector.shape_cast %broadcast_in_dim3A_322 : vector<16xi32> to vector<16x1xi32>
    %gather3A_324 = vector.shape_cast %broadcast_in_dim3A_323 : vector<16x1xi32> to vector<16xi32>
    %gather3A_325 = tpu.dynamic_gather %while3A_320[%gather3A_324] in [0] : vector<16xf32>, vector<16xi32> -> vector<16xf32>
    %gt3A_326 = arith.cmpf ogt, %while3A_320, %gather3A_325 : vector<16xf32>
    %all_reduce_population_count3A_327 = tpu.all_reduce %gt3A_326 {dim = 0 : i64, kind = #tpu.reduction_kind<sum>} : vector<16xi1> -> vector<16xi32>
    %sub3A_328 = arith.constant 16 : i32
    %sub3A_329 = vector.broadcast %sub3A_328 : i32 to vector<16xi32>
    %sub3A_330 = arith.subi %sub3A_329, %all_reduce_population_count3A_327 : vector<16xi32>
    %broadcast_in_dim3A_331 = arith.constant 2147483647 : i32
    %broadcast_in_dim3A_332 = vector.broadcast %broadcast_in_dim3A_331 : i32 to vector<16xi32>
    %while3A_333 = arith.constant 0 : i32
    %while3A_334 = arith.subi %select_n3A_309, %while3A_333 : i32
    %while3A_335 = arith.addi %while3A_333, %while3A_334 : i32
    %while3A_336 = arith.constant 1 : i32
    %while3A_337 = arith.divsi %while3A_334, %while3A_336 : i32
    %while3A_338 = arith.muli %while3A_337, %while3A_336 : i32
    %while3A_339 = arith.addi %while3A_333, %while3A_338 : i32
    %while3A_340 = arith.constant 1 : i32
    %while3A_341:3 = scf.for %while3A_361 = %while3A_333 to %while3A_339 step %while3A_340 iter_args(%while3A_362 = %broadcast_in_dim3A_201, %while3A_363 = %broadcast_in_dim3A_332, %while3A_364 = %broadcast_in_dim3A_201) -> (vector<16xf32>, vector<16xi32>, vector<16xf32>)  : i32 {
      %mul3A_365 = arith.constant 16 : i32
      %mul3A_366 = arith.muli %while3A_361, %mul3A_365 : i32
      %get3A = arith.index_cast %mul3A_366 : i32 to index
      %get3A_367 = tpu.vector_load %arg9[%get3A] {strides = array<i32>} : memref<8208xf32, #tpu.memory_space<vmem>>, vector<16xf32>,
      %mul3A_368 = arith.constant 16 : i32
      %mul3A_369 = arith.muli %while3A_361, %mul3A_368 : i32
      %get3A_370 = arith.index_cast %mul3A_369 : i32 to index
      %get3A_371 = tpu.vector_load %arg10[%get3A_370] {strides = array<i32>} : memref<8208xi32, #tpu.memory_space<vmem>>, vector<16xi32>,
      %gather3A_372 = tpu.vector_load_idx %arg8[%get3A_371] : memref<8192xf32, #tpu.memory_space<vmem>>[vector<16xi32>], vector<16xf32>,
      %gt3A_373 = arith.cmpf ogt, %get3A_367, %gather3A_325 : vector<16xf32>
      %select_n3A_374 = arith.select %gt3A_373, %gather3A_372, %broadcast_in_dim3A_201 : vector<16xi1>, vector<16xf32>
      %max3A_375 = arith.maximumf %while3A_362, %select_n3A_374 : vector<16xf32>
      %eq3A_376 = arith.cmpf oeq, %get3A_367, %gather3A_325 : vector<16xf32>
      %select_n3A_377 = arith.select %eq3A_376, %get3A_371, %broadcast_in_dim3A_332 : vector<16xi1>, vector<16xi32>
      %select_n3A_378 = arith.select %eq3A_376, %gather3A_372, %broadcast_in_dim3A_201 : vector<16xi1>, vector<16xf32>
      %masked_sort3A = arith.constant dense<true> : vector<16xi1>
      %masked_sort3A_379 = arith.constant -2147483648 : i32
      %masked_sort3A_380 = vector.broadcast %masked_sort3A_379 : i32 to vector<16xi32>
      %masked_sort3A_381 = arith.xori %select_n3A_377, %masked_sort3A_380 : vector<16xi32>
      %masked_sort3A_382, %masked_sort3A_383, %masked_sort3A_384 = tpu.sort %masked_sort3A_381, %select_n3A_378 masked %masked_sort3A : (vector<16xi32>, vector<16xf32>, vector<16xi1>) -> (vector<16xi1>, vector<16xi32>, vector<16xf32>)
      %masked_sort3A_385 = arith.xori %masked_sort3A_383, %masked_sort3A_380 : vector<16xi32>
      %rev3A = arith.constant 15 : i32
      %rev3A_386 = vector.broadcast %rev3A : i32 to vector<16xi32>
      %rev3A_387 = tpu.iota {dimensions = array<i32: 0>} : vector<16xi32>
      %rev3A_388 = arith.subi %rev3A_386, %rev3A_387 : vector<16xi32>
      %rev3A_389 = tpu.dynamic_gather %masked_sort3A_385[%rev3A_388] in [0] : vector<16xi32>, vector<16xi32> -> vector<16xi32>
      %rev3A_390 = arith.constant 15 : i32
      %rev3A_391 = vector.broadcast %rev3A_390 : i32 to vector<16xi32>
      %rev3A_392 = tpu.iota {dimensions = array<i32: 0>} : vector<16xi32>
      %rev3A_393 = arith.subi %rev3A_391, %rev3A_392 : vector<16xi32>
      %rev3A_394 = tpu.dynamic_gather %masked_sort3A_384[%rev3A_393] in [0] : vector<16xf32>, vector<16xi32> -> vector<16xf32>
      %le3A = arith.cmpi sle, %while3A_363, %rev3A_389 : vector<16xi32>
      %select_n3A_395 = arith.select %le3A, %while3A_363, %rev3A_389 : vector<16xi1>, vector<16xi32>
      %select_n3A_396 = arith.select %le3A, %while3A_364, %rev3A_394 : vector<16xi1>, vector<16xf32>
      %masked_sort3A_397 = arith.constant dense<true> : vector<16xi1>
      %masked_sort3A_398 = arith.constant -2147483648 : i32
      %masked_sort3A_399 = vector.broadcast %masked_sort3A_398 : i32 to vector<16xi32>
      %masked_sort3A_400 = arith.xori %select_n3A_395, %masked_sort3A_399 : vector<16xi32>
      %masked_sort3A_401, %masked_sort3A_402, %masked_sort3A_403 = tpu.sort %masked_sort3A_400, %select_n3A_396 masked %masked_sort3A_397 : (vector<16xi32>, vector<16xf32>, vector<16xi1>) -> (vector<16xi1>, vector<16xi32>, vector<16xf32>)
      %masked_sort3A_404 = arith.xori %masked_sort3A_402, %masked_sort3A_399 : vector<16xi32>
      scf.yield %max3A_375, %masked_sort3A_404, %masked_sort3A_403 : vector<16xf32>, vector<16xi32>, vector<16xf32>
    }
    %while3A_342 = arith.constant 1 : i32
    %while3A_343:3 = scf.for %while3A_361 = %while3A_339 to %while3A_335 step %while3A_342 iter_args(%while3A_362 = %while3A_341#0, %while3A_363 = %while3A_341#1, %while3A_364 = %while3A_341#2) -> (vector<16xf32>, vector<16xi32>, vector<16xf32>)  : i32 {
      %mul3A_365 = arith.constant 16 : i32
      %mul3A_366 = arith.muli %while3A_361, %mul3A_365 : i32
      %get3A = arith.index_cast %mul3A_366 : i32 to index
      %get3A_367 = tpu.vector_load %arg9[%get3A] {strides = array<i32>} : memref<8208xf32, #tpu.memory_space<vmem>>, vector<16xf32>,
      %mul3A_368 = arith.constant 16 : i32
      %mul3A_369 = arith.muli %while3A_361, %mul3A_368 : i32
      %get3A_370 = arith.index_cast %mul3A_369 : i32 to index
      %get3A_371 = tpu.vector_load %arg10[%get3A_370] {strides = array<i32>} : memref<8208xi32, #tpu.memory_space<vmem>>, vector<16xi32>,
      %gather3A_372 = tpu.vector_load_idx %arg8[%get3A_371] : memref<8192xf32, #tpu.memory_space<vmem>>[vector<16xi32>], vector<16xf32>,
      %gt3A_373 = arith.cmpf ogt, %get3A_367, %gather3A_325 : vector<16xf32>
      %select_n3A_374 = arith.select %gt3A_373, %gather3A_372, %broadcast_in_dim3A_201 : vector<16xi1>, vector<16xf32>
      %max3A_375 = arith.maximumf %while3A_362, %select_n3A_374 : vector<16xf32>
      %eq3A_376 = arith.cmpf oeq, %get3A_367, %gather3A_325 : vector<16xf32>
      %select_n3A_377 = arith.select %eq3A_376, %get3A_371, %broadcast_in_dim3A_332 : vector<16xi1>, vector<16xi32>
      %select_n3A_378 = arith.select %eq3A_376, %gather3A_372, %broadcast_in_dim3A_201 : vector<16xi1>, vector<16xf32>
      %masked_sort3A = arith.constant dense<true> : vector<16xi1>
      %masked_sort3A_379 = arith.constant -2147483648 : i32
      %masked_sort3A_380 = vector.broadcast %masked_sort3A_379 : i32 to vector<16xi32>
      %masked_sort3A_381 = arith.xori %select_n3A_377, %masked_sort3A_380 : vector<16xi32>
      %masked_sort3A_382, %masked_sort3A_383, %masked_sort3A_384 = tpu.sort %masked_sort3A_381, %select_n3A_378 masked %masked_sort3A : (vector<16xi32>, vector<16xf32>, vector<16xi1>) -> (vector<16xi1>, vector<16xi32>, vector<16xf32>)
      %masked_sort3A_385 = arith.xori %masked_sort3A_383, %masked_sort3A_380 : vector<16xi32>
      %rev3A = arith.constant 15 : i32
      %rev3A_386 = vector.broadcast %rev3A : i32 to vector<16xi32>
      %rev3A_387 = tpu.iota {dimensions = array<i32: 0>} : vector<16xi32>
      %rev3A_388 = arith.subi %rev3A_386, %rev3A_387 : vector<16xi32>
      %rev3A_389 = tpu.dynamic_gather %masked_sort3A_385[%rev3A_388] in [0] : vector<16xi32>, vector<16xi32> -> vector<16xi32>
      %rev3A_390 = arith.constant 15 : i32
      %rev3A_391 = vector.broadcast %rev3A_390 : i32 to vector<16xi32>
      %rev3A_392 = tpu.iota {dimensions = array<i32: 0>} : vector<16xi32>
      %rev3A_393 = arith.subi %rev3A_391, %rev3A_392 : vector<16xi32>
      %rev3A_394 = tpu.dynamic_gather %masked_sort3A_384[%rev3A_393] in [0] : vector<16xf32>, vector<16xi32> -> vector<16xf32>
      %le3A = arith.cmpi sle, %while3A_363, %rev3A_389 : vector<16xi32>
      %select_n3A_395 = arith.select %le3A, %while3A_363, %rev3A_389 : vector<16xi1>, vector<16xi32>
      %select_n3A_396 = arith.select %le3A, %while3A_364, %rev3A_394 : vector<16xi1>, vector<16xf32>
      %masked_sort3A_397 = arith.constant dense<true> : vector<16xi1>
      %masked_sort3A_398 = arith.constant -2147483648 : i32
      %masked_sort3A_399 = vector.broadcast %masked_sort3A_398 : i32 to vector<16xi32>
      %masked_sort3A_400 = arith.xori %select_n3A_395, %masked_sort3A_399 : vector<16xi32>
      %masked_sort3A_401, %masked_sort3A_402, %masked_sort3A_403 = tpu.sort %masked_sort3A_400, %select_n3A_396 masked %masked_sort3A_397 : (vector<16xi32>, vector<16xf32>, vector<16xi1>) -> (vector<16xi1>, vector<16xi32>, vector<16xf32>)
      %masked_sort3A_404 = arith.xori %masked_sort3A_402, %masked_sort3A_399 : vector<16xi32>
      scf.yield %max3A_375, %masked_sort3A_404, %masked_sort3A_403 : vector<16xf32>, vector<16xi32>, vector<16xf32>
    }
    %lt3A_344 = arith.cmpi slt, %iota3A_197, %sub3A_330 : vector<16xi32>
    %select_n3A_345 = arith.select %lt3A_344, %while3A_343#2, %broadcast_in_dim3A_201 : vector<16xi1>, vector<16xf32>
    %max3A_346 = arith.maximumf %while3A_343#0, %select_n3A_345 : vector<16xf32>
    %broadcast_in_dim3A_347 = arith.constant true
    %broadcast_in_dim3A_348 = vector.broadcast %broadcast_in_dim3A_347 : i1 to vector<16xi1>
    %masked_cummax3A_349 = tpu.scan <max>, %max3A_346 masked %broadcast_in_dim3A_348 : vector<16xf32>, vector<16xi1> -> vector<16xf32>
    %broadcast_in_dim3A_350 = arith.constant 15 : i32
    %broadcast_in_dim3A_351 = vector.broadcast %broadcast_in_dim3A_350 : i32 to vector<16xi32>
    %broadcast_in_dim3A_352 = vector.shape_cast %broadcast_in_dim3A_351 : vector<16xi32> to vector<16x1xi32>
    %gather3A_353 = vector.shape_cast %broadcast_in_dim3A_352 : vector<16x1xi32> to vector<16xi32>
    %gather3A_354 = tpu.dynamic_gather %masked_cummax3A_349[%gather3A_353] in [0] : vector<16xf32>, vector<16xi32> -> vector<16xf32>
    %sub3A_355 = arith.subf %gather3A_218, %gather3A_354 : vector<16xf32>
    %eq3A_356 = arith.constant 1 : i32
    %eq3A_357 = vector.broadcast %eq3A_356 : i32 to vector<16xi32>
    %eq3A_358 = arith.cmpi eq, %iota3A, %eq3A_357 : vector<16xi32>
    %select_n3A_359 = arith.select %eq3A_358, %sub3A_355, %select_n3A_184 : vector<16xi1>, vector<16xf32>
    %swap3A = arith.constant 0 : index
    %swap3A_360 = tpu.vector_load %arg13[%swap3A] {strides = array<i32>} : memref<16xf32, #tpu.memory_space<vmem>>, vector<16xf32>,
    tpu.vector_store %arg13[%swap3A], %select_n3A_359 {strides = array<i32>} : memref<16xf32, #tpu.memory_space<vmem>>, vector<16xf32>,
    "tpu.region"() ({
      %run_scoped3A = tpu.sem_alloc : memref<!tpu.dma_semaphore, #tpu.memory_space<semaphore_mem>>
      %dma_start3A_361 = arith.constant 0 : i32
      %dma_start3A_362 = tpu.memref_slice %arg4[%add3A, %dma_start3A_361] : memref<32x16xf32, #tpu.memory_space<hbm>> -> memref<1x16xf32, #tpu.memory_space<hbm>>
      %dma_start3A_363 = tpu.memref_squeeze %dma_start3A_362 : memref<1x16xf32, #tpu.memory_space<hbm>> -> memref<16xf32, #tpu.memory_space<hbm>>
      %dma_start3A_364 = arith.constant 0 : i32
      %dma_start3A_365 = tpu.memref_slice %arg4[%add3A, %dma_start3A_364] : memref<32x16xf32, #tpu.memory_space<hbm>> -> memref<1x16xf32, #tpu.memory_space<hbm>>
      %dma_start3A_366 = tpu.memref_squeeze %dma_start3A_365 : memref<1x16xf32, #tpu.memory_space<hbm>> -> memref<16xf32, #tpu.memory_space<hbm>>
      tpu.enqueue_dma source(%arg13 : memref<16xf32, #tpu.memory_space<vmem>>) target(%dma_start3A_366 : memref<16xf32, #tpu.memory_space<hbm>>) target_semaphore(%run_scoped3A : memref<!tpu.dma_semaphore, #tpu.memory_space<semaphore_mem>>)
      %dma_wait3A_367 = arith.constant 0 : i32
      %dma_wait3A_368 = tpu.memref_slice %arg4[%add3A, %dma_wait3A_367] : memref<32x16xf32, #tpu.memory_space<hbm>> -> memref<1x16xf32, #tpu.memory_space<hbm>>
      %dma_wait3A_369 = tpu.memref_squeeze %dma_wait3A_368 : memref<1x16xf32, #tpu.memory_space<hbm>> -> memref<16xf32, #tpu.memory_space<hbm>>
      %dma_wait3A_370 = arith.constant 0 : i32
      %dma_wait3A_371 = tpu.memref_slice %arg4[%add3A, %dma_wait3A_370] : memref<32x16xf32, #tpu.memory_space<hbm>> -> memref<1x16xf32, #tpu.memory_space<hbm>>
      %dma_wait3A_372 = tpu.memref_squeeze %dma_wait3A_371 : memref<1x16xf32, #tpu.memory_space<hbm>> -> memref<16xf32, #tpu.memory_space<hbm>>
      tpu.wait_dma2 semaphore(%run_scoped3A : memref<!tpu.dma_semaphore, #tpu.memory_space<semaphore_mem>>) src(%arg13 : memref<16xf32, #tpu.memory_space<vmem>>) dst(%dma_wait3A_372 : memref<16xf32, #tpu.memory_space<hbm>>)
      tpu.yield
    }) : () -> ()
    return
  }
}

</mosaic_0001>

<sc_bundles>
// kernel: kernel.3.cloned.1.call-start
scs
__scs_entry_jumppad:
0x0: {  	(pc) =	sbr.rel $0x88, $3  }
0x1: {  	(tag) =	ssettag $0x0;
	lr =	simm.s32 $0x1  }
0x2: {  	[smem:$0x3F9F] =	sst lr;
	_ =	strace $0xD0000000  }
0x3: {  	_ = 	snop  }
0x4: {  	_ = 	snop  }
0x5: {  	_ = 	snop  }
0x6: {  	_ = 	snop  }
0x7: {  	_ = 	snop  }
__scs_overlays_trampoline_lowered:
0x8: {  	[smem:$0x3FAE] =	sst s0  }
0x9: {  	[smem:$0x3FAF] =	sst s1  }
0xa: {  	[smem:$0x3FB0] =	sst s2  }
0xb: {  	[smem:$0x3FB1] =	sst s3  }
0xc: {  	[smem:$0x3FB2] =	sst s4  }
0xd: {  	[smem:$0x3FB3] =	sst s5  }
0xe: {  	[smem:$0x3FB4] =	sst s6  }
0xf: {  	[smem:$0x3FB5] =	sst s7  }
0x10: {  	[smem:$0x3FB6] =	sst s8  }
0x11: {  	[smem:$0x3FB7] =	sst s9;
	s0 =	simm.s32 @!p0 $0x0  }
0x12: {  	s1 =	sld [smem:$0x3F9D];
	s0 =	simm.s32 @p0 $0x1  }
0x13: {  	[smem:$0x3FB8] =	sst s0;
	s0 =	simm.s32 @!p1 $0x0  }
0x14: {  	s2 =	sld [smem:$0x3F9C];
	s0 =	simm.s32 @p1 $0x1  }
0x15: {  	[smem:$0x3FB9] =	sst s0;
	s0 =	simm.s32 @!p2 $0x0  }
0x16: {  	s3 =	sld [smem:$0x3FDB];
	s0 =	simm.s32 @p2 $0x1  }
0x17: {  	s4 =	simm.s32 $0x1BF5;
	[smem:$0x3FBB] =	sst s0  }
0x18: {  	s0 =	sld [smem:$0x3F9E];
	_ =	swait.ge [sflag:s4], $0x0  }
0x19: {  	s7 =	sld [smem:$0x3F9F]  }
0x1a: {  	s8 =	sadd.s32 $0xFFFFE003, lr  }
0x1b: {  	s9 =	sadd.s32 $0xFFFFFEF7, lr;
	s5 =	simm.s32 $0xFFFFFFFF;
	p2 =	slt.u32 s8, $0xFFFFF086  }
0x1c: {  	p1 =	slt.u32 s9, $0xF7A;
	s5 =	simm.s32 @!p2 $0x0  }
0x1d: {  	s5 =	simm.s32 @p1 $0x1;
	p0 =	seq.s32 s7, s2  }
0x1e: {  	s7 =	smul.u32 @!p0 $0xF7A, s2;
	p2 =	seq.s32 @!p0 s5, $0x0  }
0x1f: {  	s9 =	smul.u32 $0xF7A, s1;
	s8 =	simm.s32 @!p0 $0x1BF5;
	p2 =	por !p2, p0  }
0x20: {  	[sflag:s8] =	ssyncset.s32 @!p0 $0xFFFFF086;
	s6 =	sadd.s32 @!p0 s3, s7;
	s7 =	simm.s32 @!p0 $0x108  }
0x21: {  	s3 =	sadd.s32 s3, s9;
	s6 =	sadd.s32 @!p0 $0x88, s6;
	s7 =	simm.s32 @p2 $0x1082  }
0x22: {  	[simem:s7], [sflag:s8] =	dma.local @!p0 [hbm:s6], $0xF7A  }
0x23: {  	s9 =	sor.u32 $0xD0000000, s2;
	s6 =	simm.s32 $0x108;
	_ =	swait.ge @!p0 [sflag:s8], $0x0  }
0x24: {  	s3 =	sadd.s32 $0x88, s3;
	s6 =	simm.s32 @!p1 $0x1082;
	[sflag:s4] =	ssyncset.s32 $0xFFFFF086  }
0x25: {  	[simem:s6], [sflag:s4] =	dma.local [hbm:s3], $0xF7A  }
0x26: {  	[smem:$0x3F9F] =	sst s1;
	(tag) =	ssettag s2;
	_ =	strace s9  }
0x27: {  	s1 =	sld [smem:$0x3FAF]  }
0x28: {  	s2 =	sld [smem:$0x3FB0]  }
0x29: {  	s4 =	sld [smem:$0x3FB2]  }
0x2a: {  	p0 =	seq.s32 s5, $0x0;
	s5 =	sld [smem:$0x3FB3]  }
0x2b: {  	s6 =	sld [smem:$0x3FB4]  }
0x2c: {  	s7 =	sld [smem:$0x3FB5]  }
0x2d: {  	s3 =	simm.s32 $0x108;
	s8 =	sld [smem:$0x3FB6]  }
0x2e: {  	s3 =	simm.s32 @!p0 $0x1082;
	s9 =	sld [smem:$0x3FB7]  }
0x2f: {  	lr =	sadd.s32 s0, s3;
	s0 =	sld [smem:$0x3FAE]  }
0x30: {  	s3 =	sld [smem:$0x3FB1]  }
0x31: {  	[smem:$0x3FBA] =	sst s10  }
0x32: {  	s10 =	sld [smem:$0x3FB8];
	_ =	sdelay $0x3  }
0x33: {  	p0 =	seq.s32 s10, $0x1;
	s10 =	sld [smem:$0x3FBA];
	_ =	sdelay $0x3  }
0x34: {  	[smem:$0x3FBA] =	sst s10  }
0x35: {  	s10 =	sld [smem:$0x3FB9];
	_ =	sdelay $0x3  }
0x36: {  	p1 =	seq.s32 s10, $0x1;
	s10 =	sld [smem:$0x3FBA];
	_ =	sdelay $0x3  }
0x37: {  	[smem:$0x3FBA] =	sst s10  }
0x38: {  	s10 =	sld [smem:$0x3FBB]  }
0x39: {  	_ = 	snop;
	(pc) =	sbr.ind lr, $3  }
0x3a: {  	_ = 	snop  }
0x3b: {  	_ = 	snop  }
0x3c: {  	p2 =	seq.s32 s10, $0x1;
	s10 =	sld [smem:$0x3FBA]  }
0x3d: {  	_ =	shalt  }
0x3e: {  	_ =	shalt  }
0x3f: {  	_ =	shalt  }
0x40: {  	_ =	shalt  }
0x41: {  	_ =	shalt  }
0x42: {  	_ =	shalt  }
0x43: {  	_ =	shalt  }
0x44: {  	_ =	shalt  }
0x45: {  	_ =	shalt  }
0x46: {  	_ =	shalt  }
0x47: {  	_ =	shalt  }
0x48: {  	_ =	shalt  }
0x49: {  	_ =	shalt  }
0x4a: {  	_ =	shalt  }
0x4b: {  	_ =	shalt  }
0x4c: {  	_ =	shalt  }
0x4d: {  	_ =	shalt  }
0x4e: {  	_ =	shalt  }
0x4f: {  	_ =	shalt  }
0x50: {  	_ =	shalt  }
0x51: {  	_ =	shalt  }
0x52: {  	_ =	shalt  }
0x53: {  	_ =	shalt  }
0x54: {  	_ =	shalt  }
0x55: {  	_ =	shalt  }
0x56: {  	_ =	shalt  }
0x57: {  	_ =	shalt  }
0x58: {  	_ =	shalt  }
0x59: {  	_ =	shalt  }
0x5a: {  	_ =	shalt  }
0x5b: {  	_ =	shalt  }
0x5c: {  	_ =	shalt  }
0x5d: {  	_ =	shalt  }
0x5e: {  	_ =	shalt  }
0x5f: {  	_ =	shalt  }
0x60: {  	_ =	shalt  }
0x61: {  	_ =	shalt  }
0x62: {  	_ =	shalt  }
0x63: {  	_ =	shalt  }
0x64: {  	_ =	shalt  }
0x65: {  	_ =	shalt  }
0x66: {  	_ =	shalt  }
0x67: {  	_ =	shalt  }
0x68: {  	_ =	shalt  }
0x69: {  	_ =	shalt  }
0x6a: {  	_ =	shalt  }
0x6b: {  	_ =	shalt  }
0x6c: {  	_ =	shalt  }
0x6d: {  	_ =	shalt  }
0x6e: {  	_ =	shalt  }
0x6f: {  	_ =	shalt  }
0x70: {  	_ =	shalt  }
0x71: {  	_ =	shalt  }
0x72: {  	_ =	shalt  }
0x73: {  	_ =	shalt  }
0x74: {  	_ =	shalt  }
0x75: {  	_ =	shalt  }
0x76: {  	_ =	shalt  }
0x77: {  	_ =	shalt  }
0x78: {  	_ =	shalt  }
0x79: {  	_ =	shalt  }
0x7a: {  	_ =	shalt  }
0x7b: {  	_ =	shalt  }
0x7c: {  	_ =	shalt  }
0x7d: {  	_ =	shalt  }
0x7e: {  	_ =	shalt  }
0x7f: {  	_ =	shalt  }
0x80: {  	_ =	shalt  }
0x81: {  	_ =	shalt  }
0x82: {  	_ =	shalt  }
0x83: {  	_ =	shalt  }
0x84: {  	_ =	shalt  }
0x85: {  	_ =	shalt  }
0x86: {  	_ =	shalt  }
0x87: {  	_ =	shalt  }
.Lfunc_end0:
.L_simem_size_0:
called_computation_lowered:
.L_overlay_start_0:
0x88: {  	s2 =	sld [smem:$0x3FD9]  }
0x89: {  	s3 =	sld [smem:$0x3FFE];
	_ =	sdelay $0x1  }
0x8a: {  	s1 =	srdreg.scid  }
0x8b: {  	s0 =	sand.u32 $0x1, s1  }
0x8c: {  	s17 =	sshll.u32 s0, $0xA;
	s2 =	sadd.s32 s3, s2  }
0x8d: {  	s2 =	sadd.s32 s2, s17  }
0x8e: {  	[smem:$0x3FC6] =	sst s2  }
0x8f: {  	_ = 	snop  }
0x90: {  	s2 =	sld [smem:$0x3FC9]  }
0x91: {  	s18 =	sld [smem:$0x3FC8];
	(tm) =	ssettm $0x1  }
0x92: {  	s4 =	sld [smem:$0x3FFB];
	_ =	sdelay $0x3  }
0x93: {  	_ =	strace s4  }
0x94: {  	s4 =	sld [smem:$0x3FFC];
	_ =	sdelay $0x3  }
0x95: {  	_ =	strace s4  }
0x96: {  	s4 =	sld [smem:$0x3FFD];
	_ =	sdelay $0x3  }
0x97: {  	_ =	strace s4  }
0x98: {  	_ =	strace $0x8FFFFFFF  }
0x99: {  	s19 =	sld [smem:$0x3FDB];
	_ =	sdelay $0x1  }
0x9a: {  	s5 =	simm.s32 $_scs_section_size  }
0x9b: {  	s6 =	simm.s32 $_size__tile_overlayer_lowered;
	s7 =	simm.s32 $_tile_overlayer_lowered  }
0x9c: {  	s22 =	simm.s32 $0x1BFF;
	s21 =	sshll.u32 s7, $0x1;
	s4 =	sadd.s32 s5, s19  }
0x9d: {  	s8 =	simm.s32 $0x0;
	s20 =	sshll.u32 s6, $0x1;
	s6 =	sadd.s32 s21, s4  }
0x9e: {  	[timem:s8], [sflag:s22] =	dma.local [hbm:s6], s20  }
0x9f: {  	_ =	swait.ge [sflag:s22], s20  }
0xa0: {  	s5 =	ssub.s32 $0x0, s20;
	[sflag:s22] =	ssyncset.done $0x0  }
0xa1: {  	[sflag:s22] =	ssyncadd.s32 s5;
	_ =	sdelay $0x1  }
0xa2: {  	s23 =	simm.s32 $0x1B8B  }
0xa3: {  	_ =	swait.ge [sflag:s23], $0x1  }
0xa4: {  	[sflag:s23] =	ssyncset.done $0x0  }
0xa5: {  	s25 =	simm.s32 $0x1B8E;
	s24 =	sld [smem:$0x3FFE];
	[sflag:s23] =	ssyncadd.s32 $0xFFFFFFFF  }
0xa6: {  	s26 =	simm.s32 $execute0_lowered;
	[smem:$0x3FD2] =	sst s25  }
0xa7: {  	s6 =	sshll.u32 s26, $0x1;
	_ =	strace $0x80000046;
	[dreg:$0x1] =	wrdreg $0xFFFFFFFF  }
0xa8: {  	s28 =	simm.s32 $_size_execute0_lowered;
	s4 =	sadd.s32 s4, s6;
	[dreg:$0x0] =	wrdreg $0x0  }
0xa9: {  	s6 =	sshll.u32 s28, $0x1;
	[dreg:$0x2] =	wrdreg s4  }
0xaa: {  	[dreg:$0x3] =	wrdreg s6  }
0xab: {  	[dreg:$0x4] =	wrdreg $0xC0  }
0xac: {  	_ =	task [dreg:s8], $0x5FFFF  }
0xad: {  	[dreg:$0x1] =	wrdreg $0xFFFFFFFF  }
0xae: {  	[dreg:$0x0] =	wrdreg $0x60  }
0xaf: {  	[dreg:$0x2] =	wrdreg s2  }
0xb0: {  	[dreg:$0x3] =	wrdreg s18  }
0xb1: {  	[dreg:$0x4] =	wrdreg s24  }
0xb2: {  	[dreg:$0x5] =	wrdreg $0x9  }
0xb3: {  	_ =	task.clear_ibuf [dreg:s8], $0x6FFFF;
	_ =	strace $0x90000046  }
0xb4: {  	s29 =	simm.s32 $0x9;
	_ =	strace $0x80000048  }
0xb5: {  	_ =	swait.ge [sflag:s29], $0x1  }
0xb6: {  	[sflag:s29] =	ssyncadd.s32 $0xFFFFFFFF  }
0xb7: {  	_ =	strace $0x90000048  }
0xb8: {  	_ =	sfence  }
0xb9: {  	s30 =	sld [smem:$0x0];
	_ =	sdelay $0x2  }
0xba: {  	s31 =	sshll.u32 s1, $0xD;
	s1 =	sshrl.u32 s1, $0x2  }
0xbb: {  	s3 =	sand.u32 $0x4000, s31;
	s1 =	sadd.s32 s1, s30  }
0xbc: {  	s0 =	sor.u32 s3, s0;
	s1 =	sshll.u32 s1, $0x11  }
0xbd: {  	s0 =	sor.u32 s1, s0  }
0xbe: {  	s0 =	sadd.s32 $0x8F2B, s0  }
0xbf: {  	[sflag:s0] =	ssyncadd.remote.s32 $0x1  }
0xc0: {  	_ =	sfence.sel $0xFFFF  }
0xc1: {  	[dreg:$0x0] =	wrdreg $0xFFFFFFFF;
	(pc) =	sbr.abs _section_cstart, $3  }
0xc2: {  	[dreg:$0x1] =	wrdreg $0xFFFFFFFF  }
0xc3: {  	_ =	task.clear_ibuf [dreg:s8], $0x2FFFF;
	_ =	strace $0x9FFFFFFF  }
0xc4: {  	(tm) =	ssettm $0x7FFFFFFF  }
0xc5: {  	_ =	shalt  }
tec
execute0_lowered:
.L_overlay_start_1:
0x0: {  	(tag) =	ssettag $0x1  }
0x1: {  	v1 =	vimm.s32 $0xBCAB9A89;
	v0 =	vlaneseq.u32;
	v2 =	vimm.s32 $0xF0EFDECD  }
0x2: {  	v3 =	vimm.s32 $0x34231201;
	v4 =	vimm.s32 $0x78675645;
	vm0 =	vcmask $0x1F10  }
0x3: {  	v5 =	vimm.s32 $0xF1E0DFCE;
	v6 =	vimm.s32 $0x79685746;
	v7 =	vimm.s32 $0xBEAD9C8B  }
0x4: {  	v8 =	vimm.s32 $0xF2E1D0CF;
	v9 =	vimm.s32 $0x36251403;
	v10 =	vimm.s32 $0x7A695847  }
0x5: {  	v11 =	vimm.s32 $0x38271605;
	v12 =	vimm.s32 $0x7C6B5A49;
	v13 =	vimm.s32 $0x3C2B1A09  }
0x6: {  	v14 =	vimm.s32 $0x706F5E4D;
	v15 =	vimm.s32 $0x71605F4E;
	v1 =	vunpack.c.0.s8.s32 v1  }
0x7: {  	v2 =	vunpack.c.0.s8.s32 v2;
	v3 =	vunpack.c.0.s8.s32 v3;
	v4 =	vunpack.c.0.s8.s32 v4  }
0x8: {  	v6 =	vunpack.c.0.s8.s32 v6;
	v7 =	vunpack.c.0.s8.s32 v7;
	v8 =	vunpack.c.0.s8.s32 v8  }
0x9: {  	v1 =	vsel vm0, v2, v1;
	v2 =	vimm.s32 $0xBDAC9B8A;
	v3 =	vsel vm0, v4, v3  }
0xa: {  	v4 =	vunpack.c.0.s8.s32 v5;
	v5 =	vimm.s32 $0x35241302;
	v2 =	vunpack.c.0.s8.s32 v2  }
0xb: {  	v9 =	vunpack.c.0.s8.s32 v9;
	v10 =	vunpack.c.0.s8.s32 v10;
	v5 =	vunpack.c.0.s8.s32 v5  }
0xc: {  	v16 =	vimm.s32 $0xB6A59483;
	v3 =	vcombine.low v3, v1;
	v1 =	vsel vm0, v4, v2  }
0xd: {  	v2 =	vsel vm0, v6, v5;
	v5 =	vsel vm0, v8, v7;
	v6 =	vsel vm0, v10, v9  }
0xe: {  	v17 =	vimm.s32 $0xFAE9D8C7;
	v11 =	vunpack.c.0.s8.s32 v11;
	v5 =	vcombine.low v6, v5  }
0xf: {  	v7 =	vimm.s32 $0xF3E2D1C0;
	v8 =	vimm.s32 $0x7B6A5948;
	v9 =	vimm.s32 $0xB0AF9E8D  }
0x10: {  	v4 =	vcombine.low v2, v1;
	v6 =	vimm.s32 $0xBFAE9D8C;
	v2 =	vand.u32 $0xFF, v5  }
0x11: {  	v5 =	vunpack.c.0.s8.s32 v6;
	v6 =	vunpack.c.0.s8.s32 v7;
	v7 =	vimm.s32 $0x37261504  }
0x12: {  	v10 =	vimm.s32 $0xF4E3D2C1;
	v8 =	vunpack.c.0.s8.s32 v8;
	v7 =	vunpack.c.0.s8.s32 v7  }
0x13: {  	v12 =	vunpack.c.0.s8.s32 v12;
	v9 =	vunpack.c.0.s8.s32 v9;
	v10 =	vunpack.c.0.s8.s32 v10  }
0x14: {  	v5 =	vsel vm0, v6, v5;
	v6 =	vsel vm0, v8, v7;
	v7 =	vimm.s32 $0xB1A09F8E  }
0x15: {  	v8 =	vsel vm0, v10, v9;
	v9 =	vsel vm0, v12, v11;
	v10 =	vimm.s32 $0xF5E4D3C2  }
0x16: {  	v11 =	vimm.s32 $0x39281706;
	v12 =	vimm.s32 $0x7D6C5B4A;
	v7 =	vunpack.c.0.s8.s32 v7  }
0x17: {  	v10 =	vunpack.c.0.s8.s32 v10;
	v11 =	vunpack.c.0.s8.s32 v11;
	v12 =	vunpack.c.0.s8.s32 v12  }
0x18: {  	v5 =	vcombine.low v6, v5;
	v6 =	vcombine.low v9, v8;
	v8 =	vimm.s32 $0xB2A1908F  }
0x19: {  	v18 =	vimm.s32 $0x3E2D1C0B;
	v19 =	vimm.s32 $0x7261504F;
	v8 =	vunpack.c.0.s8.s32 v8  }
0x1a: {  	v7 =	vsel vm0, v10, v7;
	v9 =	vsel vm0, v12, v11;
	v10 =	vimm.s32 $0xF6E5D4C3  }
0x1b: {  	v11 =	vimm.s32 $0x3A291807;
	v12 =	vimm.s32 $0x7E6D5C4B;
	v10 =	vunpack.c.0.s8.s32 v10  }
0x1c: {  	v20 =	vimm.s32 $0xB9A89786;
	v11 =	vunpack.c.0.s8.s32 v11;
	v12 =	vunpack.c.0.s8.s32 v12  }
0x1d: {  	v21 =	vimm.s32 $0xFDECDBCA;
	v7 =	vcombine.low v9, v7;
	v8 =	vsel vm0, v10, v8  }
0x1e: {  	v9 =	vsel vm0, v12, v11;
	v10 =	vimm.s32 $0xB3A29180;
	v11 =	vimm.s32 $0x3B2A1908  }
0x1f: {  	v12 =	vimm.s32 $0x7F6E5D4C;
	v8 =	vcombine.low v9, v8;
	v9 =	vunpack.c.0.s8.s32 v10  }
0x20: {  	v10 =	vimm.s32 $0xF7E6D5C4;
	v11 =	vunpack.c.0.s8.s32 v11;
	v12 =	vunpack.c.0.s8.s32 v12  }
0x21: {  	v22 =	vimm.s32 $0x98765432;
	v23 =	vimm.s32 $0x210FEDCB;
	v10 =	vunpack.c.0.s8.s32 v10  }
0x22: {  	v24 =	vimm.s32 $0xA9876543;
	v25 =	vimm.s32 $0x43210FED;
	v11 =	vsel vm0, v12, v11  }
0x23: {  	v12 =	vimm.s32 $0xF8E7D6C5;
	v9 =	vsel vm0, v10, v9;
	v10 =	vimm.s32 $0xB4A39281  }
0x24: {  	v15 =	vunpack.c.0.s8.s32 v15;
	v12 =	vunpack.c.0.s8.s32 v12;
	v10 =	vunpack.c.0.s8.s32 v10  }
0x25: {  	v9 =	vcombine.low v11, v9;
	v11 =	vunpack.c.0.s8.s32 v13;
	v13 =	vunpack.c.0.s8.s32 v14  }
0x26: {  	v14 =	vimm.s32 $0xF9E8D7C6;
	v10 =	vsel vm0, v12, v10;
	v12 =	vimm.s32 $0xB5A49382  }
0x27: {  	v11 =	vsel vm0, v13, v11;
	v13 =	vunpack.c.0.s8.s32 v14;
	v14 =	vimm.s32 $0x3D2C1B0A  }
0x28: {  	v16 =	vunpack.c.0.s8.s32 v16;
	v12 =	vunpack.c.0.s8.s32 v12;
	v14 =	vunpack.c.0.s8.s32 v14  }
0x29: {  	v17 =	vunpack.c.0.s8.s32 v17;
	v18 =	vunpack.c.0.s8.s32 v18;
	v19 =	vunpack.c.0.s8.s32 v19  }
0x2a: {  	v10 =	vcombine.low v11, v10;
	v11 =	vsel vm0, v13, v12;
	v12 =	vsel vm0, v15, v14  }
0x2b: {  	v13 =	vsel vm0, v19, v18;
	v11 =	vcombine.low v12, v11;
	v12 =	vsel vm0, v17, v16  }
0x2c: {  	v14 =	vimm.s32 $0xFBEAD9C8;
	v12 =	vcombine.low v13, v12;
	v13 =	vimm.s32 $0xB7A69584  }
0x2d: {  	v15 =	vimm.s32 $0x73625140;
	v14 =	vunpack.c.0.s8.s32 v14;
	v13 =	vunpack.c.0.s8.s32 v13  }
0x2e: {  	v18 =	vimm.s32 $0x302F1E0D;
	v19 =	vimm.s32 $0x74635241;
	v15 =	vunpack.c.0.s8.s32 v15  }
0x2f: {  	v16 =	vimm.s32 $0xB8A79685;
	v13 =	vsel vm0, v14, v13;
	v14 =	vimm.s32 $0x3F2E1D0C  }
0x30: {  	v17 =	vimm.s32 $0xFCEBDAC9;
	v18 =	vunpack.c.0.s8.s32 v18;
	v14 =	vunpack.c.0.s8.s32 v14  }
0x31: {  	v19 =	vunpack.c.0.s8.s32 v19;
	v16 =	vunpack.c.0.s8.s32 v16;
	v17 =	vunpack.c.0.s8.s32 v17  }
0x32: {  	v14 =	vsel vm0, v15, v14;
	v15 =	vunpack.c.0.s8.s32 v20;
	v20 =	vunpack.c.0.s8.s32 v21  }
0x33: {  	v21 =	vimm.s32 $0x76655443;
	v13 =	vcombine.low v14, v13;
	v14 =	vsel vm0, v17, v16  }
0x34: {  	v16 =	vsel vm0, v19, v18;
	v17 =	vimm.s32 $0x75645342;
	v18 =	vimm.s32 $0xBAA99887  }
0x35: {  	v19 =	vimm.s32 $0xFEEDDCCB;
	v14 =	vcombine.low v16, v14;
	v16 =	vimm.s32 $0x31201F0E  }
0x36: {  	v15 =	vsel vm0, v20, v15;
	v17 =	vunpack.c.0.s8.s32 v17;
	v16 =	vunpack.c.0.s8.s32 v16  }
0x37: {  	v18 =	vunpack.c.0.s8.s32 v18;
	v19 =	vunpack.c.0.s8.s32 v19;
	v20 =	vimm.s32 $0x3221100F  }
0x38: {  	v16 =	vsel vm0, v17, v16;
	v17 =	vunpack.c.0.s8.s32 v20;
	v20 =	vunpack.c.0.s8.s32 v21  }
0x39: {  	v18 =	vsel vm0, v19, v18;
	v19 =	vimm.s32 $0xFEDCBA9;
	v21 =	vimm.s32 $0x87654321  }
0x3a: {  	v19 =	vunpack.c.l.s4.s8 v19;
	v17 =	vsel vm0, v20, v17;
	v20 =	vunpack.c.l.s4.s8 v21  }
0x3b: {  	v22 =	vunpack.c.l.s4.s8 v22;
	v23 =	vunpack.c.l.s4.s8 v23;
	v15 =	vcombine.low v16, v15  }
0x3c: {  	v16 =	vcombine.low v17, v18;
	v17 =	vunpack.c.0.s8.s32 v19;
	v19 =	vunpack.c.0.s8.s32 v20  }
0x3d: {  	v27 =	vunpack.c.0.s8.s32 v23;
	v23 =	vimm.s32 $0x3210FEDC;
	v21 =	vimm.s32 $0x10FEDCBA  }
0x3e: {  	v63 =	vand.u32 $0xFF, v3;
	v21 =	vunpack.c.l.s4.s8 v21;
	v20 =	vcombine.low v19, v17  }
0x3f: {  	v3 =	vand.u32 $0xFF, v5;
	v5 =	vand.u32 $0xFF, v7;
	v61 =	vand.u32 $0xFF, v8  }
0x40: {  	v8 =	vmovc v5;
	v5 =	vand.u32 $0xF, v20;
	v20 =	vunpack.c.0.s8.s32 v21;
	v21 =	vunpack.c.l.s4.s8 v24  }
0x41: {  	v22 =	vunpack.c.0.s8.s32 v22;
	v23 =	vunpack.c.l.s4.s8 v23;
	v24 =	vimm.s32 $0xBA987654  }
0x42: {  	v26 =	vimm.s32 $0xCBA98765;
	v24 =	vunpack.c.l.s4.s8 v24;
	v21 =	vunpack.c.0.s8.s32 v21  }
0x43: {  	v25 =	vunpack.c.l.s4.s8 v25;
	v30 =	vunpack.c.0.s8.s32 v23;
	v28 =	vcombine.low v22, v20  }
0x44: {  	s5 =	rddreg [dreg:$0x0];
	v26 =	vunpack.c.l.s4.s8 v26;
	v31 =	vunpack.c.0.s8.s32 v24;
	v29 =	vcombine.low v21, v27  }
0x45: {  	s6 =	rddreg [dreg:$0x1];
	v1 =	vand.u32 $0xFF, v4;
	v17 =	vcombine.low v17, v19;
	[tilespmem:$0x1FE20] =	vst v5;
	v5 =	vand.u32 $0xF, v28  }
0x46: {  	s7 =	rddreg [dreg:$0x2];
	s2 =	simm.s32 $0x0;
	v19 =	vcombine.low v20, v22;
	v20 =	vcombine.low v27, v21;
	[tilespmem:$0x1FE30] =	vst v5;
	v5 =	vand.u32 $0xF, v29  }
0x47: {  	s1 =	srdreg.scid;
	[smem:$0x7FF] =	sst s2;
	v4 =	vand.u32 $0xFF, v6;
	v23 =	vcombine.low v31, v30;
	v21 =	vcombine.low v30, v31;
	v30 =	vmovc v3;
	[tilespmem:$0x1FE40] =	vst v5  }
0x48: {  	v33 =	vimm.s32 $0xFEDCBA98;
	v62 =	vmul.u32 $0x11, v0;
	s3 =	sand.u32 $0x1, s1;
	s1 =	rddreg [dreg:$0x3];
	v32 =	vunpack.c.0.s8.s32 v26;
	v31 =	vmovc v4;
	_ =	strace $0x80000047;
	[tilespmem:$0x1FE90] =	vst v30  }
0x49: {  	v24 =	vimm.s32 $0x543210FE;
	v28 =	vunpack.c.0.s8.s32 v25;
	v23 =	vand.u32 $0xF, v23;
	[tilespmem:$0x1FEA0] =	vst v31  }
0x4a: {  	v33 =	vunpack.c.l.s4.s8 v33;
	v24 =	vunpack.c.l.s4.s8 v24;
	v27 =	vand.u32 $0xF, v17;
	[tilespmem:$0x1FEB0] =	vst v23  }
0x4b: {  	v25 =	vcombine.low v32, v28;
	v17 =	vcombine.low v28, v32;
	v32 =	vand.u32 $0xF, v19;
	[tilespmem:$0x1FEF0] =	vst v27  }
0x4c: {  	v36 =	vunpack.c.0.s8.s32 v24;
	v24 =	vunpack.c.0.s8.s32 v33;
	v33 =	vand.u32 $0xF, v21;
	[tilespmem:$0x1FF00] =	vst v32  }
0x4d: {  	[tilespmem:$0x1FF10] =	vst v33  }
0x4e: {  	[tilespmem:$0x1FF20] =	vst v62  }
0x4f: {  	[tilespmem:$0x1FF30] =	vst v63  }
0x50: {  	[tilespmem:$0x1FF40] =	vst v8  }
0x51: {  	v6 =	vand.u32 $0xFF, v9;
	v9 =	vand.u32 $0xFF, v10;
	[tilespmem:$0x1FF50] =	vst v61  }
0x52: {  	v4 =	vmov v9;
	[tilespmem:$0x1FF60] =	vst v6  }
0x53: {  	v10 =	vand.u32 $0xFF, v11;
	[tilespmem:$0x1FF70] =	vst v4  }
0x54: {  	v7 =	vand.u32 $0xFF, v12;
	[tilespmem:$0x1FF80] =	vst v10  }
0x55: {  	v34 =	vimm.s32 $0xEDCBA987;
	v13 =	vand.u32 $0xFF, v13;
	[tilespmem:$0x1FF90] =	vst v7  }
0x56: {  	v34 =	vunpack.c.l.s4.s8 v34;
	v26 =	vimm.s32 $0xDCBA9876;
	v14 =	vand.u32 $0xFF, v14;
	[tilespmem:$0x1FFA0] =	vst v13  }
0x57: {  	v35 =	vimm.s32 $0x76543210;
	v26 =	vunpack.c.l.s4.s8 v26;
	v15 =	vand.u32 $0xFF, v15;
	[tilespmem:$0x1FFB0] =	vst v14  }
0x58: {  	s0 =	stileid.u32;
	s11 =	simm.s32 $0x2000;
	v35 =	vunpack.c.l.s4.s8 v35;
	v34 =	vunpack.c.0.s8.s32 v34;
	v16 =	vand.u32 $0xFF, v16;
	[tilespmem:$0x1FFC0] =	vst v15  }
0x59: {  	s12 =	simm.s32 $0x4000;
	s13 =	simm.s32 $0x6000;
	s14 =	simm.s32 $0x1;
	v37 =	vunpack.c.0.s8.s32 v26;
	v29 =	vimm.s32 $0x6543210F;
	v28 =	vmovc v1;
	v1 =	vand.u32 $0xF, v20;
	[tilespmem:$0x1FFD0] =	vst v16  }
0x5a: {  	s15 =	simm.s32 $0xC300;
	s16 =	simm.s32 $0x8000;
	s17 =	simm.s32 $0xA080;
	v26 =	vunpack.c.0.s8.s32 v35;
	v29 =	vunpack.c.l.s4.s8 v29;
	v24 =	vand.u32 $0xF, v24;
	[tilespmem:$0x1FE60] =	vst v1  }
0x5b: {  	s18 =	simm.s32 $0x2;
	s19 =	simm.s32 $0xC580;
	s4 =	sshll.u32 s0, $0x1;
	v25 =	vand.u32 $0xF, v25;
	v22 =	vcombine.low v36, v37;
	v11 =	vand.u32 $0xF, v17;
	[tilespmem:$0x1FE70] =	vst v28  }
0x5c: {  	s20 =	simm.s32 $0x3;
	s21 =	simm.s32 $0x0;
	s8 =	sor.u32 s3, s4;
	v59 =	vunpack.c.0.s8.s32 v29;
	v29 =	vcombine.low v37, v36;
	v24 =	vcombine.low v24, v26;
	[tilespmem:$0x1FEC0] =	vst v25  }
0x5d: {  	s9 =	sshll.u32 s0, $0xC;
	s3 =	ssub.s32 $0x2, s3;
	s4 =	sshll.u32 s8, $0x5;
	[tilespmem:$0x1FFF0] =	vst v11  }
.Ltmp0:
0x5e: {  	s10 =	sshrl.u32 s3, $0x1;
	s8 =	sshll.u32 s8, $0x4;
	v12 =	vand.u32 $0xF, v22;
	v60 =	vcombine.low v34, v59;
	[tilespmem:$0x1FED0] =	vst v24;
	(pc) =	sbr.rel .LBB2_1-.Ltmp0, $4  }
0x5f: {  	s4 =	sor.u32 s9, s4;
	s30 =	ssub.s32 s3, s10;
	s7 =	sadd.s32 s7, s8;
	v26 =	vand.u32 $0xF, v29;
	[tilespmem:$0x1FFE0] =	vst v12  }
0x60: {  	s9 =	simm.s32 $0x80;
	s31 =	sand.u32 $0xE060, s4;
	s8 =	smax.u32 s30, $0x1;
	v19 =	vcombine.low v59, v34;
	[tilespmem:$0x1FEE0] =	vst v26;
	v29 =	vmov v2;
	v2 =	vand.u32 $0xF, v60  }
0x61: {  	s3 =	sadd.s32 s5, s31;
	s4 =	sadd.s32 s6, s31;
	s10 =	sor.u32 $0x10, s31;
	[tilespmem:$0x1FE50] =	vst v2  }
0x62: {  	s5 =	sadd.s32 s5, s10;
	s6 =	sadd.s32 s6, s10;
	s10 =	simm.s32 $0x400;
	v18 =	vimm.s32 $0x0;
	v3 =	vmov v6;
	v9 =	vand.u32 $0xF, v19;
	[tilespmem:$0x1FE80] =	vst v29  }
.LBB2_53:
0x63: {  	vm0 =	vmxor vm0, vm0  }
0x64: {  	v17 =	vimm.f32 $-Inf;
	v19 =	vimm.f32 $-Inf;
	v8 =	vmovc v2;
	v10 =	vmovc v5;
	v37 =	vmpcnt.ones.xlane vm0  }
.LBB2_50:
0x65: {  	_ = 	snop  }
0x66: {  	v1 =	vsub.s32 $0x10, v37  }
0x67: {  	vm0 =	vgt.s32 v1, v0  }
0x68: {  	v1 =	vsel vm0, v19, v17  }
0x69: {  	(xrf0) =	vmax.scan.msk.f32 $0xffff, v1;
	_ =	sdelay $0x1  }
0x6a: {  	v2 =	vld [tilespmem:$0x1FDE0]  }
0x6b: {  	v5 =	vld [tilespmem:$0x1FCF0];
	_ =	sdelay $0x2  }
0x6c: {  	v1, _, _ =	vpop (xrf0)  }
0x6d: {  	v1 =	vperm.xlane v1, v43  }
0x6e: {  	v2 =	vsub.f32 v2, v5  }
0x6f: {  	vm14 =	vmmov $0x1;
	v1 =	vsub.f32 v44, v1  }
0x70: {  	vm15 =	vcmask $0x308;
	s21 =	sadd.s32 $0x1, s21;
	v2 =	vnsel vm14, $0x0, v2  }
0x71: {  	p0 =	sne.s32 s21, s8;
	v1 =	vsel vm15, v2, v1  }
.Ltmp1:
0x72: {  	[tilespmem:$0xC580] =	vst v1;
	(pc) =	sbr.rel @!p0 .LBB2_51-.Ltmp1, $4  }
0x73: {  	[hbm4b:s7+s2] =	stream.linear.scatter [tilespmem:s19], [sflag:$0x3], $0x80, $0x38;
	[tilespmem:$0xC600] =	vst v63  }
0x74: {  	_ =	swait.ge [sflag:s20], $0x80  }
0x75: {  	[sflag:s20] =	ssyncset.done $0x0  }
0x76: {  	[sflag:s20] =	ssyncadd.s32 $0xFFFFFF80  }
.LBB2_1:
0x77: {  	[tilespmem:s2], [sflag:$0x1] =	stream.strided.gather [hbm4b:s3+s9], $0x2000, s10, s9, $0x38;
	[tilespmem:$0xC600] =	vst v63  }
0x78: {  	_ = 	snop  }
0x79: {  	[tilespmem:s11], [sflag:$0x1] =	stream.strided.gather [hbm4b:s4+s9], $0x2000, s10, s9, $0x38;
	[tilespmem:$0xC600] =	vst v63  }
0x7a: {  	_ = 	snop  }
0x7b: {  	[tilespmem:s12], [sflag:$0x2] =	stream.strided.gather [hbm4b:s5+s9], $0x2000, s10, s9, $0x38;
	[tilespmem:$0xC600] =	vst v63  }
0x7c: {  	_ = 	snop  }
0x7d: {  	[tilespmem:s13], [sflag:$0x2] =	stream.strided.gather [hbm4b:s6+s9], $0x2000, s10, s9, $0x38;
	[tilespmem:$0xC600] =	vst v63  }
0x7e: {  	_ =	swait.ge [sflag:s14], $0x2000  }
0x7f: {  	[sflag:s14] =	ssyncset.done $0x0  }
0x80: {  	[sflag:s14] =	ssyncadd.s32 $0xFFFFE000  }
0x81: {  	_ =	swait.ge [sflag:s14], $0x2000  }
0x82: {  	[sflag:s14] =	ssyncset.done $0x0  }
0x83: {  	s23 =	simm.s32 $0x2080;
	[sflag:s14] =	ssyncadd.s32 $0xFFFFE000  }
0x84: {  	v20 =	vld [tilespmem:s23+$0xFFFFFF80]  }
0x85: {  	v35 =	vld [tilespmem:s23+$0xFFFFFF90]  }
0x86: {  	v5 =	vld [tilespmem:s23+$0xFFFFFFA0]  }
0x87: {  	v17 =	vor.u32 s2, v13;
	v6 =	vld [tilespmem:s23+$0xFFFFFFB0]  }
0x88: {  	v19 =	vor.u32 s2, v14;
	v22 =	vld [tilespmem:s23+$0xFFFFFFC0]  }
0x89: {  	v34 =	vor.u32 s2, v15;
	v40 =	vld [tilespmem:s23+$0xFFFFFFD0]  }
0x8a: {  	v36 =	vor.u32 s2, v3;
	v1 =	vld [tilespmem:s23+$0xFFFFFFE0]  }
0x8b: {  	v37 =	vor.u32 s2, v4;
	v49 =	vld [tilespmem:s23+$0xFFFFFFF0]  }
0x8c: {  	v38 =	vor.u32 s2, v10;
	v17 =	vld.idx.msk [tilespmem:v17+s2+$0x0], $0xffff  }
0x8d: {  	v39 =	vor.u32 s2, v30;
	v19 =	vld.idx.msk [tilespmem:v19+s2+$0x0], $0xffff  }
0x8e: {  	v41 =	vor.u32 s2, v62;
	v34 =	vld.idx.msk [tilespmem:v34+s2+$0x0], $0xffff  }
0x8f: {  	v42 =	vor.u32 s2, v63;
	v36 =	vld.idx.msk [tilespmem:v36+s2+$0x0], $0xffff  }
0x90: {  	v43 =	vor.u32 s2, v31;
	v37 =	vld.idx.msk [tilespmem:v37+s2+$0x0], $0xffff  }
0x91: {  	v45 =	vor.u32 s2, v28;
	v38 =	vld.idx.msk [tilespmem:v38+s2+$0x0], $0xffff  }
0x92: {  	v46 =	vor.u32 s2, v8;
	v39 =	vld.idx.msk [tilespmem:v39+s2+$0x0], $0xffff  }
0x93: {  	v41 =	vld.idx.msk [tilespmem:v41+s2+$0x0], $0xffff  }
0x94: {  	v47 =	vor.u32 s2, v29;
	v42 =	vld.idx.msk [tilespmem:v42+s2+$0x0], $0xffff  }
0x95: {  	v51 =	vor.u32 s2, v61;
	v43 =	vld.idx.msk [tilespmem:v43+s2+$0x0], $0xffff  }
0x96: {  	v52 =	vor.u32 s2, v7;
	v45 =	vld.idx.msk [tilespmem:v45+s2+$0x0], $0xffff  }
0x97: {  	v53 =	vor.u32 s2, v16;
	v46 =	vld.idx.msk [tilespmem:v46+s2+$0x0], $0xffff  }
0x98: {  	[tilespmem:$0x1FDF0] =	vst v1;
	v1 =	vld [tilespmem:s23+$0x10]  }
0x99: {  	v47 =	vld.idx.msk [tilespmem:v47+s2+$0x0], $0xffff  }
0x9a: {  	v51 =	vld.idx.msk [tilespmem:v51+s2+$0x0], $0xffff  }
0x9b: {  	v52 =	vld.idx.msk [tilespmem:v52+s2+$0x0], $0xffff  }
0x9c: {  	s24 =	simm.s32 $0x100;
	v53 =	vld.idx.msk [tilespmem:v53+s2+$0x0], $0xffff  }
0x9d: {  	v54 =	vor.u32 s24, v13;
	[tilespmem:$0x1FE00] =	vst v1;
	v1 =	vld [tilespmem:s23+$0x20]  }
0x9e: {  	v50 =	vld [tilespmem:s23+$0x0];
	v39 =	vmax.f32 v41, v39;
	v63 =	vmax.f32 v42, v43;
	v44 =	vmax.f32 v45, v46  }
0x9f: {  	v56 =	vld [tilespmem:s23+$0x40];
	v45 =	vmax.f32 v47, v51;
	v36 =	vmax.f32 v39, v36;
	v46 =	vmax.f32 v44, v38  }
0xa0: {  	v57 =	vld [tilespmem:s23+$0x30];
	v47 =	vmax.f32 v45, v52;
	v17 =	vmax.f32 v36, v17;
	v36 =	vmax.f32 v63, v37  }
0xa1: {  	v48 =	vld [tilespmem:s23+$0x50];
	v34 =	vmax.f32 v46, v34;
	v51 =	vmax.f32 v47, v53;
	v19 =	vmax.f32 v36, v19  }
0xa2: {  	v17 =	vmax.f32 v17, v19;
	v19 =	vmax.f32 v34, v51;
	[tilespmem:$0x1FE10] =	vst v1;
	v1 =	vld [tilespmem:$0x1FF20]  }
0xa3: {  	s22 =	simm.s32 $0xC100;
	v55 =	vld [tilespmem:s23+$0x60];
	v59 =	vmax.f32 v17, v19  }
0xa4: {  	v58 =	vld [tilespmem:s23+$0x70];
	s23 =	simm.s32 $0x2180;
	[tilespmem:s22+$0x0] =	vst v59  }
0xa5: {  	v19 =	vld [tilespmem:s23+$0xFFFFFF80]  }
0xa6: {  	v46 =	vld.idx.msk [tilespmem:v54+s2+$0x0], $0xffff  }
0xa7: {  	v54 =	vor.u32 s24, v1;
	v1 =	vld [tilespmem:$0x1FF30]  }
0xa8: {  	v41 =	vld [tilespmem:s23+$0xFFFFFF90]  }
0xa9: {  	v38 =	vld [tilespmem:s23+$0xFFFFFFA0]  }
0xaa: {  	v37 =	vld [tilespmem:s23+$0xFFFFFFB0]  }
0xab: {  	v60 =	vor.u32 s24, v15;
	v43 =	vld [tilespmem:s23+$0xFFFFFFC0]  }
0xac: {  	v52 =	vor.u32 s24, v1;
	v1 =	vld [tilespmem:$0x1FDF0]  }
0xad: {  	v62 =	vimm.f32 $-Inf;
	v17 =	vld [tilespmem:s23+$0xFFFFFFD0]  }
0xae: {  	v20 =	vmax.f32 v62, v20;
	v39 =	vld [tilespmem:s23+$0xFFFFFFE0]  }
0xaf: {  	v22 =	vmax.f32 v20, v22;
	v34 =	vld [tilespmem:s23+$0xFFFFFFF0]  }
0xb0: {  	v35 =	vmax.f32 v62, v35;
	v50 =	vmax.f32 v22, v50;
	v22 =	vld.idx.msk [tilespmem:v60+s2+$0x0], $0xffff;
	v60 =	vmax.f32 v62, v5  }
0xb1: {  	v35 =	vmax.f32 v35, v40;
	v40 =	vmax.f32 v50, v56;
	v56 =	vmax.f32 v60, v1;
	v1 =	vld [tilespmem:$0x1FE00]  }
0xb2: {  	v63 =	vor.u32 s24, v4;
	v45 =	vld [tilespmem:s23+$0x0]  }
0xb3: {  	v42 =	vld [tilespmem:s23+$0x10]  }
0xb4: {  	v44 =	vor.u32 s24, v10;
	v36 =	vld [tilespmem:s23+$0x20]  }
0xb5: {  	v51 =	vor.u32 s24, v14;
	v47 =	vld [tilespmem:s23+$0x40]  }
0xb6: {  	v2 =	vmovc v61;
	v61 =	vor.u32 s24, v3;
	v21 =	vmax.f32 v62, v6;
	v35 =	vmax.f32 v35, v1;
	v1 =	vld [tilespmem:$0x1FE10]  }
0xb7: {  	v21 =	vmax.f32 v21, v49;
	v53 =	vor.u32 s24, v30;
	v49 =	vld.idx.msk [tilespmem:v63+s2+$0x0], $0xffff  }
0xb8: {  	v63 =	vld [tilespmem:$0x1FF30]  }
0xb9: {  	v50 =	vld.idx.msk [tilespmem:v44+s2+$0x0], $0xffff  }
0xba: {  	v20 =	vld.idx.msk [tilespmem:v51+s2+$0x0], $0xffff  }
0xbb: {  	v21 =	vmax.f32 v21, v57;
	v57 =	vor.u32 s24, v31;
	v51 =	vld.idx.msk [tilespmem:v61+s2+$0x0], $0xffff;
	v61 =	vmax.f32 v56, v1  }
0xbc: {  	v53 =	vld.idx.msk [tilespmem:v53+s2+$0x0], $0xffff;
	v44 =	vmax.f32 v61, v55;
	v55 =	vor.u32 s24, v28  }
0xbd: {  	v54 =	vld.idx.msk [tilespmem:v54+s2+$0x0], $0xffff;
	v56 =	vor.u32 s24, v8  }
0xbe: {  	v21 =	vmax.f32 v21, v58;
	v58 =	vor.u32 s24, v29;
	v52 =	vld.idx.msk [tilespmem:v52+s2+$0x0], $0xffff  }
0xbf: {  	s25 =	simm.s32 $0x200;
	v48 =	vmax.f32 v35, v48;
	v35 =	vmax.f32 v62, v59;
	v62 =	vld [tilespmem:$0x1FF20];
	v59 =	vor.u32 s24, v2  }
.LBB2_2:
0xc0: {  	p0 =	sne.s32 s25, $0x1F00;
	v57 =	vld.idx.msk [tilespmem:v57+s2+$0x0], $0xffff;
	v60 =	vor.u32 s24, v7  }
0xc1: {  	v61 =	vor.u32 s24, v16;
	s24 =	smov.u32 s25;
	v55 =	vld.idx.msk [tilespmem:v55+s2+$0x0], $0xffff  }
0xc2: {  	v56 =	vld.idx.msk [tilespmem:v56+s2+$0x0], $0xffff  }
0xc3: {  	v58 =	vld.idx.msk [tilespmem:v58+s2+$0x0], $0xffff  }
0xc4: {  	v19 =	vmax.f32 v40, v19;
	v59 =	vld.idx.msk [tilespmem:v59+s2+$0x0], $0xffff  }
0xc5: {  	v19 =	vmax.f32 v19, v43;
	v60 =	vld.idx.msk [tilespmem:v60+s2+$0x0], $0xffff  }
0xc6: {  	v40 =	vmax.f32 v48, v41;
	v19 =	vmax.f32 v19, v45;
	v43 =	vld.idx.msk [tilespmem:v61+s2+$0x0], $0xffff  }
0xc7: {  	v17 =	vmax.f32 v40, v17;
	v41 =	vmax.f32 v54, v53;
	v40 =	vmax.f32 v19, v47;
	v45 =	vld [tilespmem:s23+$0x30]  }
0xc8: {  	v38 =	vmax.f32 v44, v38;
	v17 =	vmax.f32 v17, v42;
	v19 =	vmax.f32 v41, v51;
	v41 =	vld [tilespmem:s23+$0x50]  }
0xc9: {  	v21 =	vmax.f32 v21, v37;
	v37 =	vmax.f32 v38, v39;
	v19 =	vmax.f32 v19, v46;
	v38 =	vld [tilespmem:s23+$0x60]  }
0xca: {  	v39 =	vmax.f32 v52, v57;
	v42 =	vmax.f32 v55, v56;
	v44 =	vmax.f32 v58, v59;
	v46 =	vld [tilespmem:s23+$0x70]  }
0xcb: {  	v39 =	vmax.f32 v39, v49;
	v42 =	vmax.f32 v42, v50;
	v44 =	vmax.f32 v44, v60  }
0xcc: {  	v20 =	vmax.f32 v39, v20;
	v22 =	vmax.f32 v42, v22;
	v39 =	vmax.f32 v44, v43  }
0xcd: {  	v21 =	vmax.f32 v21, v34;
	v19 =	vmax.f32 v19, v20;
	v20 =	vmax.f32 v22, v39  }
0xce: {  	s22 =	sadd.s32 $0x10, s22;
	v21 =	vmax.f32 v21, v45;
	v20 =	vmax.f32 v19, v20;
	v19 =	vmax.f32 v37, v36  }
0xcf: {  	s23 =	sadd.s32 $0x100, s23;
	v48 =	vmax.f32 v17, v41;
	v44 =	vmax.f32 v19, v38;
	v21 =	vmax.f32 v21, v46;
	[tilespmem:s22+$0x0] =	vst v20  }
0xd0: {  	v35 =	vmax.f32 v35, v20;
	v19 =	vld [tilespmem:s23+$0xFFFFFF80]  }
0xd1: {  	v41 =	vld [tilespmem:s23+$0xFFFFFF90]  }
0xd2: {  	v38 =	vld [tilespmem:s23+$0xFFFFFFA0]  }
0xd3: {  	v37 =	vld [tilespmem:s23+$0xFFFFFFB0]  }
0xd4: {  	v43 =	vld [tilespmem:s23+$0xFFFFFFC0]  }
0xd5: {  	v17 =	vld [tilespmem:s23+$0xFFFFFFD0]  }
0xd6: {  	v39 =	vld [tilespmem:s23+$0xFFFFFFE0]  }
0xd7: {  	v20 =	vor.u32 s25, v13;
	v34 =	vld [tilespmem:s23+$0xFFFFFFF0]  }
0xd8: {  	v22 =	vor.u32 s25, v14;
	v45 =	vld [tilespmem:s23+$0x0]  }
0xd9: {  	v49 =	vor.u32 s25, v15;
	v42 =	vld [tilespmem:s23+$0x10]  }
0xda: {  	v50 =	vor.u32 s25, v3;
	v36 =	vld [tilespmem:s23+$0x20]  }
0xdb: {  	v52 =	vor.u32 s25, v4;
	v47 =	vld [tilespmem:s23+$0x40]  }
0xdc: {  	v53 =	vor.u32 s25, v10;
	v46 =	vld.idx.msk [tilespmem:v20+s2+$0x0], $0xffff  }
0xdd: {  	v54 =	vor.u32 s25, v30;
	v20 =	vld.idx.msk [tilespmem:v22+s2+$0x0], $0xffff  }
0xde: {  	v58 =	vor.u32 s25, v62;
	v22 =	vld.idx.msk [tilespmem:v49+s2+$0x0], $0xffff  }
0xdf: {  	v59 =	vor.u32 s25, v63;
	v51 =	vld.idx.msk [tilespmem:v50+s2+$0x0], $0xffff  }
.Ltmp2:
0xe0: {  	v57 =	vor.u32 s25, v31;
	v49 =	vld.idx.msk [tilespmem:v52+s2+$0x0], $0xffff;
	(pc) =	sbr.rel @p0 .LBB2_2-.Ltmp2, $4  }
0xe1: {  	v55 =	vor.u32 s25, v28;
	v50 =	vld.idx.msk [tilespmem:v53+s2+$0x0], $0xffff  }
0xe2: {  	v56 =	vor.u32 s25, v8;
	v53 =	vld.idx.msk [tilespmem:v54+s2+$0x0], $0xffff  }
0xe3: {  	v54 =	vld.idx.msk [tilespmem:v58+s2+$0x0], $0xffff;
	v58 =	vor.u32 s25, v29  }
0xe4: {  	s25 =	sadd.s32 $0x100, s25;
	v52 =	vld.idx.msk [tilespmem:v59+s2+$0x0], $0xffff;
	v59 =	vor.u32 s24, v2  }
0xe5: {  	_ =	sdelay $0x3  }
0xe6: {  	v57 =	vld.idx.msk [tilespmem:v57+s2+$0x0], $0xffff  }
0xe7: {  	v60 =	vor.u32 s24, v7;
	v55 =	vld.idx.msk [tilespmem:v55+s2+$0x0], $0xffff  }
0xe8: {  	v61 =	vor.u32 s24, v16;
	v56 =	vld.idx.msk [tilespmem:v56+s2+$0x0], $0xffff  }
0xe9: {  	v58 =	vld.idx.msk [tilespmem:v58+s2+$0x0], $0xffff  }
0xea: {  	v59 =	vld.idx.msk [tilespmem:v59+s2+$0x0], $0xffff;
	v41 =	vmax.f32 v48, v41  }
0xeb: {  	v17 =	vmax.f32 v41, v17;
	v41 =	vld [tilespmem:s23+$0x30]  }
0xec: {  	v19 =	vmax.f32 v40, v19;
	v21 =	vmax.f32 v21, v37;
	v40 =	vld.idx.msk [tilespmem:v60+s2+$0x0], $0xffff  }
0xed: {  	v38 =	vmax.f32 v44, v38;
	v19 =	vmax.f32 v19, v43;
	v21 =	vmax.f32 v21, v34;
	v43 =	vld.idx.msk [tilespmem:v61+s2+$0x0], $0xffff  }
0xee: {  	v19 =	vmax.f32 v19, v45;
	v17 =	vmax.f32 v17, v42;
	v60 =	vmax.f32 v54, v53;
	v61 =	vld [tilespmem:s23+$0x50]  }
0xef: {  	v53 =	vld [tilespmem:s23+$0x60];
	v54 =	vmax.f32 v52, v57;
	v57 =	vmax.f32 v55, v56;
	v58 =	vmax.f32 v58, v59  }
0xf0: {  	v59 =	vld [tilespmem:s23+$0x70];
	v45 =	vmax.f32 v60, v51;
	v51 =	vmax.f32 v38, v39;
	v39 =	vmax.f32 v54, v49  }
0xf1: {  	v48 =	vmax.f32 v45, v46;
	v45 =	vmax.f32 v57, v50;
	v40 =	vmax.f32 v58, v40  }
0xf2: {  	v20 =	vmax.f32 v39, v20;
	v22 =	vmax.f32 v45, v22;
	v60 =	vmax.f32 v40, v43  }
0xf3: {  	v19 =	vmax.f32 v19, v47;
	v20 =	vmax.f32 v48, v20;
	v22 =	vmax.f32 v22, v60  }
0xf4: {  	v21 =	vmax.f32 v21, v41;
	v20 =	vmax.f32 v20, v22;
	v22 =	vmax.f32 v51, v36  }
0xf5: {  	v17 =	vmax.f32 v17, v61;
	v21 =	vmax.f32 v21, v59;
	v22 =	vmax.f32 v22, v53  }
0xf6: {  	v17 =	vmax.f32 v19, v17;
	v61 =	vmax.f32 v35, v20;
	v19 =	vmax.f32 v22, v21  }
0xf7: {  	v17 =	vmax.f32 v17, v19;
	v19 =	vsub.f32 $0.0e+00, v61  }
0xf8: {  	(xrf0) =	vmax.scan.msk.f32 $0xffff, v17  }
0xf9: {  	(xrf0) =	vmax.scan.msk.f32 $0xffff, v19;
	_ =	sdelay $0x4  }
0xfa: {  	v2 =	vld [tilespmem:$0x1FE30];
	v17, _, _ =	vpop (xrf0)  }
0xfb: {  	s22 =	sadd.s32 $0x10, s22;
	v3 =	vld [tilespmem:$0x1FE40];
	v53 =	vimm.s32 $0xF;
	v19, _, _ =	vpop (xrf0)  }
0xfc: {  	v4 =	vld [tilespmem:$0x1FE50];
	s23 =	simm.s32 $0xC100;
	[tilespmem:s22+$0x0] =	vst v20;
	v1 =	vperm.xlane v17, v53;
	v19 =	vperm.xlane v19, v53  }
0xfd: {  	v20 =	vld [tilespmem:s23+$0x0]  }
0xfe: {  	s24 =	simm.s32 $0x10;
	s22 =	simm.s32 $0x0;
	v17 =	vimm.s32 $0x0;
	[tilespmem:$0x1FDE0] =	vst v1;
	v1 =	vld [tilespmem:$0x1FE20];
	v35 =	vsub.f32 $0.0e+00, v19;
	v19 =	vimm.s32 $0x0  }
.LBB2_4:
0xff: {  	p0 =	sne.s32 s24, $0x1F0;
	_ =	sdelay $0x3  }
0x100: {  	vm0 =	vge.f32 v20, v35  }
0x101: {  	v20 =	vsel vm0, $0x1, v18;
	v21 =	vmpcnt.ones.xlane vm0  }
0x102: {  	(xrf0) =	vadd.scan.msk.s32 $0xffff, v20  }
0x103: {  	v19 =	vadd.s32 v19, v21;
	_ =	sdelay $0x4  }
0x104: {  	v20, _, _ =	vpop (xrf0)  }
0x105: {  	v20 =	vadd.s32 v20, v17;
	v17 =	vmov v19  }
0x106: {  	v20 =	vadd.s32 $0xFFFFFFFF, v20;
	_ =	sdelay $0x1  }
.Ltmp3:
0x107: {  	(pc) =	sbr.rel @p0 .LBB2_4-.Ltmp3, $4  }
0x108: {  	_ = 	snop  }
0x109: {  	v21 =	vor.u32 s22, v0;
	s22 =	smov.u32 s24  }
0x10a: {  	s23 =	sadd.s32 $0x10, s23;
	[tilespmem:v20+s15+$0x0] =	vst.idx.msk vm0, v21  }
0x10b: {  	s24 =	sadd.s32 $0x10, s24;
	v20 =	vld [tilespmem:s23+$0x0]  }
0x10c: {  	_ =	sdelay $0x3  }
0x10d: {  	vm0 =	vge.f32 v20, v35  }
0x10e: {  	v20 =	vmpcnt.ones.xlane vm0;
	_ =	sdelay $0x1  }
0x10f: {  	v19 =	vadd.s32 v19, v20  }
0x110: {  	(v2sf) =	vpush v19, $0x0;
	_ =	sdelay $0xc  }
0x111: {  	v20 =	vsel vm0, $0x1, v18  }
0x112: {  	(xrf0) =	vadd.scan.msk.s32 $0xffff, v20  }
0x113: {  	s23 =	spop (v2sf)  }
0x114: {  	s23 =	sadd.s32 $0xF, s23  }
0x115: {  	s24 =	sand.u32 $0xF, s23  }
0x116: {  	s31 =	sshra.s32 s23, $0x1F;
	p1 =	slt.s32 s23, $0x1;
	p0 =	sne.s32 s24, $0x0  }
0x117: {  	s24 =	sshrl.u32 s31, $0x1C;
	p0 =	por !p1, !p0  }
0x118: {  	v20, _, _ =	vpop (xrf0);
	s23 =	sadd.s32 s24, s23;
	s24 =	simm.s32 $0x1;
	p0 =	por !p0, !p0  }
0x119: {  	v36 =	vbroadcast v19, $0x0;
	v17 =	vadd.s32 v20, v17;
	s23 =	sshra.s32 s23, $0x4;
	s24 =	simm.s32 @!p0 $0x0  }
0x11a: {  	v17 =	vadd.s32 $0xFFFFFFFF, v17;
	s24 =	ssub.s32 s23, s24  }
0x11b: {  	v19 =	vadd.s32 v0, v36;
	p0 =	slt.s32 s24, $0x1  }
.Ltmp4:
0x11c: {  	_ = 	snop;
	(pc) =	sbr.rel @p0 .LBB2_9-.Ltmp4, $4  }
0x11d: {  	_ = 	snop  }
0x11e: {  	v20 =	vor.u32 s22, v0  }
0x11f: {  	v37 =	vimm.s32 $0x0;
	s22 =	simm.s32 $0xC300;
	[tilespmem:v17+s15+$0x0] =	vst.idx.msk vm0, v20  }
0x120: {  	v28 =	vld [tilespmem:$0x1FE60];
	[tilespmem:v19+s22+$0x0] =	vst.idx.msk $0xffff, v37;
	s23 =	simm.s32 $0x0  }
0x121: {  	v17 =	vld [tilespmem:s22+$0x0];
	_ =	sdelay $0x4  }
0x122: {  	v17 =	vshll.u32 v17, $0x4  }
0x123: {  	v19 =	vor.u32 v0, v17  }
0x124: {  	v5 =	vor.u32 v2, v17  }
0x125: {  	v8 =	vor.u32 v1, v17  }
0x126: {  	v6 =	vor.u32 v3, v17;
	_ =	sdelay $0x1  }
0x127: {  	v39 =	vor.u32 s23, v0;
	v31 =	vor.u32 v23, v17;
	[tilespmem:$0x1FD40] =	vst v19;
	v19 =	vld.idx.msk [tilespmem:v19+s2+$0x0], $0xffff  }
0x128: {  	vm4 =	vlt.s32 v39, v36;
	v20 =	vld.idx.msk [tilespmem:v5+s2+$0x0], $0xffff  }
0x129: {  	v38 =	vor.u32 v12, v17;
	[tilespmem:$0x1FD80] =	vst v5;
	v5 =	vor.u32 v25, v17;
	v34 =	vld.idx.msk [tilespmem:v8+s2+$0x0], $0xffff  }
0x12a: {  	v29 =	vor.u32 v24, v17;
	v39 =	vor.u32 v11, v17;
	[tilespmem:$0x1FD50] =	vst v8;
	v21 =	vld.idx.msk [tilespmem:v6+s2+$0x0], $0xffff  }
0x12b: {  	v41 =	vor.u32 v33, v17;
	v30 =	vor.u32 v28, v17;
	[tilespmem:$0x1FDA0] =	vst v6;
	v8 =	vor.u32 v26, v17  }
0x12c: {  	v6 =	vor.u32 v4, v17;
	v44 =	vld.idx.msk [tilespmem:v31+s2+$0x0], $0xffff;
	[tilespmem:$0x1FD10] =	vst v19;
	vm0 =	vge.f32 v19, v35  }
0x12d: {  	[tilespmem:$0x1FD60] =	vst v20;
	v19 =	vor.u32 v27, v17;
	vm2 =	vge.f32 v20, v35;
	v20 =	vor.u32 v32, v17  }
0x12e: {  	[tilespmem:$0x1FDB0] =	vst v5;
	v12 =	vld.idx.msk [tilespmem:v5+s2+$0x0], $0xffff;
	v5 =	vimm.s32 $0x0;
	vm3 =	vge.f32 v34, v35;
	vm1 =	vmand vm4, vm0  }
0x12f: {  	vm0 =	vmand vm4, vm2;
	vm7 =	vmand vm4, vm3;
	vm2 =	vge.f32 v21, v35  }
0x130: {  	v58 =	vld.idx.msk [tilespmem:v8+s2+$0x0], $0xffff;
	v5 =	vsel vm1, $0xFFFFFFFF, v5;
	v59 =	vsel vm1, $0x1, v18;
	v40 =	vsel vm7, $0x1, v18  }
0x131: {  	v60 =	vld.idx.msk [tilespmem:v6+s2+$0x0], $0xffff;
	v42 =	vsel vm0, $0x1, v18;
	vm1 =	vmand vm4, vm2;
	vm2 =	vge.f32 v44, v35  }
0x132: {  	v55 =	vld.idx.msk [tilespmem:v41+s2+$0x0], $0xffff;
	[tilespmem:$0x1FD30] =	vst v5;
	v5 =	vimm.s32 $0x0;
	v62 =	vadd.s32 v59, v40;
	v47 =	vsel vm1, $0x1, v18  }
0x133: {  	v61 =	vld.idx.msk [tilespmem:v29+s2+$0x0], $0xffff;
	vm8 =	vmand vm4, vm2;
	v40 =	vor.u32 v9, v17;
	v5 =	vsel vm0, $0xFFFFFFFF, v5  }
0x134: {  	v63 =	vadd.s32 v42, v62;
	v48 =	vsel vm8, $0x1, v18;
	vm2 =	vge.f32 v12, v35  }
0x135: {  	v57 =	vld.idx.msk [tilespmem:v19+s2+$0x0], $0xffff;
	v53 =	vadd.s32 v47, v63;
	vm3 =	vge.f32 v58, v35;
	vm9 =	vmand vm4, vm2  }
0x136: {  	v56 =	vld.idx.msk [tilespmem:v20+s2+$0x0], $0xffff;
	v51 =	vadd.s32 v48, v53;
	vm2 =	vge.f32 v60, v35;
	vm12 =	vmand vm4, vm3  }
0x137: {  	v54 =	vld.idx.msk [tilespmem:v30+s2+$0x0], $0xffff;
	vm3 =	vge.f32 v55, v35;
	v49 =	vsel vm9, $0x1, v18;
	vm10 =	vmand vm4, vm2  }
0x138: {  	v42 =	vld.idx.msk [tilespmem:v39+s2+$0x0], $0xffff;
	vm2 =	vge.f32 v61, v35;
	v50 =	vsel vm12, $0x1, v18;
	vm5 =	vmand vm4, vm3  }
0x139: {  	[tilespmem:$0x1FD70] =	vst v5;
	v5 =	vmovc v44;
	v52 =	vadd.s32 v49, v51;
	v43 =	vsel vm10, $0x1, v18;
	vm11 =	vmand vm4, vm2;
	v44 =	vld.idx.msk [tilespmem:v40+s2+$0x0], $0xffff  }
0x13a: {  	v11 =	vmovc v34;
	v49 =	vadd.s32 v50, v52;
	v34 =	vsel vm11, $0x1, v18;
	vm2 =	vge.f32 v57, v35  }
0x13b: {  	v50 =	vadd.s32 v43, v49;
	v43 =	vld.idx.msk [tilespmem:v38+s2+$0x0], $0xffff;
	vm13 =	vmand vm4, vm2;
	vm2 =	vge.f32 v56, v35  }
0x13c: {  	v48 =	vadd.s32 v34, v50;
	v17 =	vsel vm13, $0x1, v18;
	vm14 =	vmand vm4, vm2  }
0x13d: {  	vm2 =	vge.f32 v54, v35;
	v46 =	vadd.s32 v17, v48;
	v17 =	vsel vm14, $0x1, v18  }
0x13e: {  	vm15 =	vmand vm4, vm2;
	vm2 =	vge.f32 v42, v35;
	vm0 =	vge.f32 v44, v35  }
0x13f: {  	v45 =	vadd.s32 v17, v46;
	v17 =	vsel vm15, $0x1, v18;
	vm6 =	vmand vm4, vm2  }
0x140: {  	v34 =	vadd.s32 v17, v45;
	vm3 =	vge.f32 v43, v35;
	v17 =	vsel vm5, $0x1, v18  }
0x141: {  	[tilespmem:$0x1FDC0] =	vst v19;
	v19 =	vsel vm6, $0x1, v18;
	vm3 =	vmand vm4, vm3;
	v47 =	vadd.s32 v17, v34  }
0x142: {  	[tilespmem:$0x1FDD0] =	vst v20;
	vm4 =	vmand vm4, vm0;
	v17 =	vsel vm3, $0x1, v18;
	v20 =	vadd.s32 v19, v47  }
0x143: {  	v19 =	vsel vm4, $0x1, v18;
	v22 =	vadd.s32 v17, v20  }
0x144: {  	v17 =	vadd.s32 v19, v22  }
0x145: {  	(xrf0) =	vadd.scan.msk.s32 $0xffff, v17;
	_ =	sdelay $0x5  }
0x146: {  	v19, _, _ =	vpop (xrf0)  }
0x147: {  	v17 =	vsub.s32 v19, v17  }
0x148: {  	[tilespmem:$0x1FD90] =	vst v21;
	v21 =	vadd.s32 v37, v17  }
0x149: {  	v17 =	vadd.s32 v59, v21;
	v59 =	vadd.s32 v62, v21;
	v62 =	vld [tilespmem:$0x1FD10];
	[tilespmem:$0x1FD20] =	vst v0  }
0x14a: {  	v0 =	vld [tilespmem:$0x1FD30];
	_ =	sdelay $0x4  }
0x14b: {  	vm0 =	vnez.u8 v0;
	_ =	sdelay $0x4  }
0x14c: {  	v0 =	vld [tilespmem:$0x1FD20]  }
0x14d: {  	[tilespmem:v21+s16+$0x0] =	vst.idx.msk vm0, v62;
	v62 =	vld [tilespmem:$0x1FD40];
	_ =	sdelay $0x4  }
0x14e: {  	[tilespmem:v21+s17+$0x0] =	vst.idx.msk vm0, v62;
	v62 =	vadd.s32 v63, v21;
	v63 =	vld [tilespmem:$0x1FD50];
	_ =	sdelay $0x3  }
0x14f: {  	[tilespmem:v17+s16+$0x0] =	vst.idx.msk vm7, v11  }
0x150: {  	[tilespmem:v17+s17+$0x0] =	vst.idx.msk vm7, v63;
	v63 =	vld [tilespmem:$0x1FD70];
	_ =	sdelay $0x4  }
0x151: {  	vm0 =	vnez.u8 v63  }
0x152: {  	v11 =	vld [tilespmem:$0x1FD60];
	_ =	sdelay $0x3  }
0x153: {  	v63 =	vld [tilespmem:$0x1FD80]  }
0x154: {  	[tilespmem:v59+s16+$0x0] =	vst.idx.msk vm0, v11;
	v11 =	vld [tilespmem:$0x1FD90];
	_ =	sdelay $0x3  }
0x155: {  	[tilespmem:v59+s17+$0x0] =	vst.idx.msk vm0, v63  }
0x156: {  	[tilespmem:v62+s16+$0x0] =	vst.idx.msk vm1, v11;
	v11 =	vld [tilespmem:$0x1FDA0]  }
0x157: {  	v17 =	vadd.s32 v53, v21;
	_ =	sdelay $0x3  }
0x158: {  	v51 =	vadd.s32 v51, v21;
	[tilespmem:v62+s17+$0x0] =	vst.idx.msk vm1, v11  }
0x159: {  	[tilespmem:v17+s16+$0x0] =	vst.idx.msk vm8, v5;
	v5 =	vld [tilespmem:$0x1FDB0]  }
0x15a: {  	v52 =	vadd.s32 v52, v21;
	_ =	sdelay $0x1  }
0x15b: {  	[tilespmem:v17+s17+$0x0] =	vst.idx.msk vm8, v31;
	v17 =	vadd.s32 v49, v21  }
0x15c: {  	[tilespmem:v51+s16+$0x0] =	vst.idx.msk vm9, v12  }
0x15d: {  	v63 =	vadd.s32 v50, v21;
	[tilespmem:v51+s17+$0x0] =	vst.idx.msk vm9, v5  }
0x15e: {  	[tilespmem:v52+s16+$0x0] =	vst.idx.msk vm12, v58  }
0x15f: {  	v48 =	vadd.s32 v48, v21;
	[tilespmem:v52+s17+$0x0] =	vst.idx.msk vm12, v8  }
0x160: {  	v5 =	vld [tilespmem:$0x1FDC0];
	[tilespmem:v17+s16+$0x0] =	vst.idx.msk vm10, v60  }
0x161: {  	[tilespmem:v17+s17+$0x0] =	vst.idx.msk vm10, v6  }
0x162: {  	[tilespmem:v63+s16+$0x0] =	vst.idx.msk vm11, v61  }
0x163: {  	[tilespmem:v63+s17+$0x0] =	vst.idx.msk vm11, v29  }
0x164: {  	v46 =	vadd.s32 v46, v21;
	[tilespmem:v48+s16+$0x0] =	vst.idx.msk vm13, v57  }
0x165: {  	[tilespmem:v48+s17+$0x0] =	vst.idx.msk vm13, v5;
	v5 =	vld [tilespmem:$0x1FDD0];
	_ =	sdelay $0x3  }
0x166: {  	v45 =	vadd.s32 v45, v21;
	[tilespmem:v46+s16+$0x0] =	vst.idx.msk vm14, v56  }
0x167: {  	[tilespmem:v46+s17+$0x0] =	vst.idx.msk vm14, v5;
	v5 =	vimm.s32 $0xF  }
0x168: {  	p0 =	sne.s32 s24, $0x1;
	v17 =	vadd.s32 v34, v21;
	v19 =	vperm.xlane v19, v5  }
.Ltmp5:
0x169: {  	_ = 	snop;
	(pc) =	sbr.rel @!p0 .LBB2_8-.Ltmp5, $4  }
0x16a: {  	v37 =	vadd.s32 v37, v19;
	v19 =	vadd.s32 v47, v21  }
0x16b: {  	[tilespmem:v45+s16+$0x0] =	vst.idx.msk vm15, v54  }
0x16c: {  	v20 =	vadd.s32 v20, v21;
	v11 =	vld [tilespmem:$0x1FFF0];
	[tilespmem:v45+s17+$0x0] =	vst.idx.msk vm15, v30  }
0x16d: {  	s24 =	sadd.s32 $0xFFFFFFFF, s24;
	v12 =	vld [tilespmem:$0x1FFE0];
	v8 =	vimm.s32 $0xF;
	[tilespmem:v17+s16+$0x0] =	vst.idx.msk vm5, v55;
	v21 =	vadd.s32 v22, v21  }
.LBB2_7:
0x16e: {  	[tilespmem:v17+s17+$0x0] =	vst.idx.msk vm5, v41  }
0x16f: {  	[tilespmem:v19+s16+$0x0] =	vst.idx.msk vm6, v42  }
0x170: {  	[tilespmem:v19+s17+$0x0] =	vst.idx.msk vm6, v39  }
0x171: {  	[tilespmem:v20+s16+$0x0] =	vst.idx.msk vm3, v43  }
0x172: {  	[tilespmem:v20+s17+$0x0] =	vst.idx.msk vm3, v38  }
0x173: {  	[tilespmem:v21+s16+$0x0] =	vst.idx.msk vm4, v44  }
0x174: {  	s22 =	sadd.s32 $0x10, s22;
	[tilespmem:v21+s17+$0x0] =	vst.idx.msk vm4, v40  }
0x175: {  	v17 =	vld [tilespmem:s22+$0x0];
	_ =	sdelay $0x4  }
0x176: {  	v17 =	vshll.u32 v17, $0x4  }
0x177: {  	v56 =	vor.u32 v0, v17  }
0x178: {  	v54 =	vor.u32 v2, v17  }
0x179: {  	v39 =	vor.u32 v11, v17  }
0x17a: {  	v55 =	vor.u32 v1, v17  }
0x17b: {  	v53 =	vor.u32 v3, v17  }
0x17c: {  	v47 =	vor.u32 v26, v17;
	v34 =	vld.idx.msk [tilespmem:v56+s2+$0x0], $0xffff  }
0x17d: {  	s23 =	sadd.s32 $0x10, s23;
	v57 =	vld.idx.msk [tilespmem:v54+s2+$0x0], $0xffff  }
0x17e: {  	v19 =	vor.u32 s23, v0;
	v51 =	vor.u32 v23, v17;
	v42 =	vld.idx.msk [tilespmem:v39+s2+$0x0], $0xffff  }
0x17f: {  	vm4 =	vlt.s32 v19, v36;
	v52 =	vor.u32 v25, v17;
	v46 =	vor.u32 v4, v17;
	v63 =	vld.idx.msk [tilespmem:v55+s2+$0x0], $0xffff  }
0x180: {  	v38 =	vor.u32 v12, v17;
	v40 =	vor.u32 v9, v17;
	v48 =	vor.u32 v24, v17;
	v59 =	vld.idx.msk [tilespmem:v53+s2+$0x0], $0xffff  }
0x181: {  	v49 =	vor.u32 v27, v17;
	v41 =	vor.u32 v33, v17;
	v50 =	vor.u32 v32, v17;
	v61 =	vld.idx.msk [tilespmem:v47+s2+$0x0], $0xffff  }
0x182: {  	v45 =	vor.u32 v28, v17;
	v1 =	vimm.s32 $0x0;
	vm0 =	vge.f32 v34, v35  }
0x183: {  	v58 =	vld.idx.msk [tilespmem:v51+s2+$0x0], $0xffff;
	vm1 =	vge.f32 v57, v35;
	vm2 =	vge.f32 v42, v35;
	vm8 =	vmand vm4, vm0  }
0x184: {  	v60 =	vld.idx.msk [tilespmem:v52+s2+$0x0], $0xffff;
	vm0 =	vge.f32 v63, v35;
	vm1 =	vmand vm4, vm1;
	vm6 =	vmand vm4, vm2  }
0x185: {  	v1 =	vsel vm1, $0xFFFFFFFF, v1;
	v23 =	vsel vm8, $0x1, v18;
	vm11 =	vmand vm4, vm0  }
0x186: {  	v62 =	vld.idx.msk [tilespmem:v46+s2+$0x0], $0xffff;
	vm0 =	vge.f32 v59, v35;
	v20 =	vsel vm1, $0x1, v18;
	vm1 =	vge.f32 v61, v35  }
0x187: {  	v2 =	vsel vm6, $0x1, v18;
	v19 =	vsel vm11, $0x1, v18;
	vm7 =	vmand vm4, vm0  }
0x188: {  	v17 =	vld.idx.msk [tilespmem:v48+s2+$0x0], $0xffff;
	vm0 =	vge.f32 v58, v35;
	vm15 =	vmand vm4, vm1;
	v24 =	vadd.s32 v23, v19  }
0x189: {  	v21 =	vsel vm7, $0x1, v18;
	v19 =	vld.idx.msk [tilespmem:v49+s2+$0x0], $0xffff;
	vm9 =	vmand vm4, vm0;
	vm0 =	vge.f32 v60, v35  }
0x18a: {  	v33 =	vsel vm15, $0x1, v18;
	v25 =	vadd.s32 v20, v24;
	vm12 =	vmand vm4, vm0  }
0x18b: {  	v20 =	vld.idx.msk [tilespmem:v50+s2+$0x0], $0xffff;
	vm0 =	vge.f32 v62, v35;
	v26 =	vadd.s32 v21, v25;
	v21 =	vsel vm9, $0x1, v18  }
0x18c: {  	v22 =	vsel vm12, $0x1, v18;
	vm10 =	vmand vm4, vm0;
	v27 =	vadd.s32 v21, v26;
	v21 =	vld.idx.msk [tilespmem:v45+s2+$0x0], $0xffff  }
0x18d: {  	vm0 =	vge.f32 v17, v35;
	v44 =	vsel vm10, $0x1, v18;
	v28 =	vadd.s32 v22, v27;
	v22 =	vld.idx.msk [tilespmem:v41+s2+$0x0], $0xffff  }
0x18e: {  	vm13 =	vmand vm4, vm0;
	vm0 =	vge.f32 v19, v35;
	v29 =	vadd.s32 v33, v28  }
0x18f: {  	v43 =	vld.idx.msk [tilespmem:v38+s2+$0x0], $0xffff;
	v30 =	vsel vm13, $0x1, v18;
	vm14 =	vmand vm4, vm0;
	v31 =	vadd.s32 v44, v29  }
0x190: {  	vm0 =	vge.f32 v20, v35;
	v44 =	vld.idx.msk [tilespmem:v40+s2+$0x0], $0xffff;
	v32 =	vsel vm14, $0x1, v18;
	v30 =	vadd.s32 v30, v31  }
0x191: {  	vm1 =	vmand vm4, vm0;
	vm0 =	vge.f32 v21, v35;
	v32 =	vadd.s32 v32, v30  }
0x192: {  	v33 =	vsel vm1, $0x1, v18;
	vm0 =	vmand vm4, vm0;
	vm3 =	vge.f32 v22, v35  }
0x193: {  	[tilespmem:$0x1FD00] =	vst v1;
	v33 =	vadd.s32 v33, v32;
	v1 =	vsel vm0, $0x1, v18;
	vm5 =	vmand vm4, vm3  }
0x194: {  	vm3 =	vge.f32 v43, v35;
	v1 =	vadd.s32 v1, v33;
	v3 =	vsel vm5, $0x1, v18  }
0x195: {  	vm3 =	vmand vm4, vm3;
	vm2 =	vge.f32 v44, v35;
	v3 =	vadd.s32 v3, v1  }
0x196: {  	v4 =	vsel vm3, $0x1, v18;
	vm4 =	vmand vm4, vm2;
	v2 =	vadd.s32 v2, v3  }
0x197: {  	v5 =	vsel vm4, $0x1, v18;
	v4 =	vadd.s32 v4, v2  }
0x198: {  	v5 =	vadd.s32 v5, v4  }
0x199: {  	(xrf0) =	vadd.scan.msk.s32 $0xffff, v5;
	_ =	sdelay $0x5  }
0x19a: {  	v6, _, _ =	vpop (xrf0)  }
0x19b: {  	v5 =	vsub.s32 v6, v5  }
0x19c: {  	v5 =	vadd.s32 v37, v5;
	_ =	sdelay $0x1  }
0x19d: {  	v23 =	vadd.s32 v23, v5;
	_ =	sdelay $0x2  }
0x19e: {  	[tilespmem:v5+s16+$0x0] =	vst.idx.msk vm8, v34  }
0x19f: {  	[tilespmem:v5+s17+$0x0] =	vst.idx.msk vm8, v56  }
0x1a0: {  	[tilespmem:v23+s16+$0x0] =	vst.idx.msk vm11, v63  }
0x1a1: {  	[tilespmem:v23+s17+$0x0] =	vst.idx.msk vm11, v55;
	v23 =	vld [tilespmem:$0x1FD00];
	_ =	sdelay $0x3  }
0x1a2: {  	v6 =	vperm.xlane v6, v8  }
0x1a3: {  	vm2 =	vnez.u8 v23  }
0x1a4: {  	v37 =	vadd.s32 v37, v6;
	v6 =	vadd.s32 v24, v5;
	_ =	sdelay $0x1  }
0x1a5: {  	v24 =	vadd.s32 v25, v5;
	_ =	sdelay $0x1  }
0x1a6: {  	v25 =	vadd.s32 v26, v5  }
0x1a7: {  	[tilespmem:v6+s16+$0x0] =	vst.idx.msk vm2, v57  }
0x1a8: {  	v23 =	vadd.s32 v27, v5;
	[tilespmem:v6+s17+$0x0] =	vst.idx.msk vm2, v54  }
0x1a9: {  	[tilespmem:v24+s16+$0x0] =	vst.idx.msk vm7, v59  }
0x1aa: {  	v6 =	vadd.s32 v28, v5;
	[tilespmem:v24+s17+$0x0] =	vst.idx.msk vm7, v53  }
0x1ab: {  	[tilespmem:v25+s16+$0x0] =	vst.idx.msk vm9, v58  }
0x1ac: {  	v24 =	vadd.s32 v29, v5;
	[tilespmem:v25+s17+$0x0] =	vst.idx.msk vm9, v51  }
0x1ad: {  	[tilespmem:v23+s16+$0x0] =	vst.idx.msk vm12, v60  }
0x1ae: {  	v25 =	vadd.s32 v31, v5;
	[tilespmem:v23+s17+$0x0] =	vst.idx.msk vm12, v52  }
0x1af: {  	[tilespmem:v6+s16+$0x0] =	vst.idx.msk vm15, v61  }
0x1b0: {  	v26 =	vld [tilespmem:$0x1FEE0];
	v23 =	vadd.s32 v30, v5;
	[tilespmem:v6+s17+$0x0] =	vst.idx.msk vm15, v47  }
0x1b1: {  	v27 =	vld [tilespmem:$0x1FEF0];
	[tilespmem:v24+s16+$0x0] =	vst.idx.msk vm10, v62  }
0x1b2: {  	v28 =	vld [tilespmem:$0x1FE60];
	v6 =	vadd.s32 v32, v5;
	[tilespmem:v24+s17+$0x0] =	vst.idx.msk vm10, v46  }
0x1b3: {  	v32 =	vld [tilespmem:$0x1FF00];
	[tilespmem:v25+s16+$0x0] =	vst.idx.msk vm13, v17  }
0x1b4: {  	v24 =	vadd.s32 v33, v5;
	v33 =	vld [tilespmem:$0x1FF10];
	[tilespmem:v25+s17+$0x0] =	vst.idx.msk vm13, v48  }
0x1b5: {  	v17 =	vadd.s32 v1, v5;
	v1 =	vld [tilespmem:$0x1FE20];
	[tilespmem:v23+s16+$0x0] =	vst.idx.msk vm14, v19  }
0x1b6: {  	p0 =	sne.s32 s24, $0x1;
	v25 =	vld [tilespmem:$0x1FEC0];
	[tilespmem:v23+s17+$0x0] =	vst.idx.msk vm14, v49  }
.Ltmp6:
0x1b7: {  	v19 =	vadd.s32 v3, v5;
	v3 =	vld [tilespmem:$0x1FE40];
	[tilespmem:v6+s16+$0x0] =	vst.idx.msk vm1, v20;
	(pc) =	sbr.rel @p0 .LBB2_7-.Ltmp6, $4  }
0x1b8: {  	v23 =	vld [tilespmem:$0x1FEB0];
	[tilespmem:v6+s17+$0x0] =	vst.idx.msk vm1, v50  }
0x1b9: {  	v20 =	vadd.s32 v2, v5;
	v2 =	vld [tilespmem:$0x1FE30];
	[tilespmem:v24+s16+$0x0] =	vst.idx.msk vm0, v21  }
0x1ba: {  	v21 =	vadd.s32 v4, v5;
	v4 =	vld [tilespmem:$0x1FE50];
	[tilespmem:v24+s17+$0x0] =	vst.idx.msk vm0, v45  }
0x1bb: {  	s24 =	sadd.s32 $0xFFFFFFFF, s24;
	v24 =	vld [tilespmem:$0x1FED0];
	[tilespmem:v17+s16+$0x0] =	vst.idx.msk vm5, v22  }
.LBB2_8:
0x1bc: {  	_ =	sdelay $0x4  }
0x1bd: {  	[tilespmem:v17+s17+$0x0] =	vst.idx.msk vm5, v41  }
0x1be: {  	[tilespmem:v19+s16+$0x0] =	vst.idx.msk vm6, v42  }
0x1bf: {  	[tilespmem:v19+s17+$0x0] =	vst.idx.msk vm6, v39  }
0x1c0: {  	v62 =	vld [tilespmem:$0x1FF20];
	[tilespmem:v20+s16+$0x0] =	vst.idx.msk vm3, v43  }
0x1c1: {  	v63 =	vld [tilespmem:$0x1FF30];
	[tilespmem:v20+s17+$0x0] =	vst.idx.msk vm3, v38  }
0x1c2: {  	v30 =	vld [tilespmem:$0x1FE90];
	[tilespmem:v21+s16+$0x0] =	vst.idx.msk vm4, v44  }
0x1c3: {  	v53 =	vimm.s32 $0xF;
	v8 =	vld [tilespmem:$0x1FF40];
	[tilespmem:v21+s17+$0x0] =	vst.idx.msk vm4, v40  }
.LBB2_9:
0x1c4: {  	(v2sf) =	vpush v37, $0x0;
	_ =	sdelay $0xe  }
0x1c5: {  	s22 =	spop (v2sf)  }
0x1c6: {  	s22 =	sadd.s32 $0xF, s22  }
0x1c7: {  	s23 =	sand.u32 $0xF, s22  }
0x1c8: {  	s24 =	sshra.s32 s22, $0x1F;
	p0 =	slt.s32 s22, $0x1;
	p1 =	sne.s32 s23, $0x0  }
0x1c9: {  	s30 =	sshrl.u32 s24, $0x1C;
	p0 =	por !p0, !p1  }
0x1ca: {  	s23 =	simm.s32 $0x1;
	s22 =	sadd.s32 s30, s22;
	p0 =	por !p0, !p0  }
0x1cb: {  	s31 =	sshra.s32 s22, $0x4;
	s23 =	simm.s32 @!p0 $0x0  }
0x1cc: {  	v1 =	vadd.s32 v0, v37;
	s23 =	ssub.s32 s31, s23  }
0x1cd: {  	p0 =	slt.s32 s23, $0x1  }
.Ltmp7:
0x1ce: {  	_ = 	snop;
	(pc) =	sbr.rel @p0 .LBB2_52-.Ltmp7, $4  }
0x1cf: {  	_ = 	snop  }
0x1d0: {  	v17 =	vimm.f32 $-Inf;
	s22 =	simm.s32 $0x8000  }
0x1d1: {  	[tilespmem:v1+s22+$0x0] =	vst.idx.msk $0xffff, v17  }
0x1d2: {  	v61 =	vld [tilespmem:$0x1FF50];
	[tilespmem:v1+s17+$0x0] =	vst.idx.msk $0xffff, v18  }
0x1d3: {  	p2 =	seq.s32 s23, $0x1  }
.Ltmp8:
0x1d4: {  	_ = 	snop;
	(pc) =	sbr.rel @p2 .LBB2_11-.Ltmp8, $2  }
0x1d5: {  	_ =	sdelay $0x2  }
0x1d6: {  	v19 =	vld [tilespmem:s22+$0x0];
	s24 =	sadd.s32 $0xFFFFFFFF, s23;
	p0 =	por $0x0, $0x0;
	p1 =	por $0x0, $0x0  }
0x1d7: {  	p2 =	seq.s32 s24, $0x1  }
.Ltmp9:
0x1d8: {  	_ = 	snop;
	(pc) =	sbr.rel @p2 .LBB2_13-.Ltmp9, $3  }
0x1d9: {  	_ =	sdelay $0x1  }
0x1da: {  	s22 =	sadd.s32 $0x10, s22  }
0x1db: {  	s24 =	sadd.s32 $0xFFFFFFFF, s24;
	p0 =	por $0x1, $0x1;
	(xrf1) =	vsort.dscd.msk.f32 $0xffff, v19, v19;
	v19 =	vld [tilespmem:s22+$0x0]  }
0x1dc: {  	_ =	sdelay $0xc  }
0x1dd: {  	v1, _, _ =	vpop (xrf1)  }
0x1de: {  	(xrf1) =	vsort.dscd.msk.f32 $0xffff, v19, v19;
	v1 =	vmax.f32 v17, v1  }
0x1df: {  	(xrf1) =	vsort.ascd.msk.f32 $0xffff, v1, v1;
	_ =	sdelay $0x5  }
0x1e0: {  	p2 =	seq.s32 s24, $0x1  }
.Ltmp10:
0x1e1: {  	_ = 	snop;
	(pc) =	sbr.rel @p2 .LBB2_16-.Ltmp10, $4  }
0x1e2: {  	_ = 	snop  }
0x1e3: {  	s22 =	sadd.s32 $0x10, s22  }
0x1e4: {  	v19 =	vld [tilespmem:s22+$0x0]  }
0x1e5: {  	s24 =	sadd.s32 $0xFFFFFFFF, s24;
	p1 =	por $0x1, $0x1  }
.LBB2_15:
0x1e6: {  	p2 =	seq.s32 s24, $0x1  }
0x1e7: {  	v1, _, _ =	vpop (xrf1)  }
0x1e8: {  	v2, _, _ =	vpop (xrf1)  }
0x1e9: {  	(xrf1) =	vsort.dscd.msk.f32 $0xffff, v19, v19;
	v1 =	vmax.f32 v2, v1  }
0x1ea: {  	(xrf1) =	vsort.ascd.msk.f32 $0xffff, v1, v1;
	_ =	sdelay $0x6  }
.Ltmp11:
0x1eb: {  	(pc) =	sbr.rel @!p2 .LBB2_15-.Ltmp11, $4  }
0x1ec: {  	_ = 	snop  }
0x1ed: {  	s22 =	sadd.s32 $0x10, s22  }
0x1ee: {  	v19 =	vld [tilespmem:s22+$0x0]  }
0x1ef: {  	s24 =	sadd.s32 $0xFFFFFFFF, s24  }
.LBB2_16:
0x1f0: {  	_ = 	snop  }
0x1f1: {  	v1, _, _ =	vpop @p0 (xrf1)  }
0x1f2: {  	v2, _, _ =	vpop @p1 (xrf1)  }
0x1f3: {  	v2 =	vpsel p1, v2, v17  }
0x1f4: {  	(xrf1) =	vsort.dscd.msk.f32 $0xffff, v19, v19;
	v1 =	vmax.f32 @p0 v2, v1  }
0x1f5: {  	(xrf1) =	vsort.ascd.msk.f32 @p0 $0xffff, v1, v1;
	_ =	sdelay $0xc  }
0x1f6: {  	v1, _, _ =	vpop (xrf1)  }
0x1f7: {  	v2, _, _ =	vpop @p0 (xrf1)  }
0x1f8: {  	v2 =	vpsel p0, v2, v17  }
0x1f9: {  	v1 =	vmax.f32 v2, v1  }
0x1fa: {  	(xrf1) =	vsort.ascd.msk.f32 $0xffff, v1, v1;
	_ =	sdelay $0xc  }
0x1fb: {  	p2 =	sne.s32 s23, $0x1  }
.Ltmp12:
0x1fc: {  	v17, _, _ =	vpop (xrf1);
	(pc) =	sbr.rel @!p2 .LBB2_17-.Ltmp12, $3  }
0x1fd: {  	v36 =	vperm.xlane v17, v18;
	_ =	sdelay $0x1  }
0x1fe: {  	s22 =	simm.s32 $0x8000;
	s24 =	simm.s32 $0xA080;
	vm0 =	vgt.f32 v17, v36  }
0x1ff: {  	v38 =	vimm.s32 $0x7FFFFFFF;
	v37 =	vimm.f32 $-Inf;
	s23 =	sadd.s32 $0xFFFFFFFF, s23;
	v19 =	vld [tilespmem:s24+$0x0];
	p1 =	por $0x0, $0x0;
	p0 =	por $0x0, $0x0;
	v35 =	vmpcnt.ones.xlane vm0  }
0x200: {  	_ =	sdelay $0x6  }
0x201: {  	v39 =	vld [tilespmem:s22+$0x0]  }
0x202: {  	v34 =	vld.idx.msk [tilespmem:v19+s11+$0x0], $0xffff  }
0x203: {  	p2 =	sne.s32 s23, $0x1  }
.Ltmp13:
0x204: {  	_ = 	snop;
	(pc) =	sbr.rel @!p2 .LBB2_19-.Ltmp13, $4  }
0x205: {  	_ = 	snop  }
0x206: {  	v1 =	vxor.u32 $0x80000000, v19;
	vm0 =	veq.f32 v39, v36  }
0x207: {  	s24 =	simm.s32 $0xA090;
	v1 =	vnsel vm0, $0xFFFFFFFF, v1;
	v2 =	vnsel vm0, $0xFF800000, v34  }
0x208: {  	s25 =	sadd.s32 $0xFFFFFFFF, s23;
	p0 =	por $0x1, $0x1;
	v19 =	vld [tilespmem:s24+$0x0];
	(xrf1) =	vsort.ascd.msk.u32 $0xffff, v1, v2  }
0x209: {  	_ =	sdelay $0x8  }
0x20a: {  	s23 =	simm.s32 $0x8010  }
0x20b: {  	v20 =	vld [tilespmem:s23+$0x0]  }
0x20c: {  	v21 =	vld.idx.msk [tilespmem:v19+s11+$0x0], $0xffff  }
0x20d: {  	v1 =	vmul.u32 $0xFFFFFFFF, v0  }
0x20e: {  	v2, v3, _ =	vpop (xrf1)  }
0x20f: {  	v22 =	vadd.s32 $0xF, v1;
	v1 =	vxor.u32 $0x80000000, v2  }
0x210: {  	vm0 =	veq.f32 v20, v36;
	v1 =	vperm.xlane v1, v22  }
0x211: {  	v4 =	vnsel vm0, $0xFF800000, v21;
	v2 =	vxor.u32 $0x80000000, v19  }
0x212: {  	p2 =	sne.s32 s25, $0x1;
	v3 =	vperm.xlane v3, v22;
	v2 =	vnsel vm0, $0xFFFFFFFF, v2;
	vm1 =	vgt.s32 v38, v1  }
.Ltmp14:
0x213: {  	(xrf1) =	vsort.ascd.msk.u32 $0xffff, v2, v4;
	v1 =	vsel vm1, v1, v38;
	(pc) =	sbr.rel @!p2 .LBB2_21-.Ltmp14, $4  }
0x214: {  	v2 =	vsel vm1, v3, v37;
	v1 =	vxor.u32 $0x80000000, v1  }
0x215: {  	(xrf1) =	vsort.ascd.msk.u32 $0xffff, v1, v2  }
0x216: {  	s24 =	simm.s32 $0xA0A0  }
0x217: {  	s25 =	sadd.s32 $0xFFFFFFFF, s25;
	p1 =	por $0x1, $0x1;
	v17 =	vimm.f32 $-Inf;
	v19 =	vld [tilespmem:s24+$0x0]  }
.LBB2_22:
0x218: {  	p2 =	sne.s32 s25, $0x1;
	_ =	sdelay $0x3  }
0x219: {  	s23 =	sadd.s32 $0x10, s23  }
0x21a: {  	v1 =	vld [tilespmem:s23+$0x0];
	_ =	sdelay $0x1  }
0x21b: {  	v2 =	vld.idx.msk [tilespmem:v19+s11+$0x0], $0xffff;
	_ =	sdelay $0x1  }
0x21c: {  	v3, v4, _ =	vpop (xrf1)  }
0x21d: {  	vm1 =	vgt.f32 v39, v36;
	v39 =	vmovc v20;
	vm0 =	veq.f32 v1, v36;
	v3 =	vxor.u32 $0x80000000, v3;
	v20 =	vmovc v1  }
0x21e: {  	v5 =	vmax.f32 v17, v34;
	v1 =	vxor.u32 $0x80000000, v19;
	v3 =	vperm.xlane v3, v22;
	v19, v6, _ =	vpop (xrf1)  }
0x21f: {  	v34 =	vmovc v21;
	v17 =	vsel vm1, v5, v17;
	v4 =	vperm.xlane v4, v22;
	v5 =	vxor.u32 $0x80000000, v19  }
0x220: {  	v1 =	vnsel vm0, $0xFFFFFFFF, v1;
	v19 =	vnsel vm0, $0xFF800000, v2;
	v21 =	vmovc v2;
	vm0 =	vgt.s32 v5, v3  }
.Ltmp15:
0x221: {  	(xrf1) =	vsort.ascd.msk.u32 $0xffff, v1, v19;
	v1 =	vsel vm0, v3, v5;
	v2 =	vsel vm0, v4, v6;
	(pc) =	sbr.rel @p2 .LBB2_22-.Ltmp15, $4  }
0x222: {  	v1 =	vxor.u32 $0x80000000, v1  }
0x223: {  	(xrf1) =	vsort.ascd.msk.u32 $0xffff, v1, v2  }
0x224: {  	s24 =	sadd.s32 $0x10, s24  }
0x225: {  	s25 =	sadd.s32 $0xFFFFFFFF, s25;
	v19 =	vld [tilespmem:s24+$0x0]  }
0x226: {  	v22 =	vmovc v39;
	v40 =	vmov v34;
	v39 =	vmov v20;
	v34 =	vmov v21  }
.LBB2_24:
0x227: {  	_ =	sdelay $0x3  }
0x228: {  	s23 =	sadd.s32 @p0 $0x10, s23  }
0x229: {  	s22 =	smov.u32 @p0 s23  }
0x22a: {  	v2 =	vld [tilespmem:s22+$0x0];
	_ =	sdelay $0x1  }
0x22b: {  	v1 =	vmul.u32 @p0 $0xFFFFFFFF, v0  }
0x22c: {  	v5 =	vld.idx.msk [tilespmem:v19+s11+$0x0], $0xffff;
	v3, v4, _ =	vpop @p0 (xrf1)  }
0x22d: {  	v1 =	vadd.s32 @p0 $0xF, v1;
	v3 =	vxor.u32 @p0 $0x80000000, v3;
	v6, v20, _ =	vpop @p1 (xrf1)  }
0x22e: {  	vm1 =	veq.f32 v2, v36;
	v3 =	vperm.xlane @p0 v3, v1;
	v6 =	vxor.u32 @p1 $0x80000000, v6  }
0x22f: {  	v1 =	vperm.xlane @p0 v4, v1;
	v4 =	vxor.u32 $0x80000000, v19;
	v6 =	vpsel p1, v6, v38  }
0x230: {  	v4 =	vnsel vm1, $0xFFFFFFFF, v4;
	vm0 =	vgt.s32 @p0 v6, v3  }
0x231: {  	v19 =	vpsel p1, v20, v37;
	v3 =	vsel @p0 vm0, v3, v6;
	v6 =	vnsel vm1, $0xFF800000, v5  }
0x232: {  	v1 =	vsel @p0 vm0, v1, v19;
	(xrf1) =	vsort.ascd.msk.u32 $0xffff, v4, v6;
	v3 =	vxor.u32 @p0 $0x80000000, v3  }
0x233: {  	(xrf1) =	vsort.ascd.msk.u32 @p0 $0xffff, v3, v1;
	_ =	sdelay $0xb  }
0x234: {  	v1 =	vmul.u32 $0xFFFFFFFF, v0  }
0x235: {  	v3, v4, _ =	vpop (xrf1)  }
0x236: {  	v1 =	vadd.s32 $0xF, v1;
	v3 =	vxor.u32 $0x80000000, v3;
	v6, v19, _ =	vpop @p0 (xrf1)  }
0x237: {  	v3 =	vperm.xlane v3, v1;
	v6 =	vxor.u32 @p0 $0x80000000, v6  }
0x238: {  	v6 =	vpsel p0, v6, v38  }
0x239: {  	v1 =	vperm.xlane v4, v1;
	vm14 =	vgt.s32 v6, v3  }
0x23a: {  	v4 =	vpsel p0, v19, v37;
	v3 =	vsel vm14, v3, v6  }
0x23b: {  	v1 =	vsel vm14, v1, v4;
	v3 =	vxor.u32 $0x80000000, v3  }
0x23c: {  	(xrf1) =	vsort.ascd.msk.u32 $0xffff, v3, v1;
	_ =	sdelay $0x6  }
0x23d: {  	vm0 =	vgt.f32 @p1 v22, v36;
	v1 =	vmax.f32 @p1 v17, v40  }
0x23e: {  	v4 =	vmov @p0 v34;
	v1 =	vsel @p1 vm0, v1, v17;
	v3 =	vmov @p0 v39  }
0x23f: {  	v4 =	vpsel p0, v4, v0;
	v1 =	vpsel p1, v1, v37;
	v3 =	vpsel p0, v3, v0  }
0x240: {  	vm0 =	vgt.f32 @p0 v3, v36;
	v3 =	vmax.f32 @p0 v1, v4  }
.Ltmp16:
0x241: {  	v1 =	vsel @p0 vm0, v3, v1;
	(pc) =	sbr.rel .LBB2_25-.Ltmp16, $4  }
0x242: {  	v1 =	vpsel p0, v1, v37  }
0x243: {  	vm15 =	vgt.f32 v2, v36;
	v2 =	vmax.f32 v1, v5  }
0x244: {  	v17 =	vsel vm15, v2, v1;
	v3, v4, _ =	vpop (xrf1)  }
0x245: {  	v19 =	vmax.f32 v17, v4  }
.LBB2_52:
0x246: {  	vm0 =	vmxor vm0, vm0  }
0x247: {  	v17 =	vimm.f32 $-Inf;
	v19 =	vimm.f32 $-Inf;
	v35 =	vmpcnt.ones.xlane vm0  }
.LBB2_25:
0x248: {  	_ = 	snop  }
0x249: {  	v1 =	vsub.s32 $0x10, v35  }
0x24a: {  	vm0 =	vgt.s32 v1, v0  }
0x24b: {  	v1 =	vsel vm0, v19, v17  }
0x24c: {  	(xrf0) =	vmax.scan.msk.f32 $0xffff, v1;
	_ =	sdelay $0x5  }
0x24d: {  	v1, _, _ =	vpop (xrf0)  }
0x24e: {  	_ =	swait.ge [sflag:s18], $0x2000  }
0x24f: {  	[sflag:s18] =	ssyncset.done $0x0  }
0x250: {  	[sflag:s18] =	ssyncadd.s32 $0xFFFFE000  }
0x251: {  	_ =	swait.ge [sflag:s18], $0x2000  }
0x252: {  	v60 =	vld [tilespmem:$0x1FF60]  }
0x253: {  	v33 =	vld [tilespmem:$0x1FF70]  }
0x254: {  	v31 =	vld [tilespmem:$0x1FEA0]  }
0x255: {  	[sflag:s18] =	ssyncset.done $0x0;
	v32 =	vld [tilespmem:$0x1FE70]  }
0x256: {  	s23 =	simm.s32 $0x6080;
	v49 =	vld [tilespmem:$0x1FE80];
	[sflag:s18] =	ssyncadd.s32 $0xFFFFE000  }
0x257: {  	v2 =	vld [tilespmem:s23+$0xFFFFFF80]  }
0x258: {  	v3 =	vld [tilespmem:s23+$0xFFFFFF90]  }
0x259: {  	v4 =	vld [tilespmem:s23+$0xFFFFFFA0]  }
0x25a: {  	s22 =	simm.s32 $0x0;
	v5 =	vld [tilespmem:s23+$0xFFFFFFB0]  }
0x25b: {  	v17 =	vor.u32 s22, v13;
	v6 =	vld [tilespmem:s23+$0xFFFFFFC0]  }
0x25c: {  	v19 =	vor.u32 s22, v14;
	v21 =	vld [tilespmem:s23+$0xFFFFFFD0]  }
0x25d: {  	v20 =	vor.u32 s22, v15;
	v23 =	vld [tilespmem:s23+$0xFFFFFFE0]  }
0x25e: {  	v27 =	vor.u32 s22, v10;
	v24 =	vld [tilespmem:s23+$0xFFFFFFF0]  }
0x25f: {  	v28 =	vor.u32 s22, v30;
	v25 =	vld [tilespmem:s23+$0x0]  }
0x260: {  	v29 =	vor.u32 s22, v62;
	v17 =	vld.idx.msk [tilespmem:v17+s12+$0x0], $0xffff  }
0x261: {  	v30 =	vor.u32 s22, v63;
	v19 =	vld.idx.msk [tilespmem:v19+s12+$0x0], $0xffff  }
0x262: {  	v38 =	vor.u32 s22, v8;
	v20 =	vld.idx.msk [tilespmem:v20+s12+$0x0], $0xffff  }
0x263: {  	v54 =	vor.u32 s22, v61;
	v27 =	vld.idx.msk [tilespmem:v27+s12+$0x0], $0xffff  }
0x264: {  	v36 =	vor.u32 s22, v7;
	v28 =	vld.idx.msk [tilespmem:v28+s12+$0x0], $0xffff  }
0x265: {  	v37 =	vor.u32 s22, v16;
	v29 =	vld.idx.msk [tilespmem:v29+s12+$0x0], $0xffff  }
0x266: {  	v30 =	vld.idx.msk [tilespmem:v30+s12+$0x0], $0xffff;
	v22 =	vor.u32 s22, v60  }
0x267: {  	v38 =	vld.idx.msk [tilespmem:v38+s12+$0x0], $0xffff;
	v31 =	vor.u32 s22, v31  }
0x268: {  	v35 =	vld.idx.msk [tilespmem:v54+s12+$0x0], $0xffff;
	v32 =	vor.u32 s22, v32  }
0x269: {  	v36 =	vld.idx.msk [tilespmem:v36+s12+$0x0], $0xffff;
	v34 =	vor.u32 s22, v49  }
0x26a: {  	v37 =	vld.idx.msk [tilespmem:v37+s12+$0x0], $0xffff;
	v26 =	vor.u32 s22, v33  }
0x26b: {  	v22 =	vld.idx.msk [tilespmem:v22+s12+$0x0], $0xffff  }
0x26c: {  	v31 =	vld.idx.msk [tilespmem:v31+s12+$0x0], $0xffff  }
0x26d: {  	v32 =	vld.idx.msk [tilespmem:v32+s12+$0x0], $0xffff  }
0x26e: {  	v34 =	vld.idx.msk [tilespmem:v34+s12+$0x0], $0xffff  }
0x26f: {  	v26 =	vld.idx.msk [tilespmem:v26+s12+$0x0], $0xffff  }
0x270: {  	v42 =	vld [tilespmem:s23+$0x40];
	v28 =	vmax.f32 v29, v28  }
0x271: {  	v58 =	vimm.f32 $-Inf;
	v56 =	vld [tilespmem:s23+$0x60];
	v22 =	vmax.f32 v28, v22  }
0x272: {  	v4 =	vmax.f32 v58, v4;
	v28 =	vld [tilespmem:s23+$0x20];
	v17 =	vmax.f32 v22, v17  }
0x273: {  	v29 =	vld [tilespmem:s23+$0x10];
	v22 =	vmax.f32 v30, v31;
	v30 =	vmax.f32 v32, v38;
	v31 =	vmax.f32 v34, v35  }
0x274: {  	v32 =	vld [tilespmem:s23+$0x30];
	v22 =	vmax.f32 v22, v26;
	v55 =	vmax.f32 v30, v27;
	v27 =	vmax.f32 v31, v36  }
0x275: {  	v30 =	vld [tilespmem:s23+$0x50];
	v19 =	vmax.f32 v22, v19;
	v20 =	vmax.f32 v55, v20;
	v22 =	vmax.f32 v27, v37  }
0x276: {  	v4 =	vmax.f32 v4, v23;
	v27 =	vld [tilespmem:s23+$0x70];
	v17 =	vmax.f32 v17, v19;
	v19 =	vmax.f32 v20, v22  }
0x277: {  	s22 =	simm.s32 $0xC100;
	v31 =	vmax.f32 v17, v19;
	v4 =	vmax.f32 v4, v28;
	v28 =	vld [tilespmem:$0x1FE70]  }
0x278: {  	s23 =	simm.s32 $0x6180;
	[tilespmem:s22+$0x0] =	vst v31;
	v37 =	vmax.f32 v58, v31;
	v31 =	vld [tilespmem:$0x1FEA0]  }
0x279: {  	v19 =	vld [tilespmem:s23+$0xFFFFFF80]  }
0x27a: {  	v34 =	vld [tilespmem:s23+$0xFFFFFF90]  }
0x27b: {  	v40 =	vld [tilespmem:s23+$0xFFFFFFA0]  }
0x27c: {  	v39 =	vld [tilespmem:s23+$0xFFFFFFB0]  }
0x27d: {  	v43 =	vld [tilespmem:s23+$0xFFFFFFC0]  }
0x27e: {  	s24 =	simm.s32 $0x100;
	v17 =	vld [tilespmem:s23+$0xFFFFFFD0]  }
0x27f: {  	v20 =	vor.u32 s24, v13;
	v41 =	vld [tilespmem:s23+$0xFFFFFFE0]  }
0x280: {  	v36 =	vld [tilespmem:s23+$0xFFFFFFF0]  }
0x281: {  	v45 =	vld [tilespmem:s23+$0x0]  }
0x282: {  	v57 =	vor.u32 s24, v15;
	v22 =	vld [tilespmem:s23+$0x10]  }
0x283: {  	v44 =	vor.u32 s24, v60;
	v2 =	vmax.f32 v58, v2;
	v38 =	vld [tilespmem:s23+$0x20]  }
0x284: {  	v48 =	vor.u32 s24, v33;
	v2 =	vmax.f32 v2, v6;
	v46 =	vld.idx.msk [tilespmem:v20+s12+$0x0], $0xffff  }
0x285: {  	v2 =	vmax.f32 v2, v25;
	v20 =	vld [tilespmem:$0x1FE90]  }
0x286: {  	v42 =	vmax.f32 v2, v42;
	v2 =	vor.u32 s24, v62;
	v47 =	vld [tilespmem:s23+$0x40]  }
0x287: {  	v52 =	vor.u32 s24, v63;
	v3 =	vmax.f32 v58, v3;
	v35 =	vld.idx.msk [tilespmem:v57+s12+$0x0], $0xffff  }
0x288: {  	v50 =	vor.u32 s24, v14;
	v3 =	vmax.f32 v3, v21;
	v51 =	vld.idx.msk [tilespmem:v44+s12+$0x0], $0xffff  }
0x289: {  	v6 =	vor.u32 s24, v10;
	v3 =	vmax.f32 v3, v29;
	v29 =	vmov v49;
	v49 =	vld.idx.msk [tilespmem:v48+s12+$0x0], $0xffff  }
0x28a: {  	v48 =	vmax.f32 v3, v30;
	v30 =	vld [tilespmem:$0x1FE90];
	v59 =	vor.u32 s24, v20  }
0x28b: {  	v54 =	vld.idx.msk [tilespmem:v2+s12+$0x0], $0xffff;
	v57 =	vor.u32 s24, v31  }
0x28c: {  	v1 =	vperm.xlane v1, v53;
	v5 =	vmax.f32 v58, v5;
	v52 =	vld.idx.msk [tilespmem:v52+s12+$0x0], $0xffff;
	v55 =	vor.u32 s24, v28  }
0x28d: {  	v5 =	vmax.f32 v5, v24;
	v44 =	vmax.f32 v4, v56;
	v56 =	vor.u32 s24, v8;
	v20 =	vld.idx.msk [tilespmem:v50+s12+$0x0], $0xffff  }
0x28e: {  	[tilespmem:$0x1FCF0] =	vst v1;
	v1 =	vmax.f32 v5, v32;
	v58 =	vor.u32 s24, v29;
	v50 =	vld.idx.msk [tilespmem:v6+s12+$0x0], $0xffff  }
0x28f: {  	s25 =	simm.s32 $0x200;
	v21 =	vmax.f32 v1, v27;
	v53 =	vld.idx.msk [tilespmem:v59+s12+$0x0], $0xffff;
	v59 =	vor.u32 s24, v61  }
.LBB2_26:
0x290: {  	p0 =	sne.s32 s25, $0x1F00;
	v1 =	vld.idx.msk [tilespmem:v57+s12+$0x0], $0xffff;
	v2 =	vor.u32 s24, v7  }
0x291: {  	v4 =	vor.u32 s24, v16;
	s24 =	smov.u32 s25;
	v3 =	vld.idx.msk [tilespmem:v55+s12+$0x0], $0xffff  }
0x292: {  	v5 =	vld.idx.msk [tilespmem:v56+s12+$0x0], $0xffff  }
0x293: {  	v6 =	vld.idx.msk [tilespmem:v58+s12+$0x0], $0xffff  }
0x294: {  	v19 =	vmax.f32 v42, v19;
	v23 =	vld.idx.msk [tilespmem:v59+s12+$0x0], $0xffff  }
0x295: {  	v19 =	vmax.f32 v19, v43;
	v2 =	vld.idx.msk [tilespmem:v2+s12+$0x0], $0xffff  }
0x296: {  	v24 =	vmax.f32 v48, v34;
	v19 =	vmax.f32 v19, v45;
	v4 =	vld.idx.msk [tilespmem:v4+s12+$0x0], $0xffff  }
0x297: {  	v17 =	vmax.f32 v24, v17;
	v25 =	vmax.f32 v54, v53;
	v42 =	vmax.f32 v19, v47;
	v24 =	vld [tilespmem:s23+$0x30]  }
0x298: {  	v17 =	vmax.f32 v17, v22;
	v19 =	vmax.f32 v25, v51;
	v25 =	vmax.f32 v44, v40;
	v22 =	vld [tilespmem:s23+$0x50]  }
0x299: {  	v21 =	vmax.f32 v21, v39;
	v19 =	vmax.f32 v19, v46;
	v25 =	vmax.f32 v25, v41;
	v26 =	vld [tilespmem:s23+$0x60]  }
0x29a: {  	v1 =	vmax.f32 v52, v1;
	v3 =	vmax.f32 v3, v5;
	v5 =	vmax.f32 v6, v23;
	v6 =	vld [tilespmem:s23+$0x70]  }
0x29b: {  	v1 =	vmax.f32 v1, v49;
	v3 =	vmax.f32 v3, v50;
	v2 =	vmax.f32 v5, v2  }
0x29c: {  	v1 =	vmax.f32 v1, v20;
	v3 =	vmax.f32 v3, v35;
	v2 =	vmax.f32 v2, v4  }
0x29d: {  	v1 =	vmax.f32 v19, v1;
	v2 =	vmax.f32 v3, v2;
	v3 =	vmax.f32 v21, v36  }
0x29e: {  	s22 =	sadd.s32 $0x10, s22;
	v1 =	vmax.f32 v1, v2;
	v2 =	vmax.f32 v25, v38;
	v3 =	vmax.f32 v3, v24  }
0x29f: {  	s23 =	sadd.s32 $0x100, s23;
	v48 =	vmax.f32 v17, v22;
	v44 =	vmax.f32 v2, v26;
	v21 =	vmax.f32 v3, v6;
	[tilespmem:s22+$0x0] =	vst v1  }
0x2a0: {  	v37 =	vmax.f32 v37, v1;
	v19 =	vld [tilespmem:s23+$0xFFFFFF80]  }
0x2a1: {  	v34 =	vld [tilespmem:s23+$0xFFFFFF90]  }
0x2a2: {  	v40 =	vld [tilespmem:s23+$0xFFFFFFA0]  }
0x2a3: {  	v39 =	vld [tilespmem:s23+$0xFFFFFFB0]  }
0x2a4: {  	v43 =	vld [tilespmem:s23+$0xFFFFFFC0]  }
0x2a5: {  	v17 =	vld [tilespmem:s23+$0xFFFFFFD0]  }
0x2a6: {  	v41 =	vld [tilespmem:s23+$0xFFFFFFE0]  }
0x2a7: {  	v1 =	vor.u32 s25, v13;
	v36 =	vld [tilespmem:s23+$0xFFFFFFF0]  }
0x2a8: {  	v2 =	vor.u32 s25, v14;
	v45 =	vld [tilespmem:s23+$0x0]  }
0x2a9: {  	v3 =	vor.u32 s25, v15;
	v22 =	vld [tilespmem:s23+$0x10]  }
0x2aa: {  	v4 =	vor.u32 s25, v60;
	v38 =	vld [tilespmem:s23+$0x20]  }
0x2ab: {  	v5 =	vor.u32 s25, v33;
	v47 =	vld [tilespmem:s23+$0x40]  }
0x2ac: {  	v6 =	vor.u32 s25, v10;
	v46 =	vld.idx.msk [tilespmem:v1+s12+$0x0], $0xffff  }
0x2ad: {  	v1 =	vor.u32 s25, v30;
	v20 =	vld.idx.msk [tilespmem:v2+s12+$0x0], $0xffff  }
0x2ae: {  	v2 =	vor.u32 s25, v62;
	v35 =	vld.idx.msk [tilespmem:v3+s12+$0x0], $0xffff  }
0x2af: {  	v3 =	vor.u32 s25, v63;
	v51 =	vld.idx.msk [tilespmem:v4+s12+$0x0], $0xffff  }
.Ltmp17:
0x2b0: {  	v57 =	vor.u32 s25, v31;
	v49 =	vld.idx.msk [tilespmem:v5+s12+$0x0], $0xffff;
	(pc) =	sbr.rel @p0 .LBB2_26-.Ltmp17, $4  }
0x2b1: {  	v55 =	vor.u32 s25, v28;
	v50 =	vld.idx.msk [tilespmem:v6+s12+$0x0], $0xffff  }
0x2b2: {  	v56 =	vor.u32 s25, v8;
	v53 =	vld.idx.msk [tilespmem:v1+s12+$0x0], $0xffff  }
0x2b3: {  	v58 =	vor.u32 s25, v29;
	v54 =	vld.idx.msk [tilespmem:v2+s12+$0x0], $0xffff  }
0x2b4: {  	v59 =	vor.u32 s24, v61;
	s25 =	sadd.s32 $0x100, s25;
	v52 =	vld.idx.msk [tilespmem:v3+s12+$0x0], $0xffff  }
0x2b5: {  	_ =	sdelay $0x3  }
0x2b6: {  	v1 =	vld.idx.msk [tilespmem:v57+s12+$0x0], $0xffff  }
0x2b7: {  	v2 =	vor.u32 s24, v7;
	v3 =	vld.idx.msk [tilespmem:v55+s12+$0x0], $0xffff  }
0x2b8: {  	v4 =	vor.u32 s24, v16;
	v5 =	vld.idx.msk [tilespmem:v56+s12+$0x0], $0xffff  }
0x2b9: {  	v6 =	vld.idx.msk [tilespmem:v58+s12+$0x0], $0xffff  }
0x2ba: {  	v23 =	vld.idx.msk [tilespmem:v59+s12+$0x0], $0xffff  }
0x2bb: {  	v19 =	vmax.f32 v42, v19;
	v60 =	vld [tilespmem:s23+$0x30]  }
0x2bc: {  	v24 =	vmax.f32 v48, v34;
	v26 =	vmax.f32 v44, v40;
	v21 =	vmax.f32 v21, v39;
	v2 =	vld.idx.msk [tilespmem:v2+s12+$0x0], $0xffff  }
0x2bd: {  	v19 =	vmax.f32 v19, v43;
	v17 =	vmax.f32 v24, v17;
	v25 =	vmax.f32 v54, v53;
	v4 =	vld.idx.msk [tilespmem:v4+s12+$0x0], $0xffff  }
0x2be: {  	v27 =	vld [tilespmem:s23+$0x60];
	v26 =	vmax.f32 v26, v41;
	v19 =	vmax.f32 v19, v45;
	v25 =	vmax.f32 v25, v51  }
0x2bf: {  	v17 =	vmax.f32 v17, v22;
	v22 =	vld [tilespmem:s23+$0x50];
	v19 =	vmax.f32 v19, v47;
	v25 =	vmax.f32 v25, v46  }
0x2c0: {  	v1 =	vmax.f32 v52, v1;
	v3 =	vmax.f32 v3, v5;
	v5 =	vmax.f32 v6, v23;
	v6 =	vld [tilespmem:s23+$0x70]  }
0x2c1: {  	v1 =	vmax.f32 v1, v49;
	v3 =	vmax.f32 v3, v50;
	v2 =	vmax.f32 v5, v2  }
0x2c2: {  	v1 =	vmax.f32 v1, v20;
	v3 =	vmax.f32 v3, v35;
	v2 =	vmax.f32 v2, v4  }
0x2c3: {  	v1 =	vmax.f32 v25, v1;
	v2 =	vmax.f32 v3, v2;
	v3 =	vmax.f32 v21, v36  }
0x2c4: {  	v1 =	vmax.f32 v1, v2;
	v2 =	vmax.f32 v26, v38;
	v3 =	vmax.f32 v3, v60  }
0x2c5: {  	v4 =	vmax.f32 v17, v22;
	v2 =	vmax.f32 v2, v27;
	v3 =	vmax.f32 v3, v6  }
0x2c6: {  	v4 =	vmax.f32 v19, v4;
	v5 =	vmax.f32 v37, v1;
	v2 =	vmax.f32 v2, v3  }
0x2c7: {  	v3 =	vsub.f32 $0.0e+00, v5;
	v2 =	vmax.f32 v4, v2  }
0x2c8: {  	(xrf0) =	vmax.scan.msk.f32 $0xffff, v2  }
0x2c9: {  	(xrf0) =	vmax.scan.msk.f32 $0xffff, v3;
	_ =	sdelay $0x4  }
0x2ca: {  	v2, _, _ =	vpop (xrf0)  }
0x2cb: {  	v43 =	vimm.s32 $0xF;
	v3, _, _ =	vpop (xrf0)  }
0x2cc: {  	s22 =	sadd.s32 $0x10, s22;
	v32 =	vld [tilespmem:$0x1FF00];
	v3 =	vperm.xlane v3, v43  }
0x2cd: {  	v33 =	vld [tilespmem:$0x1FF10];
	s23 =	simm.s32 $0xC100;
	v17 =	vimm.s32 $0x0;
	[tilespmem:s22+$0x0] =	vst v1  }
0x2ce: {  	s24 =	simm.s32 $0x10;
	v19 =	vimm.s32 $0x0;
	s22 =	simm.s32 $0x0;
	v20 =	vld [tilespmem:s23+$0x0];
	v44 =	vperm.xlane v2, v43;
	v37 =	vsub.f32 $0.0e+00, v3  }
.LBB2_28:
0x2cf: {  	p0 =	sne.s32 s24, $0x1F0;
	_ =	sdelay $0x3  }
0x2d0: {  	vm0 =	vge.f32 v20, v37  }
0x2d1: {  	v1 =	vsel vm0, $0x1, v18;
	v2 =	vmpcnt.ones.xlane vm0  }
0x2d2: {  	(xrf0) =	vadd.scan.msk.s32 $0xffff, v1  }
0x2d3: {  	v19 =	vadd.s32 v19, v2;
	_ =	sdelay $0x4  }
0x2d4: {  	v1, _, _ =	vpop (xrf0)  }
0x2d5: {  	v1 =	vadd.s32 v1, v17;
	v17 =	vmov v19  }
0x2d6: {  	v1 =	vadd.s32 $0xFFFFFFFF, v1;
	_ =	sdelay $0x1  }
.Ltmp18:
0x2d7: {  	(pc) =	sbr.rel @p0 .LBB2_28-.Ltmp18, $4  }
0x2d8: {  	_ = 	snop  }
0x2d9: {  	v2 =	vor.u32 s22, v0;
	s22 =	smov.u32 s24  }
0x2da: {  	s23 =	sadd.s32 $0x10, s23;
	[tilespmem:v1+s15+$0x0] =	vst.idx.msk vm0, v2  }
0x2db: {  	s24 =	sadd.s32 $0x10, s24;
	v20 =	vld [tilespmem:s23+$0x0]  }
0x2dc: {  	_ =	sdelay $0x3  }
0x2dd: {  	vm0 =	vge.f32 v20, v37  }
0x2de: {  	v1 =	vmpcnt.ones.xlane vm0;
	_ =	sdelay $0x1  }
0x2df: {  	v1 =	vadd.s32 v19, v1  }
0x2e0: {  	(v2sf) =	vpush v1, $0x0;
	_ =	sdelay $0xc  }
0x2e1: {  	v2 =	vsel vm0, $0x1, v18  }
0x2e2: {  	(xrf0) =	vadd.scan.msk.s32 $0xffff, v2  }
0x2e3: {  	s23 =	spop (v2sf)  }
0x2e4: {  	s23 =	sadd.s32 $0xF, s23  }
0x2e5: {  	s24 =	sand.u32 $0xF, s23  }
0x2e6: {  	s31 =	sshra.s32 s23, $0x1F;
	p1 =	slt.s32 s23, $0x1;
	p0 =	sne.s32 s24, $0x0  }
0x2e7: {  	s24 =	sshrl.u32 s31, $0x1C;
	p0 =	por !p1, !p0  }
0x2e8: {  	v2, _, _ =	vpop (xrf0);
	s23 =	sadd.s32 s24, s23;
	s24 =	simm.s32 $0x1;
	p0 =	por !p0, !p0  }
0x2e9: {  	v3 =	vbroadcast v1, $0x0;
	v2 =	vadd.s32 v2, v17;
	s23 =	sshra.s32 s23, $0x4;
	s24 =	simm.s32 @!p0 $0x0  }
0x2ea: {  	v1 =	vadd.s32 $0xFFFFFFFF, v2;
	s24 =	ssub.s32 s23, s24  }
0x2eb: {  	v2 =	vadd.s32 v0, v3;
	p0 =	slt.s32 s24, $0x1  }
.Ltmp19:
0x2ec: {  	v23 =	vld [tilespmem:$0x1FEB0];
	(pc) =	sbr.rel @p0 .LBB2_30-.Ltmp19, $4  }
0x2ed: {  	v25 =	vld [tilespmem:$0x1FEC0]  }
0x2ee: {  	v26 =	vld [tilespmem:$0x1FEE0];
	[tilespmem:$0x1FCE0] =	vst v3;
	v3 =	vor.u32 s22, v0  }
0x2ef: {  	v39 =	vimm.s32 $0x0;
	v27 =	vld [tilespmem:$0x1FEF0];
	s22 =	simm.s32 $0xC300;
	[tilespmem:v1+s15+$0x0] =	vst.idx.msk vm0, v3  }
0x2f0: {  	v4 =	vld [tilespmem:$0x1FF70];
	[tilespmem:v2+s22+$0x0] =	vst.idx.msk $0xffff, v39;
	s23 =	simm.s32 $0x0  }
0x2f1: {  	v1 =	vld [tilespmem:s22+$0x0];
	_ =	sdelay $0x1  }
0x2f2: {  	v3 =	vld [tilespmem:$0x1FE30]  }
0x2f3: {  	v4 =	vld [tilespmem:$0x1FE20]  }
0x2f4: {  	v5 =	vld [tilespmem:$0x1FE40]  }
0x2f5: {  	v1 =	vshll.u32 v1, $0x4  }
0x2f6: {  	v2 =	vor.u32 v0, v1  }
0x2f7: {  	v15 =	vld [tilespmem:$0x1FE50];
	v3 =	vor.u32 v3, v1  }
0x2f8: {  	v13 =	vld [tilespmem:$0x1FED0];
	v16 =	vmov v4;
	v4 =	vor.u32 v4, v1  }
0x2f9: {  	v38 =	vld [tilespmem:$0x1FE60];
	v10 =	vmov v5;
	v5 =	vor.u32 v5, v1  }
0x2fa: {  	v60 =	vor.u32 s23, v0;
	v22 =	vor.u32 v26, v1;
	v0 =	vld [tilespmem:$0x1FCE0]  }
0x2fb: {  	v43 =	vor.u32 v33, v1;
	v17 =	vld.idx.msk [tilespmem:v2+s12+$0x0], $0xffff  }
0x2fc: {  	v19 =	vld.idx.msk [tilespmem:v3+s12+$0x0], $0xffff  }
0x2fd: {  	v21 =	vld.idx.msk [tilespmem:v4+s12+$0x0], $0xffff  }
0x2fe: {  	v6 =	vor.u32 v23, v1;
	v20 =	vor.u32 v25, v1;
	v24 =	vor.u32 v15, v1;
	v23 =	vld.idx.msk [tilespmem:v5+s12+$0x0], $0xffff  }
0x2ff: {  	v40 =	vor.u32 v12, v1;
	v25 =	vor.u32 v13, v1;
	v41 =	vor.u32 v11, v1;
	v31 =	vld.idx.msk [tilespmem:v22+s12+$0x0], $0xffff  }
0x300: {  	v27 =	vor.u32 v27, v1;
	vm4 =	vlt.s32 v60, v0;
	v52 =	vld.idx.msk [tilespmem:v43+s12+$0x0], $0xffff;
	vm0 =	vge.f32 v17, v37  }
0x301: {  	v29 =	vor.u32 v32, v1;
	v0 =	vimm.s32 $0x0;
	vm1 =	vmand vm4, vm0  }
0x302: {  	v30 =	vor.u32 v38, v1;
	vm2 =	vge.f32 v19, v37;
	v0 =	vsel vm1, $0xFFFFFFFF, v0  }
0x303: {  	v26 =	vld.idx.msk [tilespmem:v6+s12+$0x0], $0xffff;
	vm3 =	vge.f32 v21, v37;
	vm0 =	vmand vm4, vm2;
	[tilespmem:$0x1FCC0] =	vst v0;
	v0 =	vimm.s32 $0x0  }
0x304: {  	v28 =	vld.idx.msk [tilespmem:v20+s12+$0x0], $0xffff;
	vm7 =	vmand vm4, vm3;
	vm3 =	vge.f32 v31, v37;
	v0 =	vsel vm0, $0xFFFFFFFF, v0  }
0x305: {  	v8 =	vmovc v9;
	v9 =	vmovc v12;
	vm2 =	vge.f32 v23, v37;
	vm12 =	vmand vm4, vm3;
	vm3 =	vge.f32 v52, v37  }
0x306: {  	v12 =	vmovc v11;
	v11 =	vmovc v33;
	v33 =	vld.idx.msk [tilespmem:v24+s12+$0x0], $0xffff;
	v34 =	vsel vm7, $0x1, v18;
	v35 =	vsel vm0, $0x1, v18;
	vm5 =	vmand vm4, vm3  }
0x307: {  	v46 =	vsel vm12, $0x1, v18;
	v60 =	vsel vm5, $0x1, v18;
	[tilespmem:$0x1FCD0] =	vst v0;
	v0 =	vmovc v32;
	v32 =	vsel vm1, $0x1, v18  }
0x308: {  	v36 =	vld.idx.msk [tilespmem:v25+s12+$0x0], $0xffff;
	vm1 =	vmand vm4, vm2;
	vm2 =	vge.f32 v26, v37;
	v34 =	vadd.s32 v32, v34  }
0x309: {  	v47 =	vld.idx.msk [tilespmem:v27+s12+$0x0], $0xffff;
	v42 =	vsel vm1, $0x1, v18;
	vm8 =	vmand vm4, vm2;
	vm2 =	vge.f32 v28, v37  }
0x30a: {  	v35 =	vadd.s32 v35, v34;
	v61 =	vsel vm8, $0x1, v18;
	vm9 =	vmand vm4, vm2  }
0x30b: {  	vm2 =	vge.f32 v33, v37;
	v48 =	vadd.s32 v42, v35;
	v42 =	vor.u32 v8, v1;
	v1 =	vld.idx.msk [tilespmem:v29+s12+$0x0], $0xffff  }
0x30c: {  	v51 =	vld.idx.msk [tilespmem:v30+s12+$0x0], $0xffff;
	v62 =	vsel vm9, $0x1, v18;
	vm10 =	vmand vm4, vm2;
	v49 =	vadd.s32 v61, v48  }
0x30d: {  	[tilespmem:$0x1FCB0] =	vst v44;
	v44 =	vld.idx.msk [tilespmem:v41+s12+$0x0], $0xffff;
	vm2 =	vge.f32 v36, v37;
	v45 =	vsel vm10, $0x1, v18;
	v50 =	vadd.s32 v62, v49  }
0x30e: {  	vm11 =	vmand vm4, vm2;
	vm2 =	vge.f32 v47, v37;
	v53 =	vadd.s32 v46, v50  }
0x30f: {  	v63 =	vsel vm11, $0x1, v18;
	vm13 =	vmand vm4, vm2;
	v54 =	vadd.s32 v45, v53;
	v45 =	vld.idx.msk [tilespmem:v40+s12+$0x0], $0xffff  }
0x310: {  	v55 =	vsel vm13, $0x1, v18;
	vm2 =	vge.f32 v1, v37;
	v56 =	vadd.s32 v63, v54;
	v46 =	vld.idx.msk [tilespmem:v42+s12+$0x0], $0xffff  }
0x311: {  	vm14 =	vmand vm4, vm2;
	vm2 =	vge.f32 v51, v37;
	v55 =	vadd.s32 v55, v56  }
0x312: {  	v57 =	vsel vm14, $0x1, v18;
	vm15 =	vmand vm4, vm2;
	vm2 =	vge.f32 v44, v37  }
0x313: {  	v57 =	vadd.s32 v57, v55;
	v58 =	vsel vm15, $0x1, v18;
	vm6 =	vmand vm4, vm2  }
0x314: {  	v58 =	vadd.s32 v58, v57;
	v59 =	vsel vm6, $0x1, v18;
	vm3 =	vge.f32 v45, v37  }
0x315: {  	vm3 =	vmand vm4, vm3;
	v60 =	vadd.s32 v60, v58;
	vm0 =	vge.f32 v46, v37  }
0x316: {  	vm4 =	vmand vm4, vm0;
	v61 =	vsel vm3, $0x1, v18;
	v59 =	vadd.s32 v59, v60  }
0x317: {  	v62 =	vsel vm4, $0x1, v18;
	v61 =	vadd.s32 v61, v59  }
0x318: {  	v62 =	vadd.s32 v62, v61  }
0x319: {  	(xrf0) =	vadd.scan.msk.s32 $0xffff, v62;
	_ =	sdelay $0x5  }
0x31a: {  	v63, _, _ =	vpop (xrf0);
	[tilespmem:$0x1FD20] =	vst v0  }
0x31b: {  	v0 =	vld [tilespmem:$0x1FCC0];
	_ =	sdelay $0x4  }
0x31c: {  	v62 =	vsub.s32 v63, v62;
	vm0 =	vnez.u8 v0  }
0x31d: {  	v62 =	vadd.s32 v39, v62;
	_ =	sdelay $0x3  }
0x31e: {  	v0 =	vld [tilespmem:$0x1FD20]  }
0x31f: {  	[tilespmem:v62+s16+$0x0] =	vst.idx.msk vm0, v17;
	v17 =	vld [tilespmem:$0x1FCD0];
	_ =	sdelay $0x3  }
0x320: {  	v32 =	vadd.s32 v32, v62  }
0x321: {  	[tilespmem:v62+s17+$0x0] =	vst.idx.msk vm0, v2;
	vm0 =	vnez.u8 v17  }
0x322: {  	v34 =	vadd.s32 v34, v62;
	_ =	sdelay $0x1  }
0x323: {  	v2 =	vadd.s32 v35, v62  }
0x324: {  	[tilespmem:v32+s16+$0x0] =	vst.idx.msk vm7, v21  }
0x325: {  	[tilespmem:v32+s17+$0x0] =	vst.idx.msk vm7, v4;
	v4 =	vadd.s32 v48, v62  }
0x326: {  	[tilespmem:v34+s16+$0x0] =	vst.idx.msk vm0, v19  }
0x327: {  	[tilespmem:v34+s17+$0x0] =	vst.idx.msk vm0, v3;
	v3 =	vadd.s32 v49, v62  }
0x328: {  	[tilespmem:v2+s16+$0x0] =	vst.idx.msk vm1, v23  }
0x329: {  	[tilespmem:v2+s17+$0x0] =	vst.idx.msk vm1, v5;
	v2 =	vadd.s32 v50, v62  }
0x32a: {  	[tilespmem:v4+s16+$0x0] =	vst.idx.msk vm8, v26  }
0x32b: {  	[tilespmem:v4+s17+$0x0] =	vst.idx.msk vm8, v6;
	v4 =	vadd.s32 v53, v62  }
0x32c: {  	[tilespmem:v3+s16+$0x0] =	vst.idx.msk vm9, v28  }
0x32d: {  	[tilespmem:v3+s17+$0x0] =	vst.idx.msk vm9, v20;
	v3 =	vadd.s32 v54, v62  }
0x32e: {  	[tilespmem:v2+s16+$0x0] =	vst.idx.msk vm12, v31  }
0x32f: {  	[tilespmem:v2+s17+$0x0] =	vst.idx.msk vm12, v22;
	v2 =	vadd.s32 v56, v62  }
0x330: {  	[tilespmem:v4+s16+$0x0] =	vst.idx.msk vm10, v33  }
0x331: {  	[tilespmem:v4+s17+$0x0] =	vst.idx.msk vm10, v24;
	v4 =	vadd.s32 v55, v62  }
0x332: {  	[tilespmem:v3+s16+$0x0] =	vst.idx.msk vm11, v36  }
0x333: {  	[tilespmem:v3+s17+$0x0] =	vst.idx.msk vm11, v25;
	v3 =	vadd.s32 v57, v62  }
0x334: {  	[tilespmem:v2+s16+$0x0] =	vst.idx.msk vm13, v47  }
0x335: {  	p0 =	sne.s32 s24, $0x1;
	v17 =	vadd.s32 v58, v62;
	[tilespmem:v2+s17+$0x0] =	vst.idx.msk vm13, v27  }
.Ltmp20:
0x336: {  	[tilespmem:v4+s16+$0x0] =	vst.idx.msk vm14, v1;
	(pc) =	sbr.rel @!p0 .LBB2_33-.Ltmp20, $4  }
0x337: {  	v14 =	vimm.s32 $0xF;
	[tilespmem:v4+s17+$0x0] =	vst.idx.msk vm14, v29  }
0x338: {  	v1 =	vperm.xlane v63, v14;
	[tilespmem:v3+s16+$0x0] =	vst.idx.msk vm15, v51  }
0x339: {  	v21 =	vadd.s32 v61, v62;
	v19 =	vadd.s32 v60, v62;
	[tilespmem:v3+s17+$0x0] =	vst.idx.msk vm15, v30  }
0x33a: {  	v7 =	vlaneseq.u32;
	s24 =	sadd.s32 $0xFFFFFFFF, s24;
	v20 =	vadd.s32 v59, v62;
	v39 =	vadd.s32 v39, v1;
	[tilespmem:v17+s16+$0x0] =	vst.idx.msk vm5, v52  }
.LBB2_32:
0x33b: {  	_ =	sdelay $0x1  }
0x33c: {  	[tilespmem:v17+s17+$0x0] =	vst.idx.msk vm5, v43  }
0x33d: {  	[tilespmem:v19+s16+$0x0] =	vst.idx.msk vm6, v44  }
0x33e: {  	[tilespmem:v19+s17+$0x0] =	vst.idx.msk vm6, v41  }
0x33f: {  	[tilespmem:v20+s16+$0x0] =	vst.idx.msk vm3, v45  }
0x340: {  	[tilespmem:v20+s17+$0x0] =	vst.idx.msk vm3, v40  }
0x341: {  	[tilespmem:v21+s16+$0x0] =	vst.idx.msk vm4, v46  }
0x342: {  	s22 =	sadd.s32 $0x10, s22;
	[tilespmem:v21+s17+$0x0] =	vst.idx.msk vm4, v42  }
0x343: {  	v1 =	vld [tilespmem:s22+$0x0]  }
0x344: {  	v2 =	vld [tilespmem:$0x1FE30];
	_ =	sdelay $0x3  }
0x345: {  	v1 =	vshll.u32 v1, $0x4  }
0x346: {  	v56 =	vor.u32 v2, v1;
	v2 =	vld [tilespmem:$0x1FEB0];
	_ =	sdelay $0x2  }
0x347: {  	v58 =	vor.u32 v7, v1;
	_ =	sdelay $0x1  }
0x348: {  	v53 =	vor.u32 v2, v1;
	v2 =	vld [tilespmem:$0x1FEC0]  }
0x349: {  	v57 =	vor.u32 v16, v1  }
0x34a: {  	v3 =	vld [tilespmem:$0x1FCE0];
	v55 =	vor.u32 v10, v1  }
0x34b: {  	v47 =	vor.u32 v38, v1;
	v35 =	vld.idx.msk [tilespmem:v58+s12+$0x0], $0xffff  }
0x34c: {  	v43 =	vor.u32 v11, v1;
	v59 =	vld.idx.msk [tilespmem:v56+s12+$0x0], $0xffff  }
0x34d: {  	v41 =	vor.u32 v12, v1;
	v54 =	vor.u32 v2, v1;
	v2 =	vld [tilespmem:$0x1FEE0]  }
0x34e: {  	v36 =	vld.idx.msk [tilespmem:v57+s12+$0x0], $0xffff  }
0x34f: {  	v61 =	vld.idx.msk [tilespmem:v55+s12+$0x0], $0xffff  }
0x350: {  	v21 =	vld.idx.msk [tilespmem:v47+s12+$0x0], $0xffff  }
0x351: {  	s23 =	sadd.s32 $0x10, s23;
	v22 =	vld.idx.msk [tilespmem:v43+s12+$0x0], $0xffff  }
0x352: {  	v44 =	vld.idx.msk [tilespmem:v41+s12+$0x0], $0xffff;
	v49 =	vor.u32 v2, v1;
	v2 =	vor.u32 s23, v7  }
0x353: {  	v48 =	vor.u32 v15, v1;
	v40 =	vor.u32 v9, v1;
	vm4 =	vlt.s32 v2, v3;
	v2 =	vld [tilespmem:$0x1FEF0]  }
0x354: {  	v42 =	vor.u32 v8, v1;
	v50 =	vor.u32 v13, v1;
	v52 =	vor.u32 v0, v1  }
0x355: {  	v60 =	vld.idx.msk [tilespmem:v53+s12+$0x0], $0xffff;
	vm0 =	vge.f32 v35, v37;
	vm1 =	vge.f32 v59, v37;
	vm2 =	vge.f32 v21, v37  }
0x356: {  	vm3 =	vge.f32 v22, v37;
	v62 =	vld.idx.msk [tilespmem:v54+s12+$0x0], $0xffff;
	vm8 =	vmand vm4, vm0;
	vm0 =	vge.f32 v36, v37  }
0x357: {  	vm1 =	vmand vm4, vm1;
	vm15 =	vmand vm4, vm2;
	vm2 =	vge.f32 v44, v37  }
0x358: {  	v34 =	vld.idx.msk [tilespmem:v48+s12+$0x0], $0xffff;
	vm11 =	vmand vm4, vm0;
	vm0 =	vge.f32 v61, v37;
	v51 =	vor.u32 v2, v1  }
0x359: {  	vm5 =	vmand vm4, vm3;
	v3 =	vsel vm1, $0x1, v18;
	vm7 =	vmand vm4, vm0  }
0x35a: {  	vm0 =	vge.f32 v60, v37;
	v63 =	vld.idx.msk [tilespmem:v49+s12+$0x0], $0xffff;
	v4 =	vsel vm7, $0x1, v18;
	v1 =	vimm.s32 $0x0  }
0x35b: {  	v17 =	vld.idx.msk [tilespmem:v50+s12+$0x0], $0xffff;
	vm9 =	vmand vm4, vm0;
	vm0 =	vge.f32 v62, v37;
	v1 =	vsel vm1, $0xFFFFFFFF, v1  }
0x35c: {  	v2 =	vsel vm11, $0x1, v18;
	v5 =	vsel vm9, $0x1, v18;
	[tilespmem:$0x1FCA0] =	vst v1;
	v1 =	vsel vm8, $0x1, v18  }
0x35d: {  	vm12 =	vmand vm4, vm0;
	vm0 =	vge.f32 v34, v37;
	v2 =	vadd.s32 v1, v2;
	v19 =	vld.idx.msk [tilespmem:v51+s12+$0x0], $0xffff  }
0x35e: {  	v20 =	vld.idx.msk [tilespmem:v52+s12+$0x0], $0xffff;
	v6 =	vsel vm12, $0x1, v18;
	vm10 =	vmand vm4, vm0;
	v3 =	vadd.s32 v3, v2  }
0x35f: {  	v23 =	vsel vm10, $0x1, v18;
	vm1 =	vge.f32 v63, v37;
	v4 =	vadd.s32 v4, v3  }
0x360: {  	v45 =	vld.idx.msk [tilespmem:v40+s12+$0x0], $0xffff;
	vm0 =	vmand vm4, vm1;
	vm1 =	vge.f32 v17, v37;
	v5 =	vadd.s32 v5, v4  }
0x361: {  	v24 =	vsel vm0, $0x1, v18;
	vm13 =	vmand vm4, vm1;
	v6 =	vadd.s32 v6, v5  }
0x362: {  	v25 =	vsel vm13, $0x1, v18;
	v24 =	vadd.s32 v24, v6;
	vm1 =	vge.f32 v19, v37  }
0x363: {  	v46 =	vld.idx.msk [tilespmem:v42+s12+$0x0], $0xffff;
	v23 =	vadd.s32 v23, v24;
	vm14 =	vmand vm4, vm1;
	vm1 =	vge.f32 v20, v37  }
0x364: {  	v25 =	vadd.s32 v25, v23;
	v26 =	vsel vm14, $0x1, v18;
	vm1 =	vmand vm4, vm1  }
0x365: {  	vm3 =	vge.f32 v45, v37;
	v26 =	vadd.s32 v26, v25;
	v27 =	vsel vm1, $0x1, v18  }
0x366: {  	v28 =	vsel vm15, $0x1, v18;
	vm6 =	vmand vm4, vm2;
	v27 =	vadd.s32 v27, v26  }
0x367: {  	v30 =	vsel vm5, $0x1, v18;
	vm3 =	vmand vm4, vm3;
	v28 =	vadd.s32 v28, v27  }
0x368: {  	vm2 =	vge.f32 v46, v37;
	v29 =	vsel vm6, $0x1, v18;
	v30 =	vadd.s32 v30, v28  }
0x369: {  	v31 =	vsel vm3, $0x1, v18;
	vm4 =	vmand vm4, vm2;
	v29 =	vadd.s32 v29, v30  }
0x36a: {  	v32 =	vsel vm4, $0x1, v18;
	v31 =	vadd.s32 v31, v29  }
0x36b: {  	v32 =	vadd.s32 v32, v31  }
0x36c: {  	(xrf0) =	vadd.scan.msk.s32 $0xffff, v32;
	_ =	sdelay $0x5  }
0x36d: {  	v33, _, _ =	vpop (xrf0)  }
0x36e: {  	v32 =	vsub.s32 v33, v32  }
0x36f: {  	v32 =	vadd.s32 v39, v32;
	_ =	sdelay $0x1  }
0x370: {  	v1 =	vadd.s32 v1, v32;
	_ =	sdelay $0x2  }
0x371: {  	[tilespmem:v32+s16+$0x0] =	vst.idx.msk vm8, v35  }
0x372: {  	[tilespmem:v32+s17+$0x0] =	vst.idx.msk vm8, v58  }
0x373: {  	[tilespmem:v1+s16+$0x0] =	vst.idx.msk vm11, v36  }
0x374: {  	[tilespmem:v1+s17+$0x0] =	vst.idx.msk vm11, v57;
	v1 =	vld [tilespmem:$0x1FCA0];
	_ =	sdelay $0x4  }
0x375: {  	vm2 =	vnez.u8 v1  }
0x376: {  	v2 =	vadd.s32 v2, v32;
	_ =	sdelay $0x1  }
0x377: {  	v3 =	vadd.s32 v3, v32;
	_ =	sdelay $0x1  }
0x378: {  	v4 =	vadd.s32 v4, v32  }
0x379: {  	[tilespmem:v2+s16+$0x0] =	vst.idx.msk vm2, v59  }
0x37a: {  	v1 =	vadd.s32 v5, v32;
	[tilespmem:v2+s17+$0x0] =	vst.idx.msk vm2, v56  }
0x37b: {  	[tilespmem:v3+s16+$0x0] =	vst.idx.msk vm7, v61  }
0x37c: {  	v2 =	vadd.s32 v6, v32;
	[tilespmem:v3+s17+$0x0] =	vst.idx.msk vm7, v55  }
0x37d: {  	[tilespmem:v4+s16+$0x0] =	vst.idx.msk vm9, v60  }
0x37e: {  	v3 =	vadd.s32 v24, v32;
	[tilespmem:v4+s17+$0x0] =	vst.idx.msk vm9, v53  }
0x37f: {  	[tilespmem:v1+s16+$0x0] =	vst.idx.msk vm12, v62  }
0x380: {  	v4 =	vadd.s32 v23, v32;
	[tilespmem:v1+s17+$0x0] =	vst.idx.msk vm12, v54  }
0x381: {  	[tilespmem:v2+s16+$0x0] =	vst.idx.msk vm0, v63  }
0x382: {  	v1 =	vadd.s32 v25, v32;
	[tilespmem:v2+s17+$0x0] =	vst.idx.msk vm0, v49  }
0x383: {  	[tilespmem:v3+s16+$0x0] =	vst.idx.msk vm10, v34  }
0x384: {  	v2 =	vadd.s32 v26, v32;
	[tilespmem:v3+s17+$0x0] =	vst.idx.msk vm10, v48  }
0x385: {  	[tilespmem:v4+s16+$0x0] =	vst.idx.msk vm13, v17  }
0x386: {  	v3 =	vadd.s32 v27, v32;
	[tilespmem:v4+s17+$0x0] =	vst.idx.msk vm13, v50  }
0x387: {  	[tilespmem:v1+s16+$0x0] =	vst.idx.msk vm14, v19  }
0x388: {  	p0 =	sne.s32 s24, $0x1;
	v17 =	vadd.s32 v28, v32;
	[tilespmem:v1+s17+$0x0] =	vst.idx.msk vm14, v51  }
.Ltmp21:
0x389: {  	v14 =	vimm.s32 $0xF;
	[tilespmem:v2+s16+$0x0] =	vst.idx.msk vm1, v20;
	(pc) =	sbr.rel @p0 .LBB2_32-.Ltmp21, $4  }
0x38a: {  	v33 =	vperm.xlane v33, v14;
	[tilespmem:v2+s17+$0x0] =	vst.idx.msk vm1, v52  }
0x38b: {  	[tilespmem:v3+s16+$0x0] =	vst.idx.msk vm15, v21  }
0x38c: {  	v39 =	vadd.s32 v39, v33;
	v19 =	vadd.s32 v30, v32;
	[tilespmem:v3+s17+$0x0] =	vst.idx.msk vm15, v47  }
0x38d: {  	s24 =	sadd.s32 $0xFFFFFFFF, s24;
	v20 =	vadd.s32 v29, v32;
	v21 =	vadd.s32 v31, v32;
	[tilespmem:v17+s16+$0x0] =	vst.idx.msk vm5, v22  }
.LBB2_33:
0x38e: {  	v62 =	vld [tilespmem:$0x1FF20]  }
0x38f: {  	v63 =	vld [tilespmem:$0x1FF30]  }
0x390: {  	v28 =	vld [tilespmem:$0x1FE70]  }
0x391: {  	v29 =	vld [tilespmem:$0x1FE80]  }
0x392: {  	v30 =	vld [tilespmem:$0x1FE90]  }
0x393: {  	v31 =	vld [tilespmem:$0x1FEA0]  }
0x394: {  	v2 =	vld [tilespmem:$0x1FF40]  }
0x395: {  	v61 =	vld [tilespmem:$0x1FF50]  }
0x396: {  	v3 =	vld [tilespmem:$0x1FF60]  }
0x397: {  	v4 =	vld [tilespmem:$0x1FF70]  }
0x398: {  	v23 =	vld [tilespmem:$0x1FEB0]  }
0x399: {  	v5 =	vld [tilespmem:$0x1FF80]  }
0x39a: {  	v25 =	vld [tilespmem:$0x1FEC0]  }
0x39b: {  	v7 =	vld [tilespmem:$0x1FF90]  }
0x39c: {  	[tilespmem:v17+s17+$0x0] =	vst.idx.msk vm5, v43;
	v13 =	vld [tilespmem:$0x1FFA0]  }
0x39d: {  	v26 =	vld [tilespmem:$0x1FEE0];
	[tilespmem:v19+s16+$0x0] =	vst.idx.msk vm6, v44  }
.Ltmp22:
0x39e: {  	v14 =	vld [tilespmem:$0x1FFB0];
	[tilespmem:v19+s17+$0x0] =	vst.idx.msk vm6, v41;
	(pc) =	sbr.rel .LBB2_34-.Ltmp22, $4  }
0x39f: {  	v16 =	vld [tilespmem:$0x1FFD0];
	[tilespmem:v20+s16+$0x0] =	vst.idx.msk vm3, v45  }
0x3a0: {  	v15 =	vld [tilespmem:$0x1FFC0];
	[tilespmem:v20+s17+$0x0] =	vst.idx.msk vm3, v40  }
0x3a1: {  	v43 =	vimm.s32 $0xF;
	v27 =	vld [tilespmem:$0x1FEF0];
	v32 =	vmov v0;
	[tilespmem:v21+s16+$0x0] =	vst.idx.msk vm4, v46  }
0x3a2: {  	v0 =	vlaneseq.u32;
	v33 =	vmovc v11;
	v11 =	vmovc v12;
	v12 =	vmov v9;
	v9 =	vmov v8;
	v44 =	vld [tilespmem:$0x1FCB0];
	[tilespmem:v21+s17+$0x0] =	vst.idx.msk vm4, v42  }
.LBB2_30:
0x3a3: {  	v5 =	vmov v10;
	v2 =	vmov v8;
	v3 =	vld [tilespmem:$0x1FF60]  }
.LBB2_34:
0x3a4: {  	(v2sf) =	vpush v39, $0x0;
	_ =	sdelay $0xe  }
0x3a5: {  	s22 =	spop (v2sf)  }
0x3a6: {  	s22 =	sadd.s32 $0xF, s22  }
0x3a7: {  	s23 =	sand.u32 $0xF, s22  }
0x3a8: {  	s24 =	sshra.s32 s22, $0x1F;
	p0 =	slt.s32 s22, $0x1;
	p1 =	sne.s32 s23, $0x0  }
0x3a9: {  	s30 =	sshrl.u32 s24, $0x1C;
	p0 =	por !p0, !p1  }
0x3aa: {  	s23 =	simm.s32 $0x1;
	s22 =	sadd.s32 s30, s22;
	p0 =	por !p0, !p0  }
0x3ab: {  	s31 =	sshra.s32 s22, $0x4;
	s23 =	simm.s32 @!p0 $0x0  }
0x3ac: {  	v1 =	vadd.s32 v0, v39;
	s23 =	ssub.s32 s31, s23  }
0x3ad: {  	p0 =	slt.s32 s23, $0x1  }
.Ltmp23:
0x3ae: {  	_ = 	snop;
	(pc) =	sbr.rel @p0 .LBB2_53-.Ltmp23, $4  }
0x3af: {  	_ = 	snop  }
0x3b0: {  	v17 =	vimm.f32 $-Inf;
	s22 =	simm.s32 $0x8000  }
0x3b1: {  	[tilespmem:v1+s22+$0x0] =	vst.idx.msk $0xffff, v17  }
0x3b2: {  	v24 =	vld [tilespmem:$0x1FED0];
	[tilespmem:v1+s17+$0x0] =	vst.idx.msk $0xffff, v18  }
0x3b3: {  	p2 =	seq.s32 s23, $0x1  }
.Ltmp24:
0x3b4: {  	_ = 	snop;
	(pc) =	sbr.rel @p2 .LBB2_36-.Ltmp24, $2  }
0x3b5: {  	_ =	sdelay $0x2  }
0x3b6: {  	v19 =	vld [tilespmem:s22+$0x0];
	s24 =	sadd.s32 $0xFFFFFFFF, s23;
	p0 =	por $0x0, $0x0;
	p1 =	por $0x0, $0x0;
	v8 =	vmov v2;
	v10 =	vmov v5  }
0x3b7: {  	p2 =	seq.s32 s24, $0x1  }
.Ltmp25:
0x3b8: {  	_ = 	snop;
	(pc) =	sbr.rel @p2 .LBB2_38-.Ltmp25, $3  }
0x3b9: {  	_ =	sdelay $0x1  }
0x3ba: {  	s22 =	sadd.s32 $0x10, s22  }
0x3bb: {  	s24 =	sadd.s32 $0xFFFFFFFF, s24;
	p0 =	por $0x1, $0x1;
	(xrf1) =	vsort.dscd.msk.f32 $0xffff, v19, v19;
	v19 =	vld [tilespmem:s22+$0x0]  }
0x3bc: {  	_ =	sdelay $0xc  }
0x3bd: {  	v1, _, _ =	vpop (xrf1)  }
0x3be: {  	(xrf1) =	vsort.dscd.msk.f32 $0xffff, v19, v19;
	v1 =	vmax.f32 v17, v1  }
0x3bf: {  	(xrf1) =	vsort.ascd.msk.f32 $0xffff, v1, v1;
	_ =	sdelay $0x5  }
0x3c0: {  	p2 =	seq.s32 s24, $0x1  }
.Ltmp26:
0x3c1: {  	_ = 	snop;
	(pc) =	sbr.rel @p2 .LBB2_41-.Ltmp26, $4  }
0x3c2: {  	_ = 	snop  }
0x3c3: {  	s22 =	sadd.s32 $0x10, s22  }
0x3c4: {  	v19 =	vld [tilespmem:s22+$0x0]  }
0x3c5: {  	s24 =	sadd.s32 $0xFFFFFFFF, s24;
	p1 =	por $0x1, $0x1  }
.LBB2_40:
0x3c6: {  	p2 =	seq.s32 s24, $0x1  }
0x3c7: {  	v1, _, _ =	vpop (xrf1)  }
0x3c8: {  	v2, _, _ =	vpop (xrf1)  }
0x3c9: {  	(xrf1) =	vsort.dscd.msk.f32 $0xffff, v19, v19;
	v1 =	vmax.f32 v2, v1  }
0x3ca: {  	(xrf1) =	vsort.ascd.msk.f32 $0xffff, v1, v1;
	_ =	sdelay $0x6  }
.Ltmp27:
0x3cb: {  	(pc) =	sbr.rel @!p2 .LBB2_40-.Ltmp27, $4  }
0x3cc: {  	_ = 	snop  }
0x3cd: {  	s22 =	sadd.s32 $0x10, s22  }
0x3ce: {  	v19 =	vld [tilespmem:s22+$0x0]  }
0x3cf: {  	s24 =	sadd.s32 $0xFFFFFFFF, s24  }
.LBB2_41:
0x3d0: {  	_ = 	snop  }
0x3d1: {  	v1, _, _ =	vpop @p0 (xrf1)  }
0x3d2: {  	v2, _, _ =	vpop @p1 (xrf1)  }
0x3d3: {  	v2 =	vpsel p1, v2, v17  }
0x3d4: {  	(xrf1) =	vsort.dscd.msk.f32 $0xffff, v19, v19;
	v1 =	vmax.f32 @p0 v2, v1  }
0x3d5: {  	(xrf1) =	vsort.ascd.msk.f32 @p0 $0xffff, v1, v1;
	_ =	sdelay $0xc  }
0x3d6: {  	v1, _, _ =	vpop (xrf1)  }
0x3d7: {  	v2, _, _ =	vpop @p0 (xrf1)  }
0x3d8: {  	v2 =	vpsel p0, v2, v17  }
0x3d9: {  	v1 =	vmax.f32 v2, v1  }
0x3da: {  	(xrf1) =	vsort.ascd.msk.f32 $0xffff, v1, v1;
	_ =	sdelay $0xc  }
0x3db: {  	p2 =	sne.s32 s23, $0x1  }
.Ltmp28:
0x3dc: {  	v17, _, _ =	vpop (xrf1);
	(pc) =	sbr.rel @!p2 .LBB2_42-.Ltmp28, $3  }
0x3dd: {  	v38 =	vperm.xlane v17, v18;
	_ =	sdelay $0x1  }
0x3de: {  	s22 =	simm.s32 $0x8000;
	s24 =	simm.s32 $0xA080;
	vm0 =	vgt.f32 v17, v38  }
0x3df: {  	v40 =	vimm.s32 $0x7FFFFFFF;
	v39 =	vimm.f32 $-Inf;
	s23 =	sadd.s32 $0xFFFFFFFF, s23;
	v42 =	vmovc v4;
	v36 =	vmovc v3;
	v19 =	vld [tilespmem:s24+$0x0];
	p1 =	por $0x0, $0x0;
	p0 =	por $0x0, $0x0;
	v37 =	vmpcnt.ones.xlane vm0  }
0x3e0: {  	_ =	sdelay $0x6  }
0x3e1: {  	v41 =	vld [tilespmem:s22+$0x0]  }
0x3e2: {  	v34 =	vld.idx.msk [tilespmem:v19+s13+$0x0], $0xffff  }
0x3e3: {  	p2 =	sne.s32 s23, $0x1  }
.Ltmp29:
0x3e4: {  	_ = 	snop;
	(pc) =	sbr.rel @!p2 .LBB2_44-.Ltmp29, $4  }
0x3e5: {  	_ = 	snop  }
0x3e6: {  	v1 =	vxor.u32 $0x80000000, v19;
	vm0 =	veq.f32 v41, v38  }
0x3e7: {  	s24 =	simm.s32 $0xA090;
	v1 =	vnsel vm0, $0xFFFFFFFF, v1;
	v2 =	vnsel vm0, $0xFF800000, v34  }
0x3e8: {  	s25 =	sadd.s32 $0xFFFFFFFF, s23;
	p0 =	por $0x1, $0x1;
	v19 =	vld [tilespmem:s24+$0x0];
	(xrf1) =	vsort.ascd.msk.u32 $0xffff, v1, v2  }
0x3e9: {  	_ =	sdelay $0x8  }
0x3ea: {  	s23 =	simm.s32 $0x8010  }
0x3eb: {  	v20 =	vld [tilespmem:s23+$0x0]  }
0x3ec: {  	v21 =	vld.idx.msk [tilespmem:v19+s13+$0x0], $0xffff  }
0x3ed: {  	v1 =	vmul.u32 $0xFFFFFFFF, v0  }
0x3ee: {  	v2, v3, _ =	vpop (xrf1)  }
0x3ef: {  	v22 =	vadd.s32 $0xF, v1;
	v1 =	vxor.u32 $0x80000000, v2  }
0x3f0: {  	vm0 =	veq.f32 v20, v38;
	v1 =	vperm.xlane v1, v22  }
0x3f1: {  	v4 =	vnsel vm0, $0xFF800000, v21;
	v2 =	vxor.u32 $0x80000000, v19  }
0x3f2: {  	p2 =	sne.s32 s25, $0x1;
	v3 =	vperm.xlane v3, v22;
	v2 =	vnsel vm0, $0xFFFFFFFF, v2;
	vm1 =	vgt.s32 v40, v1  }
.Ltmp30:
0x3f3: {  	(xrf1) =	vsort.ascd.msk.u32 $0xffff, v2, v4;
	v1 =	vsel vm1, v1, v40;
	(pc) =	sbr.rel @!p2 .LBB2_46-.Ltmp30, $4  }
0x3f4: {  	v2 =	vsel vm1, v3, v39;
	v1 =	vxor.u32 $0x80000000, v1  }
0x3f5: {  	(xrf1) =	vsort.ascd.msk.u32 $0xffff, v1, v2  }
0x3f6: {  	s24 =	simm.s32 $0xA0A0  }
0x3f7: {  	s25 =	sadd.s32 $0xFFFFFFFF, s25;
	p1 =	por $0x1, $0x1;
	v17 =	vimm.f32 $-Inf;
	v19 =	vld [tilespmem:s24+$0x0]  }
.LBB2_47:
0x3f8: {  	p2 =	sne.s32 s25, $0x1;
	_ =	sdelay $0x3  }
0x3f9: {  	s23 =	sadd.s32 $0x10, s23  }
0x3fa: {  	v1 =	vld [tilespmem:s23+$0x0];
	_ =	sdelay $0x1  }
0x3fb: {  	v2 =	vld.idx.msk [tilespmem:v19+s13+$0x0], $0xffff;
	_ =	sdelay $0x1  }
0x3fc: {  	v3, v4, _ =	vpop (xrf1)  }
0x3fd: {  	vm1 =	vgt.f32 v41, v38;
	v41 =	vmovc v20;
	vm0 =	veq.f32 v1, v38;
	v3 =	vxor.u32 $0x80000000, v3;
	v20 =	vmovc v1  }
0x3fe: {  	v5 =	vmax.f32 v17, v34;
	v1 =	vxor.u32 $0x80000000, v19;
	v3 =	vperm.xlane v3, v22;
	v19, v6, _ =	vpop (xrf1)  }
0x3ff: {  	v34 =	vmovc v21;
	v17 =	vsel vm1, v5, v17;
	v4 =	vperm.xlane v4, v22;
	v5 =	vxor.u32 $0x80000000, v19  }
0x400: {  	v1 =	vnsel vm0, $0xFFFFFFFF, v1;
	v19 =	vnsel vm0, $0xFF800000, v2;
	v21 =	vmovc v2;
	vm0 =	vgt.s32 v5, v3  }
.Ltmp31:
0x401: {  	(xrf1) =	vsort.ascd.msk.u32 $0xffff, v1, v19;
	v1 =	vsel vm0, v3, v5;
	v2 =	vsel vm0, v4, v6;
	(pc) =	sbr.rel @p2 .LBB2_47-.Ltmp31, $4  }
0x402: {  	v1 =	vxor.u32 $0x80000000, v1  }
0x403: {  	(xrf1) =	vsort.ascd.msk.u32 $0xffff, v1, v2  }
0x404: {  	s24 =	sadd.s32 $0x10, s24  }
0x405: {  	s25 =	sadd.s32 $0xFFFFFFFF, s25;
	v19 =	vld [tilespmem:s24+$0x0]  }
0x406: {  	v22 =	vmovc v41;
	v35 =	vmov v34;
	v41 =	vmov v20;
	v34 =	vmov v21  }
.LBB2_49:
0x407: {  	_ =	sdelay $0x3  }
0x408: {  	s23 =	sadd.s32 @p0 $0x10, s23  }
0x409: {  	s22 =	smov.u32 @p0 s23  }
0x40a: {  	v2 =	vld [tilespmem:s22+$0x0];
	_ =	sdelay $0x1  }
0x40b: {  	v1 =	vmul.u32 @p0 $0xFFFFFFFF, v0  }
0x40c: {  	v5 =	vld.idx.msk [tilespmem:v19+s13+$0x0], $0xffff;
	v3, v4, _ =	vpop @p0 (xrf1)  }
0x40d: {  	v1 =	vadd.s32 @p0 $0xF, v1;
	v3 =	vxor.u32 @p0 $0x80000000, v3;
	v6, v20, _ =	vpop @p1 (xrf1)  }
0x40e: {  	vm1 =	veq.f32 v2, v38;
	v3 =	vperm.xlane @p0 v3, v1;
	v6 =	vxor.u32 @p1 $0x80000000, v6  }
0x40f: {  	v1 =	vperm.xlane @p0 v4, v1;
	v4 =	vxor.u32 $0x80000000, v19;
	v6 =	vpsel p1, v6, v40  }
0x410: {  	v4 =	vnsel vm1, $0xFFFFFFFF, v4;
	vm0 =	vgt.s32 @p0 v6, v3  }
0x411: {  	v19 =	vpsel p1, v20, v39;
	v3 =	vsel @p0 vm0, v3, v6;
	v6 =	vnsel vm1, $0xFF800000, v5  }
0x412: {  	v1 =	vsel @p0 vm0, v1, v19;
	(xrf1) =	vsort.ascd.msk.u32 $0xffff, v4, v6;
	v3 =	vxor.u32 @p0 $0x80000000, v3  }
0x413: {  	(xrf1) =	vsort.ascd.msk.u32 @p0 $0xffff, v3, v1;
	_ =	sdelay $0xb  }
0x414: {  	v1 =	vmul.u32 $0xFFFFFFFF, v0  }
0x415: {  	v3, v4, _ =	vpop (xrf1)  }
0x416: {  	v1 =	vadd.s32 $0xF, v1;
	v3 =	vxor.u32 $0x80000000, v3;
	v6, v19, _ =	vpop @p0 (xrf1)  }
0x417: {  	v3 =	vperm.xlane v3, v1;
	v6 =	vxor.u32 @p0 $0x80000000, v6  }
0x418: {  	v6 =	vpsel p0, v6, v40  }
0x419: {  	v1 =	vperm.xlane v4, v1;
	vm14 =	vgt.s32 v6, v3  }
0x41a: {  	v4 =	vpsel p0, v19, v39;
	v3 =	vsel vm14, v3, v6  }
0x41b: {  	v1 =	vsel vm14, v1, v4;
	v3 =	vxor.u32 $0x80000000, v3  }
0x41c: {  	(xrf1) =	vsort.ascd.msk.u32 $0xffff, v3, v1;
	_ =	sdelay $0x6  }
0x41d: {  	vm0 =	vgt.f32 @p1 v22, v38;
	v1 =	vmax.f32 @p1 v17, v35  }
0x41e: {  	v4 =	vmov @p0 v34;
	v1 =	vsel @p1 vm0, v1, v17;
	v3 =	vmov @p0 v41  }
0x41f: {  	v4 =	vpsel p0, v4, v0;
	v1 =	vpsel p1, v1, v39;
	v3 =	vpsel p0, v3, v0  }
0x420: {  	vm0 =	vgt.f32 @p0 v3, v38;
	v3 =	vmax.f32 @p0 v1, v4  }
.Ltmp32:
0x421: {  	v1 =	vsel @p0 vm0, v3, v1;
	(pc) =	sbr.rel .LBB2_50-.Ltmp32, $4  }
0x422: {  	v1 =	vpsel p0, v1, v39  }
0x423: {  	vm15 =	vgt.f32 v2, v38;
	v2 =	vmax.f32 v1, v5  }
0x424: {  	v17 =	vsel vm15, v2, v1;
	v3, v4, _ =	vpop (xrf1)  }
0x425: {  	v19 =	vmax.f32 v17, v4;
	v3 =	vmov v36;
	v4 =	vmov v42  }
.LBB2_11:
.Ltmp33:
0x426: {  	(pc) =	sbr.rel .LBB2_16-.Ltmp33, $2  }
0x427: {  	_ =	sdelay $0x2  }
0x428: {  	_ = 	snop  }
.LBB2_17:
.Ltmp34:
0x429: {  	(pc) =	sbr.rel .LBB2_24-.Ltmp34, $2  }
0x42a: {  	_ =	sdelay $0x2  }
0x42b: {  	s23 =	simm.s32 $0x8000;
	v17 =	vimm.f32 $-Inf  }
.LBB2_36:
.Ltmp35:
0x42c: {  	(pc) =	sbr.rel .LBB2_41-.Ltmp35, $2  }
0x42d: {  	_ =	sdelay $0x2  }
0x42e: {  	_ = 	snop  }
.LBB2_42:
.Ltmp36:
0x42f: {  	(pc) =	sbr.rel .LBB2_49-.Ltmp36, $2  }
0x430: {  	_ =	sdelay $0x2  }
0x431: {  	s23 =	simm.s32 $0x8000;
	v17 =	vimm.f32 $-Inf  }
.LBB2_13:
.Ltmp37:
0x432: {  	(pc) =	sbr.rel .LBB2_16-.Ltmp37, $2  }
0x433: {  	_ =	sdelay $0x2  }
0x434: {  	_ = 	snop  }
.LBB2_19:
.Ltmp38:
0x435: {  	(pc) =	sbr.rel .LBB2_24-.Ltmp38, $2  }
0x436: {  	_ =	sdelay $0x2  }
0x437: {  	s23 =	simm.s32 $0x8000;
	v17 =	vimm.f32 $-Inf  }
.LBB2_38:
.Ltmp39:
0x438: {  	(pc) =	sbr.rel .LBB2_41-.Ltmp39, $2  }
0x439: {  	_ =	sdelay $0x2  }
0x43a: {  	_ = 	snop  }
.LBB2_44:
.Ltmp40:
0x43b: {  	(pc) =	sbr.rel .LBB2_49-.Ltmp40, $2  }
0x43c: {  	_ =	sdelay $0x2  }
0x43d: {  	s23 =	simm.s32 $0x8000;
	v17 =	vimm.f32 $-Inf  }
.LBB2_21:
.Ltmp41:
0x43e: {  	(pc) =	sbr.rel .LBB2_24-.Ltmp41, $2  }
0x43f: {  	_ =	sdelay $0x2  }
0x440: {  	v22 =	vmovc v39;
	v40 =	vmovc v34;
	v39 =	vmov v20;
	v17 =	vimm.f32 $-Inf;
	v34 =	vmov v21  }
.LBB2_46:
.Ltmp42:
0x441: {  	(pc) =	sbr.rel .LBB2_49-.Ltmp42, $2  }
0x442: {  	_ =	sdelay $0x2  }
0x443: {  	v22 =	vmovc v41;
	v35 =	vmovc v34;
	v41 =	vmov v20;
	v17 =	vimm.f32 $-Inf;
	v34 =	vmov v21  }
.LBB2_51:
0x444: {  	_ =	sfence.sel $0x180000  }
0x445: {  	[bflag:$0x0] =	sbarrier.arrive $0xFFFF  }
0x446: {  	p0 =	sne.s32 s0, $0x0;
	_ =	strace $0x90000047  }
0x447: {  	s0 =	sadd.s32 @!p0 $0x100000, s1;
	[bflag:$0x2] =	sbarrier.arrive $0xFFFF  }
0x448: {  	[sflag:s0] =	ssyncadd.tile.s32 @!p0 $0x1;
	_ =	shalt  }
.Lfunc_end2:
_tile_overlayer_lowered:
.L_overlay_start_2:
0x449: {  	(tag) =	ssettag $0x2  }
0x44a: {  	s0 =	rddreg [dreg:$0x0];
	s2 =	stileid.u32  }
0x44b: {  	s1 =	rddreg [dreg:$0x1];
	p0 =	sne.s32 s2, $0x0  }
0x44c: {  	s3 =	rddreg [dreg:$0x2];
	[bflag:$0x3] =	sbarrier.arrive $0xFFFF;
	s2 =	simm.s32 @!p0 $0x1C03  }
0x44d: {  	[timem:s3], [sflag:s2] =	dma.local @!p0 [hbm:s0], s1  }
0x44e: {  	s0 =	simm.s32 @!p0 $0x3  }
0x44f: {  	_ =	swait.ge @!p0 [sflag:s0], s1  }
0x450: {  	s1 =	ssub.s32 @!p0 $0x0, s1;
	[sflag:s0] =	ssyncset.done @!p0 $0x0  }
0x451: {  	[sflag:s0] =	ssyncadd.s32 @!p0 s1  }
0x452: {  	[bflag:$0x3] =	sbarrier.arrive $0xFFFF  }
0x453: {  	_ =	shalt  }

</sc_bundles>
